<compile_context>
chip_gen: v7x
topology: tpu7x:2x2x1
jax: 0.10.2.dev20260603
libtpu: 0.0.44.dev20260713+nightly
codegen_flags: <defaults>
</compile_context>

<pallas_src>
import functools

import jax
import jax.numpy as jnp
from jax import lax
from jax.experimental import pallas as pl
from jax.experimental.pallas import tpu as pltpu
from jax.experimental.pallas import tpu_sc as plsc

NUM_CLASSES_ = 100000
FEATURE_DIM_ = 64
BATCH_ = 16384

NC = 2
NS = 16
L = 16

EPT = BATCH_ // NS
CH = 128
NCHUNK = EPT // CH
W = FEATURE_DIM_ + L
CB = 2048
NPASS = 3
JMAX = 9
PS = JMAX * CB
RPT = PS // NS
NBTOT = -(-NUM_CLASSES_ // CB)


def _nblocks(c, p):
    n = 0
    while (2 * (3 * n + p) + c) * CB < NUM_CLASSES_:
        n += 1
    return n


def _sc_pass(p, inputs_hbm, labels_hbm, *args):
    if p == 0:
        acc_hbm, loss_hbm, lbl_v, sb_v, idx_v, zb_v, lp_v, acc_sh, sem = args
    else:
        prev_hbm, acc_hbm, lbl_v, sb_v, idx_v, zb_v, acc_sh, sem = args
    c = lax.axis_index("c")
    s = lax.axis_index("s")
    base_e = pl.multiple_of(s * EPT, CH)

    ones16 = jnp.full((L,), 1.0, jnp.float32)
    zeros16 = jnp.zeros((L,), jnp.float32)

    pltpu.sync_copy(labels_hbm.at[pl.ds(base_e, EPT)], lbl_v)

    def _zb(r, _):
        for q in range(W // L):
            zb_v[r, pl.ds(q * L, L)] = zeros16
        sb_v[r, pl.ds(FEATURE_DIM_, L)] = ones16
        return 0
    lax.fori_loop(0, CH, _zb, 0)

    lo = pl.multiple_of(s * RPT, 8)

    for k in range(RPT // CH):
        pltpu.sync_copy(zb_v, acc_sh.at[pl.ds(lo + k * CH, CH)])

    def _idx(k, _):
        v = lbl_v[pl.ds(k * L, L)]
        b = lax.shift_right_logical(v, 11)
        n = lax.shift_right_logical(b, 1)
        j = lax.shift_right_logical(n * 21846, 16)
        pm = n - 3 * j
        cm = b & 1
        ok = (cm == c) & (pm == p)
        rel = j * CB + (v & (CB - 1))
        idx_v[k // (CH // L), pl.ds((k % (CH // L)) * L, L)] = (
            jnp.where(ok, rel, PS))
        return 0
    lax.fori_loop(0, EPT // L, _idx, 0)

    plsc.subcore_barrier()

    if p == 0:
        accs = (zeros16, zeros16, zeros16, zeros16)
    for j in range(NCHUNK):
        pltpu.sync_copy(
            inputs_hbm.at[pl.ds(base_e + j * CH, CH), :],
            sb_v.at[:, pl.ds(0, FEATURE_DIM_)])
        if p == 0:
            def _row(r, acc):
                out = []
                for q in range(FEATURE_DIM_ // L):
                    v = sb_v[r, pl.ds(q * L, L)]
                    out.append(acc[q] + v * v)
                return tuple(out)
            accs = lax.fori_loop(0, CH, _row, accs)
        pltpu.sync_copy(sb_v, acc_sh.at[idx_v.at[j]], add=True)

    plsc.subcore_barrier()

    pltpu.sync_copy(acc_sh.at[pl.ds(lo, RPT)],
                    acc_hbm.at[pl.ds(pl.multiple_of(c * PS + lo, 8),
                                     RPT), pl.ds(0, W)])

    if p == 0:
        lp_v[0, :] = accs[0] + accs[1] + accs[2] + accs[3]
        wid = c * NS + s
        pltpu.sync_copy(lp_v, loss_hbm.at[wid])


def _tc_body(p, nc0, cen_ref, acc_ref, lp_ref, out_ref, loss_ref):
    i = pl.program_id(0)
    ci = jnp.where(i >= nc0, 1, 0)
    k = i - ci * nc0
    b = 2 * (3 * k + p) + ci

    acct = jnp.transpose(acc_ref[...])
    xsum = acct[:FEATURE_DIM_, :]
    cnt = acct[FEATURE_DIM_:FEATURE_DIM_ + 1, :]
    cen = cen_ref[...]
    num = cnt * cen - xsum
    out_ref[...] = cen - num / (cnt + 1.0)

    col = b * CB + jax.lax.broadcasted_iota(jnp.int32, (FEATURE_DIM_, CB), 1)
    term = jnp.where(col < NUM_CLASSES_, (cnt * cen - 2.0 * xsum) * cen, 0.0)
    part = jnp.sum(term)

    @pl.when(i == 0)
    def _():
        if p == 0:
            loss_ref[...] = jnp.reshape(jnp.sum(lp_ref[...]) * 0.5, (1, 1))
        else:
            loss_ref[...] = jnp.zeros((1, 1), jnp.float32)

    loss_ref[...] = loss_ref[...] + jnp.reshape(part, (1, 1))


def kernel(inputs, labels, centers):
    labels = jnp.reshape(labels, (-1,)).astype(jnp.int32)

    mesh = plsc.VectorSubcoreMesh(core_axis_name="c", subcore_axis_name="s")
    common_scratch = [
        pltpu.VMEM((EPT,), jnp.int32),
        pltpu.VMEM((CH, W), jnp.float32),
        pltpu.VMEM((NCHUNK, CH), jnp.int32),
        pltpu.VMEM((CH, W), jnp.float32),
    ]
    accs = []
    loss_part = None
    for p in range(NPASS):
        if p == 0:
            out_type = (
                jax.ShapeDtypeStruct((NC * PS, 128), jnp.float32),
                jax.ShapeDtypeStruct((NC * NS, 1, L), jnp.float32),
            )
            scratch = common_scratch + [
                pltpu.VMEM((1, L), jnp.float32),
                pltpu.VMEM_SHARED((PS + 1, W), jnp.float32),
                pltpu.SemaphoreType.DMA,
            ]
        else:
            out_type = jax.ShapeDtypeStruct((NC * PS, 128), jnp.float32)
            scratch = common_scratch + [
                pltpu.VMEM_SHARED((PS + 1, W), jnp.float32),
                pltpu.SemaphoreType.DMA,
            ]
        sc = pl.kernel(
            functools.partial(_sc_pass, p),
            out_type=out_type,
            mesh=mesh,
            compiler_params=pltpu.CompilerParams(use_tc_tiling_on_sc=False),
            scratch_types=scratch,
            name=f"sc_pass{p}",
        )
        if p == 0:
            acc, loss_part = sc(inputs, labels)
        else:
            acc = sc(inputs, labels, accs[p - 1])
        accs.append(acc)
    loss_part = jnp.reshape(loss_part, (NC * NS, L))

    cen_t = jnp.transpose(centers)
    out_t = None
    losses = []
    for p in range(NPASS):
        nc0 = _nblocks(0, p)
        nblk = nc0 + _nblocks(1, p)

        def cen_map(i, nc0=nc0, p=p):
            ci = jnp.where(i >= nc0, 1, 0)
            k = i - ci * nc0
            return (0, 2 * (3 * k + p) + ci)

        def acc_map(i, nc0=nc0):
            ci = jnp.where(i >= nc0, 1, 0)
            k = i - ci * nc0
            return (ci * JMAX + k, 0)

        out_shape = [
            jax.ShapeDtypeStruct((FEATURE_DIM_, NUM_CLASSES_), jnp.float32),
            jax.ShapeDtypeStruct((1, 1), jnp.float32),
        ]
        alias = {} if out_t is None else {0: 0}
        operands = [cen_t if out_t is None else out_t, accs[p], loss_part]
        out_t, lp = pl.pallas_call(
            functools.partial(_tc_body, p, nc0),
            grid=(nblk,),
            in_specs=[
                pl.BlockSpec((FEATURE_DIM_, CB), cen_map),
                pl.BlockSpec((CB, 128), acc_map),
                pl.BlockSpec((NC * NS, L), lambda i: (0, 0)),
            ],
            out_specs=[
                pl.BlockSpec((FEATURE_DIM_, CB), cen_map),
                pl.BlockSpec((1, 1), lambda i: (0, 0)),
            ],
            out_shape=out_shape,
            input_output_aliases=alias,
        )(*operands)
        losses.append(lp)

    loss = (losses[0] + losses[1] + losses[2]) * (1.0 / BATCH_)
    return inputs, jnp.transpose(out_t), jnp.reshape(loss, ())

# --- scband reference (transcript-rebuilt; emitter-appended) ---
"""Pipeline reference for scband-vae-56977036149373 (READ-ONLY COPY).

The authoritative reference and input builder live on the scoring server;
editing this copy changes nothing except your own understanding.
"""

import jax, jax.numpy as jnp
import numpy as np

NUM_CLASSES = 100000
FEATURE_DIM = 64
BATCH = 16384


def setup_inputs(seed: int = 0) -> dict:
    key = jax.random.key(seed)
    k1, k2, k3 = jax.random.split(key, 3)
    inputs = jax.random.normal(k1, (BATCH, FEATURE_DIM), dtype=jnp.float32)
    # labels are class indices in [0, NUM_CLASSES)
    labels = jax.random.randint(k2, (BATCH,), 0, NUM_CLASSES, dtype=jnp.int32)
    # centers: non-trainable state of the layer (initialized to zeros in the
    # original; we use random values to represent a mid-training state so the
    # gather/scatter is nontrivial)
    centers = jax.random.normal(k3, (NUM_CLASSES, FEATURE_DIM), dtype=jnp.float32)
    return {"inputs": inputs, "labels": labels, "centers": centers}


def reference(inputs, labels, centers):
    labels = jnp.reshape(labels.astype(jnp.int32), (-1,))
    # gather current centers for each example
    centers_batch = jnp.take(centers, labels, axis=0)
    diff = centers_batch - inputs
    # per-class sum of diffs (equivalent to unique_with_counts + unsorted_segment_sum,
    # scattered back to full class table -- the intended semantics of the TF code)
    diff_sum = jax.ops.segment_sum(diff, labels, num_segments=NUM_CLASSES)
    counts = jnp.bincount(labels, length=NUM_CLASSES).astype(jnp.float32)
    centers_update = diff_sum / (counts[:, None] + 1.0)
    new_centers = centers - centers_update  # centers.assign(...) state update
    # center loss added via add_loss in the original
    loss = jnp.mean(jnp.sum(jnp.square(inputs - centers_batch), axis=1))
    # layer returns inputs; we also return updated state and loss so the
    # scatter/reduce work is live
    return inputs, new_centers, loss

if __name__ == "__main__":
    import jax
    _d = setup_inputs()
    print(jax.jit(kernel)(*tuple(_d.values())))

</pallas_src>

<mosaic_0001>
#map = affine_map<(d0, d1) -> (0, 0)>
#map1 = affine_map<(d0, d1) -> (0)>
module attributes {stable_mosaic.version = 14 : i64} {
  func.func @sc_pass1(%arg0: i32, %arg1: i32, %arg2: memref<16384x64xf32, #tpu.memory_space<hbm>>, %arg3: memref<16384xi32, #tpu.memory_space<hbm>>, %arg4: memref<36864x128xf32, #tpu.memory_space<hbm>>, %arg5: memref<36864x128xf32, #tpu.memory_space<hbm>>, %arg6: memref<1024xi32, #tpu.memory_space<vmem>>, %arg7: memref<128x80xf32, #tpu.memory_space<vmem>>, %arg8: memref<8x128xi32, #tpu.memory_space<vmem>>, %arg9: memref<128x80xf32, #tpu.memory_space<vmem>>, %arg10: memref<18433x80xf32, #tpu.memory_space<vmem_shared>>, %arg11: memref<!tpu.dma_semaphore, #tpu.memory_space<semaphore_mem>>) attributes {dimension_semantics = [#tpu.dimension_semantics<core_parallel>, #tpu.dimension_semantics<subcore_parallel>], iteration_bounds = array<i64: 2, 16>, scalar_prefetch = 0 : i64, scratch_operands = 6 : i64, tpu.core_type = #tpu.core_type<sc_vector_subcore>, window_params = [{transform_indices = #map}, {transform_indices = #map1}, {transform_indices = #map}, {transform_indices = #map}]} {
    %mul3A = arith.constant 1024 : i32
    %mul3A_0 = arith.muli %arg1, %mul3A : i32
    %multiple_of3A = tpu.assume_multiple %mul3A_0, 128 : i32
    %broadcast_in_dim3A = arith.constant 1.000000e+00 : f32
    %broadcast_in_dim3A_1 = vector.broadcast %broadcast_in_dim3A : f32 to vector<16xf32>
    %broadcast_in_dim3A_2 = arith.constant 0.000000e+00 : f32
    %broadcast_in_dim3A_3 = vector.broadcast %broadcast_in_dim3A_2 : f32 to vector<16xf32>
    "tpu.region"() ({
      %run_scoped3A_65 = tpu.sem_alloc : memref<!tpu.dma_semaphore, #tpu.memory_space<semaphore_mem>>
      %dma_start3A = tpu.memref_slice %arg3[%multiple_of3A] : memref<16384xi32, #tpu.memory_space<hbm>> -> memref<1024xi32, #tpu.memory_space<hbm>>
      %dma_start3A_66 = tpu.memref_slice %arg3[%multiple_of3A] : memref<16384xi32, #tpu.memory_space<hbm>> -> memref<1024xi32, #tpu.memory_space<hbm>>
      tpu.enqueue_dma source(%dma_start3A_66 : memref<1024xi32, #tpu.memory_space<hbm>>) target(%arg6 : memref<1024xi32, #tpu.memory_space<vmem>>) target_semaphore(%run_scoped3A_65 : memref<!tpu.dma_semaphore, #tpu.memory_space<semaphore_mem>>)
      %dma_wait3A = tpu.memref_slice %arg3[%multiple_of3A] : memref<16384xi32, #tpu.memory_space<hbm>> -> memref<1024xi32, #tpu.memory_space<hbm>>
      %dma_wait3A_67 = tpu.memref_slice %arg3[%multiple_of3A] : memref<16384xi32, #tpu.memory_space<hbm>> -> memref<1024xi32, #tpu.memory_space<hbm>>
      tpu.wait_dma2 semaphore(%run_scoped3A_65 : memref<!tpu.dma_semaphore, #tpu.memory_space<semaphore_mem>>) src(%dma_wait3A_67 : memref<1024xi32, #tpu.memory_space<hbm>>) dst(%arg6 : memref<1024xi32, #tpu.memory_space<vmem>>)
      tpu.yield
    }) : () -> ()
    %scan3A = arith.constant 0 : i32
    %scan3A_4 = arith.constant 0 : i32
    %scan3A_5 = arith.constant 128 : i32
    %scan3A_6 = arith.addi %scan3A_4, %scan3A_5 : i32
    %scan3A_7 = arith.constant 1 : i32
    %scan3A_8 = scf.for %scan3A_65 = %scan3A_4 to %scan3A_6 step %scan3A_7 iter_args(%scan3A_66 = %scan3A) -> (i32)  : i32 {
      %swap3A = arith.index_cast %scan3A_65 : i32 to index
      %swap3A_67 = arith.constant 0 : index
      %swap3A_68 = tpu.vector_load %arg9[%swap3A, %swap3A_67] {strides = array<i32>} : memref<128x80xf32, #tpu.memory_space<vmem>>, vector<1x16xf32>,
      %swap3A_69 = vector.shape_cast %swap3A_68 : vector<1x16xf32> to vector<16xf32>
      %swap3A_70 = vector.shape_cast %broadcast_in_dim3A_3 : vector<16xf32> to vector<1x16xf32>
      tpu.vector_store %arg9[%swap3A, %swap3A_67], %swap3A_70 {strides = array<i32>} : memref<128x80xf32, #tpu.memory_space<vmem>>, vector<1x16xf32>,
      %swap3A_71 = arith.index_cast %scan3A_65 : i32 to index
      %swap3A_72 = arith.constant 16 : index
      %swap3A_73 = tpu.vector_load %arg9[%swap3A_71, %swap3A_72] {strides = array<i32>} : memref<128x80xf32, #tpu.memory_space<vmem>>, vector<1x16xf32>,
      %swap3A_74 = vector.shape_cast %swap3A_73 : vector<1x16xf32> to vector<16xf32>
      %swap3A_75 = vector.shape_cast %broadcast_in_dim3A_3 : vector<16xf32> to vector<1x16xf32>
      tpu.vector_store %arg9[%swap3A_71, %swap3A_72], %swap3A_75 {strides = array<i32>} : memref<128x80xf32, #tpu.memory_space<vmem>>, vector<1x16xf32>,
      %swap3A_76 = arith.index_cast %scan3A_65 : i32 to index
      %swap3A_77 = arith.constant 32 : index
      %swap3A_78 = tpu.vector_load %arg9[%swap3A_76, %swap3A_77] {strides = array<i32>} : memref<128x80xf32, #tpu.memory_space<vmem>>, vector<1x16xf32>,
      %swap3A_79 = vector.shape_cast %swap3A_78 : vector<1x16xf32> to vector<16xf32>
      %swap3A_80 = vector.shape_cast %broadcast_in_dim3A_3 : vector<16xf32> to vector<1x16xf32>
      tpu.vector_store %arg9[%swap3A_76, %swap3A_77], %swap3A_80 {strides = array<i32>} : memref<128x80xf32, #tpu.memory_space<vmem>>, vector<1x16xf32>,
      %swap3A_81 = arith.index_cast %scan3A_65 : i32 to index
      %swap3A_82 = arith.constant 48 : index
      %swap3A_83 = tpu.vector_load %arg9[%swap3A_81, %swap3A_82] {strides = array<i32>} : memref<128x80xf32, #tpu.memory_space<vmem>>, vector<1x16xf32>,
      %swap3A_84 = vector.shape_cast %swap3A_83 : vector<1x16xf32> to vector<16xf32>
      %swap3A_85 = vector.shape_cast %broadcast_in_dim3A_3 : vector<16xf32> to vector<1x16xf32>
      tpu.vector_store %arg9[%swap3A_81, %swap3A_82], %swap3A_85 {strides = array<i32>} : memref<128x80xf32, #tpu.memory_space<vmem>>, vector<1x16xf32>,
      %swap3A_86 = arith.index_cast %scan3A_65 : i32 to index
      %swap3A_87 = arith.constant 64 : index
      %swap3A_88 = tpu.vector_load %arg9[%swap3A_86, %swap3A_87] {strides = array<i32>} : memref<128x80xf32, #tpu.memory_space<vmem>>, vector<1x16xf32>,
      %swap3A_89 = vector.shape_cast %swap3A_88 : vector<1x16xf32> to vector<16xf32>
      %swap3A_90 = vector.shape_cast %broadcast_in_dim3A_3 : vector<16xf32> to vector<1x16xf32>
      tpu.vector_store %arg9[%swap3A_86, %swap3A_87], %swap3A_90 {strides = array<i32>} : memref<128x80xf32, #tpu.memory_space<vmem>>, vector<1x16xf32>,
      %swap3A_91 = arith.index_cast %scan3A_65 : i32 to index
      %swap3A_92 = arith.constant 64 : index
      %swap3A_93 = tpu.vector_load %arg7[%swap3A_91, %swap3A_92] {strides = array<i32>} : memref<128x80xf32, #tpu.memory_space<vmem>>, vector<1x16xf32>,
      %swap3A_94 = vector.shape_cast %swap3A_93 : vector<1x16xf32> to vector<16xf32>
      %swap3A_95 = vector.shape_cast %broadcast_in_dim3A_1 : vector<16xf32> to vector<1x16xf32>
      tpu.vector_store %arg7[%swap3A_91, %swap3A_92], %swap3A_95 {strides = array<i32>} : memref<128x80xf32, #tpu.memory_space<vmem>>, vector<1x16xf32>,
      %scan3A_96 = arith.constant 0 : i32
      scf.yield %scan3A_96 : i32
    }
    %scan3A_9 = arith.constant 128 : i32
    %mul3A_10 = arith.constant 1152 : i32
    %mul3A_11 = arith.muli %arg1, %mul3A_10 : i32
    %multiple_of3A_12 = tpu.assume_multiple %mul3A_11, 8 : i32
    %add3A = arith.constant 0 : i32
    %add3A_13 = arith.addi %multiple_of3A_12, %add3A : i32
    "tpu.region"() ({
      %run_scoped3A_65 = tpu.sem_alloc : memref<!tpu.dma_semaphore, #tpu.memory_space<semaphore_mem>>
      %dma_start3A = arith.constant 0 : i32
      %dma_start3A_66 = tpu.memref_slice %arg10[%add3A_13, %dma_start3A] : memref<18433x80xf32, #tpu.memory_space<vmem_shared>> -> memref<128x80xf32, #tpu.memory_space<vmem_shared>>
      %dma_start3A_67 = arith.constant 0 : i32
      %dma_start3A_68 = tpu.memref_slice %arg10[%add3A_13, %dma_start3A_67] : memref<18433x80xf32, #tpu.memory_space<vmem_shared>> -> memref<128x80xf32, #tpu.memory_space<vmem_shared>>
      tpu.enqueue_dma source(%arg9 : memref<128x80xf32, #tpu.memory_space<vmem>>) target(%dma_start3A_68 : memref<128x80xf32, #tpu.memory_space<vmem_shared>>) target_semaphore(%run_scoped3A_65 : memref<!tpu.dma_semaphore, #tpu.memory_space<semaphore_mem>>)
      %dma_wait3A = arith.constant 0 : i32
      %dma_wait3A_69 = tpu.memref_slice %arg10[%add3A_13, %dma_wait3A] : memref<18433x80xf32, #tpu.memory_space<vmem_shared>> -> memref<128x80xf32, #tpu.memory_space<vmem_shared>>
      %dma_wait3A_70 = arith.constant 0 : i32
      %dma_wait3A_71 = tpu.memref_slice %arg10[%add3A_13, %dma_wait3A_70] : memref<18433x80xf32, #tpu.memory_space<vmem_shared>> -> memref<128x80xf32, #tpu.memory_space<vmem_shared>>
      tpu.wait_dma2 semaphore(%run_scoped3A_65 : memref<!tpu.dma_semaphore, #tpu.memory_space<semaphore_mem>>) src(%arg9 : memref<128x80xf32, #tpu.memory_space<vmem>>) dst(%dma_wait3A_71 : memref<128x80xf32, #tpu.memory_space<vmem_shared>>)
      tpu.yield
    }) : () -> ()
    %add3A_14 = arith.constant 128 : i32
    %add3A_15 = arith.addi %multiple_of3A_12, %add3A_14 : i32
    "tpu.region"() ({
      %run_scoped3A_65 = tpu.sem_alloc : memref<!tpu.dma_semaphore, #tpu.memory_space<semaphore_mem>>
      %dma_start3A = arith.constant 0 : i32
      %dma_start3A_66 = tpu.memref_slice %arg10[%add3A_15, %dma_start3A] : memref<18433x80xf32, #tpu.memory_space<vmem_shared>> -> memref<128x80xf32, #tpu.memory_space<vmem_shared>>
      %dma_start3A_67 = arith.constant 0 : i32
      %dma_start3A_68 = tpu.memref_slice %arg10[%add3A_15, %dma_start3A_67] : memref<18433x80xf32, #tpu.memory_space<vmem_shared>> -> memref<128x80xf32, #tpu.memory_space<vmem_shared>>
      tpu.enqueue_dma source(%arg9 : memref<128x80xf32, #tpu.memory_space<vmem>>) target(%dma_start3A_68 : memref<128x80xf32, #tpu.memory_space<vmem_shared>>) target_semaphore(%run_scoped3A_65 : memref<!tpu.dma_semaphore, #tpu.memory_space<semaphore_mem>>)
      %dma_wait3A = arith.constant 0 : i32
      %dma_wait3A_69 = tpu.memref_slice %arg10[%add3A_15, %dma_wait3A] : memref<18433x80xf32, #tpu.memory_space<vmem_shared>> -> memref<128x80xf32, #tpu.memory_space<vmem_shared>>
      %dma_wait3A_70 = arith.constant 0 : i32
      %dma_wait3A_71 = tpu.memref_slice %arg10[%add3A_15, %dma_wait3A_70] : memref<18433x80xf32, #tpu.memory_space<vmem_shared>> -> memref<128x80xf32, #tpu.memory_space<vmem_shared>>
      tpu.wait_dma2 semaphore(%run_scoped3A_65 : memref<!tpu.dma_semaphore, #tpu.memory_space<semaphore_mem>>) src(%arg9 : memref<128x80xf32, #tpu.memory_space<vmem>>) dst(%dma_wait3A_71 : memref<128x80xf32, #tpu.memory_space<vmem_shared>>)
      tpu.yield
    }) : () -> ()
    %add3A_16 = arith.constant 256 : i32
    %add3A_17 = arith.addi %multiple_of3A_12, %add3A_16 : i32
    "tpu.region"() ({
      %run_scoped3A_65 = tpu.sem_alloc : memref<!tpu.dma_semaphore, #tpu.memory_space<semaphore_mem>>
      %dma_start3A = arith.constant 0 : i32
      %dma_start3A_66 = tpu.memref_slice %arg10[%add3A_17, %dma_start3A] : memref<18433x80xf32, #tpu.memory_space<vmem_shared>> -> memref<128x80xf32, #tpu.memory_space<vmem_shared>>
      %dma_start3A_67 = arith.constant 0 : i32
      %dma_start3A_68 = tpu.memref_slice %arg10[%add3A_17, %dma_start3A_67] : memref<18433x80xf32, #tpu.memory_space<vmem_shared>> -> memref<128x80xf32, #tpu.memory_space<vmem_shared>>
      tpu.enqueue_dma source(%arg9 : memref<128x80xf32, #tpu.memory_space<vmem>>) target(%dma_start3A_68 : memref<128x80xf32, #tpu.memory_space<vmem_shared>>) target_semaphore(%run_scoped3A_65 : memref<!tpu.dma_semaphore, #tpu.memory_space<semaphore_mem>>)
      %dma_wait3A = arith.constant 0 : i32
      %dma_wait3A_69 = tpu.memref_slice %arg10[%add3A_17, %dma_wait3A] : memref<18433x80xf32, #tpu.memory_space<vmem_shared>> -> memref<128x80xf32, #tpu.memory_space<vmem_shared>>
      %dma_wait3A_70 = arith.constant 0 : i32
      %dma_wait3A_71 = tpu.memref_slice %arg10[%add3A_17, %dma_wait3A_70] : memref<18433x80xf32, #tpu.memory_space<vmem_shared>> -> memref<128x80xf32, #tpu.memory_space<vmem_shared>>
      tpu.wait_dma2 semaphore(%run_scoped3A_65 : memref<!tpu.dma_semaphore, #tpu.memory_space<semaphore_mem>>) src(%arg9 : memref<128x80xf32, #tpu.memory_space<vmem>>) dst(%dma_wait3A_71 : memref<128x80xf32, #tpu.memory_space<vmem_shared>>)
      tpu.yield
    }) : () -> ()
    %add3A_18 = arith.constant 384 : i32
    %add3A_19 = arith.addi %multiple_of3A_12, %add3A_18 : i32
    "tpu.region"() ({
      %run_scoped3A_65 = tpu.sem_alloc : memref<!tpu.dma_semaphore, #tpu.memory_space<semaphore_mem>>
      %dma_start3A = arith.constant 0 : i32
      %dma_start3A_66 = tpu.memref_slice %arg10[%add3A_19, %dma_start3A] : memref<18433x80xf32, #tpu.memory_space<vmem_shared>> -> memref<128x80xf32, #tpu.memory_space<vmem_shared>>
      %dma_start3A_67 = arith.constant 0 : i32
      %dma_start3A_68 = tpu.memref_slice %arg10[%add3A_19, %dma_start3A_67] : memref<18433x80xf32, #tpu.memory_space<vmem_shared>> -> memref<128x80xf32, #tpu.memory_space<vmem_shared>>
      tpu.enqueue_dma source(%arg9 : memref<128x80xf32, #tpu.memory_space<vmem>>) target(%dma_start3A_68 : memref<128x80xf32, #tpu.memory_space<vmem_shared>>) target_semaphore(%run_scoped3A_65 : memref<!tpu.dma_semaphore, #tpu.memory_space<semaphore_mem>>)
      %dma_wait3A = arith.constant 0 : i32
      %dma_wait3A_69 = tpu.memref_slice %arg10[%add3A_19, %dma_wait3A] : memref<18433x80xf32, #tpu.memory_space<vmem_shared>> -> memref<128x80xf32, #tpu.memory_space<vmem_shared>>
      %dma_wait3A_70 = arith.constant 0 : i32
      %dma_wait3A_71 = tpu.memref_slice %arg10[%add3A_19, %dma_wait3A_70] : memref<18433x80xf32, #tpu.memory_space<vmem_shared>> -> memref<128x80xf32, #tpu.memory_space<vmem_shared>>
      tpu.wait_dma2 semaphore(%run_scoped3A_65 : memref<!tpu.dma_semaphore, #tpu.memory_space<semaphore_mem>>) src(%arg9 : memref<128x80xf32, #tpu.memory_space<vmem>>) dst(%dma_wait3A_71 : memref<128x80xf32, #tpu.memory_space<vmem_shared>>)
      tpu.yield
    }) : () -> ()
    %add3A_20 = arith.constant 512 : i32
    %add3A_21 = arith.addi %multiple_of3A_12, %add3A_20 : i32
    "tpu.region"() ({
      %run_scoped3A_65 = tpu.sem_alloc : memref<!tpu.dma_semaphore, #tpu.memory_space<semaphore_mem>>
      %dma_start3A = arith.constant 0 : i32
      %dma_start3A_66 = tpu.memref_slice %arg10[%add3A_21, %dma_start3A] : memref<18433x80xf32, #tpu.memory_space<vmem_shared>> -> memref<128x80xf32, #tpu.memory_space<vmem_shared>>
      %dma_start3A_67 = arith.constant 0 : i32
      %dma_start3A_68 = tpu.memref_slice %arg10[%add3A_21, %dma_start3A_67] : memref<18433x80xf32, #tpu.memory_space<vmem_shared>> -> memref<128x80xf32, #tpu.memory_space<vmem_shared>>
      tpu.enqueue_dma source(%arg9 : memref<128x80xf32, #tpu.memory_space<vmem>>) target(%dma_start3A_68 : memref<128x80xf32, #tpu.memory_space<vmem_shared>>) target_semaphore(%run_scoped3A_65 : memref<!tpu.dma_semaphore, #tpu.memory_space<semaphore_mem>>)
      %dma_wait3A = arith.constant 0 : i32
      %dma_wait3A_69 = tpu.memref_slice %arg10[%add3A_21, %dma_wait3A] : memref<18433x80xf32, #tpu.memory_space<vmem_shared>> -> memref<128x80xf32, #tpu.memory_space<vmem_shared>>
      %dma_wait3A_70 = arith.constant 0 : i32
      %dma_wait3A_71 = tpu.memref_slice %arg10[%add3A_21, %dma_wait3A_70] : memref<18433x80xf32, #tpu.memory_space<vmem_shared>> -> memref<128x80xf32, #tpu.memory_space<vmem_shared>>
      tpu.wait_dma2 semaphore(%run_scoped3A_65 : memref<!tpu.dma_semaphore, #tpu.memory_space<semaphore_mem>>) src(%arg9 : memref<128x80xf32, #tpu.memory_space<vmem>>) dst(%dma_wait3A_71 : memref<128x80xf32, #tpu.memory_space<vmem_shared>>)
      tpu.yield
    }) : () -> ()
    %add3A_22 = arith.constant 640 : i32
    %add3A_23 = arith.addi %multiple_of3A_12, %add3A_22 : i32
    "tpu.region"() ({
      %run_scoped3A_65 = tpu.sem_alloc : memref<!tpu.dma_semaphore, #tpu.memory_space<semaphore_mem>>
      %dma_start3A = arith.constant 0 : i32
      %dma_start3A_66 = tpu.memref_slice %arg10[%add3A_23, %dma_start3A] : memref<18433x80xf32, #tpu.memory_space<vmem_shared>> -> memref<128x80xf32, #tpu.memory_space<vmem_shared>>
      %dma_start3A_67 = arith.constant 0 : i32
      %dma_start3A_68 = tpu.memref_slice %arg10[%add3A_23, %dma_start3A_67] : memref<18433x80xf32, #tpu.memory_space<vmem_shared>> -> memref<128x80xf32, #tpu.memory_space<vmem_shared>>
      tpu.enqueue_dma source(%arg9 : memref<128x80xf32, #tpu.memory_space<vmem>>) target(%dma_start3A_68 : memref<128x80xf32, #tpu.memory_space<vmem_shared>>) target_semaphore(%run_scoped3A_65 : memref<!tpu.dma_semaphore, #tpu.memory_space<semaphore_mem>>)
      %dma_wait3A = arith.constant 0 : i32
      %dma_wait3A_69 = tpu.memref_slice %arg10[%add3A_23, %dma_wait3A] : memref<18433x80xf32, #tpu.memory_space<vmem_shared>> -> memref<128x80xf32, #tpu.memory_space<vmem_shared>>
      %dma_wait3A_70 = arith.constant 0 : i32
      %dma_wait3A_71 = tpu.memref_slice %arg10[%add3A_23, %dma_wait3A_70] : memref<18433x80xf32, #tpu.memory_space<vmem_shared>> -> memref<128x80xf32, #tpu.memory_space<vmem_shared>>
      tpu.wait_dma2 semaphore(%run_scoped3A_65 : memref<!tpu.dma_semaphore, #tpu.memory_space<semaphore_mem>>) src(%arg9 : memref<128x80xf32, #tpu.memory_space<vmem>>) dst(%dma_wait3A_71 : memref<128x80xf32, #tpu.memory_space<vmem_shared>>)
      tpu.yield
    }) : () -> ()
    %add3A_24 = arith.constant 768 : i32
    %add3A_25 = arith.addi %multiple_of3A_12, %add3A_24 : i32
    "tpu.region"() ({
      %run_scoped3A_65 = tpu.sem_alloc : memref<!tpu.dma_semaphore, #tpu.memory_space<semaphore_mem>>
      %dma_start3A = arith.constant 0 : i32
      %dma_start3A_66 = tpu.memref_slice %arg10[%add3A_25, %dma_start3A] : memref<18433x80xf32, #tpu.memory_space<vmem_shared>> -> memref<128x80xf32, #tpu.memory_space<vmem_shared>>
      %dma_start3A_67 = arith.constant 0 : i32
      %dma_start3A_68 = tpu.memref_slice %arg10[%add3A_25, %dma_start3A_67] : memref<18433x80xf32, #tpu.memory_space<vmem_shared>> -> memref<128x80xf32, #tpu.memory_space<vmem_shared>>
      tpu.enqueue_dma source(%arg9 : memref<128x80xf32, #tpu.memory_space<vmem>>) target(%dma_start3A_68 : memref<128x80xf32, #tpu.memory_space<vmem_shared>>) target_semaphore(%run_scoped3A_65 : memref<!tpu.dma_semaphore, #tpu.memory_space<semaphore_mem>>)
      %dma_wait3A = arith.constant 0 : i32
      %dma_wait3A_69 = tpu.memref_slice %arg10[%add3A_25, %dma_wait3A] : memref<18433x80xf32, #tpu.memory_space<vmem_shared>> -> memref<128x80xf32, #tpu.memory_space<vmem_shared>>
      %dma_wait3A_70 = arith.constant 0 : i32
      %dma_wait3A_71 = tpu.memref_slice %arg10[%add3A_25, %dma_wait3A_70] : memref<18433x80xf32, #tpu.memory_space<vmem_shared>> -> memref<128x80xf32, #tpu.memory_space<vmem_shared>>
      tpu.wait_dma2 semaphore(%run_scoped3A_65 : memref<!tpu.dma_semaphore, #tpu.memory_space<semaphore_mem>>) src(%arg9 : memref<128x80xf32, #tpu.memory_space<vmem>>) dst(%dma_wait3A_71 : memref<128x80xf32, #tpu.memory_space<vmem_shared>>)
      tpu.yield
    }) : () -> ()
    %add3A_26 = arith.constant 896 : i32
    %add3A_27 = arith.addi %multiple_of3A_12, %add3A_26 : i32
    "tpu.region"() ({
      %run_scoped3A_65 = tpu.sem_alloc : memref<!tpu.dma_semaphore, #tpu.memory_space<semaphore_mem>>
      %dma_start3A = arith.constant 0 : i32
      %dma_start3A_66 = tpu.memref_slice %arg10[%add3A_27, %dma_start3A] : memref<18433x80xf32, #tpu.memory_space<vmem_shared>> -> memref<128x80xf32, #tpu.memory_space<vmem_shared>>
      %dma_start3A_67 = arith.constant 0 : i32
      %dma_start3A_68 = tpu.memref_slice %arg10[%add3A_27, %dma_start3A_67] : memref<18433x80xf32, #tpu.memory_space<vmem_shared>> -> memref<128x80xf32, #tpu.memory_space<vmem_shared>>
      tpu.enqueue_dma source(%arg9 : memref<128x80xf32, #tpu.memory_space<vmem>>) target(%dma_start3A_68 : memref<128x80xf32, #tpu.memory_space<vmem_shared>>) target_semaphore(%run_scoped3A_65 : memref<!tpu.dma_semaphore, #tpu.memory_space<semaphore_mem>>)
      %dma_wait3A = arith.constant 0 : i32
      %dma_wait3A_69 = tpu.memref_slice %arg10[%add3A_27, %dma_wait3A] : memref<18433x80xf32, #tpu.memory_space<vmem_shared>> -> memref<128x80xf32, #tpu.memory_space<vmem_shared>>
      %dma_wait3A_70 = arith.constant 0 : i32
      %dma_wait3A_71 = tpu.memref_slice %arg10[%add3A_27, %dma_wait3A_70] : memref<18433x80xf32, #tpu.memory_space<vmem_shared>> -> memref<128x80xf32, #tpu.memory_space<vmem_shared>>
      tpu.wait_dma2 semaphore(%run_scoped3A_65 : memref<!tpu.dma_semaphore, #tpu.memory_space<semaphore_mem>>) src(%arg9 : memref<128x80xf32, #tpu.memory_space<vmem>>) dst(%dma_wait3A_71 : memref<128x80xf32, #tpu.memory_space<vmem_shared>>)
      tpu.yield
    }) : () -> ()
    %add3A_28 = arith.constant 1024 : i32
    %add3A_29 = arith.addi %multiple_of3A_12, %add3A_28 : i32
    "tpu.region"() ({
      %run_scoped3A_65 = tpu.sem_alloc : memref<!tpu.dma_semaphore, #tpu.memory_space<semaphore_mem>>
      %dma_start3A = arith.constant 0 : i32
      %dma_start3A_66 = tpu.memref_slice %arg10[%add3A_29, %dma_start3A] : memref<18433x80xf32, #tpu.memory_space<vmem_shared>> -> memref<128x80xf32, #tpu.memory_space<vmem_shared>>
      %dma_start3A_67 = arith.constant 0 : i32
      %dma_start3A_68 = tpu.memref_slice %arg10[%add3A_29, %dma_start3A_67] : memref<18433x80xf32, #tpu.memory_space<vmem_shared>> -> memref<128x80xf32, #tpu.memory_space<vmem_shared>>
      tpu.enqueue_dma source(%arg9 : memref<128x80xf32, #tpu.memory_space<vmem>>) target(%dma_start3A_68 : memref<128x80xf32, #tpu.memory_space<vmem_shared>>) target_semaphore(%run_scoped3A_65 : memref<!tpu.dma_semaphore, #tpu.memory_space<semaphore_mem>>)
      %dma_wait3A = arith.constant 0 : i32
      %dma_wait3A_69 = tpu.memref_slice %arg10[%add3A_29, %dma_wait3A] : memref<18433x80xf32, #tpu.memory_space<vmem_shared>> -> memref<128x80xf32, #tpu.memory_space<vmem_shared>>
      %dma_wait3A_70 = arith.constant 0 : i32
      %dma_wait3A_71 = tpu.memref_slice %arg10[%add3A_29, %dma_wait3A_70] : memref<18433x80xf32, #tpu.memory_space<vmem_shared>> -> memref<128x80xf32, #tpu.memory_space<vmem_shared>>
      tpu.wait_dma2 semaphore(%run_scoped3A_65 : memref<!tpu.dma_semaphore, #tpu.memory_space<semaphore_mem>>) src(%arg9 : memref<128x80xf32, #tpu.memory_space<vmem>>) dst(%dma_wait3A_71 : memref<128x80xf32, #tpu.memory_space<vmem_shared>>)
      tpu.yield
    }) : () -> ()
    %scan3A_30 = arith.constant 0 : i32
    %scan3A_31 = arith.constant 0 : i32
    %scan3A_32 = arith.constant 64 : i32
    %scan3A_33 = arith.addi %scan3A_31, %scan3A_32 : i32
    %scan3A_34 = arith.constant 1 : i32
    %scan3A_35 = scf.for %scan3A_65 = %scan3A_31 to %scan3A_33 step %scan3A_34 iter_args(%scan3A_66 = %scan3A_30) -> (i32)  : i32 {
      %mul3A_67 = arith.constant 16 : i32
      %mul3A_68 = arith.muli %scan3A_65, %mul3A_67 : i32
      %get3A = arith.index_cast %mul3A_68 : i32 to index
      %get3A_69 = tpu.vector_load %arg6[%get3A] {strides = array<i32>} : memref<1024xi32, #tpu.memory_space<vmem>>, vector<16xi32>,
      %get3A_70 = vector.shape_cast %get3A_69 : vector<16xi32> to vector<16xi32>
      %shift_right_logical3A = arith.constant 11 : i32
      %shift_right_logical3A_71 = vector.broadcast %shift_right_logical3A : i32 to vector<16xi32>
      %shift_right_logical3A_72 = arith.shrui %get3A_70, %shift_right_logical3A_71 : vector<16xi32>
      %shift_right_logical3A_73 = arith.constant 1 : i32
      %shift_right_logical3A_74 = vector.broadcast %shift_right_logical3A_73 : i32 to vector<16xi32>
      %shift_right_logical3A_75 = arith.shrui %shift_right_logical3A_72, %shift_right_logical3A_74 : vector<16xi32>
      %mul3A_76 = arith.constant 21846 : i32
      %mul3A_77 = vector.broadcast %mul3A_76 : i32 to vector<16xi32>
      %mul3A_78 = arith.muli %shift_right_logical3A_75, %mul3A_77 : vector<16xi32>
      %shift_right_logical3A_79 = arith.constant 16 : i32
      %shift_right_logical3A_80 = vector.broadcast %shift_right_logical3A_79 : i32 to vector<16xi32>
      %shift_right_logical3A_81 = arith.shrui %mul3A_78, %shift_right_logical3A_80 : vector<16xi32>
      %mul3A_82 = arith.constant 3 : i32
      %mul3A_83 = vector.broadcast %mul3A_82 : i32 to vector<16xi32>
      %mul3A_84 = arith.muli %mul3A_83, %shift_right_logical3A_81 : vector<16xi32>
      %sub3A = arith.subi %shift_right_logical3A_75, %mul3A_84 : vector<16xi32>
      %and3A = arith.constant 1 : i32
      %and3A_85 = vector.broadcast %and3A : i32 to vector<16xi32>
      %and3A_86 = arith.andi %shift_right_logical3A_72, %and3A_85 : vector<16xi32>
      %eq3A = vector.broadcast %arg0 : i32 to vector<16xi32>
      %eq3A_87 = arith.cmpi eq, %and3A_86, %eq3A : vector<16xi32>
      %eq3A_88 = arith.constant 1 : i32
      %eq3A_89 = vector.broadcast %eq3A_88 : i32 to vector<16xi32>
      %eq3A_90 = arith.cmpi eq, %sub3A, %eq3A_89 : vector<16xi32>
      %and3A_91 = arith.andi %eq3A_87, %eq3A_90 : vector<16xi1>
      %mul3A_92 = arith.constant 2048 : i32
      %mul3A_93 = vector.broadcast %mul3A_92 : i32 to vector<16xi32>
      %mul3A_94 = arith.muli %shift_right_logical3A_81, %mul3A_93 : vector<16xi32>
      %and3A_95 = arith.constant 2047 : i32
      %and3A_96 = vector.broadcast %and3A_95 : i32 to vector<16xi32>
      %and3A_97 = arith.andi %get3A_70, %and3A_96 : vector<16xi32>
      %add3A_98 = arith.addi %mul3A_94, %and3A_97 : vector<16xi32>
      %jit3A = arith.constant 18432 : i32
      %broadcast_in_dim3A_99 = vector.broadcast %jit3A : i32 to vector<16xi32>
      %select_n3A = arith.select %and3A_91, %add3A_98, %broadcast_in_dim3A_99 : vector<16xi1>, vector<16xi32>
      %jit3A_100 = arith.constant 8 : i32
      %div3A = arith.divsi %scan3A_65, %jit3A_100 : i32
      %sign3A = arith.constant 0 : i32
      %sign3A_101 = arith.cmpi sgt, %scan3A_65, %sign3A : i32
      %sign3A_102 = arith.extui %sign3A_101 : i1 to i32
      %sign3A_103 = arith.constant 0 : i32
      %sign3A_104 = arith.cmpi slt, %scan3A_65, %sign3A_103 : i32
      %sign3A_105 = arith.extui %sign3A_104 : i1 to i32
      %sign3A_106 = arith.subi %sign3A_102, %sign3A_105 : i32
      %sign3A_107 = arith.constant 0 : i32
      %sign3A_108 = arith.cmpi sgt, %jit3A_100, %sign3A_107 : i32
      %sign3A_109 = arith.extui %sign3A_108 : i1 to i32
      %sign3A_110 = arith.constant 0 : i32
      %sign3A_111 = arith.cmpi slt, %jit3A_100, %sign3A_110 : i32
      %sign3A_112 = arith.extui %sign3A_111 : i1 to i32
      %sign3A_113 = arith.subi %sign3A_109, %sign3A_112 : i32
      %ne3A = arith.cmpi ne, %sign3A_106, %sign3A_113 : i32
      %rem3A = arith.remsi %scan3A_65, %jit3A_100 : i32
      %ne3A_114 = arith.constant 0 : i32
      %ne3A_115 = arith.cmpi ne, %rem3A, %ne3A_114 : i32
      %and3A_116 = arith.andi %ne3A, %ne3A_115 : i1
      %sub3A_117 = arith.constant 1 : i32
      %sub3A_118 = arith.subi %div3A, %sub3A_117 : i32
      %select_n3A_119 = arith.select %and3A_116, %sub3A_118, %div3A : i32
      %jit3A_120 = arith.constant 8 : i32
      %eq3A_121 = arith.constant 0 : i32
      %eq3A_122 = arith.cmpi eq, %jit3A_120, %eq3A_121 : i32
      %jit3A_123 = arith.constant 1 : i32
      %select_n3A_124 = arith.select %eq3A_122, %jit3A_123, %jit3A_120 : i32
      %rem3A_125 = arith.remsi %scan3A_65, %select_n3A_124 : i32
      %ne3A_126 = arith.constant 0 : i32
      %ne3A_127 = arith.cmpi ne, %rem3A_125, %ne3A_126 : i32
      %lt3A = arith.constant 0 : i32
      %lt3A_128 = arith.cmpi slt, %rem3A_125, %lt3A : i32
      %lt3A_129 = arith.constant 0 : i32
      %lt3A_130 = arith.cmpi slt, %select_n3A_124, %lt3A_129 : i32
      %ne3A_131 = arith.xori %lt3A_128, %lt3A_130 : i1
      %and3A_132 = arith.andi %ne3A_131, %ne3A_127 : i1
      %add3A_133 = arith.addi %rem3A_125, %select_n3A_124 : i32
      %select_n3A_134 = arith.select %and3A_132, %add3A_133, %rem3A_125 : i32
      %mul3A_135 = arith.constant 16 : i32
      %mul3A_136 = arith.muli %select_n3A_134, %mul3A_135 : i32
      %swap3A = arith.index_cast %select_n3A_119 : i32 to index
      %swap3A_137 = arith.index_cast %mul3A_136 : i32 to index
      %swap3A_138 = tpu.vector_load %arg8[%swap3A, %swap3A_137] {strides = array<i32>} : memref<8x128xi32, #tpu.memory_space<vmem>>, vector<1x16xi32>,
      %swap3A_139 = vector.shape_cast %swap3A_138 : vector<1x16xi32> to vector<16xi32>
      %swap3A_140 = vector.shape_cast %select_n3A : vector<16xi32> to vector<1x16xi32>
      tpu.vector_store %arg8[%swap3A, %swap3A_137], %swap3A_140 {strides = array<i32>} : memref<8x128xi32, #tpu.memory_space<vmem>>, vector<1x16xi32>,
      %scan3A_141 = arith.constant 0 : i32
      scf.yield %scan3A_141 : i32
    }
    %scan3A_36 = arith.constant 64 : i32
    %barrier3A = arith.constant 0 : index
    tpu.barrier barrier_id(%barrier3A)
    %add3A_37 = arith.constant 0 : i32
    %add3A_38 = arith.addi %multiple_of3A, %add3A_37 : i32
    "tpu.region"() ({
      %run_scoped3A_65 = tpu.sem_alloc : memref<!tpu.dma_semaphore, #tpu.memory_space<semaphore_mem>>
      %dma_start3A = arith.constant 0 : i32
      %dma_start3A_66 = arith.constant 0 : i32
      %dma_start3A_67 = tpu.memref_slice %arg7[%dma_start3A, %dma_start3A_66] : memref<128x80xf32, #tpu.memory_space<vmem>> -> memref<128x64xf32, #tpu.memory_space<vmem>>
      %dma_start3A_68 = arith.constant 0 : i32
      %dma_start3A_69 = tpu.memref_slice %arg2[%add3A_38, %dma_start3A_68] : memref<16384x64xf32, #tpu.memory_space<hbm>> -> memref<128x64xf32, #tpu.memory_space<hbm>>
      %dma_start3A_70 = arith.constant 0 : i32
      %dma_start3A_71 = arith.constant 0 : i32
      %dma_start3A_72 = tpu.memref_slice %arg7[%dma_start3A_70, %dma_start3A_71] : memref<128x80xf32, #tpu.memory_space<vmem>> -> memref<128x64xf32, #tpu.memory_space<vmem>>
      %dma_start3A_73 = arith.constant 0 : i32
      %dma_start3A_74 = tpu.memref_slice %arg2[%add3A_38, %dma_start3A_73] : memref<16384x64xf32, #tpu.memory_space<hbm>> -> memref<128x64xf32, #tpu.memory_space<hbm>>
      tpu.enqueue_dma source(%dma_start3A_74 : memref<128x64xf32, #tpu.memory_space<hbm>>) target(%dma_start3A_72 : memref<128x64xf32, #tpu.memory_space<vmem>>) target_semaphore(%run_scoped3A_65 : memref<!tpu.dma_semaphore, #tpu.memory_space<semaphore_mem>>)
      %dma_wait3A = arith.constant 0 : i32
      %dma_wait3A_75 = arith.constant 0 : i32
      %dma_wait3A_76 = tpu.memref_slice %arg7[%dma_wait3A, %dma_wait3A_75] : memref<128x80xf32, #tpu.memory_space<vmem>> -> memref<128x64xf32, #tpu.memory_space<vmem>>
      %dma_wait3A_77 = arith.constant 0 : i32
      %dma_wait3A_78 = tpu.memref_slice %arg2[%add3A_38, %dma_wait3A_77] : memref<16384x64xf32, #tpu.memory_space<hbm>> -> memref<128x64xf32, #tpu.memory_space<hbm>>
      %dma_wait3A_79 = arith.constant 0 : i32
      %dma_wait3A_80 = arith.constant 0 : i32
      %dma_wait3A_81 = tpu.memref_slice %arg7[%dma_wait3A_79, %dma_wait3A_80] : memref<128x80xf32, #tpu.memory_space<vmem>> -> memref<128x64xf32, #tpu.memory_space<vmem>>
      %dma_wait3A_82 = arith.constant 0 : i32
      %dma_wait3A_83 = tpu.memref_slice %arg2[%add3A_38, %dma_wait3A_82] : memref<16384x64xf32, #tpu.memory_space<hbm>> -> memref<128x64xf32, #tpu.memory_space<hbm>>
      tpu.wait_dma2 semaphore(%run_scoped3A_65 : memref<!tpu.dma_semaphore, #tpu.memory_space<semaphore_mem>>) src(%dma_wait3A_83 : memref<128x64xf32, #tpu.memory_space<hbm>>) dst(%dma_wait3A_81 : memref<128x64xf32, #tpu.memory_space<vmem>>)
      tpu.yield
    }) : () -> ()
    %run_scoped3A = arith.constant 0 : i32
    "tpu.region"() ({
      %run_scoped3A_65 = tpu.sem_alloc : memref<!tpu.dma_semaphore, #tpu.memory_space<semaphore_mem>>
      %dma_start3A = arith.constant 0 : i32
      %dma_start3A_66 = tpu.memref_slice %arg8[%run_scoped3A, %dma_start3A] : memref<8x128xi32, #tpu.memory_space<vmem>> -> memref<1x128xi32, #tpu.memory_space<vmem>>
      %dma_start3A_67 = tpu.memref_squeeze %dma_start3A_66 : memref<1x128xi32, #tpu.memory_space<vmem>> -> memref<128xi32, #tpu.memory_space<vmem>>
      %dma_start3A_68 = arith.constant 0 : i32
      %dma_start3A_69 = arith.constant 0 : i32
      %dma_start3A_70 = tpu.memref_slice %arg10[%dma_start3A_68, %dma_start3A_69] : memref<18433x80xf32, #tpu.memory_space<vmem_shared>> -> memref<18433x80xf32, #tpu.memory_space<vmem_shared>>
      tpu.enqueue_indirect_dma source(%arg7 : memref<128x80xf32, #tpu.memory_space<vmem>>) target(%dma_start3A_70 : memref<18433x80xf32, #tpu.memory_space<vmem_shared>>) offsets(%dma_start3A_67 : memref<128xi32, #tpu.memory_space<vmem>>) semaphore(%run_scoped3A_65 : memref<!tpu.dma_semaphore, #tpu.memory_space<semaphore_mem>>) {add = true}
      %dma_wait3A = arith.constant 0 : i32
      %dma_wait3A_71 = tpu.memref_slice %arg8[%run_scoped3A, %dma_wait3A] : memref<8x128xi32, #tpu.memory_space<vmem>> -> memref<1x128xi32, #tpu.memory_space<vmem>>
      %dma_wait3A_72 = tpu.memref_squeeze %dma_wait3A_71 : memref<1x128xi32, #tpu.memory_space<vmem>> -> memref<128xi32, #tpu.memory_space<vmem>>
      %dma_wait3A_73 = arith.constant 0 : i32
      %dma_wait3A_74 = arith.constant 0 : i32
      %dma_wait3A_75 = tpu.memref_slice %arg10[%dma_wait3A_73, %dma_wait3A_74] : memref<18433x80xf32, #tpu.memory_space<vmem_shared>> -> memref<18433x80xf32, #tpu.memory_space<vmem_shared>>
      tpu.wait_indirect_dma semaphore(%run_scoped3A_65 : memref<!tpu.dma_semaphore, #tpu.memory_space<semaphore_mem>>) src(%arg7 : memref<128x80xf32, #tpu.memory_space<vmem>>) dst(%dma_wait3A_75 : memref<18433x80xf32, #tpu.memory_space<vmem_shared>>)
      tpu.yield
    }) : () -> ()
    %add3A_39 = arith.constant 128 : i32
    %add3A_40 = arith.addi %multiple_of3A, %add3A_39 : i32
    "tpu.region"() ({
      %run_scoped3A_65 = tpu.sem_alloc : memref<!tpu.dma_semaphore, #tpu.memory_space<semaphore_mem>>
      %dma_start3A = arith.constant 0 : i32
      %dma_start3A_66 = arith.constant 0 : i32
      %dma_start3A_67 = tpu.memref_slice %arg7[%dma_start3A, %dma_start3A_66] : memref<128x80xf32, #tpu.memory_space<vmem>> -> memref<128x64xf32, #tpu.memory_space<vmem>>
      %dma_start3A_68 = arith.constant 0 : i32
      %dma_start3A_69 = tpu.memref_slice %arg2[%add3A_40, %dma_start3A_68] : memref<16384x64xf32, #tpu.memory_space<hbm>> -> memref<128x64xf32, #tpu.memory_space<hbm>>
      %dma_start3A_70 = arith.constant 0 : i32
      %dma_start3A_71 = arith.constant 0 : i32
      %dma_start3A_72 = tpu.memref_slice %arg7[%dma_start3A_70, %dma_start3A_71] : memref<128x80xf32, #tpu.memory_space<vmem>> -> memref<128x64xf32, #tpu.memory_space<vmem>>
      %dma_start3A_73 = arith.constant 0 : i32
      %dma_start3A_74 = tpu.memref_slice %arg2[%add3A_40, %dma_start3A_73] : memref<16384x64xf32, #tpu.memory_space<hbm>> -> memref<128x64xf32, #tpu.memory_space<hbm>>
      tpu.enqueue_dma source(%dma_start3A_74 : memref<128x64xf32, #tpu.memory_space<hbm>>) target(%dma_start3A_72 : memref<128x64xf32, #tpu.memory_space<vmem>>) target_semaphore(%run_scoped3A_65 : memref<!tpu.dma_semaphore, #tpu.memory_space<semaphore_mem>>)
      %dma_wait3A = arith.constant 0 : i32
      %dma_wait3A_75 = arith.constant 0 : i32
      %dma_wait3A_76 = tpu.memref_slice %arg7[%dma_wait3A, %dma_wait3A_75] : memref<128x80xf32, #tpu.memory_space<vmem>> -> memref<128x64xf32, #tpu.memory_space<vmem>>
      %dma_wait3A_77 = arith.constant 0 : i32
      %dma_wait3A_78 = tpu.memref_slice %arg2[%add3A_40, %dma_wait3A_77] : memref<16384x64xf32, #tpu.memory_space<hbm>> -> memref<128x64xf32, #tpu.memory_space<hbm>>
      %dma_wait3A_79 = arith.constant 0 : i32
      %dma_wait3A_80 = arith.constant 0 : i32
      %dma_wait3A_81 = tpu.memref_slice %arg7[%dma_wait3A_79, %dma_wait3A_80] : memref<128x80xf32, #tpu.memory_space<vmem>> -> memref<128x64xf32, #tpu.memory_space<vmem>>
      %dma_wait3A_82 = arith.constant 0 : i32
      %dma_wait3A_83 = tpu.memref_slice %arg2[%add3A_40, %dma_wait3A_82] : memref<16384x64xf32, #tpu.memory_space<hbm>> -> memref<128x64xf32, #tpu.memory_space<hbm>>
      tpu.wait_dma2 semaphore(%run_scoped3A_65 : memref<!tpu.dma_semaphore, #tpu.memory_space<semaphore_mem>>) src(%dma_wait3A_83 : memref<128x64xf32, #tpu.memory_space<hbm>>) dst(%dma_wait3A_81 : memref<128x64xf32, #tpu.memory_space<vmem>>)
      tpu.yield
    }) : () -> ()
    %run_scoped3A_41 = arith.constant 1 : i32
    "tpu.region"() ({
      %run_scoped3A_65 = tpu.sem_alloc : memref<!tpu.dma_semaphore, #tpu.memory_space<semaphore_mem>>
      %dma_start3A = arith.constant 0 : i32
      %dma_start3A_66 = tpu.memref_slice %arg8[%run_scoped3A_41, %dma_start3A] : memref<8x128xi32, #tpu.memory_space<vmem>> -> memref<1x128xi32, #tpu.memory_space<vmem>>
      %dma_start3A_67 = tpu.memref_squeeze %dma_start3A_66 : memref<1x128xi32, #tpu.memory_space<vmem>> -> memref<128xi32, #tpu.memory_space<vmem>>
      %dma_start3A_68 = arith.constant 0 : i32
      %dma_start3A_69 = arith.constant 0 : i32
      %dma_start3A_70 = tpu.memref_slice %arg10[%dma_start3A_68, %dma_start3A_69] : memref<18433x80xf32, #tpu.memory_space<vmem_shared>> -> memref<18433x80xf32, #tpu.memory_space<vmem_shared>>
      tpu.enqueue_indirect_dma source(%arg7 : memref<128x80xf32, #tpu.memory_space<vmem>>) target(%dma_start3A_70 : memref<18433x80xf32, #tpu.memory_space<vmem_shared>>) offsets(%dma_start3A_67 : memref<128xi32, #tpu.memory_space<vmem>>) semaphore(%run_scoped3A_65 : memref<!tpu.dma_semaphore, #tpu.memory_space<semaphore_mem>>) {add = true}
      %dma_wait3A = arith.constant 0 : i32
      %dma_wait3A_71 = tpu.memref_slice %arg8[%run_scoped3A_41, %dma_wait3A] : memref<8x128xi32, #tpu.memory_space<vmem>> -> memref<1x128xi32, #tpu.memory_space<vmem>>
      %dma_wait3A_72 = tpu.memref_squeeze %dma_wait3A_71 : memref<1x128xi32, #tpu.memory_space<vmem>> -> memref<128xi32, #tpu.memory_space<vmem>>
      %dma_wait3A_73 = arith.constant 0 : i32
      %dma_wait3A_74 = arith.constant 0 : i32
      %dma_wait3A_75 = tpu.memref_slice %arg10[%dma_wait3A_73, %dma_wait3A_74] : memref<18433x80xf32, #tpu.memory_space<vmem_shared>> -> memref<18433x80xf32, #tpu.memory_space<vmem_shared>>
      tpu.wait_indirect_dma semaphore(%run_scoped3A_65 : memref<!tpu.dma_semaphore, #tpu.memory_space<semaphore_mem>>) src(%arg7 : memref<128x80xf32, #tpu.memory_space<vmem>>) dst(%dma_wait3A_75 : memref<18433x80xf32, #tpu.memory_space<vmem_shared>>)
      tpu.yield
    }) : () -> ()
    %add3A_42 = arith.constant 256 : i32
    %add3A_43 = arith.addi %multiple_of3A, %add3A_42 : i32
    "tpu.region"() ({
      %run_scoped3A_65 = tpu.sem_alloc : memref<!tpu.dma_semaphore, #tpu.memory_space<semaphore_mem>>
      %dma_start3A = arith.constant 0 : i32
      %dma_start3A_66 = arith.constant 0 : i32
      %dma_start3A_67 = tpu.memref_slice %arg7[%dma_start3A, %dma_start3A_66] : memref<128x80xf32, #tpu.memory_space<vmem>> -> memref<128x64xf32, #tpu.memory_space<vmem>>
      %dma_start3A_68 = arith.constant 0 : i32
      %dma_start3A_69 = tpu.memref_slice %arg2[%add3A_43, %dma_start3A_68] : memref<16384x64xf32, #tpu.memory_space<hbm>> -> memref<128x64xf32, #tpu.memory_space<hbm>>
      %dma_start3A_70 = arith.constant 0 : i32
      %dma_start3A_71 = arith.constant 0 : i32
      %dma_start3A_72 = tpu.memref_slice %arg7[%dma_start3A_70, %dma_start3A_71] : memref<128x80xf32, #tpu.memory_space<vmem>> -> memref<128x64xf32, #tpu.memory_space<vmem>>
      %dma_start3A_73 = arith.constant 0 : i32
      %dma_start3A_74 = tpu.memref_slice %arg2[%add3A_43, %dma_start3A_73] : memref<16384x64xf32, #tpu.memory_space<hbm>> -> memref<128x64xf32, #tpu.memory_space<hbm>>
      tpu.enqueue_dma source(%dma_start3A_74 : memref<128x64xf32, #tpu.memory_space<hbm>>) target(%dma_start3A_72 : memref<128x64xf32, #tpu.memory_space<vmem>>) target_semaphore(%run_scoped3A_65 : memref<!tpu.dma_semaphore, #tpu.memory_space<semaphore_mem>>)
      %dma_wait3A = arith.constant 0 : i32
      %dma_wait3A_75 = arith.constant 0 : i32
      %dma_wait3A_76 = tpu.memref_slice %arg7[%dma_wait3A, %dma_wait3A_75] : memref<128x80xf32, #tpu.memory_space<vmem>> -> memref<128x64xf32, #tpu.memory_space<vmem>>
      %dma_wait3A_77 = arith.constant 0 : i32
      %dma_wait3A_78 = tpu.memref_slice %arg2[%add3A_43, %dma_wait3A_77] : memref<16384x64xf32, #tpu.memory_space<hbm>> -> memref<128x64xf32, #tpu.memory_space<hbm>>
      %dma_wait3A_79 = arith.constant 0 : i32
      %dma_wait3A_80 = arith.constant 0 : i32
      %dma_wait3A_81 = tpu.memref_slice %arg7[%dma_wait3A_79, %dma_wait3A_80] : memref<128x80xf32, #tpu.memory_space<vmem>> -> memref<128x64xf32, #tpu.memory_space<vmem>>
      %dma_wait3A_82 = arith.constant 0 : i32
      %dma_wait3A_83 = tpu.memref_slice %arg2[%add3A_43, %dma_wait3A_82] : memref<16384x64xf32, #tpu.memory_space<hbm>> -> memref<128x64xf32, #tpu.memory_space<hbm>>
      tpu.wait_dma2 semaphore(%run_scoped3A_65 : memref<!tpu.dma_semaphore, #tpu.memory_space<semaphore_mem>>) src(%dma_wait3A_83 : memref<128x64xf32, #tpu.memory_space<hbm>>) dst(%dma_wait3A_81 : memref<128x64xf32, #tpu.memory_space<vmem>>)
      tpu.yield
    }) : () -> ()
    %run_scoped3A_44 = arith.constant 2 : i32
    "tpu.region"() ({
      %run_scoped3A_65 = tpu.sem_alloc : memref<!tpu.dma_semaphore, #tpu.memory_space<semaphore_mem>>
      %dma_start3A = arith.constant 0 : i32
      %dma_start3A_66 = tpu.memref_slice %arg8[%run_scoped3A_44, %dma_start3A] : memref<8x128xi32, #tpu.memory_space<vmem>> -> memref<1x128xi32, #tpu.memory_space<vmem>>
      %dma_start3A_67 = tpu.memref_squeeze %dma_start3A_66 : memref<1x128xi32, #tpu.memory_space<vmem>> -> memref<128xi32, #tpu.memory_space<vmem>>
      %dma_start3A_68 = arith.constant 0 : i32
      %dma_start3A_69 = arith.constant 0 : i32
      %dma_start3A_70 = tpu.memref_slice %arg10[%dma_start3A_68, %dma_start3A_69] : memref<18433x80xf32, #tpu.memory_space<vmem_shared>> -> memref<18433x80xf32, #tpu.memory_space<vmem_shared>>
      tpu.enqueue_indirect_dma source(%arg7 : memref<128x80xf32, #tpu.memory_space<vmem>>) target(%dma_start3A_70 : memref<18433x80xf32, #tpu.memory_space<vmem_shared>>) offsets(%dma_start3A_67 : memref<128xi32, #tpu.memory_space<vmem>>) semaphore(%run_scoped3A_65 : memref<!tpu.dma_semaphore, #tpu.memory_space<semaphore_mem>>) {add = true}
      %dma_wait3A = arith.constant 0 : i32
      %dma_wait3A_71 = tpu.memref_slice %arg8[%run_scoped3A_44, %dma_wait3A] : memref<8x128xi32, #tpu.memory_space<vmem>> -> memref<1x128xi32, #tpu.memory_space<vmem>>
      %dma_wait3A_72 = tpu.memref_squeeze %dma_wait3A_71 : memref<1x128xi32, #tpu.memory_space<vmem>> -> memref<128xi32, #tpu.memory_space<vmem>>
      %dma_wait3A_73 = arith.constant 0 : i32
      %dma_wait3A_74 = arith.constant 0 : i32
      %dma_wait3A_75 = tpu.memref_slice %arg10[%dma_wait3A_73, %dma_wait3A_74] : memref<18433x80xf32, #tpu.memory_space<vmem_shared>> -> memref<18433x80xf32, #tpu.memory_space<vmem_shared>>
      tpu.wait_indirect_dma semaphore(%run_scoped3A_65 : memref<!tpu.dma_semaphore, #tpu.memory_space<semaphore_mem>>) src(%arg7 : memref<128x80xf32, #tpu.memory_space<vmem>>) dst(%dma_wait3A_75 : memref<18433x80xf32, #tpu.memory_space<vmem_shared>>)
      tpu.yield
    }) : () -> ()
    %add3A_45 = arith.constant 384 : i32
    %add3A_46 = arith.addi %multiple_of3A, %add3A_45 : i32
    "tpu.region"() ({
      %run_scoped3A_65 = tpu.sem_alloc : memref<!tpu.dma_semaphore, #tpu.memory_space<semaphore_mem>>
      %dma_start3A = arith.constant 0 : i32
      %dma_start3A_66 = arith.constant 0 : i32
      %dma_start3A_67 = tpu.memref_slice %arg7[%dma_start3A, %dma_start3A_66] : memref<128x80xf32, #tpu.memory_space<vmem>> -> memref<128x64xf32, #tpu.memory_space<vmem>>
      %dma_start3A_68 = arith.constant 0 : i32
      %dma_start3A_69 = tpu.memref_slice %arg2[%add3A_46, %dma_start3A_68] : memref<16384x64xf32, #tpu.memory_space<hbm>> -> memref<128x64xf32, #tpu.memory_space<hbm>>
      %dma_start3A_70 = arith.constant 0 : i32
      %dma_start3A_71 = arith.constant 0 : i32
      %dma_start3A_72 = tpu.memref_slice %arg7[%dma_start3A_70, %dma_start3A_71] : memref<128x80xf32, #tpu.memory_space<vmem>> -> memref<128x64xf32, #tpu.memory_space<vmem>>
      %dma_start3A_73 = arith.constant 0 : i32
      %dma_start3A_74 = tpu.memref_slice %arg2[%add3A_46, %dma_start3A_73] : memref<16384x64xf32, #tpu.memory_space<hbm>> -> memref<128x64xf32, #tpu.memory_space<hbm>>
      tpu.enqueue_dma source(%dma_start3A_74 : memref<128x64xf32, #tpu.memory_space<hbm>>) target(%dma_start3A_72 : memref<128x64xf32, #tpu.memory_space<vmem>>) target_semaphore(%run_scoped3A_65 : memref<!tpu.dma_semaphore, #tpu.memory_space<semaphore_mem>>)
      %dma_wait3A = arith.constant 0 : i32
      %dma_wait3A_75 = arith.constant 0 : i32
      %dma_wait3A_76 = tpu.memref_slice %arg7[%dma_wait3A, %dma_wait3A_75] : memref<128x80xf32, #tpu.memory_space<vmem>> -> memref<128x64xf32, #tpu.memory_space<vmem>>
      %dma_wait3A_77 = arith.constant 0 : i32
      %dma_wait3A_78 = tpu.memref_slice %arg2[%add3A_46, %dma_wait3A_77] : memref<16384x64xf32, #tpu.memory_space<hbm>> -> memref<128x64xf32, #tpu.memory_space<hbm>>
      %dma_wait3A_79 = arith.constant 0 : i32
      %dma_wait3A_80 = arith.constant 0 : i32
      %dma_wait3A_81 = tpu.memref_slice %arg7[%dma_wait3A_79, %dma_wait3A_80] : memref<128x80xf32, #tpu.memory_space<vmem>> -> memref<128x64xf32, #tpu.memory_space<vmem>>
      %dma_wait3A_82 = arith.constant 0 : i32
      %dma_wait3A_83 = tpu.memref_slice %arg2[%add3A_46, %dma_wait3A_82] : memref<16384x64xf32, #tpu.memory_space<hbm>> -> memref<128x64xf32, #tpu.memory_space<hbm>>
      tpu.wait_dma2 semaphore(%run_scoped3A_65 : memref<!tpu.dma_semaphore, #tpu.memory_space<semaphore_mem>>) src(%dma_wait3A_83 : memref<128x64xf32, #tpu.memory_space<hbm>>) dst(%dma_wait3A_81 : memref<128x64xf32, #tpu.memory_space<vmem>>)
      tpu.yield
    }) : () -> ()
    %run_scoped3A_47 = arith.constant 3 : i32
    "tpu.region"() ({
      %run_scoped3A_65 = tpu.sem_alloc : memref<!tpu.dma_semaphore, #tpu.memory_space<semaphore_mem>>
      %dma_start3A = arith.constant 0 : i32
      %dma_start3A_66 = tpu.memref_slice %arg8[%run_scoped3A_47, %dma_start3A] : memref<8x128xi32, #tpu.memory_space<vmem>> -> memref<1x128xi32, #tpu.memory_space<vmem>>
      %dma_start3A_67 = tpu.memref_squeeze %dma_start3A_66 : memref<1x128xi32, #tpu.memory_space<vmem>> -> memref<128xi32, #tpu.memory_space<vmem>>
      %dma_start3A_68 = arith.constant 0 : i32
      %dma_start3A_69 = arith.constant 0 : i32
      %dma_start3A_70 = tpu.memref_slice %arg10[%dma_start3A_68, %dma_start3A_69] : memref<18433x80xf32, #tpu.memory_space<vmem_shared>> -> memref<18433x80xf32, #tpu.memory_space<vmem_shared>>
      tpu.enqueue_indirect_dma source(%arg7 : memref<128x80xf32, #tpu.memory_space<vmem>>) target(%dma_start3A_70 : memref<18433x80xf32, #tpu.memory_space<vmem_shared>>) offsets(%dma_start3A_67 : memref<128xi32, #tpu.memory_space<vmem>>) semaphore(%run_scoped3A_65 : memref<!tpu.dma_semaphore, #tpu.memory_space<semaphore_mem>>) {add = true}
      %dma_wait3A = arith.constant 0 : i32
      %dma_wait3A_71 = tpu.memref_slice %arg8[%run_scoped3A_47, %dma_wait3A] : memref<8x128xi32, #tpu.memory_space<vmem>> -> memref<1x128xi32, #tpu.memory_space<vmem>>
      %dma_wait3A_72 = tpu.memref_squeeze %dma_wait3A_71 : memref<1x128xi32, #tpu.memory_space<vmem>> -> memref<128xi32, #tpu.memory_space<vmem>>
      %dma_wait3A_73 = arith.constant 0 : i32
      %dma_wait3A_74 = arith.constant 0 : i32
      %dma_wait3A_75 = tpu.memref_slice %arg10[%dma_wait3A_73, %dma_wait3A_74] : memref<18433x80xf32, #tpu.memory_space<vmem_shared>> -> memref<18433x80xf32, #tpu.memory_space<vmem_shared>>
      tpu.wait_indirect_dma semaphore(%run_scoped3A_65 : memref<!tpu.dma_semaphore, #tpu.memory_space<semaphore_mem>>) src(%arg7 : memref<128x80xf32, #tpu.memory_space<vmem>>) dst(%dma_wait3A_75 : memref<18433x80xf32, #tpu.memory_space<vmem_shared>>)
      tpu.yield
    }) : () -> ()
    %add3A_48 = arith.constant 512 : i32
    %add3A_49 = arith.addi %multiple_of3A, %add3A_48 : i32
    "tpu.region"() ({
      %run_scoped3A_65 = tpu.sem_alloc : memref<!tpu.dma_semaphore, #tpu.memory_space<semaphore_mem>>
      %dma_start3A = arith.constant 0 : i32
      %dma_start3A_66 = arith.constant 0 : i32
      %dma_start3A_67 = tpu.memref_slice %arg7[%dma_start3A, %dma_start3A_66] : memref<128x80xf32, #tpu.memory_space<vmem>> -> memref<128x64xf32, #tpu.memory_space<vmem>>
      %dma_start3A_68 = arith.constant 0 : i32
      %dma_start3A_69 = tpu.memref_slice %arg2[%add3A_49, %dma_start3A_68] : memref<16384x64xf32, #tpu.memory_space<hbm>> -> memref<128x64xf32, #tpu.memory_space<hbm>>
      %dma_start3A_70 = arith.constant 0 : i32
      %dma_start3A_71 = arith.constant 0 : i32
      %dma_start3A_72 = tpu.memref_slice %arg7[%dma_start3A_70, %dma_start3A_71] : memref<128x80xf32, #tpu.memory_space<vmem>> -> memref<128x64xf32, #tpu.memory_space<vmem>>
      %dma_start3A_73 = arith.constant 0 : i32
      %dma_start3A_74 = tpu.memref_slice %arg2[%add3A_49, %dma_start3A_73] : memref<16384x64xf32, #tpu.memory_space<hbm>> -> memref<128x64xf32, #tpu.memory_space<hbm>>
      tpu.enqueue_dma source(%dma_start3A_74 : memref<128x64xf32, #tpu.memory_space<hbm>>) target(%dma_start3A_72 : memref<128x64xf32, #tpu.memory_space<vmem>>) target_semaphore(%run_scoped3A_65 : memref<!tpu.dma_semaphore, #tpu.memory_space<semaphore_mem>>)
      %dma_wait3A = arith.constant 0 : i32
      %dma_wait3A_75 = arith.constant 0 : i32
      %dma_wait3A_76 = tpu.memref_slice %arg7[%dma_wait3A, %dma_wait3A_75] : memref<128x80xf32, #tpu.memory_space<vmem>> -> memref<128x64xf32, #tpu.memory_space<vmem>>
      %dma_wait3A_77 = arith.constant 0 : i32
      %dma_wait3A_78 = tpu.memref_slice %arg2[%add3A_49, %dma_wait3A_77] : memref<16384x64xf32, #tpu.memory_space<hbm>> -> memref<128x64xf32, #tpu.memory_space<hbm>>
      %dma_wait3A_79 = arith.constant 0 : i32
      %dma_wait3A_80 = arith.constant 0 : i32
      %dma_wait3A_81 = tpu.memref_slice %arg7[%dma_wait3A_79, %dma_wait3A_80] : memref<128x80xf32, #tpu.memory_space<vmem>> -> memref<128x64xf32, #tpu.memory_space<vmem>>
      %dma_wait3A_82 = arith.constant 0 : i32
      %dma_wait3A_83 = tpu.memref_slice %arg2[%add3A_49, %dma_wait3A_82] : memref<16384x64xf32, #tpu.memory_space<hbm>> -> memref<128x64xf32, #tpu.memory_space<hbm>>
      tpu.wait_dma2 semaphore(%run_scoped3A_65 : memref<!tpu.dma_semaphore, #tpu.memory_space<semaphore_mem>>) src(%dma_wait3A_83 : memref<128x64xf32, #tpu.memory_space<hbm>>) dst(%dma_wait3A_81 : memref<128x64xf32, #tpu.memory_space<vmem>>)
      tpu.yield
    }) : () -> ()
    %run_scoped3A_50 = arith.constant 4 : i32
    "tpu.region"() ({
      %run_scoped3A_65 = tpu.sem_alloc : memref<!tpu.dma_semaphore, #tpu.memory_space<semaphore_mem>>
      %dma_start3A = arith.constant 0 : i32
      %dma_start3A_66 = tpu.memref_slice %arg8[%run_scoped3A_50, %dma_start3A] : memref<8x128xi32, #tpu.memory_space<vmem>> -> memref<1x128xi32, #tpu.memory_space<vmem>>
      %dma_start3A_67 = tpu.memref_squeeze %dma_start3A_66 : memref<1x128xi32, #tpu.memory_space<vmem>> -> memref<128xi32, #tpu.memory_space<vmem>>
      %dma_start3A_68 = arith.constant 0 : i32
      %dma_start3A_69 = arith.constant 0 : i32
      %dma_start3A_70 = tpu.memref_slice %arg10[%dma_start3A_68, %dma_start3A_69] : memref<18433x80xf32, #tpu.memory_space<vmem_shared>> -> memref<18433x80xf32, #tpu.memory_space<vmem_shared>>
      tpu.enqueue_indirect_dma source(%arg7 : memref<128x80xf32, #tpu.memory_space<vmem>>) target(%dma_start3A_70 : memref<18433x80xf32, #tpu.memory_space<vmem_shared>>) offsets(%dma_start3A_67 : memref<128xi32, #tpu.memory_space<vmem>>) semaphore(%run_scoped3A_65 : memref<!tpu.dma_semaphore, #tpu.memory_space<semaphore_mem>>) {add = true}
      %dma_wait3A = arith.constant 0 : i32
      %dma_wait3A_71 = tpu.memref_slice %arg8[%run_scoped3A_50, %dma_wait3A] : memref<8x128xi32, #tpu.memory_space<vmem>> -> memref<1x128xi32, #tpu.memory_space<vmem>>
      %dma_wait3A_72 = tpu.memref_squeeze %dma_wait3A_71 : memref<1x128xi32, #tpu.memory_space<vmem>> -> memref<128xi32, #tpu.memory_space<vmem>>
      %dma_wait3A_73 = arith.constant 0 : i32
      %dma_wait3A_74 = arith.constant 0 : i32
      %dma_wait3A_75 = tpu.memref_slice %arg10[%dma_wait3A_73, %dma_wait3A_74] : memref<18433x80xf32, #tpu.memory_space<vmem_shared>> -> memref<18433x80xf32, #tpu.memory_space<vmem_shared>>
      tpu.wait_indirect_dma semaphore(%run_scoped3A_65 : memref<!tpu.dma_semaphore, #tpu.memory_space<semaphore_mem>>) src(%arg7 : memref<128x80xf32, #tpu.memory_space<vmem>>) dst(%dma_wait3A_75 : memref<18433x80xf32, #tpu.memory_space<vmem_shared>>)
      tpu.yield
    }) : () -> ()
    %add3A_51 = arith.constant 640 : i32
    %add3A_52 = arith.addi %multiple_of3A, %add3A_51 : i32
    "tpu.region"() ({
      %run_scoped3A_65 = tpu.sem_alloc : memref<!tpu.dma_semaphore, #tpu.memory_space<semaphore_mem>>
      %dma_start3A = arith.constant 0 : i32
      %dma_start3A_66 = arith.constant 0 : i32
      %dma_start3A_67 = tpu.memref_slice %arg7[%dma_start3A, %dma_start3A_66] : memref<128x80xf32, #tpu.memory_space<vmem>> -> memref<128x64xf32, #tpu.memory_space<vmem>>
      %dma_start3A_68 = arith.constant 0 : i32
      %dma_start3A_69 = tpu.memref_slice %arg2[%add3A_52, %dma_start3A_68] : memref<16384x64xf32, #tpu.memory_space<hbm>> -> memref<128x64xf32, #tpu.memory_space<hbm>>
      %dma_start3A_70 = arith.constant 0 : i32
      %dma_start3A_71 = arith.constant 0 : i32
      %dma_start3A_72 = tpu.memref_slice %arg7[%dma_start3A_70, %dma_start3A_71] : memref<128x80xf32, #tpu.memory_space<vmem>> -> memref<128x64xf32, #tpu.memory_space<vmem>>
      %dma_start3A_73 = arith.constant 0 : i32
      %dma_start3A_74 = tpu.memref_slice %arg2[%add3A_52, %dma_start3A_73] : memref<16384x64xf32, #tpu.memory_space<hbm>> -> memref<128x64xf32, #tpu.memory_space<hbm>>
      tpu.enqueue_dma source(%dma_start3A_74 : memref<128x64xf32, #tpu.memory_space<hbm>>) target(%dma_start3A_72 : memref<128x64xf32, #tpu.memory_space<vmem>>) target_semaphore(%run_scoped3A_65 : memref<!tpu.dma_semaphore, #tpu.memory_space<semaphore_mem>>)
      %dma_wait3A = arith.constant 0 : i32
      %dma_wait3A_75 = arith.constant 0 : i32
      %dma_wait3A_76 = tpu.memref_slice %arg7[%dma_wait3A, %dma_wait3A_75] : memref<128x80xf32, #tpu.memory_space<vmem>> -> memref<128x64xf32, #tpu.memory_space<vmem>>
      %dma_wait3A_77 = arith.constant 0 : i32
      %dma_wait3A_78 = tpu.memref_slice %arg2[%add3A_52, %dma_wait3A_77] : memref<16384x64xf32, #tpu.memory_space<hbm>> -> memref<128x64xf32, #tpu.memory_space<hbm>>
      %dma_wait3A_79 = arith.constant 0 : i32
      %dma_wait3A_80 = arith.constant 0 : i32
      %dma_wait3A_81 = tpu.memref_slice %arg7[%dma_wait3A_79, %dma_wait3A_80] : memref<128x80xf32, #tpu.memory_space<vmem>> -> memref<128x64xf32, #tpu.memory_space<vmem>>
      %dma_wait3A_82 = arith.constant 0 : i32
      %dma_wait3A_83 = tpu.memref_slice %arg2[%add3A_52, %dma_wait3A_82] : memref<16384x64xf32, #tpu.memory_space<hbm>> -> memref<128x64xf32, #tpu.memory_space<hbm>>
      tpu.wait_dma2 semaphore(%run_scoped3A_65 : memref<!tpu.dma_semaphore, #tpu.memory_space<semaphore_mem>>) src(%dma_wait3A_83 : memref<128x64xf32, #tpu.memory_space<hbm>>) dst(%dma_wait3A_81 : memref<128x64xf32, #tpu.memory_space<vmem>>)
      tpu.yield
    }) : () -> ()
    %run_scoped3A_53 = arith.constant 5 : i32
    "tpu.region"() ({
      %run_scoped3A_65 = tpu.sem_alloc : memref<!tpu.dma_semaphore, #tpu.memory_space<semaphore_mem>>
      %dma_start3A = arith.constant 0 : i32
      %dma_start3A_66 = tpu.memref_slice %arg8[%run_scoped3A_53, %dma_start3A] : memref<8x128xi32, #tpu.memory_space<vmem>> -> memref<1x128xi32, #tpu.memory_space<vmem>>
      %dma_start3A_67 = tpu.memref_squeeze %dma_start3A_66 : memref<1x128xi32, #tpu.memory_space<vmem>> -> memref<128xi32, #tpu.memory_space<vmem>>
      %dma_start3A_68 = arith.constant 0 : i32
      %dma_start3A_69 = arith.constant 0 : i32
      %dma_start3A_70 = tpu.memref_slice %arg10[%dma_start3A_68, %dma_start3A_69] : memref<18433x80xf32, #tpu.memory_space<vmem_shared>> -> memref<18433x80xf32, #tpu.memory_space<vmem_shared>>
      tpu.enqueue_indirect_dma source(%arg7 : memref<128x80xf32, #tpu.memory_space<vmem>>) target(%dma_start3A_70 : memref<18433x80xf32, #tpu.memory_space<vmem_shared>>) offsets(%dma_start3A_67 : memref<128xi32, #tpu.memory_space<vmem>>) semaphore(%run_scoped3A_65 : memref<!tpu.dma_semaphore, #tpu.memory_space<semaphore_mem>>) {add = true}
      %dma_wait3A = arith.constant 0 : i32
      %dma_wait3A_71 = tpu.memref_slice %arg8[%run_scoped3A_53, %dma_wait3A] : memref<8x128xi32, #tpu.memory_space<vmem>> -> memref<1x128xi32, #tpu.memory_space<vmem>>
      %dma_wait3A_72 = tpu.memref_squeeze %dma_wait3A_71 : memref<1x128xi32, #tpu.memory_space<vmem>> -> memref<128xi32, #tpu.memory_space<vmem>>
      %dma_wait3A_73 = arith.constant 0 : i32
      %dma_wait3A_74 = arith.constant 0 : i32
      %dma_wait3A_75 = tpu.memref_slice %arg10[%dma_wait3A_73, %dma_wait3A_74] : memref<18433x80xf32, #tpu.memory_space<vmem_shared>> -> memref<18433x80xf32, #tpu.memory_space<vmem_shared>>
      tpu.wait_indirect_dma semaphore(%run_scoped3A_65 : memref<!tpu.dma_semaphore, #tpu.memory_space<semaphore_mem>>) src(%arg7 : memref<128x80xf32, #tpu.memory_space<vmem>>) dst(%dma_wait3A_75 : memref<18433x80xf32, #tpu.memory_space<vmem_shared>>)
      tpu.yield
    }) : () -> ()
    %add3A_54 = arith.constant 768 : i32
    %add3A_55 = arith.addi %multiple_of3A, %add3A_54 : i32
    "tpu.region"() ({
      %run_scoped3A_65 = tpu.sem_alloc : memref<!tpu.dma_semaphore, #tpu.memory_space<semaphore_mem>>
      %dma_start3A = arith.constant 0 : i32
      %dma_start3A_66 = arith.constant 0 : i32
      %dma_start3A_67 = tpu.memref_slice %arg7[%dma_start3A, %dma_start3A_66] : memref<128x80xf32, #tpu.memory_space<vmem>> -> memref<128x64xf32, #tpu.memory_space<vmem>>
      %dma_start3A_68 = arith.constant 0 : i32
      %dma_start3A_69 = tpu.memref_slice %arg2[%add3A_55, %dma_start3A_68] : memref<16384x64xf32, #tpu.memory_space<hbm>> -> memref<128x64xf32, #tpu.memory_space<hbm>>
      %dma_start3A_70 = arith.constant 0 : i32
      %dma_start3A_71 = arith.constant 0 : i32
      %dma_start3A_72 = tpu.memref_slice %arg7[%dma_start3A_70, %dma_start3A_71] : memref<128x80xf32, #tpu.memory_space<vmem>> -> memref<128x64xf32, #tpu.memory_space<vmem>>
      %dma_start3A_73 = arith.constant 0 : i32
      %dma_start3A_74 = tpu.memref_slice %arg2[%add3A_55, %dma_start3A_73] : memref<16384x64xf32, #tpu.memory_space<hbm>> -> memref<128x64xf32, #tpu.memory_space<hbm>>
      tpu.enqueue_dma source(%dma_start3A_74 : memref<128x64xf32, #tpu.memory_space<hbm>>) target(%dma_start3A_72 : memref<128x64xf32, #tpu.memory_space<vmem>>) target_semaphore(%run_scoped3A_65 : memref<!tpu.dma_semaphore, #tpu.memory_space<semaphore_mem>>)
      %dma_wait3A = arith.constant 0 : i32
      %dma_wait3A_75 = arith.constant 0 : i32
      %dma_wait3A_76 = tpu.memref_slice %arg7[%dma_wait3A, %dma_wait3A_75] : memref<128x80xf32, #tpu.memory_space<vmem>> -> memref<128x64xf32, #tpu.memory_space<vmem>>
      %dma_wait3A_77 = arith.constant 0 : i32
      %dma_wait3A_78 = tpu.memref_slice %arg2[%add3A_55, %dma_wait3A_77] : memref<16384x64xf32, #tpu.memory_space<hbm>> -> memref<128x64xf32, #tpu.memory_space<hbm>>
      %dma_wait3A_79 = arith.constant 0 : i32
      %dma_wait3A_80 = arith.constant 0 : i32
      %dma_wait3A_81 = tpu.memref_slice %arg7[%dma_wait3A_79, %dma_wait3A_80] : memref<128x80xf32, #tpu.memory_space<vmem>> -> memref<128x64xf32, #tpu.memory_space<vmem>>
      %dma_wait3A_82 = arith.constant 0 : i32
      %dma_wait3A_83 = tpu.memref_slice %arg2[%add3A_55, %dma_wait3A_82] : memref<16384x64xf32, #tpu.memory_space<hbm>> -> memref<128x64xf32, #tpu.memory_space<hbm>>
      tpu.wait_dma2 semaphore(%run_scoped3A_65 : memref<!tpu.dma_semaphore, #tpu.memory_space<semaphore_mem>>) src(%dma_wait3A_83 : memref<128x64xf32, #tpu.memory_space<hbm>>) dst(%dma_wait3A_81 : memref<128x64xf32, #tpu.memory_space<vmem>>)
      tpu.yield
    }) : () -> ()
    %run_scoped3A_56 = arith.constant 6 : i32
    "tpu.region"() ({
      %run_scoped3A_65 = tpu.sem_alloc : memref<!tpu.dma_semaphore, #tpu.memory_space<semaphore_mem>>
      %dma_start3A = arith.constant 0 : i32
      %dma_start3A_66 = tpu.memref_slice %arg8[%run_scoped3A_56, %dma_start3A] : memref<8x128xi32, #tpu.memory_space<vmem>> -> memref<1x128xi32, #tpu.memory_space<vmem>>
      %dma_start3A_67 = tpu.memref_squeeze %dma_start3A_66 : memref<1x128xi32, #tpu.memory_space<vmem>> -> memref<128xi32, #tpu.memory_space<vmem>>
      %dma_start3A_68 = arith.constant 0 : i32
      %dma_start3A_69 = arith.constant 0 : i32
      %dma_start3A_70 = tpu.memref_slice %arg10[%dma_start3A_68, %dma_start3A_69] : memref<18433x80xf32, #tpu.memory_space<vmem_shared>> -> memref<18433x80xf32, #tpu.memory_space<vmem_shared>>
      tpu.enqueue_indirect_dma source(%arg7 : memref<128x80xf32, #tpu.memory_space<vmem>>) target(%dma_start3A_70 : memref<18433x80xf32, #tpu.memory_space<vmem_shared>>) offsets(%dma_start3A_67 : memref<128xi32, #tpu.memory_space<vmem>>) semaphore(%run_scoped3A_65 : memref<!tpu.dma_semaphore, #tpu.memory_space<semaphore_mem>>) {add = true}
      %dma_wait3A = arith.constant 0 : i32
      %dma_wait3A_71 = tpu.memref_slice %arg8[%run_scoped3A_56, %dma_wait3A] : memref<8x128xi32, #tpu.memory_space<vmem>> -> memref<1x128xi32, #tpu.memory_space<vmem>>
      %dma_wait3A_72 = tpu.memref_squeeze %dma_wait3A_71 : memref<1x128xi32, #tpu.memory_space<vmem>> -> memref<128xi32, #tpu.memory_space<vmem>>
      %dma_wait3A_73 = arith.constant 0 : i32
      %dma_wait3A_74 = arith.constant 0 : i32
      %dma_wait3A_75 = tpu.memref_slice %arg10[%dma_wait3A_73, %dma_wait3A_74] : memref<18433x80xf32, #tpu.memory_space<vmem_shared>> -> memref<18433x80xf32, #tpu.memory_space<vmem_shared>>
      tpu.wait_indirect_dma semaphore(%run_scoped3A_65 : memref<!tpu.dma_semaphore, #tpu.memory_space<semaphore_mem>>) src(%arg7 : memref<128x80xf32, #tpu.memory_space<vmem>>) dst(%dma_wait3A_75 : memref<18433x80xf32, #tpu.memory_space<vmem_shared>>)
      tpu.yield
    }) : () -> ()
    %add3A_57 = arith.constant 896 : i32
    %add3A_58 = arith.addi %multiple_of3A, %add3A_57 : i32
    "tpu.region"() ({
      %run_scoped3A_65 = tpu.sem_alloc : memref<!tpu.dma_semaphore, #tpu.memory_space<semaphore_mem>>
      %dma_start3A = arith.constant 0 : i32
      %dma_start3A_66 = arith.constant 0 : i32
      %dma_start3A_67 = tpu.memref_slice %arg7[%dma_start3A, %dma_start3A_66] : memref<128x80xf32, #tpu.memory_space<vmem>> -> memref<128x64xf32, #tpu.memory_space<vmem>>
      %dma_start3A_68 = arith.constant 0 : i32
      %dma_start3A_69 = tpu.memref_slice %arg2[%add3A_58, %dma_start3A_68] : memref<16384x64xf32, #tpu.memory_space<hbm>> -> memref<128x64xf32, #tpu.memory_space<hbm>>
      %dma_start3A_70 = arith.constant 0 : i32
      %dma_start3A_71 = arith.constant 0 : i32
      %dma_start3A_72 = tpu.memref_slice %arg7[%dma_start3A_70, %dma_start3A_71] : memref<128x80xf32, #tpu.memory_space<vmem>> -> memref<128x64xf32, #tpu.memory_space<vmem>>
      %dma_start3A_73 = arith.constant 0 : i32
      %dma_start3A_74 = tpu.memref_slice %arg2[%add3A_58, %dma_start3A_73] : memref<16384x64xf32, #tpu.memory_space<hbm>> -> memref<128x64xf32, #tpu.memory_space<hbm>>
      tpu.enqueue_dma source(%dma_start3A_74 : memref<128x64xf32, #tpu.memory_space<hbm>>) target(%dma_start3A_72 : memref<128x64xf32, #tpu.memory_space<vmem>>) target_semaphore(%run_scoped3A_65 : memref<!tpu.dma_semaphore, #tpu.memory_space<semaphore_mem>>)
      %dma_wait3A = arith.constant 0 : i32
      %dma_wait3A_75 = arith.constant 0 : i32
      %dma_wait3A_76 = tpu.memref_slice %arg7[%dma_wait3A, %dma_wait3A_75] : memref<128x80xf32, #tpu.memory_space<vmem>> -> memref<128x64xf32, #tpu.memory_space<vmem>>
      %dma_wait3A_77 = arith.constant 0 : i32
      %dma_wait3A_78 = tpu.memref_slice %arg2[%add3A_58, %dma_wait3A_77] : memref<16384x64xf32, #tpu.memory_space<hbm>> -> memref<128x64xf32, #tpu.memory_space<hbm>>
      %dma_wait3A_79 = arith.constant 0 : i32
      %dma_wait3A_80 = arith.constant 0 : i32
      %dma_wait3A_81 = tpu.memref_slice %arg7[%dma_wait3A_79, %dma_wait3A_80] : memref<128x80xf32, #tpu.memory_space<vmem>> -> memref<128x64xf32, #tpu.memory_space<vmem>>
      %dma_wait3A_82 = arith.constant 0 : i32
      %dma_wait3A_83 = tpu.memref_slice %arg2[%add3A_58, %dma_wait3A_82] : memref<16384x64xf32, #tpu.memory_space<hbm>> -> memref<128x64xf32, #tpu.memory_space<hbm>>
      tpu.wait_dma2 semaphore(%run_scoped3A_65 : memref<!tpu.dma_semaphore, #tpu.memory_space<semaphore_mem>>) src(%dma_wait3A_83 : memref<128x64xf32, #tpu.memory_space<hbm>>) dst(%dma_wait3A_81 : memref<128x64xf32, #tpu.memory_space<vmem>>)
      tpu.yield
    }) : () -> ()
    %run_scoped3A_59 = arith.constant 7 : i32
    "tpu.region"() ({
      %run_scoped3A_65 = tpu.sem_alloc : memref<!tpu.dma_semaphore, #tpu.memory_space<semaphore_mem>>
      %dma_start3A = arith.constant 0 : i32
      %dma_start3A_66 = tpu.memref_slice %arg8[%run_scoped3A_59, %dma_start3A] : memref<8x128xi32, #tpu.memory_space<vmem>> -> memref<1x128xi32, #tpu.memory_space<vmem>>
      %dma_start3A_67 = tpu.memref_squeeze %dma_start3A_66 : memref<1x128xi32, #tpu.memory_space<vmem>> -> memref<128xi32, #tpu.memory_space<vmem>>
      %dma_start3A_68 = arith.constant 0 : i32
      %dma_start3A_69 = arith.constant 0 : i32
      %dma_start3A_70 = tpu.memref_slice %arg10[%dma_start3A_68, %dma_start3A_69] : memref<18433x80xf32, #tpu.memory_space<vmem_shared>> -> memref<18433x80xf32, #tpu.memory_space<vmem_shared>>
      tpu.enqueue_indirect_dma source(%arg7 : memref<128x80xf32, #tpu.memory_space<vmem>>) target(%dma_start3A_70 : memref<18433x80xf32, #tpu.memory_space<vmem_shared>>) offsets(%dma_start3A_67 : memref<128xi32, #tpu.memory_space<vmem>>) semaphore(%run_scoped3A_65 : memref<!tpu.dma_semaphore, #tpu.memory_space<semaphore_mem>>) {add = true}
      %dma_wait3A = arith.constant 0 : i32
      %dma_wait3A_71 = tpu.memref_slice %arg8[%run_scoped3A_59, %dma_wait3A] : memref<8x128xi32, #tpu.memory_space<vmem>> -> memref<1x128xi32, #tpu.memory_space<vmem>>
      %dma_wait3A_72 = tpu.memref_squeeze %dma_wait3A_71 : memref<1x128xi32, #tpu.memory_space<vmem>> -> memref<128xi32, #tpu.memory_space<vmem>>
      %dma_wait3A_73 = arith.constant 0 : i32
      %dma_wait3A_74 = arith.constant 0 : i32
      %dma_wait3A_75 = tpu.memref_slice %arg10[%dma_wait3A_73, %dma_wait3A_74] : memref<18433x80xf32, #tpu.memory_space<vmem_shared>> -> memref<18433x80xf32, #tpu.memory_space<vmem_shared>>
      tpu.wait_indirect_dma semaphore(%run_scoped3A_65 : memref<!tpu.dma_semaphore, #tpu.memory_space<semaphore_mem>>) src(%arg7 : memref<128x80xf32, #tpu.memory_space<vmem>>) dst(%dma_wait3A_75 : memref<18433x80xf32, #tpu.memory_space<vmem_shared>>)
      tpu.yield
    }) : () -> ()
    %barrier3A_60 = arith.constant 0 : index
    tpu.barrier barrier_id(%barrier3A_60)
    %mul3A_61 = arith.constant 18432 : i32
    %mul3A_62 = arith.muli %arg0, %mul3A_61 : i32
    %add3A_63 = arith.addi %mul3A_62, %multiple_of3A_12 : i32
    %multiple_of3A_64 = tpu.assume_multiple %add3A_63, 8 : i32
    "tpu.region"() ({
      %run_scoped3A_65 = tpu.sem_alloc : memref<!tpu.dma_semaphore, #tpu.memory_space<semaphore_mem>>
      %dma_start3A = arith.constant 0 : i32
      %dma_start3A_66 = tpu.memref_slice %arg5[%multiple_of3A_64, %dma_start3A] : memref<36864x128xf32, #tpu.memory_space<hbm>> -> memref<1152x80xf32, #tpu.memory_space<hbm>>
      %dma_start3A_67 = arith.constant 0 : i32
      %dma_start3A_68 = tpu.memref_slice %arg10[%multiple_of3A_12, %dma_start3A_67] : memref<18433x80xf32, #tpu.memory_space<vmem_shared>> -> memref<1152x80xf32, #tpu.memory_space<vmem_shared>>
      tpu.enqueue_dma source(%dma_start3A_68 : memref<1152x80xf32, #tpu.memory_space<vmem_shared>>) target(%dma_start3A_66 : memref<1152x80xf32, #tpu.memory_space<hbm>>) target_semaphore(%run_scoped3A_65 : memref<!tpu.dma_semaphore, #tpu.memory_space<semaphore_mem>>)
      %dma_wait3A = arith.constant 0 : i32
      %dma_wait3A_69 = tpu.memref_slice %arg5[%multiple_of3A_64, %dma_wait3A] : memref<36864x128xf32, #tpu.memory_space<hbm>> -> memref<1152x80xf32, #tpu.memory_space<hbm>>
      %dma_wait3A_70 = arith.constant 0 : i32
      %dma_wait3A_71 = tpu.memref_slice %arg10[%multiple_of3A_12, %dma_wait3A_70] : memref<18433x80xf32, #tpu.memory_space<vmem_shared>> -> memref<1152x80xf32, #tpu.memory_space<vmem_shared>>
      tpu.wait_dma2 semaphore(%run_scoped3A_65 : memref<!tpu.dma_semaphore, #tpu.memory_space<semaphore_mem>>) src(%dma_wait3A_71 : memref<1152x80xf32, #tpu.memory_space<vmem_shared>>) dst(%dma_wait3A_69 : memref<1152x80xf32, #tpu.memory_space<hbm>>)
      tpu.yield
    }) : () -> ()
    return
  }
}

#map = affine_map<(d0, d1) -> (0, 0)>
#map1 = affine_map<(d0, d1) -> (0)>
#map2 = affine_map<(d0, d1) -> (0, 0, 0)>
module attributes {stable_mosaic.version = 14 : i64} {
  func.func @sc_pass0(%arg0: i32, %arg1: i32, %arg2: memref<16384x64xf32, #tpu.memory_space<hbm>>, %arg3: memref<16384xi32, #tpu.memory_space<hbm>>, %arg4: memref<36864x128xf32, #tpu.memory_space<hbm>>, %arg5: memref<32x1x16xf32, #tpu.memory_space<hbm>>, %arg6: memref<1024xi32, #tpu.memory_space<vmem>>, %arg7: memref<128x80xf32, #tpu.memory_space<vmem>>, %arg8: memref<8x128xi32, #tpu.memory_space<vmem>>, %arg9: memref<128x80xf32, #tpu.memory_space<vmem>>, %arg10: memref<1x16xf32, #tpu.memory_space<vmem>>, %arg11: memref<18433x80xf32, #tpu.memory_space<vmem_shared>>, %arg12: memref<!tpu.dma_semaphore, #tpu.memory_space<semaphore_mem>>) attributes {dimension_semantics = [#tpu.dimension_semantics<core_parallel>, #tpu.dimension_semantics<subcore_parallel>], iteration_bounds = array<i64: 2, 16>, scalar_prefetch = 0 : i64, scratch_operands = 7 : i64, tpu.core_type = #tpu.core_type<sc_vector_subcore>, window_params = [{transform_indices = #map}, {transform_indices = #map1}, {transform_indices = #map}, {transform_indices = #map2}]} {
    %mul3A = arith.constant 1024 : i32
    %mul3A_0 = arith.muli %arg1, %mul3A : i32
    %multiple_of3A = tpu.assume_multiple %mul3A_0, 128 : i32
    %broadcast_in_dim3A = arith.constant 1.000000e+00 : f32
    %broadcast_in_dim3A_1 = vector.broadcast %broadcast_in_dim3A : f32 to vector<16xf32>
    %broadcast_in_dim3A_2 = arith.constant 0.000000e+00 : f32
    %broadcast_in_dim3A_3 = vector.broadcast %broadcast_in_dim3A_2 : f32 to vector<16xf32>
    "tpu.region"() ({
      %run_scoped3A_124 = tpu.sem_alloc : memref<!tpu.dma_semaphore, #tpu.memory_space<semaphore_mem>>
      %dma_start3A = tpu.memref_slice %arg3[%multiple_of3A] : memref<16384xi32, #tpu.memory_space<hbm>> -> memref<1024xi32, #tpu.memory_space<hbm>>
      %dma_start3A_125 = tpu.memref_slice %arg3[%multiple_of3A] : memref<16384xi32, #tpu.memory_space<hbm>> -> memref<1024xi32, #tpu.memory_space<hbm>>
      tpu.enqueue_dma source(%dma_start3A_125 : memref<1024xi32, #tpu.memory_space<hbm>>) target(%arg6 : memref<1024xi32, #tpu.memory_space<vmem>>) target_semaphore(%run_scoped3A_124 : memref<!tpu.dma_semaphore, #tpu.memory_space<semaphore_mem>>)
      %dma_wait3A = tpu.memref_slice %arg3[%multiple_of3A] : memref<16384xi32, #tpu.memory_space<hbm>> -> memref<1024xi32, #tpu.memory_space<hbm>>
      %dma_wait3A_126 = tpu.memref_slice %arg3[%multiple_of3A] : memref<16384xi32, #tpu.memory_space<hbm>> -> memref<1024xi32, #tpu.memory_space<hbm>>
      tpu.wait_dma2 semaphore(%run_scoped3A_124 : memref<!tpu.dma_semaphore, #tpu.memory_space<semaphore_mem>>) src(%dma_wait3A_126 : memref<1024xi32, #tpu.memory_space<hbm>>) dst(%arg6 : memref<1024xi32, #tpu.memory_space<vmem>>)
      tpu.yield
    }) : () -> ()
    %scan3A = arith.constant 0 : i32
    %scan3A_4 = arith.constant 0 : i32
    %scan3A_5 = arith.constant 128 : i32
    %scan3A_6 = arith.addi %scan3A_4, %scan3A_5 : i32
    %scan3A_7 = arith.constant 1 : i32
    %scan3A_8 = scf.for %scan3A_124 = %scan3A_4 to %scan3A_6 step %scan3A_7 iter_args(%scan3A_125 = %scan3A) -> (i32)  : i32 {
      %swap3A_126 = arith.index_cast %scan3A_124 : i32 to index
      %swap3A_127 = arith.constant 0 : index
      %swap3A_128 = tpu.vector_load %arg9[%swap3A_126, %swap3A_127] {strides = array<i32>} : memref<128x80xf32, #tpu.memory_space<vmem>>, vector<1x16xf32>,
      %swap3A_129 = vector.shape_cast %swap3A_128 : vector<1x16xf32> to vector<16xf32>
      %swap3A_130 = vector.shape_cast %broadcast_in_dim3A_3 : vector<16xf32> to vector<1x16xf32>
      tpu.vector_store %arg9[%swap3A_126, %swap3A_127], %swap3A_130 {strides = array<i32>} : memref<128x80xf32, #tpu.memory_space<vmem>>, vector<1x16xf32>,
      %swap3A_131 = arith.index_cast %scan3A_124 : i32 to index
      %swap3A_132 = arith.constant 16 : index
      %swap3A_133 = tpu.vector_load %arg9[%swap3A_131, %swap3A_132] {strides = array<i32>} : memref<128x80xf32, #tpu.memory_space<vmem>>, vector<1x16xf32>,
      %swap3A_134 = vector.shape_cast %swap3A_133 : vector<1x16xf32> to vector<16xf32>
      %swap3A_135 = vector.shape_cast %broadcast_in_dim3A_3 : vector<16xf32> to vector<1x16xf32>
      tpu.vector_store %arg9[%swap3A_131, %swap3A_132], %swap3A_135 {strides = array<i32>} : memref<128x80xf32, #tpu.memory_space<vmem>>, vector<1x16xf32>,
      %swap3A_136 = arith.index_cast %scan3A_124 : i32 to index
      %swap3A_137 = arith.constant 32 : index
      %swap3A_138 = tpu.vector_load %arg9[%swap3A_136, %swap3A_137] {strides = array<i32>} : memref<128x80xf32, #tpu.memory_space<vmem>>, vector<1x16xf32>,
      %swap3A_139 = vector.shape_cast %swap3A_138 : vector<1x16xf32> to vector<16xf32>
      %swap3A_140 = vector.shape_cast %broadcast_in_dim3A_3 : vector<16xf32> to vector<1x16xf32>
      tpu.vector_store %arg9[%swap3A_136, %swap3A_137], %swap3A_140 {strides = array<i32>} : memref<128x80xf32, #tpu.memory_space<vmem>>, vector<1x16xf32>,
      %swap3A_141 = arith.index_cast %scan3A_124 : i32 to index
      %swap3A_142 = arith.constant 48 : index
      %swap3A_143 = tpu.vector_load %arg9[%swap3A_141, %swap3A_142] {strides = array<i32>} : memref<128x80xf32, #tpu.memory_space<vmem>>, vector<1x16xf32>,
      %swap3A_144 = vector.shape_cast %swap3A_143 : vector<1x16xf32> to vector<16xf32>
      %swap3A_145 = vector.shape_cast %broadcast_in_dim3A_3 : vector<16xf32> to vector<1x16xf32>
      tpu.vector_store %arg9[%swap3A_141, %swap3A_142], %swap3A_145 {strides = array<i32>} : memref<128x80xf32, #tpu.memory_space<vmem>>, vector<1x16xf32>,
      %swap3A_146 = arith.index_cast %scan3A_124 : i32 to index
      %swap3A_147 = arith.constant 64 : index
      %swap3A_148 = tpu.vector_load %arg9[%swap3A_146, %swap3A_147] {strides = array<i32>} : memref<128x80xf32, #tpu.memory_space<vmem>>, vector<1x16xf32>,
      %swap3A_149 = vector.shape_cast %swap3A_148 : vector<1x16xf32> to vector<16xf32>
      %swap3A_150 = vector.shape_cast %broadcast_in_dim3A_3 : vector<16xf32> to vector<1x16xf32>
      tpu.vector_store %arg9[%swap3A_146, %swap3A_147], %swap3A_150 {strides = array<i32>} : memref<128x80xf32, #tpu.memory_space<vmem>>, vector<1x16xf32>,
      %swap3A_151 = arith.index_cast %scan3A_124 : i32 to index
      %swap3A_152 = arith.constant 64 : index
      %swap3A_153 = tpu.vector_load %arg7[%swap3A_151, %swap3A_152] {strides = array<i32>} : memref<128x80xf32, #tpu.memory_space<vmem>>, vector<1x16xf32>,
      %swap3A_154 = vector.shape_cast %swap3A_153 : vector<1x16xf32> to vector<16xf32>
      %swap3A_155 = vector.shape_cast %broadcast_in_dim3A_1 : vector<16xf32> to vector<1x16xf32>
      tpu.vector_store %arg7[%swap3A_151, %swap3A_152], %swap3A_155 {strides = array<i32>} : memref<128x80xf32, #tpu.memory_space<vmem>>, vector<1x16xf32>,
      %scan3A_156 = arith.constant 0 : i32
      scf.yield %scan3A_156 : i32
    }
    %scan3A_9 = arith.constant 128 : i32
    %mul3A_10 = arith.constant 1152 : i32
    %mul3A_11 = arith.muli %arg1, %mul3A_10 : i32
    %multiple_of3A_12 = tpu.assume_multiple %mul3A_11, 8 : i32
    %add3A = arith.constant 0 : i32
    %add3A_13 = arith.addi %multiple_of3A_12, %add3A : i32
    "tpu.region"() ({
      %run_scoped3A_124 = tpu.sem_alloc : memref<!tpu.dma_semaphore, #tpu.memory_space<semaphore_mem>>
      %dma_start3A = arith.constant 0 : i32
      %dma_start3A_125 = tpu.memref_slice %arg11[%add3A_13, %dma_start3A] : memref<18433x80xf32, #tpu.memory_space<vmem_shared>> -> memref<128x80xf32, #tpu.memory_space<vmem_shared>>
      %dma_start3A_126 = arith.constant 0 : i32
      %dma_start3A_127 = tpu.memref_slice %arg11[%add3A_13, %dma_start3A_126] : memref<18433x80xf32, #tpu.memory_space<vmem_shared>> -> memref<128x80xf32, #tpu.memory_space<vmem_shared>>
      tpu.enqueue_dma source(%arg9 : memref<128x80xf32, #tpu.memory_space<vmem>>) target(%dma_start3A_127 : memref<128x80xf32, #tpu.memory_space<vmem_shared>>) target_semaphore(%run_scoped3A_124 : memref<!tpu.dma_semaphore, #tpu.memory_space<semaphore_mem>>)
      %dma_wait3A = arith.constant 0 : i32
      %dma_wait3A_128 = tpu.memref_slice %arg11[%add3A_13, %dma_wait3A] : memref<18433x80xf32, #tpu.memory_space<vmem_shared>> -> memref<128x80xf32, #tpu.memory_space<vmem_shared>>
      %dma_wait3A_129 = arith.constant 0 : i32
      %dma_wait3A_130 = tpu.memref_slice %arg11[%add3A_13, %dma_wait3A_129] : memref<18433x80xf32, #tpu.memory_space<vmem_shared>> -> memref<128x80xf32, #tpu.memory_space<vmem_shared>>
      tpu.wait_dma2 semaphore(%run_scoped3A_124 : memref<!tpu.dma_semaphore, #tpu.memory_space<semaphore_mem>>) src(%arg9 : memref<128x80xf32, #tpu.memory_space<vmem>>) dst(%dma_wait3A_130 : memref<128x80xf32, #tpu.memory_space<vmem_shared>>)
      tpu.yield
    }) : () -> ()
    %add3A_14 = arith.constant 128 : i32
    %add3A_15 = arith.addi %multiple_of3A_12, %add3A_14 : i32
    "tpu.region"() ({
      %run_scoped3A_124 = tpu.sem_alloc : memref<!tpu.dma_semaphore, #tpu.memory_space<semaphore_mem>>
      %dma_start3A = arith.constant 0 : i32
      %dma_start3A_125 = tpu.memref_slice %arg11[%add3A_15, %dma_start3A] : memref<18433x80xf32, #tpu.memory_space<vmem_shared>> -> memref<128x80xf32, #tpu.memory_space<vmem_shared>>
      %dma_start3A_126 = arith.constant 0 : i32
      %dma_start3A_127 = tpu.memref_slice %arg11[%add3A_15, %dma_start3A_126] : memref<18433x80xf32, #tpu.memory_space<vmem_shared>> -> memref<128x80xf32, #tpu.memory_space<vmem_shared>>
      tpu.enqueue_dma source(%arg9 : memref<128x80xf32, #tpu.memory_space<vmem>>) target(%dma_start3A_127 : memref<128x80xf32, #tpu.memory_space<vmem_shared>>) target_semaphore(%run_scoped3A_124 : memref<!tpu.dma_semaphore, #tpu.memory_space<semaphore_mem>>)
      %dma_wait3A = arith.constant 0 : i32
      %dma_wait3A_128 = tpu.memref_slice %arg11[%add3A_15, %dma_wait3A] : memref<18433x80xf32, #tpu.memory_space<vmem_shared>> -> memref<128x80xf32, #tpu.memory_space<vmem_shared>>
      %dma_wait3A_129 = arith.constant 0 : i32
      %dma_wait3A_130 = tpu.memref_slice %arg11[%add3A_15, %dma_wait3A_129] : memref<18433x80xf32, #tpu.memory_space<vmem_shared>> -> memref<128x80xf32, #tpu.memory_space<vmem_shared>>
      tpu.wait_dma2 semaphore(%run_scoped3A_124 : memref<!tpu.dma_semaphore, #tpu.memory_space<semaphore_mem>>) src(%arg9 : memref<128x80xf32, #tpu.memory_space<vmem>>) dst(%dma_wait3A_130 : memref<128x80xf32, #tpu.memory_space<vmem_shared>>)
      tpu.yield
    }) : () -> ()
    %add3A_16 = arith.constant 256 : i32
    %add3A_17 = arith.addi %multiple_of3A_12, %add3A_16 : i32
    "tpu.region"() ({
      %run_scoped3A_124 = tpu.sem_alloc : memref<!tpu.dma_semaphore, #tpu.memory_space<semaphore_mem>>
      %dma_start3A = arith.constant 0 : i32
      %dma_start3A_125 = tpu.memref_slice %arg11[%add3A_17, %dma_start3A] : memref<18433x80xf32, #tpu.memory_space<vmem_shared>> -> memref<128x80xf32, #tpu.memory_space<vmem_shared>>
      %dma_start3A_126 = arith.constant 0 : i32
      %dma_start3A_127 = tpu.memref_slice %arg11[%add3A_17, %dma_start3A_126] : memref<18433x80xf32, #tpu.memory_space<vmem_shared>> -> memref<128x80xf32, #tpu.memory_space<vmem_shared>>
      tpu.enqueue_dma source(%arg9 : memref<128x80xf32, #tpu.memory_space<vmem>>) target(%dma_start3A_127 : memref<128x80xf32, #tpu.memory_space<vmem_shared>>) target_semaphore(%run_scoped3A_124 : memref<!tpu.dma_semaphore, #tpu.memory_space<semaphore_mem>>)
      %dma_wait3A = arith.constant 0 : i32
      %dma_wait3A_128 = tpu.memref_slice %arg11[%add3A_17, %dma_wait3A] : memref<18433x80xf32, #tpu.memory_space<vmem_shared>> -> memref<128x80xf32, #tpu.memory_space<vmem_shared>>
      %dma_wait3A_129 = arith.constant 0 : i32
      %dma_wait3A_130 = tpu.memref_slice %arg11[%add3A_17, %dma_wait3A_129] : memref<18433x80xf32, #tpu.memory_space<vmem_shared>> -> memref<128x80xf32, #tpu.memory_space<vmem_shared>>
      tpu.wait_dma2 semaphore(%run_scoped3A_124 : memref<!tpu.dma_semaphore, #tpu.memory_space<semaphore_mem>>) src(%arg9 : memref<128x80xf32, #tpu.memory_space<vmem>>) dst(%dma_wait3A_130 : memref<128x80xf32, #tpu.memory_space<vmem_shared>>)
      tpu.yield
    }) : () -> ()
    %add3A_18 = arith.constant 384 : i32
    %add3A_19 = arith.addi %multiple_of3A_12, %add3A_18 : i32
    "tpu.region"() ({
      %run_scoped3A_124 = tpu.sem_alloc : memref<!tpu.dma_semaphore, #tpu.memory_space<semaphore_mem>>
      %dma_start3A = arith.constant 0 : i32
      %dma_start3A_125 = tpu.memref_slice %arg11[%add3A_19, %dma_start3A] : memref<18433x80xf32, #tpu.memory_space<vmem_shared>> -> memref<128x80xf32, #tpu.memory_space<vmem_shared>>
      %dma_start3A_126 = arith.constant 0 : i32
      %dma_start3A_127 = tpu.memref_slice %arg11[%add3A_19, %dma_start3A_126] : memref<18433x80xf32, #tpu.memory_space<vmem_shared>> -> memref<128x80xf32, #tpu.memory_space<vmem_shared>>
      tpu.enqueue_dma source(%arg9 : memref<128x80xf32, #tpu.memory_space<vmem>>) target(%dma_start3A_127 : memref<128x80xf32, #tpu.memory_space<vmem_shared>>) target_semaphore(%run_scoped3A_124 : memref<!tpu.dma_semaphore, #tpu.memory_space<semaphore_mem>>)
      %dma_wait3A = arith.constant 0 : i32
      %dma_wait3A_128 = tpu.memref_slice %arg11[%add3A_19, %dma_wait3A] : memref<18433x80xf32, #tpu.memory_space<vmem_shared>> -> memref<128x80xf32, #tpu.memory_space<vmem_shared>>
      %dma_wait3A_129 = arith.constant 0 : i32
      %dma_wait3A_130 = tpu.memref_slice %arg11[%add3A_19, %dma_wait3A_129] : memref<18433x80xf32, #tpu.memory_space<vmem_shared>> -> memref<128x80xf32, #tpu.memory_space<vmem_shared>>
      tpu.wait_dma2 semaphore(%run_scoped3A_124 : memref<!tpu.dma_semaphore, #tpu.memory_space<semaphore_mem>>) src(%arg9 : memref<128x80xf32, #tpu.memory_space<vmem>>) dst(%dma_wait3A_130 : memref<128x80xf32, #tpu.memory_space<vmem_shared>>)
      tpu.yield
    }) : () -> ()
    %add3A_20 = arith.constant 512 : i32
    %add3A_21 = arith.addi %multiple_of3A_12, %add3A_20 : i32
    "tpu.region"() ({
      %run_scoped3A_124 = tpu.sem_alloc : memref<!tpu.dma_semaphore, #tpu.memory_space<semaphore_mem>>
      %dma_start3A = arith.constant 0 : i32
      %dma_start3A_125 = tpu.memref_slice %arg11[%add3A_21, %dma_start3A] : memref<18433x80xf32, #tpu.memory_space<vmem_shared>> -> memref<128x80xf32, #tpu.memory_space<vmem_shared>>
      %dma_start3A_126 = arith.constant 0 : i32
      %dma_start3A_127 = tpu.memref_slice %arg11[%add3A_21, %dma_start3A_126] : memref<18433x80xf32, #tpu.memory_space<vmem_shared>> -> memref<128x80xf32, #tpu.memory_space<vmem_shared>>
      tpu.enqueue_dma source(%arg9 : memref<128x80xf32, #tpu.memory_space<vmem>>) target(%dma_start3A_127 : memref<128x80xf32, #tpu.memory_space<vmem_shared>>) target_semaphore(%run_scoped3A_124 : memref<!tpu.dma_semaphore, #tpu.memory_space<semaphore_mem>>)
      %dma_wait3A = arith.constant 0 : i32
      %dma_wait3A_128 = tpu.memref_slice %arg11[%add3A_21, %dma_wait3A] : memref<18433x80xf32, #tpu.memory_space<vmem_shared>> -> memref<128x80xf32, #tpu.memory_space<vmem_shared>>
      %dma_wait3A_129 = arith.constant 0 : i32
      %dma_wait3A_130 = tpu.memref_slice %arg11[%add3A_21, %dma_wait3A_129] : memref<18433x80xf32, #tpu.memory_space<vmem_shared>> -> memref<128x80xf32, #tpu.memory_space<vmem_shared>>
      tpu.wait_dma2 semaphore(%run_scoped3A_124 : memref<!tpu.dma_semaphore, #tpu.memory_space<semaphore_mem>>) src(%arg9 : memref<128x80xf32, #tpu.memory_space<vmem>>) dst(%dma_wait3A_130 : memref<128x80xf32, #tpu.memory_space<vmem_shared>>)
      tpu.yield
    }) : () -> ()
    %add3A_22 = arith.constant 640 : i32
    %add3A_23 = arith.addi %multiple_of3A_12, %add3A_22 : i32
    "tpu.region"() ({
      %run_scoped3A_124 = tpu.sem_alloc : memref<!tpu.dma_semaphore, #tpu.memory_space<semaphore_mem>>
      %dma_start3A = arith.constant 0 : i32
      %dma_start3A_125 = tpu.memref_slice %arg11[%add3A_23, %dma_start3A] : memref<18433x80xf32, #tpu.memory_space<vmem_shared>> -> memref<128x80xf32, #tpu.memory_space<vmem_shared>>
      %dma_start3A_126 = arith.constant 0 : i32
      %dma_start3A_127 = tpu.memref_slice %arg11[%add3A_23, %dma_start3A_126] : memref<18433x80xf32, #tpu.memory_space<vmem_shared>> -> memref<128x80xf32, #tpu.memory_space<vmem_shared>>
      tpu.enqueue_dma source(%arg9 : memref<128x80xf32, #tpu.memory_space<vmem>>) target(%dma_start3A_127 : memref<128x80xf32, #tpu.memory_space<vmem_shared>>) target_semaphore(%run_scoped3A_124 : memref<!tpu.dma_semaphore, #tpu.memory_space<semaphore_mem>>)
      %dma_wait3A = arith.constant 0 : i32
      %dma_wait3A_128 = tpu.memref_slice %arg11[%add3A_23, %dma_wait3A] : memref<18433x80xf32, #tpu.memory_space<vmem_shared>> -> memref<128x80xf32, #tpu.memory_space<vmem_shared>>
      %dma_wait3A_129 = arith.constant 0 : i32
      %dma_wait3A_130 = tpu.memref_slice %arg11[%add3A_23, %dma_wait3A_129] : memref<18433x80xf32, #tpu.memory_space<vmem_shared>> -> memref<128x80xf32, #tpu.memory_space<vmem_shared>>
      tpu.wait_dma2 semaphore(%run_scoped3A_124 : memref<!tpu.dma_semaphore, #tpu.memory_space<semaphore_mem>>) src(%arg9 : memref<128x80xf32, #tpu.memory_space<vmem>>) dst(%dma_wait3A_130 : memref<128x80xf32, #tpu.memory_space<vmem_shared>>)
      tpu.yield
    }) : () -> ()
    %add3A_24 = arith.constant 768 : i32
    %add3A_25 = arith.addi %multiple_of3A_12, %add3A_24 : i32
    "tpu.region"() ({
      %run_scoped3A_124 = tpu.sem_alloc : memref<!tpu.dma_semaphore, #tpu.memory_space<semaphore_mem>>
      %dma_start3A = arith.constant 0 : i32
      %dma_start3A_125 = tpu.memref_slice %arg11[%add3A_25, %dma_start3A] : memref<18433x80xf32, #tpu.memory_space<vmem_shared>> -> memref<128x80xf32, #tpu.memory_space<vmem_shared>>
      %dma_start3A_126 = arith.constant 0 : i32
      %dma_start3A_127 = tpu.memref_slice %arg11[%add3A_25, %dma_start3A_126] : memref<18433x80xf32, #tpu.memory_space<vmem_shared>> -> memref<128x80xf32, #tpu.memory_space<vmem_shared>>
      tpu.enqueue_dma source(%arg9 : memref<128x80xf32, #tpu.memory_space<vmem>>) target(%dma_start3A_127 : memref<128x80xf32, #tpu.memory_space<vmem_shared>>) target_semaphore(%run_scoped3A_124 : memref<!tpu.dma_semaphore, #tpu.memory_space<semaphore_mem>>)
      %dma_wait3A = arith.constant 0 : i32
      %dma_wait3A_128 = tpu.memref_slice %arg11[%add3A_25, %dma_wait3A] : memref<18433x80xf32, #tpu.memory_space<vmem_shared>> -> memref<128x80xf32, #tpu.memory_space<vmem_shared>>
      %dma_wait3A_129 = arith.constant 0 : i32
      %dma_wait3A_130 = tpu.memref_slice %arg11[%add3A_25, %dma_wait3A_129] : memref<18433x80xf32, #tpu.memory_space<vmem_shared>> -> memref<128x80xf32, #tpu.memory_space<vmem_shared>>
      tpu.wait_dma2 semaphore(%run_scoped3A_124 : memref<!tpu.dma_semaphore, #tpu.memory_space<semaphore_mem>>) src(%arg9 : memref<128x80xf32, #tpu.memory_space<vmem>>) dst(%dma_wait3A_130 : memref<128x80xf32, #tpu.memory_space<vmem_shared>>)
      tpu.yield
    }) : () -> ()
    %add3A_26 = arith.constant 896 : i32
    %add3A_27 = arith.addi %multiple_of3A_12, %add3A_26 : i32
    "tpu.region"() ({
      %run_scoped3A_124 = tpu.sem_alloc : memref<!tpu.dma_semaphore, #tpu.memory_space<semaphore_mem>>
      %dma_start3A = arith.constant 0 : i32
      %dma_start3A_125 = tpu.memref_slice %arg11[%add3A_27, %dma_start3A] : memref<18433x80xf32, #tpu.memory_space<vmem_shared>> -> memref<128x80xf32, #tpu.memory_space<vmem_shared>>
      %dma_start3A_126 = arith.constant 0 : i32
      %dma_start3A_127 = tpu.memref_slice %arg11[%add3A_27, %dma_start3A_126] : memref<18433x80xf32, #tpu.memory_space<vmem_shared>> -> memref<128x80xf32, #tpu.memory_space<vmem_shared>>
      tpu.enqueue_dma source(%arg9 : memref<128x80xf32, #tpu.memory_space<vmem>>) target(%dma_start3A_127 : memref<128x80xf32, #tpu.memory_space<vmem_shared>>) target_semaphore(%run_scoped3A_124 : memref<!tpu.dma_semaphore, #tpu.memory_space<semaphore_mem>>)
      %dma_wait3A = arith.constant 0 : i32
      %dma_wait3A_128 = tpu.memref_slice %arg11[%add3A_27, %dma_wait3A] : memref<18433x80xf32, #tpu.memory_space<vmem_shared>> -> memref<128x80xf32, #tpu.memory_space<vmem_shared>>
      %dma_wait3A_129 = arith.constant 0 : i32
      %dma_wait3A_130 = tpu.memref_slice %arg11[%add3A_27, %dma_wait3A_129] : memref<18433x80xf32, #tpu.memory_space<vmem_shared>> -> memref<128x80xf32, #tpu.memory_space<vmem_shared>>
      tpu.wait_dma2 semaphore(%run_scoped3A_124 : memref<!tpu.dma_semaphore, #tpu.memory_space<semaphore_mem>>) src(%arg9 : memref<128x80xf32, #tpu.memory_space<vmem>>) dst(%dma_wait3A_130 : memref<128x80xf32, #tpu.memory_space<vmem_shared>>)
      tpu.yield
    }) : () -> ()
    %add3A_28 = arith.constant 1024 : i32
    %add3A_29 = arith.addi %multiple_of3A_12, %add3A_28 : i32
    "tpu.region"() ({
      %run_scoped3A_124 = tpu.sem_alloc : memref<!tpu.dma_semaphore, #tpu.memory_space<semaphore_mem>>
      %dma_start3A = arith.constant 0 : i32
      %dma_start3A_125 = tpu.memref_slice %arg11[%add3A_29, %dma_start3A] : memref<18433x80xf32, #tpu.memory_space<vmem_shared>> -> memref<128x80xf32, #tpu.memory_space<vmem_shared>>
      %dma_start3A_126 = arith.constant 0 : i32
      %dma_start3A_127 = tpu.memref_slice %arg11[%add3A_29, %dma_start3A_126] : memref<18433x80xf32, #tpu.memory_space<vmem_shared>> -> memref<128x80xf32, #tpu.memory_space<vmem_shared>>
      tpu.enqueue_dma source(%arg9 : memref<128x80xf32, #tpu.memory_space<vmem>>) target(%dma_start3A_127 : memref<128x80xf32, #tpu.memory_space<vmem_shared>>) target_semaphore(%run_scoped3A_124 : memref<!tpu.dma_semaphore, #tpu.memory_space<semaphore_mem>>)
      %dma_wait3A = arith.constant 0 : i32
      %dma_wait3A_128 = tpu.memref_slice %arg11[%add3A_29, %dma_wait3A] : memref<18433x80xf32, #tpu.memory_space<vmem_shared>> -> memref<128x80xf32, #tpu.memory_space<vmem_shared>>
      %dma_wait3A_129 = arith.constant 0 : i32
      %dma_wait3A_130 = tpu.memref_slice %arg11[%add3A_29, %dma_wait3A_129] : memref<18433x80xf32, #tpu.memory_space<vmem_shared>> -> memref<128x80xf32, #tpu.memory_space<vmem_shared>>
      tpu.wait_dma2 semaphore(%run_scoped3A_124 : memref<!tpu.dma_semaphore, #tpu.memory_space<semaphore_mem>>) src(%arg9 : memref<128x80xf32, #tpu.memory_space<vmem>>) dst(%dma_wait3A_130 : memref<128x80xf32, #tpu.memory_space<vmem_shared>>)
      tpu.yield
    }) : () -> ()
    %scan3A_30 = arith.constant 0 : i32
    %scan3A_31 = arith.constant 0 : i32
    %scan3A_32 = arith.constant 64 : i32
    %scan3A_33 = arith.addi %scan3A_31, %scan3A_32 : i32
    %scan3A_34 = arith.constant 1 : i32
    %scan3A_35 = scf.for %scan3A_124 = %scan3A_31 to %scan3A_33 step %scan3A_34 iter_args(%scan3A_125 = %scan3A_30) -> (i32)  : i32 {
      %mul3A_126 = arith.constant 16 : i32
      %mul3A_127 = arith.muli %scan3A_124, %mul3A_126 : i32
      %get3A = arith.index_cast %mul3A_127 : i32 to index
      %get3A_128 = tpu.vector_load %arg6[%get3A] {strides = array<i32>} : memref<1024xi32, #tpu.memory_space<vmem>>, vector<16xi32>,
      %get3A_129 = vector.shape_cast %get3A_128 : vector<16xi32> to vector<16xi32>
      %shift_right_logical3A = arith.constant 11 : i32
      %shift_right_logical3A_130 = vector.broadcast %shift_right_logical3A : i32 to vector<16xi32>
      %shift_right_logical3A_131 = arith.shrui %get3A_129, %shift_right_logical3A_130 : vector<16xi32>
      %shift_right_logical3A_132 = arith.constant 1 : i32
      %shift_right_logical3A_133 = vector.broadcast %shift_right_logical3A_132 : i32 to vector<16xi32>
      %shift_right_logical3A_134 = arith.shrui %shift_right_logical3A_131, %shift_right_logical3A_133 : vector<16xi32>
      %mul3A_135 = arith.constant 21846 : i32
      %mul3A_136 = vector.broadcast %mul3A_135 : i32 to vector<16xi32>
      %mul3A_137 = arith.muli %shift_right_logical3A_134, %mul3A_136 : vector<16xi32>
      %shift_right_logical3A_138 = arith.constant 16 : i32
      %shift_right_logical3A_139 = vector.broadcast %shift_right_logical3A_138 : i32 to vector<16xi32>
      %shift_right_logical3A_140 = arith.shrui %mul3A_137, %shift_right_logical3A_139 : vector<16xi32>
      %mul3A_141 = arith.constant 3 : i32
      %mul3A_142 = vector.broadcast %mul3A_141 : i32 to vector<16xi32>
      %mul3A_143 = arith.muli %mul3A_142, %shift_right_logical3A_140 : vector<16xi32>
      %sub3A = arith.subi %shift_right_logical3A_134, %mul3A_143 : vector<16xi32>
      %and3A = arith.constant 1 : i32
      %and3A_144 = vector.broadcast %and3A : i32 to vector<16xi32>
      %and3A_145 = arith.andi %shift_right_logical3A_131, %and3A_144 : vector<16xi32>
      %eq3A = vector.broadcast %arg0 : i32 to vector<16xi32>
      %eq3A_146 = arith.cmpi eq, %and3A_145, %eq3A : vector<16xi32>
      %eq3A_147 = arith.constant 0 : i32
      %eq3A_148 = vector.broadcast %eq3A_147 : i32 to vector<16xi32>
      %eq3A_149 = arith.cmpi eq, %sub3A, %eq3A_148 : vector<16xi32>
      %and3A_150 = arith.andi %eq3A_146, %eq3A_149 : vector<16xi1>
      %mul3A_151 = arith.constant 2048 : i32
      %mul3A_152 = vector.broadcast %mul3A_151 : i32 to vector<16xi32>
      %mul3A_153 = arith.muli %shift_right_logical3A_140, %mul3A_152 : vector<16xi32>
      %and3A_154 = arith.constant 2047 : i32
      %and3A_155 = vector.broadcast %and3A_154 : i32 to vector<16xi32>
      %and3A_156 = arith.andi %get3A_129, %and3A_155 : vector<16xi32>
      %add3A_157 = arith.addi %mul3A_153, %and3A_156 : vector<16xi32>
      %jit3A = arith.constant 18432 : i32
      %broadcast_in_dim3A_158 = vector.broadcast %jit3A : i32 to vector<16xi32>
      %select_n3A = arith.select %and3A_150, %add3A_157, %broadcast_in_dim3A_158 : vector<16xi1>, vector<16xi32>
      %jit3A_159 = arith.constant 8 : i32
      %div3A = arith.divsi %scan3A_124, %jit3A_159 : i32
      %sign3A = arith.constant 0 : i32
      %sign3A_160 = arith.cmpi sgt, %scan3A_124, %sign3A : i32
      %sign3A_161 = arith.extui %sign3A_160 : i1 to i32
      %sign3A_162 = arith.constant 0 : i32
      %sign3A_163 = arith.cmpi slt, %scan3A_124, %sign3A_162 : i32
      %sign3A_164 = arith.extui %sign3A_163 : i1 to i32
      %sign3A_165 = arith.subi %sign3A_161, %sign3A_164 : i32
      %sign3A_166 = arith.constant 0 : i32
      %sign3A_167 = arith.cmpi sgt, %jit3A_159, %sign3A_166 : i32
      %sign3A_168 = arith.extui %sign3A_167 : i1 to i32
      %sign3A_169 = arith.constant 0 : i32
      %sign3A_170 = arith.cmpi slt, %jit3A_159, %sign3A_169 : i32
      %sign3A_171 = arith.extui %sign3A_170 : i1 to i32
      %sign3A_172 = arith.subi %sign3A_168, %sign3A_171 : i32
      %ne3A = arith.cmpi ne, %sign3A_165, %sign3A_172 : i32
      %rem3A = arith.remsi %scan3A_124, %jit3A_159 : i32
      %ne3A_173 = arith.constant 0 : i32
      %ne3A_174 = arith.cmpi ne, %rem3A, %ne3A_173 : i32
      %and3A_175 = arith.andi %ne3A, %ne3A_174 : i1
      %sub3A_176 = arith.constant 1 : i32
      %sub3A_177 = arith.subi %div3A, %sub3A_176 : i32
      %select_n3A_178 = arith.select %and3A_175, %sub3A_177, %div3A : i32
      %jit3A_179 = arith.constant 8 : i32
      %eq3A_180 = arith.constant 0 : i32
      %eq3A_181 = arith.cmpi eq, %jit3A_179, %eq3A_180 : i32
      %jit3A_182 = arith.constant 1 : i32
      %select_n3A_183 = arith.select %eq3A_181, %jit3A_182, %jit3A_179 : i32
      %rem3A_184 = arith.remsi %scan3A_124, %select_n3A_183 : i32
      %ne3A_185 = arith.constant 0 : i32
      %ne3A_186 = arith.cmpi ne, %rem3A_184, %ne3A_185 : i32
      %lt3A = arith.constant 0 : i32
      %lt3A_187 = arith.cmpi slt, %rem3A_184, %lt3A : i32
      %lt3A_188 = arith.constant 0 : i32
      %lt3A_189 = arith.cmpi slt, %select_n3A_183, %lt3A_188 : i32
      %ne3A_190 = arith.xori %lt3A_187, %lt3A_189 : i1
      %and3A_191 = arith.andi %ne3A_190, %ne3A_186 : i1
      %add3A_192 = arith.addi %rem3A_184, %select_n3A_183 : i32
      %select_n3A_193 = arith.select %and3A_191, %add3A_192, %rem3A_184 : i32
      %mul3A_194 = arith.constant 16 : i32
      %mul3A_195 = arith.muli %select_n3A_193, %mul3A_194 : i32
      %swap3A_196 = arith.index_cast %select_n3A_178 : i32 to index
      %swap3A_197 = arith.index_cast %mul3A_195 : i32 to index
      %swap3A_198 = tpu.vector_load %arg8[%swap3A_196, %swap3A_197] {strides = array<i32>} : memref<8x128xi32, #tpu.memory_space<vmem>>, vector<1x16xi32>,
      %swap3A_199 = vector.shape_cast %swap3A_198 : vector<1x16xi32> to vector<16xi32>
      %swap3A_200 = vector.shape_cast %select_n3A : vector<16xi32> to vector<1x16xi32>
      tpu.vector_store %arg8[%swap3A_196, %swap3A_197], %swap3A_200 {strides = array<i32>} : memref<8x128xi32, #tpu.memory_space<vmem>>, vector<1x16xi32>,
      %scan3A_201 = arith.constant 0 : i32
      scf.yield %scan3A_201 : i32
    }
    %scan3A_36 = arith.constant 64 : i32
    %barrier3A = arith.constant 0 : index
    tpu.barrier barrier_id(%barrier3A)
    %add3A_37 = arith.constant 0 : i32
    %add3A_38 = arith.addi %multiple_of3A, %add3A_37 : i32
    "tpu.region"() ({
      %run_scoped3A_124 = tpu.sem_alloc : memref<!tpu.dma_semaphore, #tpu.memory_space<semaphore_mem>>
      %dma_start3A = arith.constant 0 : i32
      %dma_start3A_125 = arith.constant 0 : i32
      %dma_start3A_126 = tpu.memref_slice %arg7[%dma_start3A, %dma_start3A_125] : memref<128x80xf32, #tpu.memory_space<vmem>> -> memref<128x64xf32, #tpu.memory_space<vmem>>
      %dma_start3A_127 = arith.constant 0 : i32
      %dma_start3A_128 = tpu.memref_slice %arg2[%add3A_38, %dma_start3A_127] : memref<16384x64xf32, #tpu.memory_space<hbm>> -> memref<128x64xf32, #tpu.memory_space<hbm>>
      %dma_start3A_129 = arith.constant 0 : i32
      %dma_start3A_130 = arith.constant 0 : i32
      %dma_start3A_131 = tpu.memref_slice %arg7[%dma_start3A_129, %dma_start3A_130] : memref<128x80xf32, #tpu.memory_space<vmem>> -> memref<128x64xf32, #tpu.memory_space<vmem>>
      %dma_start3A_132 = arith.constant 0 : i32
      %dma_start3A_133 = tpu.memref_slice %arg2[%add3A_38, %dma_start3A_132] : memref<16384x64xf32, #tpu.memory_space<hbm>> -> memref<128x64xf32, #tpu.memory_space<hbm>>
      tpu.enqueue_dma source(%dma_start3A_133 : memref<128x64xf32, #tpu.memory_space<hbm>>) target(%dma_start3A_131 : memref<128x64xf32, #tpu.memory_space<vmem>>) target_semaphore(%run_scoped3A_124 : memref<!tpu.dma_semaphore, #tpu.memory_space<semaphore_mem>>)
      %dma_wait3A = arith.constant 0 : i32
      %dma_wait3A_134 = arith.constant 0 : i32
      %dma_wait3A_135 = tpu.memref_slice %arg7[%dma_wait3A, %dma_wait3A_134] : memref<128x80xf32, #tpu.memory_space<vmem>> -> memref<128x64xf32, #tpu.memory_space<vmem>>
      %dma_wait3A_136 = arith.constant 0 : i32
      %dma_wait3A_137 = tpu.memref_slice %arg2[%add3A_38, %dma_wait3A_136] : memref<16384x64xf32, #tpu.memory_space<hbm>> -> memref<128x64xf32, #tpu.memory_space<hbm>>
      %dma_wait3A_138 = arith.constant 0 : i32
      %dma_wait3A_139 = arith.constant 0 : i32
      %dma_wait3A_140 = tpu.memref_slice %arg7[%dma_wait3A_138, %dma_wait3A_139] : memref<128x80xf32, #tpu.memory_space<vmem>> -> memref<128x64xf32, #tpu.memory_space<vmem>>
      %dma_wait3A_141 = arith.constant 0 : i32
      %dma_wait3A_142 = tpu.memref_slice %arg2[%add3A_38, %dma_wait3A_141] : memref<16384x64xf32, #tpu.memory_space<hbm>> -> memref<128x64xf32, #tpu.memory_space<hbm>>
      tpu.wait_dma2 semaphore(%run_scoped3A_124 : memref<!tpu.dma_semaphore, #tpu.memory_space<semaphore_mem>>) src(%dma_wait3A_142 : memref<128x64xf32, #tpu.memory_space<hbm>>) dst(%dma_wait3A_140 : memref<128x64xf32, #tpu.memory_space<vmem>>)
      tpu.yield
    }) : () -> ()
    %scan3A_39 = arith.constant 0 : i32
    %scan3A_40 = arith.constant 128 : i32
    %scan3A_41 = arith.addi %scan3A_39, %scan3A_40 : i32
    %scan3A_42 = arith.constant 1 : i32
    %scan3A_43:4 = scf.for %scan3A_124 = %scan3A_39 to %scan3A_41 step %scan3A_42 iter_args(%scan3A_125 = %broadcast_in_dim3A_3, %scan3A_126 = %broadcast_in_dim3A_3, %scan3A_127 = %broadcast_in_dim3A_3, %scan3A_128 = %broadcast_in_dim3A_3) -> (vector<16xf32>, vector<16xf32>, vector<16xf32>, vector<16xf32>)  : i32 {
      %get3A = arith.index_cast %scan3A_124 : i32 to index
      %get3A_129 = arith.constant 0 : index
      %get3A_130 = tpu.vector_load %arg7[%get3A, %get3A_129] {strides = array<i32>} : memref<128x80xf32, #tpu.memory_space<vmem>>, vector<1x16xf32>,
      %get3A_131 = vector.shape_cast %get3A_130 : vector<1x16xf32> to vector<16xf32>
      %mul3A_132 = arith.mulf %get3A_131, %get3A_131 : vector<16xf32>
      %add3A_133 = arith.addf %scan3A_125, %mul3A_132 : vector<16xf32>
      %get3A_134 = arith.index_cast %scan3A_124 : i32 to index
      %get3A_135 = arith.constant 16 : index
      %get3A_136 = tpu.vector_load %arg7[%get3A_134, %get3A_135] {strides = array<i32>} : memref<128x80xf32, #tpu.memory_space<vmem>>, vector<1x16xf32>,
      %get3A_137 = vector.shape_cast %get3A_136 : vector<1x16xf32> to vector<16xf32>
      %mul3A_138 = arith.mulf %get3A_137, %get3A_137 : vector<16xf32>
      %add3A_139 = arith.addf %scan3A_126, %mul3A_138 : vector<16xf32>
      %get3A_140 = arith.index_cast %scan3A_124 : i32 to index
      %get3A_141 = arith.constant 32 : index
      %get3A_142 = tpu.vector_load %arg7[%get3A_140, %get3A_141] {strides = array<i32>} : memref<128x80xf32, #tpu.memory_space<vmem>>, vector<1x16xf32>,
      %get3A_143 = vector.shape_cast %get3A_142 : vector<1x16xf32> to vector<16xf32>
      %mul3A_144 = arith.mulf %get3A_143, %get3A_143 : vector<16xf32>
      %add3A_145 = arith.addf %scan3A_127, %mul3A_144 : vector<16xf32>
      %get3A_146 = arith.index_cast %scan3A_124 : i32 to index
      %get3A_147 = arith.constant 48 : index
      %get3A_148 = tpu.vector_load %arg7[%get3A_146, %get3A_147] {strides = array<i32>} : memref<128x80xf32, #tpu.memory_space<vmem>>, vector<1x16xf32>,
      %get3A_149 = vector.shape_cast %get3A_148 : vector<1x16xf32> to vector<16xf32>
      %mul3A_150 = arith.mulf %get3A_149, %get3A_149 : vector<16xf32>
      %add3A_151 = arith.addf %scan3A_128, %mul3A_150 : vector<16xf32>
      scf.yield %add3A_133, %add3A_139, %add3A_145, %add3A_151 : vector<16xf32>, vector<16xf32>, vector<16xf32>, vector<16xf32>
    }
    %scan3A_44 = arith.constant 128 : i32
    %run_scoped3A = arith.constant 0 : i32
    "tpu.region"() ({
      %run_scoped3A_124 = tpu.sem_alloc : memref<!tpu.dma_semaphore, #tpu.memory_space<semaphore_mem>>
      %dma_start3A = arith.constant 0 : i32
      %dma_start3A_125 = tpu.memref_slice %arg8[%run_scoped3A, %dma_start3A] : memref<8x128xi32, #tpu.memory_space<vmem>> -> memref<1x128xi32, #tpu.memory_space<vmem>>
      %dma_start3A_126 = tpu.memref_squeeze %dma_start3A_125 : memref<1x128xi32, #tpu.memory_space<vmem>> -> memref<128xi32, #tpu.memory_space<vmem>>
      %dma_start3A_127 = arith.constant 0 : i32
      %dma_start3A_128 = arith.constant 0 : i32
      %dma_start3A_129 = tpu.memref_slice %arg11[%dma_start3A_127, %dma_start3A_128] : memref<18433x80xf32, #tpu.memory_space<vmem_shared>> -> memref<18433x80xf32, #tpu.memory_space<vmem_shared>>
      tpu.enqueue_indirect_dma source(%arg7 : memref<128x80xf32, #tpu.memory_space<vmem>>) target(%dma_start3A_129 : memref<18433x80xf32, #tpu.memory_space<vmem_shared>>) offsets(%dma_start3A_126 : memref<128xi32, #tpu.memory_space<vmem>>) semaphore(%run_scoped3A_124 : memref<!tpu.dma_semaphore, #tpu.memory_space<semaphore_mem>>) {add = true}
      %dma_wait3A = arith.constant 0 : i32
      %dma_wait3A_130 = tpu.memref_slice %arg8[%run_scoped3A, %dma_wait3A] : memref<8x128xi32, #tpu.memory_space<vmem>> -> memref<1x128xi32, #tpu.memory_space<vmem>>
      %dma_wait3A_131 = tpu.memref_squeeze %dma_wait3A_130 : memref<1x128xi32, #tpu.memory_space<vmem>> -> memref<128xi32, #tpu.memory_space<vmem>>
      %dma_wait3A_132 = arith.constant 0 : i32
      %dma_wait3A_133 = arith.constant 0 : i32
      %dma_wait3A_134 = tpu.memref_slice %arg11[%dma_wait3A_132, %dma_wait3A_133] : memref<18433x80xf32, #tpu.memory_space<vmem_shared>> -> memref<18433x80xf32, #tpu.memory_space<vmem_shared>>
      tpu.wait_indirect_dma semaphore(%run_scoped3A_124 : memref<!tpu.dma_semaphore, #tpu.memory_space<semaphore_mem>>) src(%arg7 : memref<128x80xf32, #tpu.memory_space<vmem>>) dst(%dma_wait3A_134 : memref<18433x80xf32, #tpu.memory_space<vmem_shared>>)
      tpu.yield
    }) : () -> ()
    %add3A_45 = arith.constant 128 : i32
    %add3A_46 = arith.addi %multiple_of3A, %add3A_45 : i32
    "tpu.region"() ({
      %run_scoped3A_124 = tpu.sem_alloc : memref<!tpu.dma_semaphore, #tpu.memory_space<semaphore_mem>>
      %dma_start3A = arith.constant 0 : i32
      %dma_start3A_125 = arith.constant 0 : i32
      %dma_start3A_126 = tpu.memref_slice %arg7[%dma_start3A, %dma_start3A_125] : memref<128x80xf32, #tpu.memory_space<vmem>> -> memref<128x64xf32, #tpu.memory_space<vmem>>
      %dma_start3A_127 = arith.constant 0 : i32
      %dma_start3A_128 = tpu.memref_slice %arg2[%add3A_46, %dma_start3A_127] : memref<16384x64xf32, #tpu.memory_space<hbm>> -> memref<128x64xf32, #tpu.memory_space<hbm>>
      %dma_start3A_129 = arith.constant 0 : i32
      %dma_start3A_130 = arith.constant 0 : i32
      %dma_start3A_131 = tpu.memref_slice %arg7[%dma_start3A_129, %dma_start3A_130] : memref<128x80xf32, #tpu.memory_space<vmem>> -> memref<128x64xf32, #tpu.memory_space<vmem>>
      %dma_start3A_132 = arith.constant 0 : i32
      %dma_start3A_133 = tpu.memref_slice %arg2[%add3A_46, %dma_start3A_132] : memref<16384x64xf32, #tpu.memory_space<hbm>> -> memref<128x64xf32, #tpu.memory_space<hbm>>
      tpu.enqueue_dma source(%dma_start3A_133 : memref<128x64xf32, #tpu.memory_space<hbm>>) target(%dma_start3A_131 : memref<128x64xf32, #tpu.memory_space<vmem>>) target_semaphore(%run_scoped3A_124 : memref<!tpu.dma_semaphore, #tpu.memory_space<semaphore_mem>>)
      %dma_wait3A = arith.constant 0 : i32
      %dma_wait3A_134 = arith.constant 0 : i32
      %dma_wait3A_135 = tpu.memref_slice %arg7[%dma_wait3A, %dma_wait3A_134] : memref<128x80xf32, #tpu.memory_space<vmem>> -> memref<128x64xf32, #tpu.memory_space<vmem>>
      %dma_wait3A_136 = arith.constant 0 : i32
      %dma_wait3A_137 = tpu.memref_slice %arg2[%add3A_46, %dma_wait3A_136] : memref<16384x64xf32, #tpu.memory_space<hbm>> -> memref<128x64xf32, #tpu.memory_space<hbm>>
      %dma_wait3A_138 = arith.constant 0 : i32
      %dma_wait3A_139 = arith.constant 0 : i32
      %dma_wait3A_140 = tpu.memref_slice %arg7[%dma_wait3A_138, %dma_wait3A_139] : memref<128x80xf32, #tpu.memory_space<vmem>> -> memref<128x64xf32, #tpu.memory_space<vmem>>
      %dma_wait3A_141 = arith.constant 0 : i32
      %dma_wait3A_142 = tpu.memref_slice %arg2[%add3A_46, %dma_wait3A_141] : memref<16384x64xf32, #tpu.memory_space<hbm>> -> memref<128x64xf32, #tpu.memory_space<hbm>>
      tpu.wait_dma2 semaphore(%run_scoped3A_124 : memref<!tpu.dma_semaphore, #tpu.memory_space<semaphore_mem>>) src(%dma_wait3A_142 : memref<128x64xf32, #tpu.memory_space<hbm>>) dst(%dma_wait3A_140 : memref<128x64xf32, #tpu.memory_space<vmem>>)
      tpu.yield
    }) : () -> ()
    %scan3A_47 = arith.constant 0 : i32
    %scan3A_48 = arith.constant 128 : i32
    %scan3A_49 = arith.addi %scan3A_47, %scan3A_48 : i32
    %scan3A_50 = arith.constant 1 : i32
    %scan3A_51:4 = scf.for %scan3A_124 = %scan3A_47 to %scan3A_49 step %scan3A_50 iter_args(%scan3A_125 = %scan3A_43#0, %scan3A_126 = %scan3A_43#1, %scan3A_127 = %scan3A_43#2, %scan3A_128 = %scan3A_43#3) -> (vector<16xf32>, vector<16xf32>, vector<16xf32>, vector<16xf32>)  : i32 {
      %get3A = arith.index_cast %scan3A_124 : i32 to index
      %get3A_129 = arith.constant 0 : index
      %get3A_130 = tpu.vector_load %arg7[%get3A, %get3A_129] {strides = array<i32>} : memref<128x80xf32, #tpu.memory_space<vmem>>, vector<1x16xf32>,
      %get3A_131 = vector.shape_cast %get3A_130 : vector<1x16xf32> to vector<16xf32>
      %mul3A_132 = arith.mulf %get3A_131, %get3A_131 : vector<16xf32>
      %add3A_133 = arith.addf %scan3A_125, %mul3A_132 : vector<16xf32>
      %get3A_134 = arith.index_cast %scan3A_124 : i32 to index
      %get3A_135 = arith.constant 16 : index
      %get3A_136 = tpu.vector_load %arg7[%get3A_134, %get3A_135] {strides = array<i32>} : memref<128x80xf32, #tpu.memory_space<vmem>>, vector<1x16xf32>,
      %get3A_137 = vector.shape_cast %get3A_136 : vector<1x16xf32> to vector<16xf32>
      %mul3A_138 = arith.mulf %get3A_137, %get3A_137 : vector<16xf32>
      %add3A_139 = arith.addf %scan3A_126, %mul3A_138 : vector<16xf32>
      %get3A_140 = arith.index_cast %scan3A_124 : i32 to index
      %get3A_141 = arith.constant 32 : index
      %get3A_142 = tpu.vector_load %arg7[%get3A_140, %get3A_141] {strides = array<i32>} : memref<128x80xf32, #tpu.memory_space<vmem>>, vector<1x16xf32>,
      %get3A_143 = vector.shape_cast %get3A_142 : vector<1x16xf32> to vector<16xf32>
      %mul3A_144 = arith.mulf %get3A_143, %get3A_143 : vector<16xf32>
      %add3A_145 = arith.addf %scan3A_127, %mul3A_144 : vector<16xf32>
      %get3A_146 = arith.index_cast %scan3A_124 : i32 to index
      %get3A_147 = arith.constant 48 : index
      %get3A_148 = tpu.vector_load %arg7[%get3A_146, %get3A_147] {strides = array<i32>} : memref<128x80xf32, #tpu.memory_space<vmem>>, vector<1x16xf32>,
      %get3A_149 = vector.shape_cast %get3A_148 : vector<1x16xf32> to vector<16xf32>
      %mul3A_150 = arith.mulf %get3A_149, %get3A_149 : vector<16xf32>
      %add3A_151 = arith.addf %scan3A_128, %mul3A_150 : vector<16xf32>
      scf.yield %add3A_133, %add3A_139, %add3A_145, %add3A_151 : vector<16xf32>, vector<16xf32>, vector<16xf32>, vector<16xf32>
    }
    %scan3A_52 = arith.constant 128 : i32
    %run_scoped3A_53 = arith.constant 1 : i32
    "tpu.region"() ({
      %run_scoped3A_124 = tpu.sem_alloc : memref<!tpu.dma_semaphore, #tpu.memory_space<semaphore_mem>>
      %dma_start3A = arith.constant 0 : i32
      %dma_start3A_125 = tpu.memref_slice %arg8[%run_scoped3A_53, %dma_start3A] : memref<8x128xi32, #tpu.memory_space<vmem>> -> memref<1x128xi32, #tpu.memory_space<vmem>>
      %dma_start3A_126 = tpu.memref_squeeze %dma_start3A_125 : memref<1x128xi32, #tpu.memory_space<vmem>> -> memref<128xi32, #tpu.memory_space<vmem>>
      %dma_start3A_127 = arith.constant 0 : i32
      %dma_start3A_128 = arith.constant 0 : i32
      %dma_start3A_129 = tpu.memref_slice %arg11[%dma_start3A_127, %dma_start3A_128] : memref<18433x80xf32, #tpu.memory_space<vmem_shared>> -> memref<18433x80xf32, #tpu.memory_space<vmem_shared>>
      tpu.enqueue_indirect_dma source(%arg7 : memref<128x80xf32, #tpu.memory_space<vmem>>) target(%dma_start3A_129 : memref<18433x80xf32, #tpu.memory_space<vmem_shared>>) offsets(%dma_start3A_126 : memref<128xi32, #tpu.memory_space<vmem>>) semaphore(%run_scoped3A_124 : memref<!tpu.dma_semaphore, #tpu.memory_space<semaphore_mem>>) {add = true}
      %dma_wait3A = arith.constant 0 : i32
      %dma_wait3A_130 = tpu.memref_slice %arg8[%run_scoped3A_53, %dma_wait3A] : memref<8x128xi32, #tpu.memory_space<vmem>> -> memref<1x128xi32, #tpu.memory_space<vmem>>
      %dma_wait3A_131 = tpu.memref_squeeze %dma_wait3A_130 : memref<1x128xi32, #tpu.memory_space<vmem>> -> memref<128xi32, #tpu.memory_space<vmem>>
      %dma_wait3A_132 = arith.constant 0 : i32
      %dma_wait3A_133 = arith.constant 0 : i32
      %dma_wait3A_134 = tpu.memref_slice %arg11[%dma_wait3A_132, %dma_wait3A_133] : memref<18433x80xf32, #tpu.memory_space<vmem_shared>> -> memref<18433x80xf32, #tpu.memory_space<vmem_shared>>
      tpu.wait_indirect_dma semaphore(%run_scoped3A_124 : memref<!tpu.dma_semaphore, #tpu.memory_space<semaphore_mem>>) src(%arg7 : memref<128x80xf32, #tpu.memory_space<vmem>>) dst(%dma_wait3A_134 : memref<18433x80xf32, #tpu.memory_space<vmem_shared>>)
      tpu.yield
    }) : () -> ()
    %add3A_54 = arith.constant 256 : i32
    %add3A_55 = arith.addi %multiple_of3A, %add3A_54 : i32
    "tpu.region"() ({
      %run_scoped3A_124 = tpu.sem_alloc : memref<!tpu.dma_semaphore, #tpu.memory_space<semaphore_mem>>
      %dma_start3A = arith.constant 0 : i32
      %dma_start3A_125 = arith.constant 0 : i32
      %dma_start3A_126 = tpu.memref_slice %arg7[%dma_start3A, %dma_start3A_125] : memref<128x80xf32, #tpu.memory_space<vmem>> -> memref<128x64xf32, #tpu.memory_space<vmem>>
      %dma_start3A_127 = arith.constant 0 : i32
      %dma_start3A_128 = tpu.memref_slice %arg2[%add3A_55, %dma_start3A_127] : memref<16384x64xf32, #tpu.memory_space<hbm>> -> memref<128x64xf32, #tpu.memory_space<hbm>>
      %dma_start3A_129 = arith.constant 0 : i32
      %dma_start3A_130 = arith.constant 0 : i32
      %dma_start3A_131 = tpu.memref_slice %arg7[%dma_start3A_129, %dma_start3A_130] : memref<128x80xf32, #tpu.memory_space<vmem>> -> memref<128x64xf32, #tpu.memory_space<vmem>>
      %dma_start3A_132 = arith.constant 0 : i32
      %dma_start3A_133 = tpu.memref_slice %arg2[%add3A_55, %dma_start3A_132] : memref<16384x64xf32, #tpu.memory_space<hbm>> -> memref<128x64xf32, #tpu.memory_space<hbm>>
      tpu.enqueue_dma source(%dma_start3A_133 : memref<128x64xf32, #tpu.memory_space<hbm>>) target(%dma_start3A_131 : memref<128x64xf32, #tpu.memory_space<vmem>>) target_semaphore(%run_scoped3A_124 : memref<!tpu.dma_semaphore, #tpu.memory_space<semaphore_mem>>)
      %dma_wait3A = arith.constant 0 : i32
      %dma_wait3A_134 = arith.constant 0 : i32
      %dma_wait3A_135 = tpu.memref_slice %arg7[%dma_wait3A, %dma_wait3A_134] : memref<128x80xf32, #tpu.memory_space<vmem>> -> memref<128x64xf32, #tpu.memory_space<vmem>>
      %dma_wait3A_136 = arith.constant 0 : i32
      %dma_wait3A_137 = tpu.memref_slice %arg2[%add3A_55, %dma_wait3A_136] : memref<16384x64xf32, #tpu.memory_space<hbm>> -> memref<128x64xf32, #tpu.memory_space<hbm>>
      %dma_wait3A_138 = arith.constant 0 : i32
      %dma_wait3A_139 = arith.constant 0 : i32
      %dma_wait3A_140 = tpu.memref_slice %arg7[%dma_wait3A_138, %dma_wait3A_139] : memref<128x80xf32, #tpu.memory_space<vmem>> -> memref<128x64xf32, #tpu.memory_space<vmem>>
      %dma_wait3A_141 = arith.constant 0 : i32
      %dma_wait3A_142 = tpu.memref_slice %arg2[%add3A_55, %dma_wait3A_141] : memref<16384x64xf32, #tpu.memory_space<hbm>> -> memref<128x64xf32, #tpu.memory_space<hbm>>
      tpu.wait_dma2 semaphore(%run_scoped3A_124 : memref<!tpu.dma_semaphore, #tpu.memory_space<semaphore_mem>>) src(%dma_wait3A_142 : memref<128x64xf32, #tpu.memory_space<hbm>>) dst(%dma_wait3A_140 : memref<128x64xf32, #tpu.memory_space<vmem>>)
      tpu.yield
    }) : () -> ()
    %scan3A_56 = arith.constant 0 : i32
    %scan3A_57 = arith.constant 128 : i32
    %scan3A_58 = arith.addi %scan3A_56, %scan3A_57 : i32
    %scan3A_59 = arith.constant 1 : i32
    %scan3A_60:4 = scf.for %scan3A_124 = %scan3A_56 to %scan3A_58 step %scan3A_59 iter_args(%scan3A_125 = %scan3A_51#0, %scan3A_126 = %scan3A_51#1, %scan3A_127 = %scan3A_51#2, %scan3A_128 = %scan3A_51#3) -> (vector<16xf32>, vector<16xf32>, vector<16xf32>, vector<16xf32>)  : i32 {
      %get3A = arith.index_cast %scan3A_124 : i32 to index
      %get3A_129 = arith.constant 0 : index
      %get3A_130 = tpu.vector_load %arg7[%get3A, %get3A_129] {strides = array<i32>} : memref<128x80xf32, #tpu.memory_space<vmem>>, vector<1x16xf32>,
      %get3A_131 = vector.shape_cast %get3A_130 : vector<1x16xf32> to vector<16xf32>
      %mul3A_132 = arith.mulf %get3A_131, %get3A_131 : vector<16xf32>
      %add3A_133 = arith.addf %scan3A_125, %mul3A_132 : vector<16xf32>
      %get3A_134 = arith.index_cast %scan3A_124 : i32 to index
      %get3A_135 = arith.constant 16 : index
      %get3A_136 = tpu.vector_load %arg7[%get3A_134, %get3A_135] {strides = array<i32>} : memref<128x80xf32, #tpu.memory_space<vmem>>, vector<1x16xf32>,
      %get3A_137 = vector.shape_cast %get3A_136 : vector<1x16xf32> to vector<16xf32>
      %mul3A_138 = arith.mulf %get3A_137, %get3A_137 : vector<16xf32>
      %add3A_139 = arith.addf %scan3A_126, %mul3A_138 : vector<16xf32>
      %get3A_140 = arith.index_cast %scan3A_124 : i32 to index
      %get3A_141 = arith.constant 32 : index
      %get3A_142 = tpu.vector_load %arg7[%get3A_140, %get3A_141] {strides = array<i32>} : memref<128x80xf32, #tpu.memory_space<vmem>>, vector<1x16xf32>,
      %get3A_143 = vector.shape_cast %get3A_142 : vector<1x16xf32> to vector<16xf32>
      %mul3A_144 = arith.mulf %get3A_143, %get3A_143 : vector<16xf32>
      %add3A_145 = arith.addf %scan3A_127, %mul3A_144 : vector<16xf32>
      %get3A_146 = arith.index_cast %scan3A_124 : i32 to index
      %get3A_147 = arith.constant 48 : index
      %get3A_148 = tpu.vector_load %arg7[%get3A_146, %get3A_147] {strides = array<i32>} : memref<128x80xf32, #tpu.memory_space<vmem>>, vector<1x16xf32>,
      %get3A_149 = vector.shape_cast %get3A_148 : vector<1x16xf32> to vector<16xf32>
      %mul3A_150 = arith.mulf %get3A_149, %get3A_149 : vector<16xf32>
      %add3A_151 = arith.addf %scan3A_128, %mul3A_150 : vector<16xf32>
      scf.yield %add3A_133, %add3A_139, %add3A_145, %add3A_151 : vector<16xf32>, vector<16xf32>, vector<16xf32>, vector<16xf32>
    }
    %scan3A_61 = arith.constant 128 : i32
    %run_scoped3A_62 = arith.constant 2 : i32
    "tpu.region"() ({
      %run_scoped3A_124 = tpu.sem_alloc : memref<!tpu.dma_semaphore, #tpu.memory_space<semaphore_mem>>
      %dma_start3A = arith.constant 0 : i32
      %dma_start3A_125 = tpu.memref_slice %arg8[%run_scoped3A_62, %dma_start3A] : memref<8x128xi32, #tpu.memory_space<vmem>> -> memref<1x128xi32, #tpu.memory_space<vmem>>
      %dma_start3A_126 = tpu.memref_squeeze %dma_start3A_125 : memref<1x128xi32, #tpu.memory_space<vmem>> -> memref<128xi32, #tpu.memory_space<vmem>>
      %dma_start3A_127 = arith.constant 0 : i32
      %dma_start3A_128 = arith.constant 0 : i32
      %dma_start3A_129 = tpu.memref_slice %arg11[%dma_start3A_127, %dma_start3A_128] : memref<18433x80xf32, #tpu.memory_space<vmem_shared>> -> memref<18433x80xf32, #tpu.memory_space<vmem_shared>>
      tpu.enqueue_indirect_dma source(%arg7 : memref<128x80xf32, #tpu.memory_space<vmem>>) target(%dma_start3A_129 : memref<18433x80xf32, #tpu.memory_space<vmem_shared>>) offsets(%dma_start3A_126 : memref<128xi32, #tpu.memory_space<vmem>>) semaphore(%run_scoped3A_124 : memref<!tpu.dma_semaphore, #tpu.memory_space<semaphore_mem>>) {add = true}
      %dma_wait3A = arith.constant 0 : i32
      %dma_wait3A_130 = tpu.memref_slice %arg8[%run_scoped3A_62, %dma_wait3A] : memref<8x128xi32, #tpu.memory_space<vmem>> -> memref<1x128xi32, #tpu.memory_space<vmem>>
      %dma_wait3A_131 = tpu.memref_squeeze %dma_wait3A_130 : memref<1x128xi32, #tpu.memory_space<vmem>> -> memref<128xi32, #tpu.memory_space<vmem>>
      %dma_wait3A_132 = arith.constant 0 : i32
      %dma_wait3A_133 = arith.constant 0 : i32
      %dma_wait3A_134 = tpu.memref_slice %arg11[%dma_wait3A_132, %dma_wait3A_133] : memref<18433x80xf32, #tpu.memory_space<vmem_shared>> -> memref<18433x80xf32, #tpu.memory_space<vmem_shared>>
      tpu.wait_indirect_dma semaphore(%run_scoped3A_124 : memref<!tpu.dma_semaphore, #tpu.memory_space<semaphore_mem>>) src(%arg7 : memref<128x80xf32, #tpu.memory_space<vmem>>) dst(%dma_wait3A_134 : memref<18433x80xf32, #tpu.memory_space<vmem_shared>>)
      tpu.yield
    }) : () -> ()
    %add3A_63 = arith.constant 384 : i32
    %add3A_64 = arith.addi %multiple_of3A, %add3A_63 : i32
    "tpu.region"() ({
      %run_scoped3A_124 = tpu.sem_alloc : memref<!tpu.dma_semaphore, #tpu.memory_space<semaphore_mem>>
      %dma_start3A = arith.constant 0 : i32
      %dma_start3A_125 = arith.constant 0 : i32
      %dma_start3A_126 = tpu.memref_slice %arg7[%dma_start3A, %dma_start3A_125] : memref<128x80xf32, #tpu.memory_space<vmem>> -> memref<128x64xf32, #tpu.memory_space<vmem>>
      %dma_start3A_127 = arith.constant 0 : i32
      %dma_start3A_128 = tpu.memref_slice %arg2[%add3A_64, %dma_start3A_127] : memref<16384x64xf32, #tpu.memory_space<hbm>> -> memref<128x64xf32, #tpu.memory_space<hbm>>
      %dma_start3A_129 = arith.constant 0 : i32
      %dma_start3A_130 = arith.constant 0 : i32
      %dma_start3A_131 = tpu.memref_slice %arg7[%dma_start3A_129, %dma_start3A_130] : memref<128x80xf32, #tpu.memory_space<vmem>> -> memref<128x64xf32, #tpu.memory_space<vmem>>
      %dma_start3A_132 = arith.constant 0 : i32
      %dma_start3A_133 = tpu.memref_slice %arg2[%add3A_64, %dma_start3A_132] : memref<16384x64xf32, #tpu.memory_space<hbm>> -> memref<128x64xf32, #tpu.memory_space<hbm>>
      tpu.enqueue_dma source(%dma_start3A_133 : memref<128x64xf32, #tpu.memory_space<hbm>>) target(%dma_start3A_131 : memref<128x64xf32, #tpu.memory_space<vmem>>) target_semaphore(%run_scoped3A_124 : memref<!tpu.dma_semaphore, #tpu.memory_space<semaphore_mem>>)
      %dma_wait3A = arith.constant 0 : i32
      %dma_wait3A_134 = arith.constant 0 : i32
      %dma_wait3A_135 = tpu.memref_slice %arg7[%dma_wait3A, %dma_wait3A_134] : memref<128x80xf32, #tpu.memory_space<vmem>> -> memref<128x64xf32, #tpu.memory_space<vmem>>
      %dma_wait3A_136 = arith.constant 0 : i32
      %dma_wait3A_137 = tpu.memref_slice %arg2[%add3A_64, %dma_wait3A_136] : memref<16384x64xf32, #tpu.memory_space<hbm>> -> memref<128x64xf32, #tpu.memory_space<hbm>>
      %dma_wait3A_138 = arith.constant 0 : i32
      %dma_wait3A_139 = arith.constant 0 : i32
      %dma_wait3A_140 = tpu.memref_slice %arg7[%dma_wait3A_138, %dma_wait3A_139] : memref<128x80xf32, #tpu.memory_space<vmem>> -> memref<128x64xf32, #tpu.memory_space<vmem>>
      %dma_wait3A_141 = arith.constant 0 : i32
      %dma_wait3A_142 = tpu.memref_slice %arg2[%add3A_64, %dma_wait3A_141] : memref<16384x64xf32, #tpu.memory_space<hbm>> -> memref<128x64xf32, #tpu.memory_space<hbm>>
      tpu.wait_dma2 semaphore(%run_scoped3A_124 : memref<!tpu.dma_semaphore, #tpu.memory_space<semaphore_mem>>) src(%dma_wait3A_142 : memref<128x64xf32, #tpu.memory_space<hbm>>) dst(%dma_wait3A_140 : memref<128x64xf32, #tpu.memory_space<vmem>>)
      tpu.yield
    }) : () -> ()
    %scan3A_65 = arith.constant 0 : i32
    %scan3A_66 = arith.constant 128 : i32
    %scan3A_67 = arith.addi %scan3A_65, %scan3A_66 : i32
    %scan3A_68 = arith.constant 1 : i32
    %scan3A_69:4 = scf.for %scan3A_124 = %scan3A_65 to %scan3A_67 step %scan3A_68 iter_args(%scan3A_125 = %scan3A_60#0, %scan3A_126 = %scan3A_60#1, %scan3A_127 = %scan3A_60#2, %scan3A_128 = %scan3A_60#3) -> (vector<16xf32>, vector<16xf32>, vector<16xf32>, vector<16xf32>)  : i32 {
      %get3A = arith.index_cast %scan3A_124 : i32 to index
      %get3A_129 = arith.constant 0 : index
      %get3A_130 = tpu.vector_load %arg7[%get3A, %get3A_129] {strides = array<i32>} : memref<128x80xf32, #tpu.memory_space<vmem>>, vector<1x16xf32>,
      %get3A_131 = vector.shape_cast %get3A_130 : vector<1x16xf32> to vector<16xf32>
      %mul3A_132 = arith.mulf %get3A_131, %get3A_131 : vector<16xf32>
      %add3A_133 = arith.addf %scan3A_125, %mul3A_132 : vector<16xf32>
      %get3A_134 = arith.index_cast %scan3A_124 : i32 to index
      %get3A_135 = arith.constant 16 : index
      %get3A_136 = tpu.vector_load %arg7[%get3A_134, %get3A_135] {strides = array<i32>} : memref<128x80xf32, #tpu.memory_space<vmem>>, vector<1x16xf32>,
      %get3A_137 = vector.shape_cast %get3A_136 : vector<1x16xf32> to vector<16xf32>
      %mul3A_138 = arith.mulf %get3A_137, %get3A_137 : vector<16xf32>
      %add3A_139 = arith.addf %scan3A_126, %mul3A_138 : vector<16xf32>
      %get3A_140 = arith.index_cast %scan3A_124 : i32 to index
      %get3A_141 = arith.constant 32 : index
      %get3A_142 = tpu.vector_load %arg7[%get3A_140, %get3A_141] {strides = array<i32>} : memref<128x80xf32, #tpu.memory_space<vmem>>, vector<1x16xf32>,
      %get3A_143 = vector.shape_cast %get3A_142 : vector<1x16xf32> to vector<16xf32>
      %mul3A_144 = arith.mulf %get3A_143, %get3A_143 : vector<16xf32>
      %add3A_145 = arith.addf %scan3A_127, %mul3A_144 : vector<16xf32>
      %get3A_146 = arith.index_cast %scan3A_124 : i32 to index
      %get3A_147 = arith.constant 48 : index
      %get3A_148 = tpu.vector_load %arg7[%get3A_146, %get3A_147] {strides = array<i32>} : memref<128x80xf32, #tpu.memory_space<vmem>>, vector<1x16xf32>,
      %get3A_149 = vector.shape_cast %get3A_148 : vector<1x16xf32> to vector<16xf32>
      %mul3A_150 = arith.mulf %get3A_149, %get3A_149 : vector<16xf32>
      %add3A_151 = arith.addf %scan3A_128, %mul3A_150 : vector<16xf32>
      scf.yield %add3A_133, %add3A_139, %add3A_145, %add3A_151 : vector<16xf32>, vector<16xf32>, vector<16xf32>, vector<16xf32>
    }
    %scan3A_70 = arith.constant 128 : i32
    %run_scoped3A_71 = arith.constant 3 : i32
    "tpu.region"() ({
      %run_scoped3A_124 = tpu.sem_alloc : memref<!tpu.dma_semaphore, #tpu.memory_space<semaphore_mem>>
      %dma_start3A = arith.constant 0 : i32
      %dma_start3A_125 = tpu.memref_slice %arg8[%run_scoped3A_71, %dma_start3A] : memref<8x128xi32, #tpu.memory_space<vmem>> -> memref<1x128xi32, #tpu.memory_space<vmem>>
      %dma_start3A_126 = tpu.memref_squeeze %dma_start3A_125 : memref<1x128xi32, #tpu.memory_space<vmem>> -> memref<128xi32, #tpu.memory_space<vmem>>
      %dma_start3A_127 = arith.constant 0 : i32
      %dma_start3A_128 = arith.constant 0 : i32
      %dma_start3A_129 = tpu.memref_slice %arg11[%dma_start3A_127, %dma_start3A_128] : memref<18433x80xf32, #tpu.memory_space<vmem_shared>> -> memref<18433x80xf32, #tpu.memory_space<vmem_shared>>
      tpu.enqueue_indirect_dma source(%arg7 : memref<128x80xf32, #tpu.memory_space<vmem>>) target(%dma_start3A_129 : memref<18433x80xf32, #tpu.memory_space<vmem_shared>>) offsets(%dma_start3A_126 : memref<128xi32, #tpu.memory_space<vmem>>) semaphore(%run_scoped3A_124 : memref<!tpu.dma_semaphore, #tpu.memory_space<semaphore_mem>>) {add = true}
      %dma_wait3A = arith.constant 0 : i32
      %dma_wait3A_130 = tpu.memref_slice %arg8[%run_scoped3A_71, %dma_wait3A] : memref<8x128xi32, #tpu.memory_space<vmem>> -> memref<1x128xi32, #tpu.memory_space<vmem>>
      %dma_wait3A_131 = tpu.memref_squeeze %dma_wait3A_130 : memref<1x128xi32, #tpu.memory_space<vmem>> -> memref<128xi32, #tpu.memory_space<vmem>>
      %dma_wait3A_132 = arith.constant 0 : i32
      %dma_wait3A_133 = arith.constant 0 : i32
      %dma_wait3A_134 = tpu.memref_slice %arg11[%dma_wait3A_132, %dma_wait3A_133] : memref<18433x80xf32, #tpu.memory_space<vmem_shared>> -> memref<18433x80xf32, #tpu.memory_space<vmem_shared>>
      tpu.wait_indirect_dma semaphore(%run_scoped3A_124 : memref<!tpu.dma_semaphore, #tpu.memory_space<semaphore_mem>>) src(%arg7 : memref<128x80xf32, #tpu.memory_space<vmem>>) dst(%dma_wait3A_134 : memref<18433x80xf32, #tpu.memory_space<vmem_shared>>)
      tpu.yield
    }) : () -> ()
    %add3A_72 = arith.constant 512 : i32
    %add3A_73 = arith.addi %multiple_of3A, %add3A_72 : i32
    "tpu.region"() ({
      %run_scoped3A_124 = tpu.sem_alloc : memref<!tpu.dma_semaphore, #tpu.memory_space<semaphore_mem>>
      %dma_start3A = arith.constant 0 : i32
      %dma_start3A_125 = arith.constant 0 : i32
      %dma_start3A_126 = tpu.memref_slice %arg7[%dma_start3A, %dma_start3A_125] : memref<128x80xf32, #tpu.memory_space<vmem>> -> memref<128x64xf32, #tpu.memory_space<vmem>>
      %dma_start3A_127 = arith.constant 0 : i32
      %dma_start3A_128 = tpu.memref_slice %arg2[%add3A_73, %dma_start3A_127] : memref<16384x64xf32, #tpu.memory_space<hbm>> -> memref<128x64xf32, #tpu.memory_space<hbm>>
      %dma_start3A_129 = arith.constant 0 : i32
      %dma_start3A_130 = arith.constant 0 : i32
      %dma_start3A_131 = tpu.memref_slice %arg7[%dma_start3A_129, %dma_start3A_130] : memref<128x80xf32, #tpu.memory_space<vmem>> -> memref<128x64xf32, #tpu.memory_space<vmem>>
      %dma_start3A_132 = arith.constant 0 : i32
      %dma_start3A_133 = tpu.memref_slice %arg2[%add3A_73, %dma_start3A_132] : memref<16384x64xf32, #tpu.memory_space<hbm>> -> memref<128x64xf32, #tpu.memory_space<hbm>>
      tpu.enqueue_dma source(%dma_start3A_133 : memref<128x64xf32, #tpu.memory_space<hbm>>) target(%dma_start3A_131 : memref<128x64xf32, #tpu.memory_space<vmem>>) target_semaphore(%run_scoped3A_124 : memref<!tpu.dma_semaphore, #tpu.memory_space<semaphore_mem>>)
      %dma_wait3A = arith.constant 0 : i32
      %dma_wait3A_134 = arith.constant 0 : i32
      %dma_wait3A_135 = tpu.memref_slice %arg7[%dma_wait3A, %dma_wait3A_134] : memref<128x80xf32, #tpu.memory_space<vmem>> -> memref<128x64xf32, #tpu.memory_space<vmem>>
      %dma_wait3A_136 = arith.constant 0 : i32
      %dma_wait3A_137 = tpu.memref_slice %arg2[%add3A_73, %dma_wait3A_136] : memref<16384x64xf32, #tpu.memory_space<hbm>> -> memref<128x64xf32, #tpu.memory_space<hbm>>
      %dma_wait3A_138 = arith.constant 0 : i32
      %dma_wait3A_139 = arith.constant 0 : i32
      %dma_wait3A_140 = tpu.memref_slice %arg7[%dma_wait3A_138, %dma_wait3A_139] : memref<128x80xf32, #tpu.memory_space<vmem>> -> memref<128x64xf32, #tpu.memory_space<vmem>>
      %dma_wait3A_141 = arith.constant 0 : i32
      %dma_wait3A_142 = tpu.memref_slice %arg2[%add3A_73, %dma_wait3A_141] : memref<16384x64xf32, #tpu.memory_space<hbm>> -> memref<128x64xf32, #tpu.memory_space<hbm>>
      tpu.wait_dma2 semaphore(%run_scoped3A_124 : memref<!tpu.dma_semaphore, #tpu.memory_space<semaphore_mem>>) src(%dma_wait3A_142 : memref<128x64xf32, #tpu.memory_space<hbm>>) dst(%dma_wait3A_140 : memref<128x64xf32, #tpu.memory_space<vmem>>)
      tpu.yield
    }) : () -> ()
    %scan3A_74 = arith.constant 0 : i32
    %scan3A_75 = arith.constant 128 : i32
    %scan3A_76 = arith.addi %scan3A_74, %scan3A_75 : i32
    %scan3A_77 = arith.constant 1 : i32
    %scan3A_78:4 = scf.for %scan3A_124 = %scan3A_74 to %scan3A_76 step %scan3A_77 iter_args(%scan3A_125 = %scan3A_69#0, %scan3A_126 = %scan3A_69#1, %scan3A_127 = %scan3A_69#2, %scan3A_128 = %scan3A_69#3) -> (vector<16xf32>, vector<16xf32>, vector<16xf32>, vector<16xf32>)  : i32 {
      %get3A = arith.index_cast %scan3A_124 : i32 to index
      %get3A_129 = arith.constant 0 : index
      %get3A_130 = tpu.vector_load %arg7[%get3A, %get3A_129] {strides = array<i32>} : memref<128x80xf32, #tpu.memory_space<vmem>>, vector<1x16xf32>,
      %get3A_131 = vector.shape_cast %get3A_130 : vector<1x16xf32> to vector<16xf32>
      %mul3A_132 = arith.mulf %get3A_131, %get3A_131 : vector<16xf32>
      %add3A_133 = arith.addf %scan3A_125, %mul3A_132 : vector<16xf32>
      %get3A_134 = arith.index_cast %scan3A_124 : i32 to index
      %get3A_135 = arith.constant 16 : index
      %get3A_136 = tpu.vector_load %arg7[%get3A_134, %get3A_135] {strides = array<i32>} : memref<128x80xf32, #tpu.memory_space<vmem>>, vector<1x16xf32>,
      %get3A_137 = vector.shape_cast %get3A_136 : vector<1x16xf32> to vector<16xf32>
      %mul3A_138 = arith.mulf %get3A_137, %get3A_137 : vector<16xf32>
      %add3A_139 = arith.addf %scan3A_126, %mul3A_138 : vector<16xf32>
      %get3A_140 = arith.index_cast %scan3A_124 : i32 to index
      %get3A_141 = arith.constant 32 : index
      %get3A_142 = tpu.vector_load %arg7[%get3A_140, %get3A_141] {strides = array<i32>} : memref<128x80xf32, #tpu.memory_space<vmem>>, vector<1x16xf32>,
      %get3A_143 = vector.shape_cast %get3A_142 : vector<1x16xf32> to vector<16xf32>
      %mul3A_144 = arith.mulf %get3A_143, %get3A_143 : vector<16xf32>
      %add3A_145 = arith.addf %scan3A_127, %mul3A_144 : vector<16xf32>
      %get3A_146 = arith.index_cast %scan3A_124 : i32 to index
      %get3A_147 = arith.constant 48 : index
      %get3A_148 = tpu.vector_load %arg7[%get3A_146, %get3A_147] {strides = array<i32>} : memref<128x80xf32, #tpu.memory_space<vmem>>, vector<1x16xf32>,
      %get3A_149 = vector.shape_cast %get3A_148 : vector<1x16xf32> to vector<16xf32>
      %mul3A_150 = arith.mulf %get3A_149, %get3A_149 : vector<16xf32>
      %add3A_151 = arith.addf %scan3A_128, %mul3A_150 : vector<16xf32>
      scf.yield %add3A_133, %add3A_139, %add3A_145, %add3A_151 : vector<16xf32>, vector<16xf32>, vector<16xf32>, vector<16xf32>
    }
    %scan3A_79 = arith.constant 128 : i32
    %run_scoped3A_80 = arith.constant 4 : i32
    "tpu.region"() ({
      %run_scoped3A_124 = tpu.sem_alloc : memref<!tpu.dma_semaphore, #tpu.memory_space<semaphore_mem>>
      %dma_start3A = arith.constant 0 : i32
      %dma_start3A_125 = tpu.memref_slice %arg8[%run_scoped3A_80, %dma_start3A] : memref<8x128xi32, #tpu.memory_space<vmem>> -> memref<1x128xi32, #tpu.memory_space<vmem>>
      %dma_start3A_126 = tpu.memref_squeeze %dma_start3A_125 : memref<1x128xi32, #tpu.memory_space<vmem>> -> memref<128xi32, #tpu.memory_space<vmem>>
      %dma_start3A_127 = arith.constant 0 : i32
      %dma_start3A_128 = arith.constant 0 : i32
      %dma_start3A_129 = tpu.memref_slice %arg11[%dma_start3A_127, %dma_start3A_128] : memref<18433x80xf32, #tpu.memory_space<vmem_shared>> -> memref<18433x80xf32, #tpu.memory_space<vmem_shared>>
      tpu.enqueue_indirect_dma source(%arg7 : memref<128x80xf32, #tpu.memory_space<vmem>>) target(%dma_start3A_129 : memref<18433x80xf32, #tpu.memory_space<vmem_shared>>) offsets(%dma_start3A_126 : memref<128xi32, #tpu.memory_space<vmem>>) semaphore(%run_scoped3A_124 : memref<!tpu.dma_semaphore, #tpu.memory_space<semaphore_mem>>) {add = true}
      %dma_wait3A = arith.constant 0 : i32
      %dma_wait3A_130 = tpu.memref_slice %arg8[%run_scoped3A_80, %dma_wait3A] : memref<8x128xi32, #tpu.memory_space<vmem>> -> memref<1x128xi32, #tpu.memory_space<vmem>>
      %dma_wait3A_131 = tpu.memref_squeeze %dma_wait3A_130 : memref<1x128xi32, #tpu.memory_space<vmem>> -> memref<128xi32, #tpu.memory_space<vmem>>
      %dma_wait3A_132 = arith.constant 0 : i32
      %dma_wait3A_133 = arith.constant 0 : i32
      %dma_wait3A_134 = tpu.memref_slice %arg11[%dma_wait3A_132, %dma_wait3A_133] : memref<18433x80xf32, #tpu.memory_space<vmem_shared>> -> memref<18433x80xf32, #tpu.memory_space<vmem_shared>>
      tpu.wait_indirect_dma semaphore(%run_scoped3A_124 : memref<!tpu.dma_semaphore, #tpu.memory_space<semaphore_mem>>) src(%arg7 : memref<128x80xf32, #tpu.memory_space<vmem>>) dst(%dma_wait3A_134 : memref<18433x80xf32, #tpu.memory_space<vmem_shared>>)
      tpu.yield
    }) : () -> ()
    %add3A_81 = arith.constant 640 : i32
    %add3A_82 = arith.addi %multiple_of3A, %add3A_81 : i32
    "tpu.region"() ({
      %run_scoped3A_124 = tpu.sem_alloc : memref<!tpu.dma_semaphore, #tpu.memory_space<semaphore_mem>>
      %dma_start3A = arith.constant 0 : i32
      %dma_start3A_125 = arith.constant 0 : i32
      %dma_start3A_126 = tpu.memref_slice %arg7[%dma_start3A, %dma_start3A_125] : memref<128x80xf32, #tpu.memory_space<vmem>> -> memref<128x64xf32, #tpu.memory_space<vmem>>
      %dma_start3A_127 = arith.constant 0 : i32
      %dma_start3A_128 = tpu.memref_slice %arg2[%add3A_82, %dma_start3A_127] : memref<16384x64xf32, #tpu.memory_space<hbm>> -> memref<128x64xf32, #tpu.memory_space<hbm>>
      %dma_start3A_129 = arith.constant 0 : i32
      %dma_start3A_130 = arith.constant 0 : i32
      %dma_start3A_131 = tpu.memref_slice %arg7[%dma_start3A_129, %dma_start3A_130] : memref<128x80xf32, #tpu.memory_space<vmem>> -> memref<128x64xf32, #tpu.memory_space<vmem>>
      %dma_start3A_132 = arith.constant 0 : i32
      %dma_start3A_133 = tpu.memref_slice %arg2[%add3A_82, %dma_start3A_132] : memref<16384x64xf32, #tpu.memory_space<hbm>> -> memref<128x64xf32, #tpu.memory_space<hbm>>
      tpu.enqueue_dma source(%dma_start3A_133 : memref<128x64xf32, #tpu.memory_space<hbm>>) target(%dma_start3A_131 : memref<128x64xf32, #tpu.memory_space<vmem>>) target_semaphore(%run_scoped3A_124 : memref<!tpu.dma_semaphore, #tpu.memory_space<semaphore_mem>>)
      %dma_wait3A = arith.constant 0 : i32
      %dma_wait3A_134 = arith.constant 0 : i32
      %dma_wait3A_135 = tpu.memref_slice %arg7[%dma_wait3A, %dma_wait3A_134] : memref<128x80xf32, #tpu.memory_space<vmem>> -> memref<128x64xf32, #tpu.memory_space<vmem>>
      %dma_wait3A_136 = arith.constant 0 : i32
      %dma_wait3A_137 = tpu.memref_slice %arg2[%add3A_82, %dma_wait3A_136] : memref<16384x64xf32, #tpu.memory_space<hbm>> -> memref<128x64xf32, #tpu.memory_space<hbm>>
      %dma_wait3A_138 = arith.constant 0 : i32
      %dma_wait3A_139 = arith.constant 0 : i32
      %dma_wait3A_140 = tpu.memref_slice %arg7[%dma_wait3A_138, %dma_wait3A_139] : memref<128x80xf32, #tpu.memory_space<vmem>> -> memref<128x64xf32, #tpu.memory_space<vmem>>
      %dma_wait3A_141 = arith.constant 0 : i32
      %dma_wait3A_142 = tpu.memref_slice %arg2[%add3A_82, %dma_wait3A_141] : memref<16384x64xf32, #tpu.memory_space<hbm>> -> memref<128x64xf32, #tpu.memory_space<hbm>>
      tpu.wait_dma2 semaphore(%run_scoped3A_124 : memref<!tpu.dma_semaphore, #tpu.memory_space<semaphore_mem>>) src(%dma_wait3A_142 : memref<128x64xf32, #tpu.memory_space<hbm>>) dst(%dma_wait3A_140 : memref<128x64xf32, #tpu.memory_space<vmem>>)
      tpu.yield
    }) : () -> ()
    %scan3A_83 = arith.constant 0 : i32
    %scan3A_84 = arith.constant 128 : i32
    %scan3A_85 = arith.addi %scan3A_83, %scan3A_84 : i32
    %scan3A_86 = arith.constant 1 : i32
    %scan3A_87:4 = scf.for %scan3A_124 = %scan3A_83 to %scan3A_85 step %scan3A_86 iter_args(%scan3A_125 = %scan3A_78#0, %scan3A_126 = %scan3A_78#1, %scan3A_127 = %scan3A_78#2, %scan3A_128 = %scan3A_78#3) -> (vector<16xf32>, vector<16xf32>, vector<16xf32>, vector<16xf32>)  : i32 {
      %get3A = arith.index_cast %scan3A_124 : i32 to index
      %get3A_129 = arith.constant 0 : index
      %get3A_130 = tpu.vector_load %arg7[%get3A, %get3A_129] {strides = array<i32>} : memref<128x80xf32, #tpu.memory_space<vmem>>, vector<1x16xf32>,
      %get3A_131 = vector.shape_cast %get3A_130 : vector<1x16xf32> to vector<16xf32>
      %mul3A_132 = arith.mulf %get3A_131, %get3A_131 : vector<16xf32>
      %add3A_133 = arith.addf %scan3A_125, %mul3A_132 : vector<16xf32>
      %get3A_134 = arith.index_cast %scan3A_124 : i32 to index
      %get3A_135 = arith.constant 16 : index
      %get3A_136 = tpu.vector_load %arg7[%get3A_134, %get3A_135] {strides = array<i32>} : memref<128x80xf32, #tpu.memory_space<vmem>>, vector<1x16xf32>,
      %get3A_137 = vector.shape_cast %get3A_136 : vector<1x16xf32> to vector<16xf32>
      %mul3A_138 = arith.mulf %get3A_137, %get3A_137 : vector<16xf32>
      %add3A_139 = arith.addf %scan3A_126, %mul3A_138 : vector<16xf32>
      %get3A_140 = arith.index_cast %scan3A_124 : i32 to index
      %get3A_141 = arith.constant 32 : index
      %get3A_142 = tpu.vector_load %arg7[%get3A_140, %get3A_141] {strides = array<i32>} : memref<128x80xf32, #tpu.memory_space<vmem>>, vector<1x16xf32>,
      %get3A_143 = vector.shape_cast %get3A_142 : vector<1x16xf32> to vector<16xf32>
      %mul3A_144 = arith.mulf %get3A_143, %get3A_143 : vector<16xf32>
      %add3A_145 = arith.addf %scan3A_127, %mul3A_144 : vector<16xf32>
      %get3A_146 = arith.index_cast %scan3A_124 : i32 to index
      %get3A_147 = arith.constant 48 : index
      %get3A_148 = tpu.vector_load %arg7[%get3A_146, %get3A_147] {strides = array<i32>} : memref<128x80xf32, #tpu.memory_space<vmem>>, vector<1x16xf32>,
      %get3A_149 = vector.shape_cast %get3A_148 : vector<1x16xf32> to vector<16xf32>
      %mul3A_150 = arith.mulf %get3A_149, %get3A_149 : vector<16xf32>
      %add3A_151 = arith.addf %scan3A_128, %mul3A_150 : vector<16xf32>
      scf.yield %add3A_133, %add3A_139, %add3A_145, %add3A_151 : vector<16xf32>, vector<16xf32>, vector<16xf32>, vector<16xf32>
    }
    %scan3A_88 = arith.constant 128 : i32
    %run_scoped3A_89 = arith.constant 5 : i32
    "tpu.region"() ({
      %run_scoped3A_124 = tpu.sem_alloc : memref<!tpu.dma_semaphore, #tpu.memory_space<semaphore_mem>>
      %dma_start3A = arith.constant 0 : i32
      %dma_start3A_125 = tpu.memref_slice %arg8[%run_scoped3A_89, %dma_start3A] : memref<8x128xi32, #tpu.memory_space<vmem>> -> memref<1x128xi32, #tpu.memory_space<vmem>>
      %dma_start3A_126 = tpu.memref_squeeze %dma_start3A_125 : memref<1x128xi32, #tpu.memory_space<vmem>> -> memref<128xi32, #tpu.memory_space<vmem>>
      %dma_start3A_127 = arith.constant 0 : i32
      %dma_start3A_128 = arith.constant 0 : i32
      %dma_start3A_129 = tpu.memref_slice %arg11[%dma_start3A_127, %dma_start3A_128] : memref<18433x80xf32, #tpu.memory_space<vmem_shared>> -> memref<18433x80xf32, #tpu.memory_space<vmem_shared>>
      tpu.enqueue_indirect_dma source(%arg7 : memref<128x80xf32, #tpu.memory_space<vmem>>) target(%dma_start3A_129 : memref<18433x80xf32, #tpu.memory_space<vmem_shared>>) offsets(%dma_start3A_126 : memref<128xi32, #tpu.memory_space<vmem>>) semaphore(%run_scoped3A_124 : memref<!tpu.dma_semaphore, #tpu.memory_space<semaphore_mem>>) {add = true}
      %dma_wait3A = arith.constant 0 : i32
      %dma_wait3A_130 = tpu.memref_slice %arg8[%run_scoped3A_89, %dma_wait3A] : memref<8x128xi32, #tpu.memory_space<vmem>> -> memref<1x128xi32, #tpu.memory_space<vmem>>
      %dma_wait3A_131 = tpu.memref_squeeze %dma_wait3A_130 : memref<1x128xi32, #tpu.memory_space<vmem>> -> memref<128xi32, #tpu.memory_space<vmem>>
      %dma_wait3A_132 = arith.constant 0 : i32
      %dma_wait3A_133 = arith.constant 0 : i32
      %dma_wait3A_134 = tpu.memref_slice %arg11[%dma_wait3A_132, %dma_wait3A_133] : memref<18433x80xf32, #tpu.memory_space<vmem_shared>> -> memref<18433x80xf32, #tpu.memory_space<vmem_shared>>
      tpu.wait_indirect_dma semaphore(%run_scoped3A_124 : memref<!tpu.dma_semaphore, #tpu.memory_space<semaphore_mem>>) src(%arg7 : memref<128x80xf32, #tpu.memory_space<vmem>>) dst(%dma_wait3A_134 : memref<18433x80xf32, #tpu.memory_space<vmem_shared>>)
      tpu.yield
    }) : () -> ()
    %add3A_90 = arith.constant 768 : i32
    %add3A_91 = arith.addi %multiple_of3A, %add3A_90 : i32
    "tpu.region"() ({
      %run_scoped3A_124 = tpu.sem_alloc : memref<!tpu.dma_semaphore, #tpu.memory_space<semaphore_mem>>
      %dma_start3A = arith.constant 0 : i32
      %dma_start3A_125 = arith.constant 0 : i32
      %dma_start3A_126 = tpu.memref_slice %arg7[%dma_start3A, %dma_start3A_125] : memref<128x80xf32, #tpu.memory_space<vmem>> -> memref<128x64xf32, #tpu.memory_space<vmem>>
      %dma_start3A_127 = arith.constant 0 : i32
      %dma_start3A_128 = tpu.memref_slice %arg2[%add3A_91, %dma_start3A_127] : memref<16384x64xf32, #tpu.memory_space<hbm>> -> memref<128x64xf32, #tpu.memory_space<hbm>>
      %dma_start3A_129 = arith.constant 0 : i32
      %dma_start3A_130 = arith.constant 0 : i32
      %dma_start3A_131 = tpu.memref_slice %arg7[%dma_start3A_129, %dma_start3A_130] : memref<128x80xf32, #tpu.memory_space<vmem>> -> memref<128x64xf32, #tpu.memory_space<vmem>>
      %dma_start3A_132 = arith.constant 0 : i32
      %dma_start3A_133 = tpu.memref_slice %arg2[%add3A_91, %dma_start3A_132] : memref<16384x64xf32, #tpu.memory_space<hbm>> -> memref<128x64xf32, #tpu.memory_space<hbm>>
      tpu.enqueue_dma source(%dma_start3A_133 : memref<128x64xf32, #tpu.memory_space<hbm>>) target(%dma_start3A_131 : memref<128x64xf32, #tpu.memory_space<vmem>>) target_semaphore(%run_scoped3A_124 : memref<!tpu.dma_semaphore, #tpu.memory_space<semaphore_mem>>)
      %dma_wait3A = arith.constant 0 : i32
      %dma_wait3A_134 = arith.constant 0 : i32
      %dma_wait3A_135 = tpu.memref_slice %arg7[%dma_wait3A, %dma_wait3A_134] : memref<128x80xf32, #tpu.memory_space<vmem>> -> memref<128x64xf32, #tpu.memory_space<vmem>>
      %dma_wait3A_136 = arith.constant 0 : i32
      %dma_wait3A_137 = tpu.memref_slice %arg2[%add3A_91, %dma_wait3A_136] : memref<16384x64xf32, #tpu.memory_space<hbm>> -> memref<128x64xf32, #tpu.memory_space<hbm>>
      %dma_wait3A_138 = arith.constant 0 : i32
      %dma_wait3A_139 = arith.constant 0 : i32
      %dma_wait3A_140 = tpu.memref_slice %arg7[%dma_wait3A_138, %dma_wait3A_139] : memref<128x80xf32, #tpu.memory_space<vmem>> -> memref<128x64xf32, #tpu.memory_space<vmem>>
      %dma_wait3A_141 = arith.constant 0 : i32
      %dma_wait3A_142 = tpu.memref_slice %arg2[%add3A_91, %dma_wait3A_141] : memref<16384x64xf32, #tpu.memory_space<hbm>> -> memref<128x64xf32, #tpu.memory_space<hbm>>
      tpu.wait_dma2 semaphore(%run_scoped3A_124 : memref<!tpu.dma_semaphore, #tpu.memory_space<semaphore_mem>>) src(%dma_wait3A_142 : memref<128x64xf32, #tpu.memory_space<hbm>>) dst(%dma_wait3A_140 : memref<128x64xf32, #tpu.memory_space<vmem>>)
      tpu.yield
    }) : () -> ()
    %scan3A_92 = arith.constant 0 : i32
    %scan3A_93 = arith.constant 128 : i32
    %scan3A_94 = arith.addi %scan3A_92, %scan3A_93 : i32
    %scan3A_95 = arith.constant 1 : i32
    %scan3A_96:4 = scf.for %scan3A_124 = %scan3A_92 to %scan3A_94 step %scan3A_95 iter_args(%scan3A_125 = %scan3A_87#0, %scan3A_126 = %scan3A_87#1, %scan3A_127 = %scan3A_87#2, %scan3A_128 = %scan3A_87#3) -> (vector<16xf32>, vector<16xf32>, vector<16xf32>, vector<16xf32>)  : i32 {
      %get3A = arith.index_cast %scan3A_124 : i32 to index
      %get3A_129 = arith.constant 0 : index
      %get3A_130 = tpu.vector_load %arg7[%get3A, %get3A_129] {strides = array<i32>} : memref<128x80xf32, #tpu.memory_space<vmem>>, vector<1x16xf32>,
      %get3A_131 = vector.shape_cast %get3A_130 : vector<1x16xf32> to vector<16xf32>
      %mul3A_132 = arith.mulf %get3A_131, %get3A_131 : vector<16xf32>
      %add3A_133 = arith.addf %scan3A_125, %mul3A_132 : vector<16xf32>
      %get3A_134 = arith.index_cast %scan3A_124 : i32 to index
      %get3A_135 = arith.constant 16 : index
      %get3A_136 = tpu.vector_load %arg7[%get3A_134, %get3A_135] {strides = array<i32>} : memref<128x80xf32, #tpu.memory_space<vmem>>, vector<1x16xf32>,
      %get3A_137 = vector.shape_cast %get3A_136 : vector<1x16xf32> to vector<16xf32>
      %mul3A_138 = arith.mulf %get3A_137, %get3A_137 : vector<16xf32>
      %add3A_139 = arith.addf %scan3A_126, %mul3A_138 : vector<16xf32>
      %get3A_140 = arith.index_cast %scan3A_124 : i32 to index
      %get3A_141 = arith.constant 32 : index
      %get3A_142 = tpu.vector_load %arg7[%get3A_140, %get3A_141] {strides = array<i32>} : memref<128x80xf32, #tpu.memory_space<vmem>>, vector<1x16xf32>,
      %get3A_143 = vector.shape_cast %get3A_142 : vector<1x16xf32> to vector<16xf32>
      %mul3A_144 = arith.mulf %get3A_143, %get3A_143 : vector<16xf32>
      %add3A_145 = arith.addf %scan3A_127, %mul3A_144 : vector<16xf32>
      %get3A_146 = arith.index_cast %scan3A_124 : i32 to index
      %get3A_147 = arith.constant 48 : index
      %get3A_148 = tpu.vector_load %arg7[%get3A_146, %get3A_147] {strides = array<i32>} : memref<128x80xf32, #tpu.memory_space<vmem>>, vector<1x16xf32>,
      %get3A_149 = vector.shape_cast %get3A_148 : vector<1x16xf32> to vector<16xf32>
      %mul3A_150 = arith.mulf %get3A_149, %get3A_149 : vector<16xf32>
      %add3A_151 = arith.addf %scan3A_128, %mul3A_150 : vector<16xf32>
      scf.yield %add3A_133, %add3A_139, %add3A_145, %add3A_151 : vector<16xf32>, vector<16xf32>, vector<16xf32>, vector<16xf32>
    }
    %scan3A_97 = arith.constant 128 : i32
    %run_scoped3A_98 = arith.constant 6 : i32
    "tpu.region"() ({
      %run_scoped3A_124 = tpu.sem_alloc : memref<!tpu.dma_semaphore, #tpu.memory_space<semaphore_mem>>
      %dma_start3A = arith.constant 0 : i32
      %dma_start3A_125 = tpu.memref_slice %arg8[%run_scoped3A_98, %dma_start3A] : memref<8x128xi32, #tpu.memory_space<vmem>> -> memref<1x128xi32, #tpu.memory_space<vmem>>
      %dma_start3A_126 = tpu.memref_squeeze %dma_start3A_125 : memref<1x128xi32, #tpu.memory_space<vmem>> -> memref<128xi32, #tpu.memory_space<vmem>>
      %dma_start3A_127 = arith.constant 0 : i32
      %dma_start3A_128 = arith.constant 0 : i32
      %dma_start3A_129 = tpu.memref_slice %arg11[%dma_start3A_127, %dma_start3A_128] : memref<18433x80xf32, #tpu.memory_space<vmem_shared>> -> memref<18433x80xf32, #tpu.memory_space<vmem_shared>>
      tpu.enqueue_indirect_dma source(%arg7 : memref<128x80xf32, #tpu.memory_space<vmem>>) target(%dma_start3A_129 : memref<18433x80xf32, #tpu.memory_space<vmem_shared>>) offsets(%dma_start3A_126 : memref<128xi32, #tpu.memory_space<vmem>>) semaphore(%run_scoped3A_124 : memref<!tpu.dma_semaphore, #tpu.memory_space<semaphore_mem>>) {add = true}
      %dma_wait3A = arith.constant 0 : i32
      %dma_wait3A_130 = tpu.memref_slice %arg8[%run_scoped3A_98, %dma_wait3A] : memref<8x128xi32, #tpu.memory_space<vmem>> -> memref<1x128xi32, #tpu.memory_space<vmem>>
      %dma_wait3A_131 = tpu.memref_squeeze %dma_wait3A_130 : memref<1x128xi32, #tpu.memory_space<vmem>> -> memref<128xi32, #tpu.memory_space<vmem>>
      %dma_wait3A_132 = arith.constant 0 : i32
      %dma_wait3A_133 = arith.constant 0 : i32
      %dma_wait3A_134 = tpu.memref_slice %arg11[%dma_wait3A_132, %dma_wait3A_133] : memref<18433x80xf32, #tpu.memory_space<vmem_shared>> -> memref<18433x80xf32, #tpu.memory_space<vmem_shared>>
      tpu.wait_indirect_dma semaphore(%run_scoped3A_124 : memref<!tpu.dma_semaphore, #tpu.memory_space<semaphore_mem>>) src(%arg7 : memref<128x80xf32, #tpu.memory_space<vmem>>) dst(%dma_wait3A_134 : memref<18433x80xf32, #tpu.memory_space<vmem_shared>>)
      tpu.yield
    }) : () -> ()
    %add3A_99 = arith.constant 896 : i32
    %add3A_100 = arith.addi %multiple_of3A, %add3A_99 : i32
    "tpu.region"() ({
      %run_scoped3A_124 = tpu.sem_alloc : memref<!tpu.dma_semaphore, #tpu.memory_space<semaphore_mem>>
      %dma_start3A = arith.constant 0 : i32
      %dma_start3A_125 = arith.constant 0 : i32
      %dma_start3A_126 = tpu.memref_slice %arg7[%dma_start3A, %dma_start3A_125] : memref<128x80xf32, #tpu.memory_space<vmem>> -> memref<128x64xf32, #tpu.memory_space<vmem>>
      %dma_start3A_127 = arith.constant 0 : i32
      %dma_start3A_128 = tpu.memref_slice %arg2[%add3A_100, %dma_start3A_127] : memref<16384x64xf32, #tpu.memory_space<hbm>> -> memref<128x64xf32, #tpu.memory_space<hbm>>
      %dma_start3A_129 = arith.constant 0 : i32
      %dma_start3A_130 = arith.constant 0 : i32
      %dma_start3A_131 = tpu.memref_slice %arg7[%dma_start3A_129, %dma_start3A_130] : memref<128x80xf32, #tpu.memory_space<vmem>> -> memref<128x64xf32, #tpu.memory_space<vmem>>
      %dma_start3A_132 = arith.constant 0 : i32
      %dma_start3A_133 = tpu.memref_slice %arg2[%add3A_100, %dma_start3A_132] : memref<16384x64xf32, #tpu.memory_space<hbm>> -> memref<128x64xf32, #tpu.memory_space<hbm>>
      tpu.enqueue_dma source(%dma_start3A_133 : memref<128x64xf32, #tpu.memory_space<hbm>>) target(%dma_start3A_131 : memref<128x64xf32, #tpu.memory_space<vmem>>) target_semaphore(%run_scoped3A_124 : memref<!tpu.dma_semaphore, #tpu.memory_space<semaphore_mem>>)
      %dma_wait3A = arith.constant 0 : i32
      %dma_wait3A_134 = arith.constant 0 : i32
      %dma_wait3A_135 = tpu.memref_slice %arg7[%dma_wait3A, %dma_wait3A_134] : memref<128x80xf32, #tpu.memory_space<vmem>> -> memref<128x64xf32, #tpu.memory_space<vmem>>
      %dma_wait3A_136 = arith.constant 0 : i32
      %dma_wait3A_137 = tpu.memref_slice %arg2[%add3A_100, %dma_wait3A_136] : memref<16384x64xf32, #tpu.memory_space<hbm>> -> memref<128x64xf32, #tpu.memory_space<hbm>>
      %dma_wait3A_138 = arith.constant 0 : i32
      %dma_wait3A_139 = arith.constant 0 : i32
      %dma_wait3A_140 = tpu.memref_slice %arg7[%dma_wait3A_138, %dma_wait3A_139] : memref<128x80xf32, #tpu.memory_space<vmem>> -> memref<128x64xf32, #tpu.memory_space<vmem>>
      %dma_wait3A_141 = arith.constant 0 : i32
      %dma_wait3A_142 = tpu.memref_slice %arg2[%add3A_100, %dma_wait3A_141] : memref<16384x64xf32, #tpu.memory_space<hbm>> -> memref<128x64xf32, #tpu.memory_space<hbm>>
      tpu.wait_dma2 semaphore(%run_scoped3A_124 : memref<!tpu.dma_semaphore, #tpu.memory_space<semaphore_mem>>) src(%dma_wait3A_142 : memref<128x64xf32, #tpu.memory_space<hbm>>) dst(%dma_wait3A_140 : memref<128x64xf32, #tpu.memory_space<vmem>>)
      tpu.yield
    }) : () -> ()
    %scan3A_101 = arith.constant 0 : i32
    %scan3A_102 = arith.constant 128 : i32
    %scan3A_103 = arith.addi %scan3A_101, %scan3A_102 : i32
    %scan3A_104 = arith.constant 1 : i32
    %scan3A_105:4 = scf.for %scan3A_124 = %scan3A_101 to %scan3A_103 step %scan3A_104 iter_args(%scan3A_125 = %scan3A_96#0, %scan3A_126 = %scan3A_96#1, %scan3A_127 = %scan3A_96#2, %scan3A_128 = %scan3A_96#3) -> (vector<16xf32>, vector<16xf32>, vector<16xf32>, vector<16xf32>)  : i32 {
      %get3A = arith.index_cast %scan3A_124 : i32 to index
      %get3A_129 = arith.constant 0 : index
      %get3A_130 = tpu.vector_load %arg7[%get3A, %get3A_129] {strides = array<i32>} : memref<128x80xf32, #tpu.memory_space<vmem>>, vector<1x16xf32>,
      %get3A_131 = vector.shape_cast %get3A_130 : vector<1x16xf32> to vector<16xf32>
      %mul3A_132 = arith.mulf %get3A_131, %get3A_131 : vector<16xf32>
      %add3A_133 = arith.addf %scan3A_125, %mul3A_132 : vector<16xf32>
      %get3A_134 = arith.index_cast %scan3A_124 : i32 to index
      %get3A_135 = arith.constant 16 : index
      %get3A_136 = tpu.vector_load %arg7[%get3A_134, %get3A_135] {strides = array<i32>} : memref<128x80xf32, #tpu.memory_space<vmem>>, vector<1x16xf32>,
      %get3A_137 = vector.shape_cast %get3A_136 : vector<1x16xf32> to vector<16xf32>
      %mul3A_138 = arith.mulf %get3A_137, %get3A_137 : vector<16xf32>
      %add3A_139 = arith.addf %scan3A_126, %mul3A_138 : vector<16xf32>
      %get3A_140 = arith.index_cast %scan3A_124 : i32 to index
      %get3A_141 = arith.constant 32 : index
      %get3A_142 = tpu.vector_load %arg7[%get3A_140, %get3A_141] {strides = array<i32>} : memref<128x80xf32, #tpu.memory_space<vmem>>, vector<1x16xf32>,
      %get3A_143 = vector.shape_cast %get3A_142 : vector<1x16xf32> to vector<16xf32>
      %mul3A_144 = arith.mulf %get3A_143, %get3A_143 : vector<16xf32>
      %add3A_145 = arith.addf %scan3A_127, %mul3A_144 : vector<16xf32>
      %get3A_146 = arith.index_cast %scan3A_124 : i32 to index
      %get3A_147 = arith.constant 48 : index
      %get3A_148 = tpu.vector_load %arg7[%get3A_146, %get3A_147] {strides = array<i32>} : memref<128x80xf32, #tpu.memory_space<vmem>>, vector<1x16xf32>,
      %get3A_149 = vector.shape_cast %get3A_148 : vector<1x16xf32> to vector<16xf32>
      %mul3A_150 = arith.mulf %get3A_149, %get3A_149 : vector<16xf32>
      %add3A_151 = arith.addf %scan3A_128, %mul3A_150 : vector<16xf32>
      scf.yield %add3A_133, %add3A_139, %add3A_145, %add3A_151 : vector<16xf32>, vector<16xf32>, vector<16xf32>, vector<16xf32>
    }
    %scan3A_106 = arith.constant 128 : i32
    %run_scoped3A_107 = arith.constant 7 : i32
    "tpu.region"() ({
      %run_scoped3A_124 = tpu.sem_alloc : memref<!tpu.dma_semaphore, #tpu.memory_space<semaphore_mem>>
      %dma_start3A = arith.constant 0 : i32
      %dma_start3A_125 = tpu.memref_slice %arg8[%run_scoped3A_107, %dma_start3A] : memref<8x128xi32, #tpu.memory_space<vmem>> -> memref<1x128xi32, #tpu.memory_space<vmem>>
      %dma_start3A_126 = tpu.memref_squeeze %dma_start3A_125 : memref<1x128xi32, #tpu.memory_space<vmem>> -> memref<128xi32, #tpu.memory_space<vmem>>
      %dma_start3A_127 = arith.constant 0 : i32
      %dma_start3A_128 = arith.constant 0 : i32
      %dma_start3A_129 = tpu.memref_slice %arg11[%dma_start3A_127, %dma_start3A_128] : memref<18433x80xf32, #tpu.memory_space<vmem_shared>> -> memref<18433x80xf32, #tpu.memory_space<vmem_shared>>
      tpu.enqueue_indirect_dma source(%arg7 : memref<128x80xf32, #tpu.memory_space<vmem>>) target(%dma_start3A_129 : memref<18433x80xf32, #tpu.memory_space<vmem_shared>>) offsets(%dma_start3A_126 : memref<128xi32, #tpu.memory_space<vmem>>) semaphore(%run_scoped3A_124 : memref<!tpu.dma_semaphore, #tpu.memory_space<semaphore_mem>>) {add = true}
      %dma_wait3A = arith.constant 0 : i32
      %dma_wait3A_130 = tpu.memref_slice %arg8[%run_scoped3A_107, %dma_wait3A] : memref<8x128xi32, #tpu.memory_space<vmem>> -> memref<1x128xi32, #tpu.memory_space<vmem>>
      %dma_wait3A_131 = tpu.memref_squeeze %dma_wait3A_130 : memref<1x128xi32, #tpu.memory_space<vmem>> -> memref<128xi32, #tpu.memory_space<vmem>>
      %dma_wait3A_132 = arith.constant 0 : i32
      %dma_wait3A_133 = arith.constant 0 : i32
      %dma_wait3A_134 = tpu.memref_slice %arg11[%dma_wait3A_132, %dma_wait3A_133] : memref<18433x80xf32, #tpu.memory_space<vmem_shared>> -> memref<18433x80xf32, #tpu.memory_space<vmem_shared>>
      tpu.wait_indirect_dma semaphore(%run_scoped3A_124 : memref<!tpu.dma_semaphore, #tpu.memory_space<semaphore_mem>>) src(%arg7 : memref<128x80xf32, #tpu.memory_space<vmem>>) dst(%dma_wait3A_134 : memref<18433x80xf32, #tpu.memory_space<vmem_shared>>)
      tpu.yield
    }) : () -> ()
    %barrier3A_108 = arith.constant 0 : index
    tpu.barrier barrier_id(%barrier3A_108)
    %mul3A_109 = arith.constant 18432 : i32
    %mul3A_110 = arith.muli %arg0, %mul3A_109 : i32
    %add3A_111 = arith.addi %mul3A_110, %multiple_of3A_12 : i32
    %multiple_of3A_112 = tpu.assume_multiple %add3A_111, 8 : i32
    "tpu.region"() ({
      %run_scoped3A_124 = tpu.sem_alloc : memref<!tpu.dma_semaphore, #tpu.memory_space<semaphore_mem>>
      %dma_start3A = arith.constant 0 : i32
      %dma_start3A_125 = tpu.memref_slice %arg4[%multiple_of3A_112, %dma_start3A] : memref<36864x128xf32, #tpu.memory_space<hbm>> -> memref<1152x80xf32, #tpu.memory_space<hbm>>
      %dma_start3A_126 = arith.constant 0 : i32
      %dma_start3A_127 = tpu.memref_slice %arg11[%multiple_of3A_12, %dma_start3A_126] : memref<18433x80xf32, #tpu.memory_space<vmem_shared>> -> memref<1152x80xf32, #tpu.memory_space<vmem_shared>>
      tpu.enqueue_dma source(%dma_start3A_127 : memref<1152x80xf32, #tpu.memory_space<vmem_shared>>) target(%dma_start3A_125 : memref<1152x80xf32, #tpu.memory_space<hbm>>) target_semaphore(%run_scoped3A_124 : memref<!tpu.dma_semaphore, #tpu.memory_space<semaphore_mem>>)
      %dma_wait3A = arith.constant 0 : i32
      %dma_wait3A_128 = tpu.memref_slice %arg4[%multiple_of3A_112, %dma_wait3A] : memref<36864x128xf32, #tpu.memory_space<hbm>> -> memref<1152x80xf32, #tpu.memory_space<hbm>>
      %dma_wait3A_129 = arith.constant 0 : i32
      %dma_wait3A_130 = tpu.memref_slice %arg11[%multiple_of3A_12, %dma_wait3A_129] : memref<18433x80xf32, #tpu.memory_space<vmem_shared>> -> memref<1152x80xf32, #tpu.memory_space<vmem_shared>>
      tpu.wait_dma2 semaphore(%run_scoped3A_124 : memref<!tpu.dma_semaphore, #tpu.memory_space<semaphore_mem>>) src(%dma_wait3A_130 : memref<1152x80xf32, #tpu.memory_space<vmem_shared>>) dst(%dma_wait3A_128 : memref<1152x80xf32, #tpu.memory_space<hbm>>)
      tpu.yield
    }) : () -> ()
    %add3A_113 = arith.addf %scan3A_105#0, %scan3A_105#1 : vector<16xf32>
    %add3A_114 = arith.addf %add3A_113, %scan3A_105#2 : vector<16xf32>
    %add3A_115 = arith.addf %add3A_114, %scan3A_105#3 : vector<16xf32>
    %swap3A = arith.constant 0 : i32
    %swap3A_116 = arith.index_cast %swap3A : i32 to index
    %swap3A_117 = arith.constant 0 : index
    %swap3A_118 = tpu.vector_load %arg10[%swap3A_116, %swap3A_117] {strides = array<i32>} : memref<1x16xf32, #tpu.memory_space<vmem>>, vector<1x16xf32>,
    %swap3A_119 = vector.shape_cast %swap3A_118 : vector<1x16xf32> to vector<16xf32>
    %swap3A_120 = vector.shape_cast %add3A_115 : vector<16xf32> to vector<1x16xf32>
    tpu.vector_store %arg10[%swap3A_116, %swap3A_117], %swap3A_120 {strides = array<i32>} : memref<1x16xf32, #tpu.memory_space<vmem>>, vector<1x16xf32>,
    %mul3A_121 = arith.constant 16 : i32
    %mul3A_122 = arith.muli %arg0, %mul3A_121 : i32
    %add3A_123 = arith.addi %mul3A_122, %arg1 : i32
    "tpu.region"() ({
      %run_scoped3A_124 = tpu.sem_alloc : memref<!tpu.dma_semaphore, #tpu.memory_space<semaphore_mem>>
      %dma_start3A = arith.constant 0 : i32
      %dma_start3A_125 = arith.constant 0 : i32
      %dma_start3A_126 = tpu.memref_slice %arg5[%add3A_123, %dma_start3A, %dma_start3A_125] : memref<32x1x16xf32, #tpu.memory_space<hbm>> -> memref<1x1x16xf32, #tpu.memory_space<hbm>>
      %dma_start3A_127 = tpu.memref_squeeze %dma_start3A_126 : memref<1x1x16xf32, #tpu.memory_space<hbm>> -> memref<1x16xf32, #tpu.memory_space<hbm>>
      %dma_start3A_128 = arith.constant 0 : i32
      %dma_start3A_129 = arith.constant 0 : i32
      %dma_start3A_130 = tpu.memref_slice %arg5[%add3A_123, %dma_start3A_128, %dma_start3A_129] : memref<32x1x16xf32, #tpu.memory_space<hbm>> -> memref<1x1x16xf32, #tpu.memory_space<hbm>>
      %dma_start3A_131 = tpu.memref_squeeze %dma_start3A_130 : memref<1x1x16xf32, #tpu.memory_space<hbm>> -> memref<1x16xf32, #tpu.memory_space<hbm>>
      tpu.enqueue_dma source(%arg10 : memref<1x16xf32, #tpu.memory_space<vmem>>) target(%dma_start3A_131 : memref<1x16xf32, #tpu.memory_space<hbm>>) target_semaphore(%run_scoped3A_124 : memref<!tpu.dma_semaphore, #tpu.memory_space<semaphore_mem>>)
      %dma_wait3A = arith.constant 0 : i32
      %dma_wait3A_132 = arith.constant 0 : i32
      %dma_wait3A_133 = tpu.memref_slice %arg5[%add3A_123, %dma_wait3A, %dma_wait3A_132] : memref<32x1x16xf32, #tpu.memory_space<hbm>> -> memref<1x1x16xf32, #tpu.memory_space<hbm>>
      %dma_wait3A_134 = tpu.memref_squeeze %dma_wait3A_133 : memref<1x1x16xf32, #tpu.memory_space<hbm>> -> memref<1x16xf32, #tpu.memory_space<hbm>>
      %dma_wait3A_135 = arith.constant 0 : i32
      %dma_wait3A_136 = arith.constant 0 : i32
      %dma_wait3A_137 = tpu.memref_slice %arg5[%add3A_123, %dma_wait3A_135, %dma_wait3A_136] : memref<32x1x16xf32, #tpu.memory_space<hbm>> -> memref<1x1x16xf32, #tpu.memory_space<hbm>>
      %dma_wait3A_138 = tpu.memref_squeeze %dma_wait3A_137 : memref<1x1x16xf32, #tpu.memory_space<hbm>> -> memref<1x16xf32, #tpu.memory_space<hbm>>
      tpu.wait_dma2 semaphore(%run_scoped3A_124 : memref<!tpu.dma_semaphore, #tpu.memory_space<semaphore_mem>>) src(%arg10 : memref<1x16xf32, #tpu.memory_space<vmem>>) dst(%dma_wait3A_138 : memref<1x16xf32, #tpu.memory_space<hbm>>)
      tpu.yield
    }) : () -> ()
    return
  }
}

#map = affine_map<(d0, d1) -> (0, 0)>
#map1 = affine_map<(d0, d1) -> (0)>
module attributes {stable_mosaic.version = 14 : i64} {
  func.func @sc_pass2(%arg0: i32, %arg1: i32, %arg2: memref<16384x64xf32, #tpu.memory_space<hbm>>, %arg3: memref<16384xi32, #tpu.memory_space<hbm>>, %arg4: memref<36864x128xf32, #tpu.memory_space<hbm>>, %arg5: memref<36864x128xf32, #tpu.memory_space<hbm>>, %arg6: memref<1024xi32, #tpu.memory_space<vmem>>, %arg7: memref<128x80xf32, #tpu.memory_space<vmem>>, %arg8: memref<8x128xi32, #tpu.memory_space<vmem>>, %arg9: memref<128x80xf32, #tpu.memory_space<vmem>>, %arg10: memref<18433x80xf32, #tpu.memory_space<vmem_shared>>, %arg11: memref<!tpu.dma_semaphore, #tpu.memory_space<semaphore_mem>>) attributes {dimension_semantics = [#tpu.dimension_semantics<core_parallel>, #tpu.dimension_semantics<subcore_parallel>], iteration_bounds = array<i64: 2, 16>, scalar_prefetch = 0 : i64, scratch_operands = 6 : i64, tpu.core_type = #tpu.core_type<sc_vector_subcore>, window_params = [{transform_indices = #map}, {transform_indices = #map1}, {transform_indices = #map}, {transform_indices = #map}]} {
    %mul3A = arith.constant 1024 : i32
    %mul3A_0 = arith.muli %arg1, %mul3A : i32
    %multiple_of3A = tpu.assume_multiple %mul3A_0, 128 : i32
    %broadcast_in_dim3A = arith.constant 1.000000e+00 : f32
    %broadcast_in_dim3A_1 = vector.broadcast %broadcast_in_dim3A : f32 to vector<16xf32>
    %broadcast_in_dim3A_2 = arith.constant 0.000000e+00 : f32
    %broadcast_in_dim3A_3 = vector.broadcast %broadcast_in_dim3A_2 : f32 to vector<16xf32>
    "tpu.region"() ({
      %run_scoped3A_65 = tpu.sem_alloc : memref<!tpu.dma_semaphore, #tpu.memory_space<semaphore_mem>>
      %dma_start3A = tpu.memref_slice %arg3[%multiple_of3A] : memref<16384xi32, #tpu.memory_space<hbm>> -> memref<1024xi32, #tpu.memory_space<hbm>>
      %dma_start3A_66 = tpu.memref_slice %arg3[%multiple_of3A] : memref<16384xi32, #tpu.memory_space<hbm>> -> memref<1024xi32, #tpu.memory_space<hbm>>
      tpu.enqueue_dma source(%dma_start3A_66 : memref<1024xi32, #tpu.memory_space<hbm>>) target(%arg6 : memref<1024xi32, #tpu.memory_space<vmem>>) target_semaphore(%run_scoped3A_65 : memref<!tpu.dma_semaphore, #tpu.memory_space<semaphore_mem>>)
      %dma_wait3A = tpu.memref_slice %arg3[%multiple_of3A] : memref<16384xi32, #tpu.memory_space<hbm>> -> memref<1024xi32, #tpu.memory_space<hbm>>
      %dma_wait3A_67 = tpu.memref_slice %arg3[%multiple_of3A] : memref<16384xi32, #tpu.memory_space<hbm>> -> memref<1024xi32, #tpu.memory_space<hbm>>
      tpu.wait_dma2 semaphore(%run_scoped3A_65 : memref<!tpu.dma_semaphore, #tpu.memory_space<semaphore_mem>>) src(%dma_wait3A_67 : memref<1024xi32, #tpu.memory_space<hbm>>) dst(%arg6 : memref<1024xi32, #tpu.memory_space<vmem>>)
      tpu.yield
    }) : () -> ()
    %scan3A = arith.constant 0 : i32
    %scan3A_4 = arith.constant 0 : i32
    %scan3A_5 = arith.constant 128 : i32
    %scan3A_6 = arith.addi %scan3A_4, %scan3A_5 : i32
    %scan3A_7 = arith.constant 1 : i32
    %scan3A_8 = scf.for %scan3A_65 = %scan3A_4 to %scan3A_6 step %scan3A_7 iter_args(%scan3A_66 = %scan3A) -> (i32)  : i32 {
      %swap3A = arith.index_cast %scan3A_65 : i32 to index
      %swap3A_67 = arith.constant 0 : index
      %swap3A_68 = tpu.vector_load %arg9[%swap3A, %swap3A_67] {strides = array<i32>} : memref<128x80xf32, #tpu.memory_space<vmem>>, vector<1x16xf32>,
      %swap3A_69 = vector.shape_cast %swap3A_68 : vector<1x16xf32> to vector<16xf32>
      %swap3A_70 = vector.shape_cast %broadcast_in_dim3A_3 : vector<16xf32> to vector<1x16xf32>
      tpu.vector_store %arg9[%swap3A, %swap3A_67], %swap3A_70 {strides = array<i32>} : memref<128x80xf32, #tpu.memory_space<vmem>>, vector<1x16xf32>,
      %swap3A_71 = arith.index_cast %scan3A_65 : i32 to index
      %swap3A_72 = arith.constant 16 : index
      %swap3A_73 = tpu.vector_load %arg9[%swap3A_71, %swap3A_72] {strides = array<i32>} : memref<128x80xf32, #tpu.memory_space<vmem>>, vector<1x16xf32>,
      %swap3A_74 = vector.shape_cast %swap3A_73 : vector<1x16xf32> to vector<16xf32>
      %swap3A_75 = vector.shape_cast %broadcast_in_dim3A_3 : vector<16xf32> to vector<1x16xf32>
      tpu.vector_store %arg9[%swap3A_71, %swap3A_72], %swap3A_75 {strides = array<i32>} : memref<128x80xf32, #tpu.memory_space<vmem>>, vector<1x16xf32>,
      %swap3A_76 = arith.index_cast %scan3A_65 : i32 to index
      %swap3A_77 = arith.constant 32 : index
      %swap3A_78 = tpu.vector_load %arg9[%swap3A_76, %swap3A_77] {strides = array<i32>} : memref<128x80xf32, #tpu.memory_space<vmem>>, vector<1x16xf32>,
      %swap3A_79 = vector.shape_cast %swap3A_78 : vector<1x16xf32> to vector<16xf32>
      %swap3A_80 = vector.shape_cast %broadcast_in_dim3A_3 : vector<16xf32> to vector<1x16xf32>
      tpu.vector_store %arg9[%swap3A_76, %swap3A_77], %swap3A_80 {strides = array<i32>} : memref<128x80xf32, #tpu.memory_space<vmem>>, vector<1x16xf32>,
      %swap3A_81 = arith.index_cast %scan3A_65 : i32 to index
      %swap3A_82 = arith.constant 48 : index
      %swap3A_83 = tpu.vector_load %arg9[%swap3A_81, %swap3A_82] {strides = array<i32>} : memref<128x80xf32, #tpu.memory_space<vmem>>, vector<1x16xf32>,
      %swap3A_84 = vector.shape_cast %swap3A_83 : vector<1x16xf32> to vector<16xf32>
      %swap3A_85 = vector.shape_cast %broadcast_in_dim3A_3 : vector<16xf32> to vector<1x16xf32>
      tpu.vector_store %arg9[%swap3A_81, %swap3A_82], %swap3A_85 {strides = array<i32>} : memref<128x80xf32, #tpu.memory_space<vmem>>, vector<1x16xf32>,
      %swap3A_86 = arith.index_cast %scan3A_65 : i32 to index
      %swap3A_87 = arith.constant 64 : index
      %swap3A_88 = tpu.vector_load %arg9[%swap3A_86, %swap3A_87] {strides = array<i32>} : memref<128x80xf32, #tpu.memory_space<vmem>>, vector<1x16xf32>,
      %swap3A_89 = vector.shape_cast %swap3A_88 : vector<1x16xf32> to vector<16xf32>
      %swap3A_90 = vector.shape_cast %broadcast_in_dim3A_3 : vector<16xf32> to vector<1x16xf32>
      tpu.vector_store %arg9[%swap3A_86, %swap3A_87], %swap3A_90 {strides = array<i32>} : memref<128x80xf32, #tpu.memory_space<vmem>>, vector<1x16xf32>,
      %swap3A_91 = arith.index_cast %scan3A_65 : i32 to index
      %swap3A_92 = arith.constant 64 : index
      %swap3A_93 = tpu.vector_load %arg7[%swap3A_91, %swap3A_92] {strides = array<i32>} : memref<128x80xf32, #tpu.memory_space<vmem>>, vector<1x16xf32>,
      %swap3A_94 = vector.shape_cast %swap3A_93 : vector<1x16xf32> to vector<16xf32>
      %swap3A_95 = vector.shape_cast %broadcast_in_dim3A_1 : vector<16xf32> to vector<1x16xf32>
      tpu.vector_store %arg7[%swap3A_91, %swap3A_92], %swap3A_95 {strides = array<i32>} : memref<128x80xf32, #tpu.memory_space<vmem>>, vector<1x16xf32>,
      %scan3A_96 = arith.constant 0 : i32
      scf.yield %scan3A_96 : i32
    }
    %scan3A_9 = arith.constant 128 : i32
    %mul3A_10 = arith.constant 1152 : i32
    %mul3A_11 = arith.muli %arg1, %mul3A_10 : i32
    %multiple_of3A_12 = tpu.assume_multiple %mul3A_11, 8 : i32
    %add3A = arith.constant 0 : i32
    %add3A_13 = arith.addi %multiple_of3A_12, %add3A : i32
    "tpu.region"() ({
      %run_scoped3A_65 = tpu.sem_alloc : memref<!tpu.dma_semaphore, #tpu.memory_space<semaphore_mem>>
      %dma_start3A = arith.constant 0 : i32
      %dma_start3A_66 = tpu.memref_slice %arg10[%add3A_13, %dma_start3A] : memref<18433x80xf32, #tpu.memory_space<vmem_shared>> -> memref<128x80xf32, #tpu.memory_space<vmem_shared>>
      %dma_start3A_67 = arith.constant 0 : i32
      %dma_start3A_68 = tpu.memref_slice %arg10[%add3A_13, %dma_start3A_67] : memref<18433x80xf32, #tpu.memory_space<vmem_shared>> -> memref<128x80xf32, #tpu.memory_space<vmem_shared>>
      tpu.enqueue_dma source(%arg9 : memref<128x80xf32, #tpu.memory_space<vmem>>) target(%dma_start3A_68 : memref<128x80xf32, #tpu.memory_space<vmem_shared>>) target_semaphore(%run_scoped3A_65 : memref<!tpu.dma_semaphore, #tpu.memory_space<semaphore_mem>>)
      %dma_wait3A = arith.constant 0 : i32
      %dma_wait3A_69 = tpu.memref_slice %arg10[%add3A_13, %dma_wait3A] : memref<18433x80xf32, #tpu.memory_space<vmem_shared>> -> memref<128x80xf32, #tpu.memory_space<vmem_shared>>
      %dma_wait3A_70 = arith.constant 0 : i32
      %dma_wait3A_71 = tpu.memref_slice %arg10[%add3A_13, %dma_wait3A_70] : memref<18433x80xf32, #tpu.memory_space<vmem_shared>> -> memref<128x80xf32, #tpu.memory_space<vmem_shared>>
      tpu.wait_dma2 semaphore(%run_scoped3A_65 : memref<!tpu.dma_semaphore, #tpu.memory_space<semaphore_mem>>) src(%arg9 : memref<128x80xf32, #tpu.memory_space<vmem>>) dst(%dma_wait3A_71 : memref<128x80xf32, #tpu.memory_space<vmem_shared>>)
      tpu.yield
    }) : () -> ()
    %add3A_14 = arith.constant 128 : i32
    %add3A_15 = arith.addi %multiple_of3A_12, %add3A_14 : i32
    "tpu.region"() ({
      %run_scoped3A_65 = tpu.sem_alloc : memref<!tpu.dma_semaphore, #tpu.memory_space<semaphore_mem>>
      %dma_start3A = arith.constant 0 : i32
      %dma_start3A_66 = tpu.memref_slice %arg10[%add3A_15, %dma_start3A] : memref<18433x80xf32, #tpu.memory_space<vmem_shared>> -> memref<128x80xf32, #tpu.memory_space<vmem_shared>>
      %dma_start3A_67 = arith.constant 0 : i32
      %dma_start3A_68 = tpu.memref_slice %arg10[%add3A_15, %dma_start3A_67] : memref<18433x80xf32, #tpu.memory_space<vmem_shared>> -> memref<128x80xf32, #tpu.memory_space<vmem_shared>>
      tpu.enqueue_dma source(%arg9 : memref<128x80xf32, #tpu.memory_space<vmem>>) target(%dma_start3A_68 : memref<128x80xf32, #tpu.memory_space<vmem_shared>>) target_semaphore(%run_scoped3A_65 : memref<!tpu.dma_semaphore, #tpu.memory_space<semaphore_mem>>)
      %dma_wait3A = arith.constant 0 : i32
      %dma_wait3A_69 = tpu.memref_slice %arg10[%add3A_15, %dma_wait3A] : memref<18433x80xf32, #tpu.memory_space<vmem_shared>> -> memref<128x80xf32, #tpu.memory_space<vmem_shared>>
      %dma_wait3A_70 = arith.constant 0 : i32
      %dma_wait3A_71 = tpu.memref_slice %arg10[%add3A_15, %dma_wait3A_70] : memref<18433x80xf32, #tpu.memory_space<vmem_shared>> -> memref<128x80xf32, #tpu.memory_space<vmem_shared>>
      tpu.wait_dma2 semaphore(%run_scoped3A_65 : memref<!tpu.dma_semaphore, #tpu.memory_space<semaphore_mem>>) src(%arg9 : memref<128x80xf32, #tpu.memory_space<vmem>>) dst(%dma_wait3A_71 : memref<128x80xf32, #tpu.memory_space<vmem_shared>>)
      tpu.yield
    }) : () -> ()
    %add3A_16 = arith.constant 256 : i32
    %add3A_17 = arith.addi %multiple_of3A_12, %add3A_16 : i32
    "tpu.region"() ({
      %run_scoped3A_65 = tpu.sem_alloc : memref<!tpu.dma_semaphore, #tpu.memory_space<semaphore_mem>>
      %dma_start3A = arith.constant 0 : i32
      %dma_start3A_66 = tpu.memref_slice %arg10[%add3A_17, %dma_start3A] : memref<18433x80xf32, #tpu.memory_space<vmem_shared>> -> memref<128x80xf32, #tpu.memory_space<vmem_shared>>
      %dma_start3A_67 = arith.constant 0 : i32
      %dma_start3A_68 = tpu.memref_slice %arg10[%add3A_17, %dma_start3A_67] : memref<18433x80xf32, #tpu.memory_space<vmem_shared>> -> memref<128x80xf32, #tpu.memory_space<vmem_shared>>
      tpu.enqueue_dma source(%arg9 : memref<128x80xf32, #tpu.memory_space<vmem>>) target(%dma_start3A_68 : memref<128x80xf32, #tpu.memory_space<vmem_shared>>) target_semaphore(%run_scoped3A_65 : memref<!tpu.dma_semaphore, #tpu.memory_space<semaphore_mem>>)
      %dma_wait3A = arith.constant 0 : i32
      %dma_wait3A_69 = tpu.memref_slice %arg10[%add3A_17, %dma_wait3A] : memref<18433x80xf32, #tpu.memory_space<vmem_shared>> -> memref<128x80xf32, #tpu.memory_space<vmem_shared>>
      %dma_wait3A_70 = arith.constant 0 : i32
      %dma_wait3A_71 = tpu.memref_slice %arg10[%add3A_17, %dma_wait3A_70] : memref<18433x80xf32, #tpu.memory_space<vmem_shared>> -> memref<128x80xf32, #tpu.memory_space<vmem_shared>>
      tpu.wait_dma2 semaphore(%run_scoped3A_65 : memref<!tpu.dma_semaphore, #tpu.memory_space<semaphore_mem>>) src(%arg9 : memref<128x80xf32, #tpu.memory_space<vmem>>) dst(%dma_wait3A_71 : memref<128x80xf32, #tpu.memory_space<vmem_shared>>)
      tpu.yield
    }) : () -> ()
    %add3A_18 = arith.constant 384 : i32
    %add3A_19 = arith.addi %multiple_of3A_12, %add3A_18 : i32
    "tpu.region"() ({
      %run_scoped3A_65 = tpu.sem_alloc : memref<!tpu.dma_semaphore, #tpu.memory_space<semaphore_mem>>
      %dma_start3A = arith.constant 0 : i32
      %dma_start3A_66 = tpu.memref_slice %arg10[%add3A_19, %dma_start3A] : memref<18433x80xf32, #tpu.memory_space<vmem_shared>> -> memref<128x80xf32, #tpu.memory_space<vmem_shared>>
      %dma_start3A_67 = arith.constant 0 : i32
      %dma_start3A_68 = tpu.memref_slice %arg10[%add3A_19, %dma_start3A_67] : memref<18433x80xf32, #tpu.memory_space<vmem_shared>> -> memref<128x80xf32, #tpu.memory_space<vmem_shared>>
      tpu.enqueue_dma source(%arg9 : memref<128x80xf32, #tpu.memory_space<vmem>>) target(%dma_start3A_68 : memref<128x80xf32, #tpu.memory_space<vmem_shared>>) target_semaphore(%run_scoped3A_65 : memref<!tpu.dma_semaphore, #tpu.memory_space<semaphore_mem>>)
      %dma_wait3A = arith.constant 0 : i32
      %dma_wait3A_69 = tpu.memref_slice %arg10[%add3A_19, %dma_wait3A] : memref<18433x80xf32, #tpu.memory_space<vmem_shared>> -> memref<128x80xf32, #tpu.memory_space<vmem_shared>>
      %dma_wait3A_70 = arith.constant 0 : i32
      %dma_wait3A_71 = tpu.memref_slice %arg10[%add3A_19, %dma_wait3A_70] : memref<18433x80xf32, #tpu.memory_space<vmem_shared>> -> memref<128x80xf32, #tpu.memory_space<vmem_shared>>
      tpu.wait_dma2 semaphore(%run_scoped3A_65 : memref<!tpu.dma_semaphore, #tpu.memory_space<semaphore_mem>>) src(%arg9 : memref<128x80xf32, #tpu.memory_space<vmem>>) dst(%dma_wait3A_71 : memref<128x80xf32, #tpu.memory_space<vmem_shared>>)
      tpu.yield
    }) : () -> ()
    %add3A_20 = arith.constant 512 : i32
    %add3A_21 = arith.addi %multiple_of3A_12, %add3A_20 : i32
    "tpu.region"() ({
      %run_scoped3A_65 = tpu.sem_alloc : memref<!tpu.dma_semaphore, #tpu.memory_space<semaphore_mem>>
      %dma_start3A = arith.constant 0 : i32
      %dma_start3A_66 = tpu.memref_slice %arg10[%add3A_21, %dma_start3A] : memref<18433x80xf32, #tpu.memory_space<vmem_shared>> -> memref<128x80xf32, #tpu.memory_space<vmem_shared>>
      %dma_start3A_67 = arith.constant 0 : i32
      %dma_start3A_68 = tpu.memref_slice %arg10[%add3A_21, %dma_start3A_67] : memref<18433x80xf32, #tpu.memory_space<vmem_shared>> -> memref<128x80xf32, #tpu.memory_space<vmem_shared>>
      tpu.enqueue_dma source(%arg9 : memref<128x80xf32, #tpu.memory_space<vmem>>) target(%dma_start3A_68 : memref<128x80xf32, #tpu.memory_space<vmem_shared>>) target_semaphore(%run_scoped3A_65 : memref<!tpu.dma_semaphore, #tpu.memory_space<semaphore_mem>>)
      %dma_wait3A = arith.constant 0 : i32
      %dma_wait3A_69 = tpu.memref_slice %arg10[%add3A_21, %dma_wait3A] : memref<18433x80xf32, #tpu.memory_space<vmem_shared>> -> memref<128x80xf32, #tpu.memory_space<vmem_shared>>
      %dma_wait3A_70 = arith.constant 0 : i32
      %dma_wait3A_71 = tpu.memref_slice %arg10[%add3A_21, %dma_wait3A_70] : memref<18433x80xf32, #tpu.memory_space<vmem_shared>> -> memref<128x80xf32, #tpu.memory_space<vmem_shared>>
      tpu.wait_dma2 semaphore(%run_scoped3A_65 : memref<!tpu.dma_semaphore, #tpu.memory_space<semaphore_mem>>) src(%arg9 : memref<128x80xf32, #tpu.memory_space<vmem>>) dst(%dma_wait3A_71 : memref<128x80xf32, #tpu.memory_space<vmem_shared>>)
      tpu.yield
    }) : () -> ()
    %add3A_22 = arith.constant 640 : i32
    %add3A_23 = arith.addi %multiple_of3A_12, %add3A_22 : i32
    "tpu.region"() ({
      %run_scoped3A_65 = tpu.sem_alloc : memref<!tpu.dma_semaphore, #tpu.memory_space<semaphore_mem>>
      %dma_start3A = arith.constant 0 : i32
      %dma_start3A_66 = tpu.memref_slice %arg10[%add3A_23, %dma_start3A] : memref<18433x80xf32, #tpu.memory_space<vmem_shared>> -> memref<128x80xf32, #tpu.memory_space<vmem_shared>>
      %dma_start3A_67 = arith.constant 0 : i32
      %dma_start3A_68 = tpu.memref_slice %arg10[%add3A_23, %dma_start3A_67] : memref<18433x80xf32, #tpu.memory_space<vmem_shared>> -> memref<128x80xf32, #tpu.memory_space<vmem_shared>>
      tpu.enqueue_dma source(%arg9 : memref<128x80xf32, #tpu.memory_space<vmem>>) target(%dma_start3A_68 : memref<128x80xf32, #tpu.memory_space<vmem_shared>>) target_semaphore(%run_scoped3A_65 : memref<!tpu.dma_semaphore, #tpu.memory_space<semaphore_mem>>)
      %dma_wait3A = arith.constant 0 : i32
      %dma_wait3A_69 = tpu.memref_slice %arg10[%add3A_23, %dma_wait3A] : memref<18433x80xf32, #tpu.memory_space<vmem_shared>> -> memref<128x80xf32, #tpu.memory_space<vmem_shared>>
      %dma_wait3A_70 = arith.constant 0 : i32
      %dma_wait3A_71 = tpu.memref_slice %arg10[%add3A_23, %dma_wait3A_70] : memref<18433x80xf32, #tpu.memory_space<vmem_shared>> -> memref<128x80xf32, #tpu.memory_space<vmem_shared>>
      tpu.wait_dma2 semaphore(%run_scoped3A_65 : memref<!tpu.dma_semaphore, #tpu.memory_space<semaphore_mem>>) src(%arg9 : memref<128x80xf32, #tpu.memory_space<vmem>>) dst(%dma_wait3A_71 : memref<128x80xf32, #tpu.memory_space<vmem_shared>>)
      tpu.yield
    }) : () -> ()
    %add3A_24 = arith.constant 768 : i32
    %add3A_25 = arith.addi %multiple_of3A_12, %add3A_24 : i32
    "tpu.region"() ({
      %run_scoped3A_65 = tpu.sem_alloc : memref<!tpu.dma_semaphore, #tpu.memory_space<semaphore_mem>>
      %dma_start3A = arith.constant 0 : i32
      %dma_start3A_66 = tpu.memref_slice %arg10[%add3A_25, %dma_start3A] : memref<18433x80xf32, #tpu.memory_space<vmem_shared>> -> memref<128x80xf32, #tpu.memory_space<vmem_shared>>
      %dma_start3A_67 = arith.constant 0 : i32
      %dma_start3A_68 = tpu.memref_slice %arg10[%add3A_25, %dma_start3A_67] : memref<18433x80xf32, #tpu.memory_space<vmem_shared>> -> memref<128x80xf32, #tpu.memory_space<vmem_shared>>
      tpu.enqueue_dma source(%arg9 : memref<128x80xf32, #tpu.memory_space<vmem>>) target(%dma_start3A_68 : memref<128x80xf32, #tpu.memory_space<vmem_shared>>) target_semaphore(%run_scoped3A_65 : memref<!tpu.dma_semaphore, #tpu.memory_space<semaphore_mem>>)
      %dma_wait3A = arith.constant 0 : i32
      %dma_wait3A_69 = tpu.memref_slice %arg10[%add3A_25, %dma_wait3A] : memref<18433x80xf32, #tpu.memory_space<vmem_shared>> -> memref<128x80xf32, #tpu.memory_space<vmem_shared>>
      %dma_wait3A_70 = arith.constant 0 : i32
      %dma_wait3A_71 = tpu.memref_slice %arg10[%add3A_25, %dma_wait3A_70] : memref<18433x80xf32, #tpu.memory_space<vmem_shared>> -> memref<128x80xf32, #tpu.memory_space<vmem_shared>>
      tpu.wait_dma2 semaphore(%run_scoped3A_65 : memref<!tpu.dma_semaphore, #tpu.memory_space<semaphore_mem>>) src(%arg9 : memref<128x80xf32, #tpu.memory_space<vmem>>) dst(%dma_wait3A_71 : memref<128x80xf32, #tpu.memory_space<vmem_shared>>)
      tpu.yield
    }) : () -> ()
    %add3A_26 = arith.constant 896 : i32
    %add3A_27 = arith.addi %multiple_of3A_12, %add3A_26 : i32
    "tpu.region"() ({
      %run_scoped3A_65 = tpu.sem_alloc : memref<!tpu.dma_semaphore, #tpu.memory_space<semaphore_mem>>
      %dma_start3A = arith.constant 0 : i32
      %dma_start3A_66 = tpu.memref_slice %arg10[%add3A_27, %dma_start3A] : memref<18433x80xf32, #tpu.memory_space<vmem_shared>> -> memref<128x80xf32, #tpu.memory_space<vmem_shared>>
      %dma_start3A_67 = arith.constant 0 : i32
      %dma_start3A_68 = tpu.memref_slice %arg10[%add3A_27, %dma_start3A_67] : memref<18433x80xf32, #tpu.memory_space<vmem_shared>> -> memref<128x80xf32, #tpu.memory_space<vmem_shared>>
      tpu.enqueue_dma source(%arg9 : memref<128x80xf32, #tpu.memory_space<vmem>>) target(%dma_start3A_68 : memref<128x80xf32, #tpu.memory_space<vmem_shared>>) target_semaphore(%run_scoped3A_65 : memref<!tpu.dma_semaphore, #tpu.memory_space<semaphore_mem>>)
      %dma_wait3A = arith.constant 0 : i32
      %dma_wait3A_69 = tpu.memref_slice %arg10[%add3A_27, %dma_wait3A] : memref<18433x80xf32, #tpu.memory_space<vmem_shared>> -> memref<128x80xf32, #tpu.memory_space<vmem_shared>>
      %dma_wait3A_70 = arith.constant 0 : i32
      %dma_wait3A_71 = tpu.memref_slice %arg10[%add3A_27, %dma_wait3A_70] : memref<18433x80xf32, #tpu.memory_space<vmem_shared>> -> memref<128x80xf32, #tpu.memory_space<vmem_shared>>
      tpu.wait_dma2 semaphore(%run_scoped3A_65 : memref<!tpu.dma_semaphore, #tpu.memory_space<semaphore_mem>>) src(%arg9 : memref<128x80xf32, #tpu.memory_space<vmem>>) dst(%dma_wait3A_71 : memref<128x80xf32, #tpu.memory_space<vmem_shared>>)
      tpu.yield
    }) : () -> ()
    %add3A_28 = arith.constant 1024 : i32
    %add3A_29 = arith.addi %multiple_of3A_12, %add3A_28 : i32
    "tpu.region"() ({
      %run_scoped3A_65 = tpu.sem_alloc : memref<!tpu.dma_semaphore, #tpu.memory_space<semaphore_mem>>
      %dma_start3A = arith.constant 0 : i32
      %dma_start3A_66 = tpu.memref_slice %arg10[%add3A_29, %dma_start3A] : memref<18433x80xf32, #tpu.memory_space<vmem_shared>> -> memref<128x80xf32, #tpu.memory_space<vmem_shared>>
      %dma_start3A_67 = arith.constant 0 : i32
      %dma_start3A_68 = tpu.memref_slice %arg10[%add3A_29, %dma_start3A_67] : memref<18433x80xf32, #tpu.memory_space<vmem_shared>> -> memref<128x80xf32, #tpu.memory_space<vmem_shared>>
      tpu.enqueue_dma source(%arg9 : memref<128x80xf32, #tpu.memory_space<vmem>>) target(%dma_start3A_68 : memref<128x80xf32, #tpu.memory_space<vmem_shared>>) target_semaphore(%run_scoped3A_65 : memref<!tpu.dma_semaphore, #tpu.memory_space<semaphore_mem>>)
      %dma_wait3A = arith.constant 0 : i32
      %dma_wait3A_69 = tpu.memref_slice %arg10[%add3A_29, %dma_wait3A] : memref<18433x80xf32, #tpu.memory_space<vmem_shared>> -> memref<128x80xf32, #tpu.memory_space<vmem_shared>>
      %dma_wait3A_70 = arith.constant 0 : i32
      %dma_wait3A_71 = tpu.memref_slice %arg10[%add3A_29, %dma_wait3A_70] : memref<18433x80xf32, #tpu.memory_space<vmem_shared>> -> memref<128x80xf32, #tpu.memory_space<vmem_shared>>
      tpu.wait_dma2 semaphore(%run_scoped3A_65 : memref<!tpu.dma_semaphore, #tpu.memory_space<semaphore_mem>>) src(%arg9 : memref<128x80xf32, #tpu.memory_space<vmem>>) dst(%dma_wait3A_71 : memref<128x80xf32, #tpu.memory_space<vmem_shared>>)
      tpu.yield
    }) : () -> ()
    %scan3A_30 = arith.constant 0 : i32
    %scan3A_31 = arith.constant 0 : i32
    %scan3A_32 = arith.constant 64 : i32
    %scan3A_33 = arith.addi %scan3A_31, %scan3A_32 : i32
    %scan3A_34 = arith.constant 1 : i32
    %scan3A_35 = scf.for %scan3A_65 = %scan3A_31 to %scan3A_33 step %scan3A_34 iter_args(%scan3A_66 = %scan3A_30) -> (i32)  : i32 {
      %mul3A_67 = arith.constant 16 : i32
      %mul3A_68 = arith.muli %scan3A_65, %mul3A_67 : i32
      %get3A = arith.index_cast %mul3A_68 : i32 to index
      %get3A_69 = tpu.vector_load %arg6[%get3A] {strides = array<i32>} : memref<1024xi32, #tpu.memory_space<vmem>>, vector<16xi32>,
      %get3A_70 = vector.shape_cast %get3A_69 : vector<16xi32> to vector<16xi32>
      %shift_right_logical3A = arith.constant 11 : i32
      %shift_right_logical3A_71 = vector.broadcast %shift_right_logical3A : i32 to vector<16xi32>
      %shift_right_logical3A_72 = arith.shrui %get3A_70, %shift_right_logical3A_71 : vector<16xi32>
      %shift_right_logical3A_73 = arith.constant 1 : i32
      %shift_right_logical3A_74 = vector.broadcast %shift_right_logical3A_73 : i32 to vector<16xi32>
      %shift_right_logical3A_75 = arith.shrui %shift_right_logical3A_72, %shift_right_logical3A_74 : vector<16xi32>
      %mul3A_76 = arith.constant 21846 : i32
      %mul3A_77 = vector.broadcast %mul3A_76 : i32 to vector<16xi32>
      %mul3A_78 = arith.muli %shift_right_logical3A_75, %mul3A_77 : vector<16xi32>
      %shift_right_logical3A_79 = arith.constant 16 : i32
      %shift_right_logical3A_80 = vector.broadcast %shift_right_logical3A_79 : i32 to vector<16xi32>
      %shift_right_logical3A_81 = arith.shrui %mul3A_78, %shift_right_logical3A_80 : vector<16xi32>
      %mul3A_82 = arith.constant 3 : i32
      %mul3A_83 = vector.broadcast %mul3A_82 : i32 to vector<16xi32>
      %mul3A_84 = arith.muli %mul3A_83, %shift_right_logical3A_81 : vector<16xi32>
      %sub3A = arith.subi %shift_right_logical3A_75, %mul3A_84 : vector<16xi32>
      %and3A = arith.constant 1 : i32
      %and3A_85 = vector.broadcast %and3A : i32 to vector<16xi32>
      %and3A_86 = arith.andi %shift_right_logical3A_72, %and3A_85 : vector<16xi32>
      %eq3A = vector.broadcast %arg0 : i32 to vector<16xi32>
      %eq3A_87 = arith.cmpi eq, %and3A_86, %eq3A : vector<16xi32>
      %eq3A_88 = arith.constant 2 : i32
      %eq3A_89 = vector.broadcast %eq3A_88 : i32 to vector<16xi32>
      %eq3A_90 = arith.cmpi eq, %sub3A, %eq3A_89 : vector<16xi32>
      %and3A_91 = arith.andi %eq3A_87, %eq3A_90 : vector<16xi1>
      %mul3A_92 = arith.constant 2048 : i32
      %mul3A_93 = vector.broadcast %mul3A_92 : i32 to vector<16xi32>
      %mul3A_94 = arith.muli %shift_right_logical3A_81, %mul3A_93 : vector<16xi32>
      %and3A_95 = arith.constant 2047 : i32
      %and3A_96 = vector.broadcast %and3A_95 : i32 to vector<16xi32>
      %and3A_97 = arith.andi %get3A_70, %and3A_96 : vector<16xi32>
      %add3A_98 = arith.addi %mul3A_94, %and3A_97 : vector<16xi32>
      %jit3A = arith.constant 18432 : i32
      %broadcast_in_dim3A_99 = vector.broadcast %jit3A : i32 to vector<16xi32>
      %select_n3A = arith.select %and3A_91, %add3A_98, %broadcast_in_dim3A_99 : vector<16xi1>, vector<16xi32>
      %jit3A_100 = arith.constant 8 : i32
      %div3A = arith.divsi %scan3A_65, %jit3A_100 : i32
      %sign3A = arith.constant 0 : i32
      %sign3A_101 = arith.cmpi sgt, %scan3A_65, %sign3A : i32
      %sign3A_102 = arith.extui %sign3A_101 : i1 to i32
      %sign3A_103 = arith.constant 0 : i32
      %sign3A_104 = arith.cmpi slt, %scan3A_65, %sign3A_103 : i32
      %sign3A_105 = arith.extui %sign3A_104 : i1 to i32
      %sign3A_106 = arith.subi %sign3A_102, %sign3A_105 : i32
      %sign3A_107 = arith.constant 0 : i32
      %sign3A_108 = arith.cmpi sgt, %jit3A_100, %sign3A_107 : i32
      %sign3A_109 = arith.extui %sign3A_108 : i1 to i32
      %sign3A_110 = arith.constant 0 : i32
      %sign3A_111 = arith.cmpi slt, %jit3A_100, %sign3A_110 : i32
      %sign3A_112 = arith.extui %sign3A_111 : i1 to i32
      %sign3A_113 = arith.subi %sign3A_109, %sign3A_112 : i32
      %ne3A = arith.cmpi ne, %sign3A_106, %sign3A_113 : i32
      %rem3A = arith.remsi %scan3A_65, %jit3A_100 : i32
      %ne3A_114 = arith.constant 0 : i32
      %ne3A_115 = arith.cmpi ne, %rem3A, %ne3A_114 : i32
      %and3A_116 = arith.andi %ne3A, %ne3A_115 : i1
      %sub3A_117 = arith.constant 1 : i32
      %sub3A_118 = arith.subi %div3A, %sub3A_117 : i32
      %select_n3A_119 = arith.select %and3A_116, %sub3A_118, %div3A : i32
      %jit3A_120 = arith.constant 8 : i32
      %eq3A_121 = arith.constant 0 : i32
      %eq3A_122 = arith.cmpi eq, %jit3A_120, %eq3A_121 : i32
      %jit3A_123 = arith.constant 1 : i32
      %select_n3A_124 = arith.select %eq3A_122, %jit3A_123, %jit3A_120 : i32
      %rem3A_125 = arith.remsi %scan3A_65, %select_n3A_124 : i32
      %ne3A_126 = arith.constant 0 : i32
      %ne3A_127 = arith.cmpi ne, %rem3A_125, %ne3A_126 : i32
      %lt3A = arith.constant 0 : i32
      %lt3A_128 = arith.cmpi slt, %rem3A_125, %lt3A : i32
      %lt3A_129 = arith.constant 0 : i32
      %lt3A_130 = arith.cmpi slt, %select_n3A_124, %lt3A_129 : i32
      %ne3A_131 = arith.xori %lt3A_128, %lt3A_130 : i1
      %and3A_132 = arith.andi %ne3A_131, %ne3A_127 : i1
      %add3A_133 = arith.addi %rem3A_125, %select_n3A_124 : i32
      %select_n3A_134 = arith.select %and3A_132, %add3A_133, %rem3A_125 : i32
      %mul3A_135 = arith.constant 16 : i32
      %mul3A_136 = arith.muli %select_n3A_134, %mul3A_135 : i32
      %swap3A = arith.index_cast %select_n3A_119 : i32 to index
      %swap3A_137 = arith.index_cast %mul3A_136 : i32 to index
      %swap3A_138 = tpu.vector_load %arg8[%swap3A, %swap3A_137] {strides = array<i32>} : memref<8x128xi32, #tpu.memory_space<vmem>>, vector<1x16xi32>,
      %swap3A_139 = vector.shape_cast %swap3A_138 : vector<1x16xi32> to vector<16xi32>
      %swap3A_140 = vector.shape_cast %select_n3A : vector<16xi32> to vector<1x16xi32>
      tpu.vector_store %arg8[%swap3A, %swap3A_137], %swap3A_140 {strides = array<i32>} : memref<8x128xi32, #tpu.memory_space<vmem>>, vector<1x16xi32>,
      %scan3A_141 = arith.constant 0 : i32
      scf.yield %scan3A_141 : i32
    }
    %scan3A_36 = arith.constant 64 : i32
    %barrier3A = arith.constant 0 : index
    tpu.barrier barrier_id(%barrier3A)
    %add3A_37 = arith.constant 0 : i32
    %add3A_38 = arith.addi %multiple_of3A, %add3A_37 : i32
    "tpu.region"() ({
      %run_scoped3A_65 = tpu.sem_alloc : memref<!tpu.dma_semaphore, #tpu.memory_space<semaphore_mem>>
      %dma_start3A = arith.constant 0 : i32
      %dma_start3A_66 = arith.constant 0 : i32
      %dma_start3A_67 = tpu.memref_slice %arg7[%dma_start3A, %dma_start3A_66] : memref<128x80xf32, #tpu.memory_space<vmem>> -> memref<128x64xf32, #tpu.memory_space<vmem>>
      %dma_start3A_68 = arith.constant 0 : i32
      %dma_start3A_69 = tpu.memref_slice %arg2[%add3A_38, %dma_start3A_68] : memref<16384x64xf32, #tpu.memory_space<hbm>> -> memref<128x64xf32, #tpu.memory_space<hbm>>
      %dma_start3A_70 = arith.constant 0 : i32
      %dma_start3A_71 = arith.constant 0 : i32
      %dma_start3A_72 = tpu.memref_slice %arg7[%dma_start3A_70, %dma_start3A_71] : memref<128x80xf32, #tpu.memory_space<vmem>> -> memref<128x64xf32, #tpu.memory_space<vmem>>
      %dma_start3A_73 = arith.constant 0 : i32
      %dma_start3A_74 = tpu.memref_slice %arg2[%add3A_38, %dma_start3A_73] : memref<16384x64xf32, #tpu.memory_space<hbm>> -> memref<128x64xf32, #tpu.memory_space<hbm>>
      tpu.enqueue_dma source(%dma_start3A_74 : memref<128x64xf32, #tpu.memory_space<hbm>>) target(%dma_start3A_72 : memref<128x64xf32, #tpu.memory_space<vmem>>) target_semaphore(%run_scoped3A_65 : memref<!tpu.dma_semaphore, #tpu.memory_space<semaphore_mem>>)
      %dma_wait3A = arith.constant 0 : i32
      %dma_wait3A_75 = arith.constant 0 : i32
      %dma_wait3A_76 = tpu.memref_slice %arg7[%dma_wait3A, %dma_wait3A_75] : memref<128x80xf32, #tpu.memory_space<vmem>> -> memref<128x64xf32, #tpu.memory_space<vmem>>
      %dma_wait3A_77 = arith.constant 0 : i32
      %dma_wait3A_78 = tpu.memref_slice %arg2[%add3A_38, %dma_wait3A_77] : memref<16384x64xf32, #tpu.memory_space<hbm>> -> memref<128x64xf32, #tpu.memory_space<hbm>>
      %dma_wait3A_79 = arith.constant 0 : i32
      %dma_wait3A_80 = arith.constant 0 : i32
      %dma_wait3A_81 = tpu.memref_slice %arg7[%dma_wait3A_79, %dma_wait3A_80] : memref<128x80xf32, #tpu.memory_space<vmem>> -> memref<128x64xf32, #tpu.memory_space<vmem>>
      %dma_wait3A_82 = arith.constant 0 : i32
      %dma_wait3A_83 = tpu.memref_slice %arg2[%add3A_38, %dma_wait3A_82] : memref<16384x64xf32, #tpu.memory_space<hbm>> -> memref<128x64xf32, #tpu.memory_space<hbm>>
      tpu.wait_dma2 semaphore(%run_scoped3A_65 : memref<!tpu.dma_semaphore, #tpu.memory_space<semaphore_mem>>) src(%dma_wait3A_83 : memref<128x64xf32, #tpu.memory_space<hbm>>) dst(%dma_wait3A_81 : memref<128x64xf32, #tpu.memory_space<vmem>>)
      tpu.yield
    }) : () -> ()
    %run_scoped3A = arith.constant 0 : i32
    "tpu.region"() ({
      %run_scoped3A_65 = tpu.sem_alloc : memref<!tpu.dma_semaphore, #tpu.memory_space<semaphore_mem>>
      %dma_start3A = arith.constant 0 : i32
      %dma_start3A_66 = tpu.memref_slice %arg8[%run_scoped3A, %dma_start3A] : memref<8x128xi32, #tpu.memory_space<vmem>> -> memref<1x128xi32, #tpu.memory_space<vmem>>
      %dma_start3A_67 = tpu.memref_squeeze %dma_start3A_66 : memref<1x128xi32, #tpu.memory_space<vmem>> -> memref<128xi32, #tpu.memory_space<vmem>>
      %dma_start3A_68 = arith.constant 0 : i32
      %dma_start3A_69 = arith.constant 0 : i32
      %dma_start3A_70 = tpu.memref_slice %arg10[%dma_start3A_68, %dma_start3A_69] : memref<18433x80xf32, #tpu.memory_space<vmem_shared>> -> memref<18433x80xf32, #tpu.memory_space<vmem_shared>>
      tpu.enqueue_indirect_dma source(%arg7 : memref<128x80xf32, #tpu.memory_space<vmem>>) target(%dma_start3A_70 : memref<18433x80xf32, #tpu.memory_space<vmem_shared>>) offsets(%dma_start3A_67 : memref<128xi32, #tpu.memory_space<vmem>>) semaphore(%run_scoped3A_65 : memref<!tpu.dma_semaphore, #tpu.memory_space<semaphore_mem>>) {add = true}
      %dma_wait3A = arith.constant 0 : i32
      %dma_wait3A_71 = tpu.memref_slice %arg8[%run_scoped3A, %dma_wait3A] : memref<8x128xi32, #tpu.memory_space<vmem>> -> memref<1x128xi32, #tpu.memory_space<vmem>>
      %dma_wait3A_72 = tpu.memref_squeeze %dma_wait3A_71 : memref<1x128xi32, #tpu.memory_space<vmem>> -> memref<128xi32, #tpu.memory_space<vmem>>
      %dma_wait3A_73 = arith.constant 0 : i32
      %dma_wait3A_74 = arith.constant 0 : i32
      %dma_wait3A_75 = tpu.memref_slice %arg10[%dma_wait3A_73, %dma_wait3A_74] : memref<18433x80xf32, #tpu.memory_space<vmem_shared>> -> memref<18433x80xf32, #tpu.memory_space<vmem_shared>>
      tpu.wait_indirect_dma semaphore(%run_scoped3A_65 : memref<!tpu.dma_semaphore, #tpu.memory_space<semaphore_mem>>) src(%arg7 : memref<128x80xf32, #tpu.memory_space<vmem>>) dst(%dma_wait3A_75 : memref<18433x80xf32, #tpu.memory_space<vmem_shared>>)
      tpu.yield
    }) : () -> ()
    %add3A_39 = arith.constant 128 : i32
    %add3A_40 = arith.addi %multiple_of3A, %add3A_39 : i32
    "tpu.region"() ({
      %run_scoped3A_65 = tpu.sem_alloc : memref<!tpu.dma_semaphore, #tpu.memory_space<semaphore_mem>>
      %dma_start3A = arith.constant 0 : i32
      %dma_start3A_66 = arith.constant 0 : i32
      %dma_start3A_67 = tpu.memref_slice %arg7[%dma_start3A, %dma_start3A_66] : memref<128x80xf32, #tpu.memory_space<vmem>> -> memref<128x64xf32, #tpu.memory_space<vmem>>
      %dma_start3A_68 = arith.constant 0 : i32
      %dma_start3A_69 = tpu.memref_slice %arg2[%add3A_40, %dma_start3A_68] : memref<16384x64xf32, #tpu.memory_space<hbm>> -> memref<128x64xf32, #tpu.memory_space<hbm>>
      %dma_start3A_70 = arith.constant 0 : i32
      %dma_start3A_71 = arith.constant 0 : i32
      %dma_start3A_72 = tpu.memref_slice %arg7[%dma_start3A_70, %dma_start3A_71] : memref<128x80xf32, #tpu.memory_space<vmem>> -> memref<128x64xf32, #tpu.memory_space<vmem>>
      %dma_start3A_73 = arith.constant 0 : i32
      %dma_start3A_74 = tpu.memref_slice %arg2[%add3A_40, %dma_start3A_73] : memref<16384x64xf32, #tpu.memory_space<hbm>> -> memref<128x64xf32, #tpu.memory_space<hbm>>
      tpu.enqueue_dma source(%dma_start3A_74 : memref<128x64xf32, #tpu.memory_space<hbm>>) target(%dma_start3A_72 : memref<128x64xf32, #tpu.memory_space<vmem>>) target_semaphore(%run_scoped3A_65 : memref<!tpu.dma_semaphore, #tpu.memory_space<semaphore_mem>>)
      %dma_wait3A = arith.constant 0 : i32
      %dma_wait3A_75 = arith.constant 0 : i32
      %dma_wait3A_76 = tpu.memref_slice %arg7[%dma_wait3A, %dma_wait3A_75] : memref<128x80xf32, #tpu.memory_space<vmem>> -> memref<128x64xf32, #tpu.memory_space<vmem>>
      %dma_wait3A_77 = arith.constant 0 : i32
      %dma_wait3A_78 = tpu.memref_slice %arg2[%add3A_40, %dma_wait3A_77] : memref<16384x64xf32, #tpu.memory_space<hbm>> -> memref<128x64xf32, #tpu.memory_space<hbm>>
      %dma_wait3A_79 = arith.constant 0 : i32
      %dma_wait3A_80 = arith.constant 0 : i32
      %dma_wait3A_81 = tpu.memref_slice %arg7[%dma_wait3A_79, %dma_wait3A_80] : memref<128x80xf32, #tpu.memory_space<vmem>> -> memref<128x64xf32, #tpu.memory_space<vmem>>
      %dma_wait3A_82 = arith.constant 0 : i32
      %dma_wait3A_83 = tpu.memref_slice %arg2[%add3A_40, %dma_wait3A_82] : memref<16384x64xf32, #tpu.memory_space<hbm>> -> memref<128x64xf32, #tpu.memory_space<hbm>>
      tpu.wait_dma2 semaphore(%run_scoped3A_65 : memref<!tpu.dma_semaphore, #tpu.memory_space<semaphore_mem>>) src(%dma_wait3A_83 : memref<128x64xf32, #tpu.memory_space<hbm>>) dst(%dma_wait3A_81 : memref<128x64xf32, #tpu.memory_space<vmem>>)
      tpu.yield
    }) : () -> ()
    %run_scoped3A_41 = arith.constant 1 : i32
    "tpu.region"() ({
      %run_scoped3A_65 = tpu.sem_alloc : memref<!tpu.dma_semaphore, #tpu.memory_space<semaphore_mem>>
      %dma_start3A = arith.constant 0 : i32
      %dma_start3A_66 = tpu.memref_slice %arg8[%run_scoped3A_41, %dma_start3A] : memref<8x128xi32, #tpu.memory_space<vmem>> -> memref<1x128xi32, #tpu.memory_space<vmem>>
      %dma_start3A_67 = tpu.memref_squeeze %dma_start3A_66 : memref<1x128xi32, #tpu.memory_space<vmem>> -> memref<128xi32, #tpu.memory_space<vmem>>
      %dma_start3A_68 = arith.constant 0 : i32
      %dma_start3A_69 = arith.constant 0 : i32
      %dma_start3A_70 = tpu.memref_slice %arg10[%dma_start3A_68, %dma_start3A_69] : memref<18433x80xf32, #tpu.memory_space<vmem_shared>> -> memref<18433x80xf32, #tpu.memory_space<vmem_shared>>
      tpu.enqueue_indirect_dma source(%arg7 : memref<128x80xf32, #tpu.memory_space<vmem>>) target(%dma_start3A_70 : memref<18433x80xf32, #tpu.memory_space<vmem_shared>>) offsets(%dma_start3A_67 : memref<128xi32, #tpu.memory_space<vmem>>) semaphore(%run_scoped3A_65 : memref<!tpu.dma_semaphore, #tpu.memory_space<semaphore_mem>>) {add = true}
      %dma_wait3A = arith.constant 0 : i32
      %dma_wait3A_71 = tpu.memref_slice %arg8[%run_scoped3A_41, %dma_wait3A] : memref<8x128xi32, #tpu.memory_space<vmem>> -> memref<1x128xi32, #tpu.memory_space<vmem>>
      %dma_wait3A_72 = tpu.memref_squeeze %dma_wait3A_71 : memref<1x128xi32, #tpu.memory_space<vmem>> -> memref<128xi32, #tpu.memory_space<vmem>>
      %dma_wait3A_73 = arith.constant 0 : i32
      %dma_wait3A_74 = arith.constant 0 : i32
      %dma_wait3A_75 = tpu.memref_slice %arg10[%dma_wait3A_73, %dma_wait3A_74] : memref<18433x80xf32, #tpu.memory_space<vmem_shared>> -> memref<18433x80xf32, #tpu.memory_space<vmem_shared>>
      tpu.wait_indirect_dma semaphore(%run_scoped3A_65 : memref<!tpu.dma_semaphore, #tpu.memory_space<semaphore_mem>>) src(%arg7 : memref<128x80xf32, #tpu.memory_space<vmem>>) dst(%dma_wait3A_75 : memref<18433x80xf32, #tpu.memory_space<vmem_shared>>)
      tpu.yield
    }) : () -> ()
    %add3A_42 = arith.constant 256 : i32
    %add3A_43 = arith.addi %multiple_of3A, %add3A_42 : i32
    "tpu.region"() ({
      %run_scoped3A_65 = tpu.sem_alloc : memref<!tpu.dma_semaphore, #tpu.memory_space<semaphore_mem>>
      %dma_start3A = arith.constant 0 : i32
      %dma_start3A_66 = arith.constant 0 : i32
      %dma_start3A_67 = tpu.memref_slice %arg7[%dma_start3A, %dma_start3A_66] : memref<128x80xf32, #tpu.memory_space<vmem>> -> memref<128x64xf32, #tpu.memory_space<vmem>>
      %dma_start3A_68 = arith.constant 0 : i32
      %dma_start3A_69 = tpu.memref_slice %arg2[%add3A_43, %dma_start3A_68] : memref<16384x64xf32, #tpu.memory_space<hbm>> -> memref<128x64xf32, #tpu.memory_space<hbm>>
      %dma_start3A_70 = arith.constant 0 : i32
      %dma_start3A_71 = arith.constant 0 : i32
      %dma_start3A_72 = tpu.memref_slice %arg7[%dma_start3A_70, %dma_start3A_71] : memref<128x80xf32, #tpu.memory_space<vmem>> -> memref<128x64xf32, #tpu.memory_space<vmem>>
      %dma_start3A_73 = arith.constant 0 : i32
      %dma_start3A_74 = tpu.memref_slice %arg2[%add3A_43, %dma_start3A_73] : memref<16384x64xf32, #tpu.memory_space<hbm>> -> memref<128x64xf32, #tpu.memory_space<hbm>>
      tpu.enqueue_dma source(%dma_start3A_74 : memref<128x64xf32, #tpu.memory_space<hbm>>) target(%dma_start3A_72 : memref<128x64xf32, #tpu.memory_space<vmem>>) target_semaphore(%run_scoped3A_65 : memref<!tpu.dma_semaphore, #tpu.memory_space<semaphore_mem>>)
      %dma_wait3A = arith.constant 0 : i32
      %dma_wait3A_75 = arith.constant 0 : i32
      %dma_wait3A_76 = tpu.memref_slice %arg7[%dma_wait3A, %dma_wait3A_75] : memref<128x80xf32, #tpu.memory_space<vmem>> -> memref<128x64xf32, #tpu.memory_space<vmem>>
      %dma_wait3A_77 = arith.constant 0 : i32
      %dma_wait3A_78 = tpu.memref_slice %arg2[%add3A_43, %dma_wait3A_77] : memref<16384x64xf32, #tpu.memory_space<hbm>> -> memref<128x64xf32, #tpu.memory_space<hbm>>
      %dma_wait3A_79 = arith.constant 0 : i32
      %dma_wait3A_80 = arith.constant 0 : i32
      %dma_wait3A_81 = tpu.memref_slice %arg7[%dma_wait3A_79, %dma_wait3A_80] : memref<128x80xf32, #tpu.memory_space<vmem>> -> memref<128x64xf32, #tpu.memory_space<vmem>>
      %dma_wait3A_82 = arith.constant 0 : i32
      %dma_wait3A_83 = tpu.memref_slice %arg2[%add3A_43, %dma_wait3A_82] : memref<16384x64xf32, #tpu.memory_space<hbm>> -> memref<128x64xf32, #tpu.memory_space<hbm>>
      tpu.wait_dma2 semaphore(%run_scoped3A_65 : memref<!tpu.dma_semaphore, #tpu.memory_space<semaphore_mem>>) src(%dma_wait3A_83 : memref<128x64xf32, #tpu.memory_space<hbm>>) dst(%dma_wait3A_81 : memref<128x64xf32, #tpu.memory_space<vmem>>)
      tpu.yield
    }) : () -> ()
    %run_scoped3A_44 = arith.constant 2 : i32
    "tpu.region"() ({
      %run_scoped3A_65 = tpu.sem_alloc : memref<!tpu.dma_semaphore, #tpu.memory_space<semaphore_mem>>
      %dma_start3A = arith.constant 0 : i32
      %dma_start3A_66 = tpu.memref_slice %arg8[%run_scoped3A_44, %dma_start3A] : memref<8x128xi32, #tpu.memory_space<vmem>> -> memref<1x128xi32, #tpu.memory_space<vmem>>
      %dma_start3A_67 = tpu.memref_squeeze %dma_start3A_66 : memref<1x128xi32, #tpu.memory_space<vmem>> -> memref<128xi32, #tpu.memory_space<vmem>>
      %dma_start3A_68 = arith.constant 0 : i32
      %dma_start3A_69 = arith.constant 0 : i32
      %dma_start3A_70 = tpu.memref_slice %arg10[%dma_start3A_68, %dma_start3A_69] : memref<18433x80xf32, #tpu.memory_space<vmem_shared>> -> memref<18433x80xf32, #tpu.memory_space<vmem_shared>>
      tpu.enqueue_indirect_dma source(%arg7 : memref<128x80xf32, #tpu.memory_space<vmem>>) target(%dma_start3A_70 : memref<18433x80xf32, #tpu.memory_space<vmem_shared>>) offsets(%dma_start3A_67 : memref<128xi32, #tpu.memory_space<vmem>>) semaphore(%run_scoped3A_65 : memref<!tpu.dma_semaphore, #tpu.memory_space<semaphore_mem>>) {add = true}
      %dma_wait3A = arith.constant 0 : i32
      %dma_wait3A_71 = tpu.memref_slice %arg8[%run_scoped3A_44, %dma_wait3A] : memref<8x128xi32, #tpu.memory_space<vmem>> -> memref<1x128xi32, #tpu.memory_space<vmem>>
      %dma_wait3A_72 = tpu.memref_squeeze %dma_wait3A_71 : memref<1x128xi32, #tpu.memory_space<vmem>> -> memref<128xi32, #tpu.memory_space<vmem>>
      %dma_wait3A_73 = arith.constant 0 : i32
      %dma_wait3A_74 = arith.constant 0 : i32
      %dma_wait3A_75 = tpu.memref_slice %arg10[%dma_wait3A_73, %dma_wait3A_74] : memref<18433x80xf32, #tpu.memory_space<vmem_shared>> -> memref<18433x80xf32, #tpu.memory_space<vmem_shared>>
      tpu.wait_indirect_dma semaphore(%run_scoped3A_65 : memref<!tpu.dma_semaphore, #tpu.memory_space<semaphore_mem>>) src(%arg7 : memref<128x80xf32, #tpu.memory_space<vmem>>) dst(%dma_wait3A_75 : memref<18433x80xf32, #tpu.memory_space<vmem_shared>>)
      tpu.yield
    }) : () -> ()
    %add3A_45 = arith.constant 384 : i32
    %add3A_46 = arith.addi %multiple_of3A, %add3A_45 : i32
    "tpu.region"() ({
      %run_scoped3A_65 = tpu.sem_alloc : memref<!tpu.dma_semaphore, #tpu.memory_space<semaphore_mem>>
      %dma_start3A = arith.constant 0 : i32
      %dma_start3A_66 = arith.constant 0 : i32
      %dma_start3A_67 = tpu.memref_slice %arg7[%dma_start3A, %dma_start3A_66] : memref<128x80xf32, #tpu.memory_space<vmem>> -> memref<128x64xf32, #tpu.memory_space<vmem>>
      %dma_start3A_68 = arith.constant 0 : i32
      %dma_start3A_69 = tpu.memref_slice %arg2[%add3A_46, %dma_start3A_68] : memref<16384x64xf32, #tpu.memory_space<hbm>> -> memref<128x64xf32, #tpu.memory_space<hbm>>
      %dma_start3A_70 = arith.constant 0 : i32
      %dma_start3A_71 = arith.constant 0 : i32
      %dma_start3A_72 = tpu.memref_slice %arg7[%dma_start3A_70, %dma_start3A_71] : memref<128x80xf32, #tpu.memory_space<vmem>> -> memref<128x64xf32, #tpu.memory_space<vmem>>
      %dma_start3A_73 = arith.constant 0 : i32
      %dma_start3A_74 = tpu.memref_slice %arg2[%add3A_46, %dma_start3A_73] : memref<16384x64xf32, #tpu.memory_space<hbm>> -> memref<128x64xf32, #tpu.memory_space<hbm>>
      tpu.enqueue_dma source(%dma_start3A_74 : memref<128x64xf32, #tpu.memory_space<hbm>>) target(%dma_start3A_72 : memref<128x64xf32, #tpu.memory_space<vmem>>) target_semaphore(%run_scoped3A_65 : memref<!tpu.dma_semaphore, #tpu.memory_space<semaphore_mem>>)
      %dma_wait3A = arith.constant 0 : i32
      %dma_wait3A_75 = arith.constant 0 : i32
      %dma_wait3A_76 = tpu.memref_slice %arg7[%dma_wait3A, %dma_wait3A_75] : memref<128x80xf32, #tpu.memory_space<vmem>> -> memref<128x64xf32, #tpu.memory_space<vmem>>
      %dma_wait3A_77 = arith.constant 0 : i32
      %dma_wait3A_78 = tpu.memref_slice %arg2[%add3A_46, %dma_wait3A_77] : memref<16384x64xf32, #tpu.memory_space<hbm>> -> memref<128x64xf32, #tpu.memory_space<hbm>>
      %dma_wait3A_79 = arith.constant 0 : i32
      %dma_wait3A_80 = arith.constant 0 : i32
      %dma_wait3A_81 = tpu.memref_slice %arg7[%dma_wait3A_79, %dma_wait3A_80] : memref<128x80xf32, #tpu.memory_space<vmem>> -> memref<128x64xf32, #tpu.memory_space<vmem>>
      %dma_wait3A_82 = arith.constant 0 : i32
      %dma_wait3A_83 = tpu.memref_slice %arg2[%add3A_46, %dma_wait3A_82] : memref<16384x64xf32, #tpu.memory_space<hbm>> -> memref<128x64xf32, #tpu.memory_space<hbm>>
      tpu.wait_dma2 semaphore(%run_scoped3A_65 : memref<!tpu.dma_semaphore, #tpu.memory_space<semaphore_mem>>) src(%dma_wait3A_83 : memref<128x64xf32, #tpu.memory_space<hbm>>) dst(%dma_wait3A_81 : memref<128x64xf32, #tpu.memory_space<vmem>>)
      tpu.yield
    }) : () -> ()
    %run_scoped3A_47 = arith.constant 3 : i32
    "tpu.region"() ({
      %run_scoped3A_65 = tpu.sem_alloc : memref<!tpu.dma_semaphore, #tpu.memory_space<semaphore_mem>>
      %dma_start3A = arith.constant 0 : i32
      %dma_start3A_66 = tpu.memref_slice %arg8[%run_scoped3A_47, %dma_start3A] : memref<8x128xi32, #tpu.memory_space<vmem>> -> memref<1x128xi32, #tpu.memory_space<vmem>>
      %dma_start3A_67 = tpu.memref_squeeze %dma_start3A_66 : memref<1x128xi32, #tpu.memory_space<vmem>> -> memref<128xi32, #tpu.memory_space<vmem>>
      %dma_start3A_68 = arith.constant 0 : i32
      %dma_start3A_69 = arith.constant 0 : i32
      %dma_start3A_70 = tpu.memref_slice %arg10[%dma_start3A_68, %dma_start3A_69] : memref<18433x80xf32, #tpu.memory_space<vmem_shared>> -> memref<18433x80xf32, #tpu.memory_space<vmem_shared>>
      tpu.enqueue_indirect_dma source(%arg7 : memref<128x80xf32, #tpu.memory_space<vmem>>) target(%dma_start3A_70 : memref<18433x80xf32, #tpu.memory_space<vmem_shared>>) offsets(%dma_start3A_67 : memref<128xi32, #tpu.memory_space<vmem>>) semaphore(%run_scoped3A_65 : memref<!tpu.dma_semaphore, #tpu.memory_space<semaphore_mem>>) {add = true}
      %dma_wait3A = arith.constant 0 : i32
      %dma_wait3A_71 = tpu.memref_slice %arg8[%run_scoped3A_47, %dma_wait3A] : memref<8x128xi32, #tpu.memory_space<vmem>> -> memref<1x128xi32, #tpu.memory_space<vmem>>
      %dma_wait3A_72 = tpu.memref_squeeze %dma_wait3A_71 : memref<1x128xi32, #tpu.memory_space<vmem>> -> memref<128xi32, #tpu.memory_space<vmem>>
      %dma_wait3A_73 = arith.constant 0 : i32
      %dma_wait3A_74 = arith.constant 0 : i32
      %dma_wait3A_75 = tpu.memref_slice %arg10[%dma_wait3A_73, %dma_wait3A_74] : memref<18433x80xf32, #tpu.memory_space<vmem_shared>> -> memref<18433x80xf32, #tpu.memory_space<vmem_shared>>
      tpu.wait_indirect_dma semaphore(%run_scoped3A_65 : memref<!tpu.dma_semaphore, #tpu.memory_space<semaphore_mem>>) src(%arg7 : memref<128x80xf32, #tpu.memory_space<vmem>>) dst(%dma_wait3A_75 : memref<18433x80xf32, #tpu.memory_space<vmem_shared>>)
      tpu.yield
    }) : () -> ()
    %add3A_48 = arith.constant 512 : i32
    %add3A_49 = arith.addi %multiple_of3A, %add3A_48 : i32
    "tpu.region"() ({
      %run_scoped3A_65 = tpu.sem_alloc : memref<!tpu.dma_semaphore, #tpu.memory_space<semaphore_mem>>
      %dma_start3A = arith.constant 0 : i32
      %dma_start3A_66 = arith.constant 0 : i32
      %dma_start3A_67 = tpu.memref_slice %arg7[%dma_start3A, %dma_start3A_66] : memref<128x80xf32, #tpu.memory_space<vmem>> -> memref<128x64xf32, #tpu.memory_space<vmem>>
      %dma_start3A_68 = arith.constant 0 : i32
      %dma_start3A_69 = tpu.memref_slice %arg2[%add3A_49, %dma_start3A_68] : memref<16384x64xf32, #tpu.memory_space<hbm>> -> memref<128x64xf32, #tpu.memory_space<hbm>>
      %dma_start3A_70 = arith.constant 0 : i32
      %dma_start3A_71 = arith.constant 0 : i32
      %dma_start3A_72 = tpu.memref_slice %arg7[%dma_start3A_70, %dma_start3A_71] : memref<128x80xf32, #tpu.memory_space<vmem>> -> memref<128x64xf32, #tpu.memory_space<vmem>>
      %dma_start3A_73 = arith.constant 0 : i32
      %dma_start3A_74 = tpu.memref_slice %arg2[%add3A_49, %dma_start3A_73] : memref<16384x64xf32, #tpu.memory_space<hbm>> -> memref<128x64xf32, #tpu.memory_space<hbm>>
      tpu.enqueue_dma source(%dma_start3A_74 : memref<128x64xf32, #tpu.memory_space<hbm>>) target(%dma_start3A_72 : memref<128x64xf32, #tpu.memory_space<vmem>>) target_semaphore(%run_scoped3A_65 : memref<!tpu.dma_semaphore, #tpu.memory_space<semaphore_mem>>)
      %dma_wait3A = arith.constant 0 : i32
      %dma_wait3A_75 = arith.constant 0 : i32
      %dma_wait3A_76 = tpu.memref_slice %arg7[%dma_wait3A, %dma_wait3A_75] : memref<128x80xf32, #tpu.memory_space<vmem>> -> memref<128x64xf32, #tpu.memory_space<vmem>>
      %dma_wait3A_77 = arith.constant 0 : i32
      %dma_wait3A_78 = tpu.memref_slice %arg2[%add3A_49, %dma_wait3A_77] : memref<16384x64xf32, #tpu.memory_space<hbm>> -> memref<128x64xf32, #tpu.memory_space<hbm>>
      %dma_wait3A_79 = arith.constant 0 : i32
      %dma_wait3A_80 = arith.constant 0 : i32
      %dma_wait3A_81 = tpu.memref_slice %arg7[%dma_wait3A_79, %dma_wait3A_80] : memref<128x80xf32, #tpu.memory_space<vmem>> -> memref<128x64xf32, #tpu.memory_space<vmem>>
      %dma_wait3A_82 = arith.constant 0 : i32
      %dma_wait3A_83 = tpu.memref_slice %arg2[%add3A_49, %dma_wait3A_82] : memref<16384x64xf32, #tpu.memory_space<hbm>> -> memref<128x64xf32, #tpu.memory_space<hbm>>
      tpu.wait_dma2 semaphore(%run_scoped3A_65 : memref<!tpu.dma_semaphore, #tpu.memory_space<semaphore_mem>>) src(%dma_wait3A_83 : memref<128x64xf32, #tpu.memory_space<hbm>>) dst(%dma_wait3A_81 : memref<128x64xf32, #tpu.memory_space<vmem>>)
      tpu.yield
    }) : () -> ()
    %run_scoped3A_50 = arith.constant 4 : i32
    "tpu.region"() ({
      %run_scoped3A_65 = tpu.sem_alloc : memref<!tpu.dma_semaphore, #tpu.memory_space<semaphore_mem>>
      %dma_start3A = arith.constant 0 : i32
      %dma_start3A_66 = tpu.memref_slice %arg8[%run_scoped3A_50, %dma_start3A] : memref<8x128xi32, #tpu.memory_space<vmem>> -> memref<1x128xi32, #tpu.memory_space<vmem>>
      %dma_start3A_67 = tpu.memref_squeeze %dma_start3A_66 : memref<1x128xi32, #tpu.memory_space<vmem>> -> memref<128xi32, #tpu.memory_space<vmem>>
      %dma_start3A_68 = arith.constant 0 : i32
      %dma_start3A_69 = arith.constant 0 : i32
      %dma_start3A_70 = tpu.memref_slice %arg10[%dma_start3A_68, %dma_start3A_69] : memref<18433x80xf32, #tpu.memory_space<vmem_shared>> -> memref<18433x80xf32, #tpu.memory_space<vmem_shared>>
      tpu.enqueue_indirect_dma source(%arg7 : memref<128x80xf32, #tpu.memory_space<vmem>>) target(%dma_start3A_70 : memref<18433x80xf32, #tpu.memory_space<vmem_shared>>) offsets(%dma_start3A_67 : memref<128xi32, #tpu.memory_space<vmem>>) semaphore(%run_scoped3A_65 : memref<!tpu.dma_semaphore, #tpu.memory_space<semaphore_mem>>) {add = true}
      %dma_wait3A = arith.constant 0 : i32
      %dma_wait3A_71 = tpu.memref_slice %arg8[%run_scoped3A_50, %dma_wait3A] : memref<8x128xi32, #tpu.memory_space<vmem>> -> memref<1x128xi32, #tpu.memory_space<vmem>>
      %dma_wait3A_72 = tpu.memref_squeeze %dma_wait3A_71 : memref<1x128xi32, #tpu.memory_space<vmem>> -> memref<128xi32, #tpu.memory_space<vmem>>
      %dma_wait3A_73 = arith.constant 0 : i32
      %dma_wait3A_74 = arith.constant 0 : i32
      %dma_wait3A_75 = tpu.memref_slice %arg10[%dma_wait3A_73, %dma_wait3A_74] : memref<18433x80xf32, #tpu.memory_space<vmem_shared>> -> memref<18433x80xf32, #tpu.memory_space<vmem_shared>>
      tpu.wait_indirect_dma semaphore(%run_scoped3A_65 : memref<!tpu.dma_semaphore, #tpu.memory_space<semaphore_mem>>) src(%arg7 : memref<128x80xf32, #tpu.memory_space<vmem>>) dst(%dma_wait3A_75 : memref<18433x80xf32, #tpu.memory_space<vmem_shared>>)
      tpu.yield
    }) : () -> ()
    %add3A_51 = arith.constant 640 : i32
    %add3A_52 = arith.addi %multiple_of3A, %add3A_51 : i32
    "tpu.region"() ({
      %run_scoped3A_65 = tpu.sem_alloc : memref<!tpu.dma_semaphore, #tpu.memory_space<semaphore_mem>>
      %dma_start3A = arith.constant 0 : i32
      %dma_start3A_66 = arith.constant 0 : i32
      %dma_start3A_67 = tpu.memref_slice %arg7[%dma_start3A, %dma_start3A_66] : memref<128x80xf32, #tpu.memory_space<vmem>> -> memref<128x64xf32, #tpu.memory_space<vmem>>
      %dma_start3A_68 = arith.constant 0 : i32
      %dma_start3A_69 = tpu.memref_slice %arg2[%add3A_52, %dma_start3A_68] : memref<16384x64xf32, #tpu.memory_space<hbm>> -> memref<128x64xf32, #tpu.memory_space<hbm>>
      %dma_start3A_70 = arith.constant 0 : i32
      %dma_start3A_71 = arith.constant 0 : i32
      %dma_start3A_72 = tpu.memref_slice %arg7[%dma_start3A_70, %dma_start3A_71] : memref<128x80xf32, #tpu.memory_space<vmem>> -> memref<128x64xf32, #tpu.memory_space<vmem>>
      %dma_start3A_73 = arith.constant 0 : i32
      %dma_start3A_74 = tpu.memref_slice %arg2[%add3A_52, %dma_start3A_73] : memref<16384x64xf32, #tpu.memory_space<hbm>> -> memref<128x64xf32, #tpu.memory_space<hbm>>
      tpu.enqueue_dma source(%dma_start3A_74 : memref<128x64xf32, #tpu.memory_space<hbm>>) target(%dma_start3A_72 : memref<128x64xf32, #tpu.memory_space<vmem>>) target_semaphore(%run_scoped3A_65 : memref<!tpu.dma_semaphore, #tpu.memory_space<semaphore_mem>>)
      %dma_wait3A = arith.constant 0 : i32
      %dma_wait3A_75 = arith.constant 0 : i32
      %dma_wait3A_76 = tpu.memref_slice %arg7[%dma_wait3A, %dma_wait3A_75] : memref<128x80xf32, #tpu.memory_space<vmem>> -> memref<128x64xf32, #tpu.memory_space<vmem>>
      %dma_wait3A_77 = arith.constant 0 : i32
      %dma_wait3A_78 = tpu.memref_slice %arg2[%add3A_52, %dma_wait3A_77] : memref<16384x64xf32, #tpu.memory_space<hbm>> -> memref<128x64xf32, #tpu.memory_space<hbm>>
      %dma_wait3A_79 = arith.constant 0 : i32
      %dma_wait3A_80 = arith.constant 0 : i32
      %dma_wait3A_81 = tpu.memref_slice %arg7[%dma_wait3A_79, %dma_wait3A_80] : memref<128x80xf32, #tpu.memory_space<vmem>> -> memref<128x64xf32, #tpu.memory_space<vmem>>
      %dma_wait3A_82 = arith.constant 0 : i32
      %dma_wait3A_83 = tpu.memref_slice %arg2[%add3A_52, %dma_wait3A_82] : memref<16384x64xf32, #tpu.memory_space<hbm>> -> memref<128x64xf32, #tpu.memory_space<hbm>>
      tpu.wait_dma2 semaphore(%run_scoped3A_65 : memref<!tpu.dma_semaphore, #tpu.memory_space<semaphore_mem>>) src(%dma_wait3A_83 : memref<128x64xf32, #tpu.memory_space<hbm>>) dst(%dma_wait3A_81 : memref<128x64xf32, #tpu.memory_space<vmem>>)
      tpu.yield
    }) : () -> ()
    %run_scoped3A_53 = arith.constant 5 : i32
    "tpu.region"() ({
      %run_scoped3A_65 = tpu.sem_alloc : memref<!tpu.dma_semaphore, #tpu.memory_space<semaphore_mem>>
      %dma_start3A = arith.constant 0 : i32
      %dma_start3A_66 = tpu.memref_slice %arg8[%run_scoped3A_53, %dma_start3A] : memref<8x128xi32, #tpu.memory_space<vmem>> -> memref<1x128xi32, #tpu.memory_space<vmem>>
      %dma_start3A_67 = tpu.memref_squeeze %dma_start3A_66 : memref<1x128xi32, #tpu.memory_space<vmem>> -> memref<128xi32, #tpu.memory_space<vmem>>
      %dma_start3A_68 = arith.constant 0 : i32
      %dma_start3A_69 = arith.constant 0 : i32
      %dma_start3A_70 = tpu.memref_slice %arg10[%dma_start3A_68, %dma_start3A_69] : memref<18433x80xf32, #tpu.memory_space<vmem_shared>> -> memref<18433x80xf32, #tpu.memory_space<vmem_shared>>
      tpu.enqueue_indirect_dma source(%arg7 : memref<128x80xf32, #tpu.memory_space<vmem>>) target(%dma_start3A_70 : memref<18433x80xf32, #tpu.memory_space<vmem_shared>>) offsets(%dma_start3A_67 : memref<128xi32, #tpu.memory_space<vmem>>) semaphore(%run_scoped3A_65 : memref<!tpu.dma_semaphore, #tpu.memory_space<semaphore_mem>>) {add = true}
      %dma_wait3A = arith.constant 0 : i32
      %dma_wait3A_71 = tpu.memref_slice %arg8[%run_scoped3A_53, %dma_wait3A] : memref<8x128xi32, #tpu.memory_space<vmem>> -> memref<1x128xi32, #tpu.memory_space<vmem>>
      %dma_wait3A_72 = tpu.memref_squeeze %dma_wait3A_71 : memref<1x128xi32, #tpu.memory_space<vmem>> -> memref<128xi32, #tpu.memory_space<vmem>>
      %dma_wait3A_73 = arith.constant 0 : i32
      %dma_wait3A_74 = arith.constant 0 : i32
      %dma_wait3A_75 = tpu.memref_slice %arg10[%dma_wait3A_73, %dma_wait3A_74] : memref<18433x80xf32, #tpu.memory_space<vmem_shared>> -> memref<18433x80xf32, #tpu.memory_space<vmem_shared>>
      tpu.wait_indirect_dma semaphore(%run_scoped3A_65 : memref<!tpu.dma_semaphore, #tpu.memory_space<semaphore_mem>>) src(%arg7 : memref<128x80xf32, #tpu.memory_space<vmem>>) dst(%dma_wait3A_75 : memref<18433x80xf32, #tpu.memory_space<vmem_shared>>)
      tpu.yield
    }) : () -> ()
    %add3A_54 = arith.constant 768 : i32
    %add3A_55 = arith.addi %multiple_of3A, %add3A_54 : i32
    "tpu.region"() ({
      %run_scoped3A_65 = tpu.sem_alloc : memref<!tpu.dma_semaphore, #tpu.memory_space<semaphore_mem>>
      %dma_start3A = arith.constant 0 : i32
      %dma_start3A_66 = arith.constant 0 : i32
      %dma_start3A_67 = tpu.memref_slice %arg7[%dma_start3A, %dma_start3A_66] : memref<128x80xf32, #tpu.memory_space<vmem>> -> memref<128x64xf32, #tpu.memory_space<vmem>>
      %dma_start3A_68 = arith.constant 0 : i32
      %dma_start3A_69 = tpu.memref_slice %arg2[%add3A_55, %dma_start3A_68] : memref<16384x64xf32, #tpu.memory_space<hbm>> -> memref<128x64xf32, #tpu.memory_space<hbm>>
      %dma_start3A_70 = arith.constant 0 : i32
      %dma_start3A_71 = arith.constant 0 : i32
      %dma_start3A_72 = tpu.memref_slice %arg7[%dma_start3A_70, %dma_start3A_71] : memref<128x80xf32, #tpu.memory_space<vmem>> -> memref<128x64xf32, #tpu.memory_space<vmem>>
      %dma_start3A_73 = arith.constant 0 : i32
      %dma_start3A_74 = tpu.memref_slice %arg2[%add3A_55, %dma_start3A_73] : memref<16384x64xf32, #tpu.memory_space<hbm>> -> memref<128x64xf32, #tpu.memory_space<hbm>>
      tpu.enqueue_dma source(%dma_start3A_74 : memref<128x64xf32, #tpu.memory_space<hbm>>) target(%dma_start3A_72 : memref<128x64xf32, #tpu.memory_space<vmem>>) target_semaphore(%run_scoped3A_65 : memref<!tpu.dma_semaphore, #tpu.memory_space<semaphore_mem>>)
      %dma_wait3A = arith.constant 0 : i32
      %dma_wait3A_75 = arith.constant 0 : i32
      %dma_wait3A_76 = tpu.memref_slice %arg7[%dma_wait3A, %dma_wait3A_75] : memref<128x80xf32, #tpu.memory_space<vmem>> -> memref<128x64xf32, #tpu.memory_space<vmem>>
      %dma_wait3A_77 = arith.constant 0 : i32
      %dma_wait3A_78 = tpu.memref_slice %arg2[%add3A_55, %dma_wait3A_77] : memref<16384x64xf32, #tpu.memory_space<hbm>> -> memref<128x64xf32, #tpu.memory_space<hbm>>
      %dma_wait3A_79 = arith.constant 0 : i32
      %dma_wait3A_80 = arith.constant 0 : i32
      %dma_wait3A_81 = tpu.memref_slice %arg7[%dma_wait3A_79, %dma_wait3A_80] : memref<128x80xf32, #tpu.memory_space<vmem>> -> memref<128x64xf32, #tpu.memory_space<vmem>>
      %dma_wait3A_82 = arith.constant 0 : i32
      %dma_wait3A_83 = tpu.memref_slice %arg2[%add3A_55, %dma_wait3A_82] : memref<16384x64xf32, #tpu.memory_space<hbm>> -> memref<128x64xf32, #tpu.memory_space<hbm>>
      tpu.wait_dma2 semaphore(%run_scoped3A_65 : memref<!tpu.dma_semaphore, #tpu.memory_space<semaphore_mem>>) src(%dma_wait3A_83 : memref<128x64xf32, #tpu.memory_space<hbm>>) dst(%dma_wait3A_81 : memref<128x64xf32, #tpu.memory_space<vmem>>)
      tpu.yield
    }) : () -> ()
    %run_scoped3A_56 = arith.constant 6 : i32
    "tpu.region"() ({
      %run_scoped3A_65 = tpu.sem_alloc : memref<!tpu.dma_semaphore, #tpu.memory_space<semaphore_mem>>
      %dma_start3A = arith.constant 0 : i32
      %dma_start3A_66 = tpu.memref_slice %arg8[%run_scoped3A_56, %dma_start3A] : memref<8x128xi32, #tpu.memory_space<vmem>> -> memref<1x128xi32, #tpu.memory_space<vmem>>
      %dma_start3A_67 = tpu.memref_squeeze %dma_start3A_66 : memref<1x128xi32, #tpu.memory_space<vmem>> -> memref<128xi32, #tpu.memory_space<vmem>>
      %dma_start3A_68 = arith.constant 0 : i32
      %dma_start3A_69 = arith.constant 0 : i32
      %dma_start3A_70 = tpu.memref_slice %arg10[%dma_start3A_68, %dma_start3A_69] : memref<18433x80xf32, #tpu.memory_space<vmem_shared>> -> memref<18433x80xf32, #tpu.memory_space<vmem_shared>>
      tpu.enqueue_indirect_dma source(%arg7 : memref<128x80xf32, #tpu.memory_space<vmem>>) target(%dma_start3A_70 : memref<18433x80xf32, #tpu.memory_space<vmem_shared>>) offsets(%dma_start3A_67 : memref<128xi32, #tpu.memory_space<vmem>>) semaphore(%run_scoped3A_65 : memref<!tpu.dma_semaphore, #tpu.memory_space<semaphore_mem>>) {add = true}
      %dma_wait3A = arith.constant 0 : i32
      %dma_wait3A_71 = tpu.memref_slice %arg8[%run_scoped3A_56, %dma_wait3A] : memref<8x128xi32, #tpu.memory_space<vmem>> -> memref<1x128xi32, #tpu.memory_space<vmem>>
      %dma_wait3A_72 = tpu.memref_squeeze %dma_wait3A_71 : memref<1x128xi32, #tpu.memory_space<vmem>> -> memref<128xi32, #tpu.memory_space<vmem>>
      %dma_wait3A_73 = arith.constant 0 : i32
      %dma_wait3A_74 = arith.constant 0 : i32
      %dma_wait3A_75 = tpu.memref_slice %arg10[%dma_wait3A_73, %dma_wait3A_74] : memref<18433x80xf32, #tpu.memory_space<vmem_shared>> -> memref<18433x80xf32, #tpu.memory_space<vmem_shared>>
      tpu.wait_indirect_dma semaphore(%run_scoped3A_65 : memref<!tpu.dma_semaphore, #tpu.memory_space<semaphore_mem>>) src(%arg7 : memref<128x80xf32, #tpu.memory_space<vmem>>) dst(%dma_wait3A_75 : memref<18433x80xf32, #tpu.memory_space<vmem_shared>>)
      tpu.yield
    }) : () -> ()
    %add3A_57 = arith.constant 896 : i32
    %add3A_58 = arith.addi %multiple_of3A, %add3A_57 : i32
    "tpu.region"() ({
      %run_scoped3A_65 = tpu.sem_alloc : memref<!tpu.dma_semaphore, #tpu.memory_space<semaphore_mem>>
      %dma_start3A = arith.constant 0 : i32
      %dma_start3A_66 = arith.constant 0 : i32
      %dma_start3A_67 = tpu.memref_slice %arg7[%dma_start3A, %dma_start3A_66] : memref<128x80xf32, #tpu.memory_space<vmem>> -> memref<128x64xf32, #tpu.memory_space<vmem>>
      %dma_start3A_68 = arith.constant 0 : i32
      %dma_start3A_69 = tpu.memref_slice %arg2[%add3A_58, %dma_start3A_68] : memref<16384x64xf32, #tpu.memory_space<hbm>> -> memref<128x64xf32, #tpu.memory_space<hbm>>
      %dma_start3A_70 = arith.constant 0 : i32
      %dma_start3A_71 = arith.constant 0 : i32
      %dma_start3A_72 = tpu.memref_slice %arg7[%dma_start3A_70, %dma_start3A_71] : memref<128x80xf32, #tpu.memory_space<vmem>> -> memref<128x64xf32, #tpu.memory_space<vmem>>
      %dma_start3A_73 = arith.constant 0 : i32
      %dma_start3A_74 = tpu.memref_slice %arg2[%add3A_58, %dma_start3A_73] : memref<16384x64xf32, #tpu.memory_space<hbm>> -> memref<128x64xf32, #tpu.memory_space<hbm>>
      tpu.enqueue_dma source(%dma_start3A_74 : memref<128x64xf32, #tpu.memory_space<hbm>>) target(%dma_start3A_72 : memref<128x64xf32, #tpu.memory_space<vmem>>) target_semaphore(%run_scoped3A_65 : memref<!tpu.dma_semaphore, #tpu.memory_space<semaphore_mem>>)
      %dma_wait3A = arith.constant 0 : i32
      %dma_wait3A_75 = arith.constant 0 : i32
      %dma_wait3A_76 = tpu.memref_slice %arg7[%dma_wait3A, %dma_wait3A_75] : memref<128x80xf32, #tpu.memory_space<vmem>> -> memref<128x64xf32, #tpu.memory_space<vmem>>
      %dma_wait3A_77 = arith.constant 0 : i32
      %dma_wait3A_78 = tpu.memref_slice %arg2[%add3A_58, %dma_wait3A_77] : memref<16384x64xf32, #tpu.memory_space<hbm>> -> memref<128x64xf32, #tpu.memory_space<hbm>>
      %dma_wait3A_79 = arith.constant 0 : i32
      %dma_wait3A_80 = arith.constant 0 : i32
      %dma_wait3A_81 = tpu.memref_slice %arg7[%dma_wait3A_79, %dma_wait3A_80] : memref<128x80xf32, #tpu.memory_space<vmem>> -> memref<128x64xf32, #tpu.memory_space<vmem>>
      %dma_wait3A_82 = arith.constant 0 : i32
      %dma_wait3A_83 = tpu.memref_slice %arg2[%add3A_58, %dma_wait3A_82] : memref<16384x64xf32, #tpu.memory_space<hbm>> -> memref<128x64xf32, #tpu.memory_space<hbm>>
      tpu.wait_dma2 semaphore(%run_scoped3A_65 : memref<!tpu.dma_semaphore, #tpu.memory_space<semaphore_mem>>) src(%dma_wait3A_83 : memref<128x64xf32, #tpu.memory_space<hbm>>) dst(%dma_wait3A_81 : memref<128x64xf32, #tpu.memory_space<vmem>>)
      tpu.yield
    }) : () -> ()
    %run_scoped3A_59 = arith.constant 7 : i32
    "tpu.region"() ({
      %run_scoped3A_65 = tpu.sem_alloc : memref<!tpu.dma_semaphore, #tpu.memory_space<semaphore_mem>>
      %dma_start3A = arith.constant 0 : i32
      %dma_start3A_66 = tpu.memref_slice %arg8[%run_scoped3A_59, %dma_start3A] : memref<8x128xi32, #tpu.memory_space<vmem>> -> memref<1x128xi32, #tpu.memory_space<vmem>>
      %dma_start3A_67 = tpu.memref_squeeze %dma_start3A_66 : memref<1x128xi32, #tpu.memory_space<vmem>> -> memref<128xi32, #tpu.memory_space<vmem>>
      %dma_start3A_68 = arith.constant 0 : i32
      %dma_start3A_69 = arith.constant 0 : i32
      %dma_start3A_70 = tpu.memref_slice %arg10[%dma_start3A_68, %dma_start3A_69] : memref<18433x80xf32, #tpu.memory_space<vmem_shared>> -> memref<18433x80xf32, #tpu.memory_space<vmem_shared>>
      tpu.enqueue_indirect_dma source(%arg7 : memref<128x80xf32, #tpu.memory_space<vmem>>) target(%dma_start3A_70 : memref<18433x80xf32, #tpu.memory_space<vmem_shared>>) offsets(%dma_start3A_67 : memref<128xi32, #tpu.memory_space<vmem>>) semaphore(%run_scoped3A_65 : memref<!tpu.dma_semaphore, #tpu.memory_space<semaphore_mem>>) {add = true}
      %dma_wait3A = arith.constant 0 : i32
      %dma_wait3A_71 = tpu.memref_slice %arg8[%run_scoped3A_59, %dma_wait3A] : memref<8x128xi32, #tpu.memory_space<vmem>> -> memref<1x128xi32, #tpu.memory_space<vmem>>
      %dma_wait3A_72 = tpu.memref_squeeze %dma_wait3A_71 : memref<1x128xi32, #tpu.memory_space<vmem>> -> memref<128xi32, #tpu.memory_space<vmem>>
      %dma_wait3A_73 = arith.constant 0 : i32
      %dma_wait3A_74 = arith.constant 0 : i32
      %dma_wait3A_75 = tpu.memref_slice %arg10[%dma_wait3A_73, %dma_wait3A_74] : memref<18433x80xf32, #tpu.memory_space<vmem_shared>> -> memref<18433x80xf32, #tpu.memory_space<vmem_shared>>
      tpu.wait_indirect_dma semaphore(%run_scoped3A_65 : memref<!tpu.dma_semaphore, #tpu.memory_space<semaphore_mem>>) src(%arg7 : memref<128x80xf32, #tpu.memory_space<vmem>>) dst(%dma_wait3A_75 : memref<18433x80xf32, #tpu.memory_space<vmem_shared>>)
      tpu.yield
    }) : () -> ()
    %barrier3A_60 = arith.constant 0 : index
    tpu.barrier barrier_id(%barrier3A_60)
    %mul3A_61 = arith.constant 18432 : i32
    %mul3A_62 = arith.muli %arg0, %mul3A_61 : i32
    %add3A_63 = arith.addi %mul3A_62, %multiple_of3A_12 : i32
    %multiple_of3A_64 = tpu.assume_multiple %add3A_63, 8 : i32
    "tpu.region"() ({
      %run_scoped3A_65 = tpu.sem_alloc : memref<!tpu.dma_semaphore, #tpu.memory_space<semaphore_mem>>
      %dma_start3A = arith.constant 0 : i32
      %dma_start3A_66 = tpu.memref_slice %arg5[%multiple_of3A_64, %dma_start3A] : memref<36864x128xf32, #tpu.memory_space<hbm>> -> memref<1152x80xf32, #tpu.memory_space<hbm>>
      %dma_start3A_67 = arith.constant 0 : i32
      %dma_start3A_68 = tpu.memref_slice %arg10[%multiple_of3A_12, %dma_start3A_67] : memref<18433x80xf32, #tpu.memory_space<vmem_shared>> -> memref<1152x80xf32, #tpu.memory_space<vmem_shared>>
      tpu.enqueue_dma source(%dma_start3A_68 : memref<1152x80xf32, #tpu.memory_space<vmem_shared>>) target(%dma_start3A_66 : memref<1152x80xf32, #tpu.memory_space<hbm>>) target_semaphore(%run_scoped3A_65 : memref<!tpu.dma_semaphore, #tpu.memory_space<semaphore_mem>>)
      %dma_wait3A = arith.constant 0 : i32
      %dma_wait3A_69 = tpu.memref_slice %arg5[%multiple_of3A_64, %dma_wait3A] : memref<36864x128xf32, #tpu.memory_space<hbm>> -> memref<1152x80xf32, #tpu.memory_space<hbm>>
      %dma_wait3A_70 = arith.constant 0 : i32
      %dma_wait3A_71 = tpu.memref_slice %arg10[%multiple_of3A_12, %dma_wait3A_70] : memref<18433x80xf32, #tpu.memory_space<vmem_shared>> -> memref<1152x80xf32, #tpu.memory_space<vmem_shared>>
      tpu.wait_dma2 semaphore(%run_scoped3A_65 : memref<!tpu.dma_semaphore, #tpu.memory_space<semaphore_mem>>) src(%dma_wait3A_71 : memref<1152x80xf32, #tpu.memory_space<vmem_shared>>) dst(%dma_wait3A_69 : memref<1152x80xf32, #tpu.memory_space<hbm>>)
      tpu.yield
    }) : () -> ()
    return
  }
}

module attributes {stable_mosaic.version = 14 : i64} {
  func.func @_tc_body(%arg0: i32, %arg1: memref<64x2048xf32, #tpu.memory_space<vmem>>, %arg2: memref<2048x128xf32, #tpu.memory_space<vmem>>, %arg3: memref<32x16xf32, #tpu.memory_space<vmem>>, %arg4: memref<64x2048xf32, #tpu.memory_space<vmem>>, %arg5: memref<1x1xf32, #tpu.memory_space<vmem>>) attributes {dimension_semantics = [#tpu.dimension_semantics<arbitrary>], iteration_bounds = array<i64: 17>, scalar_prefetch = 0 : i64, scratch_operands = 0 : i64, tpu.core_type = #tpu.core_type<tc>, window_params = [{transform_indices = @transform_0, window_bounds = array<i64: 64, 2048>}, {transform_indices = @transform_1, window_bounds = array<i64: 2048, 128>}, {pipeline_mode = #tpu.pipeline_mode<synchronous>, transform_indices = @transform_2, window_bounds = array<i64: 32, 16>}, {transform_indices = @transform_3, window_bounds = array<i64: 64, 2048>}, {pipeline_mode = #tpu.pipeline_mode<synchronous>, transform_indices = @transform_4, window_bounds = array<i64: 1, 1>}]} {
    %ge3A = arith.constant 9 : i32
    %ge3A_0 = arith.cmpi sge, %arg0, %ge3A : i32
    %jit3A = arith.constant 1 : i32
    %jit3A_1 = arith.constant 0 : i32
    %select_n3A = arith.select %ge3A_0, %jit3A, %jit3A_1 : i32
    %mul3A = arith.constant 9 : i32
    %mul3A_2 = arith.muli %select_n3A, %mul3A : i32
    %sub3A = arith.subi %arg0, %mul3A_2 : i32
    %mul3A_3 = arith.constant 3 : i32
    %mul3A_4 = arith.muli %mul3A_3, %sub3A : i32
    %add3A = arith.constant 0 : i32
    %add3A_5 = arith.addi %mul3A_4, %add3A : i32
    %mul3A_6 = arith.constant 2 : i32
    %mul3A_7 = arith.muli %mul3A_6, %add3A_5 : i32
    %add3A_8 = arith.addi %mul3A_7, %select_n3A : i32
    %get3A = arith.constant 0 : index
    %get3A_9 = arith.constant 0 : index
    %get3A_10 = vector.load %arg2[%get3A, %get3A_9] : memref<2048x128xf32, #tpu.memory_space<vmem>>, vector<2048x128xf32>
    %transpose3A = tpu.transpose %get3A_10, [1, 0] : vector<2048x128xf32> -> vector<128x2048xf32>
    %slice3A = vector.extract_strided_slice %transpose3A {offsets = [0, 0], sizes = [64, 2048], strides = [1, 1]} : vector<128x2048xf32> to vector<64x2048xf32>
    %slice3A_11 = vector.extract_strided_slice %transpose3A {offsets = [64, 0], sizes = [1, 2048], strides = [1, 1]} : vector<128x2048xf32> to vector<1x2048xf32>
    %get3A_12 = arith.constant 0 : index
    %get3A_13 = arith.constant 0 : index
    %get3A_14 = vector.load %arg1[%get3A_12, %get3A_13] : memref<64x2048xf32, #tpu.memory_space<vmem>>, vector<64x2048xf32>
    %mul3A_15 = vector.broadcast %slice3A_11 : vector<1x2048xf32> to vector<64x2048xf32>
    %mul3A_16 = arith.mulf %mul3A_15, %get3A_14 : vector<64x2048xf32>
    %sub3A_17 = arith.subf %mul3A_16, %slice3A : vector<64x2048xf32>
    %add3A_18 = arith.constant 1.000000e+00 : f32
    %add3A_19 = vector.broadcast %add3A_18 : f32 to vector<1x2048xf32>
    %add3A_20 = arith.addf %slice3A_11, %add3A_19 : vector<1x2048xf32>
    %div3A = vector.broadcast %add3A_20 : vector<1x2048xf32> to vector<64x2048xf32>
    %div3A_21 = arith.divf %sub3A_17, %div3A : vector<64x2048xf32>
    %sub3A_22 = arith.subf %get3A_14, %div3A_21 : vector<64x2048xf32>
    %swap3A = arith.constant 0 : index
    %swap3A_23 = arith.constant 0 : index
    %swap3A_24 = vector.load %arg4[%swap3A, %swap3A_23] : memref<64x2048xf32, #tpu.memory_space<vmem>>, vector<64x2048xf32>
    tpu.vector_store %arg4[%swap3A, %swap3A_23], %sub3A_22 {strides = array<i32>} : memref<64x2048xf32, #tpu.memory_space<vmem>>, vector<64x2048xf32>,
    %mul3A_25 = arith.constant 2048 : i32
    %mul3A_26 = arith.muli %add3A_8, %mul3A_25 : i32
    %iota3A = tpu.iota {dimensions = array<i32: 1>} : vector<64x2048xi32>
    %add3A_27 = vector.broadcast %mul3A_26 : i32 to vector<64x2048xi32>
    %add3A_28 = arith.addi %add3A_27, %iota3A : vector<64x2048xi32>
    %lt3A = arith.constant 100000 : i32
    %lt3A_29 = vector.broadcast %lt3A : i32 to vector<64x2048xi32>
    %lt3A_30 = arith.cmpi slt, %add3A_28, %lt3A_29 : vector<64x2048xi32>
    %mul3A_31 = vector.broadcast %slice3A_11 : vector<1x2048xf32> to vector<64x2048xf32>
    %mul3A_32 = arith.mulf %mul3A_31, %get3A_14 : vector<64x2048xf32>
    %mul3A_33 = arith.constant 2.000000e+00 : f32
    %mul3A_34 = vector.broadcast %mul3A_33 : f32 to vector<64x2048xf32>
    %mul3A_35 = arith.mulf %mul3A_34, %slice3A : vector<64x2048xf32>
    %sub3A_36 = arith.subf %mul3A_32, %mul3A_35 : vector<64x2048xf32>
    %mul3A_37 = arith.mulf %sub3A_36, %get3A_14 : vector<64x2048xf32>
    %jit3A_38 = arith.constant 0.000000e+00 : f32
    %broadcast_in_dim3A = vector.broadcast %jit3A_38 : f32 to vector<64x2048xf32>
    %select_n3A_39 = arith.select %lt3A_30, %mul3A_37, %broadcast_in_dim3A : vector<64x2048xi1>, vector<64x2048xf32>
    %reduce_sum3A = vector.shape_cast %select_n3A_39 : vector<64x2048xf32> to vector<1x64x2048xf32>
    %reduce_sum3A_40 = arith.constant dense<0.000000e+00> : vector<1xf32>
    %reduce_sum3A_41 = vector.multi_reduction <add>, %reduce_sum3A, %reduce_sum3A_40 [1, 2] : vector<1x64x2048xf32> to vector<1xf32>
    %reduce_sum3A_42 = vector.shape_cast %reduce_sum3A_41 : vector<1xf32> to vector<1x1x1xf32>
    %reduce_sum3A_43 = vector.extract %reduce_sum3A_42[0, 0, 0] : f32 from vector<1x1x1xf32>
    %eq3A = arith.constant 0 : i32
    %eq3A_44 = arith.cmpi eq, %arg0, %eq3A : i32
    %convert_element_type3A = arith.extui %eq3A_44 : i1 to i32
    %cond3A = arith.constant 0 : i32
    %cond3A_45 = arith.cmpi ne, %convert_element_type3A, %cond3A : i32
    scf.if %cond3A_45 {
      %get3A_53 = arith.constant 0 : index
      %get3A_54 = arith.constant 0 : index
      %get3A_55 = vector.load %arg3[%get3A_53, %get3A_54] : memref<32x16xf32, #tpu.memory_space<vmem>>, vector<32x16xf32>
      %reduce_sum3A_56 = vector.shape_cast %get3A_55 : vector<32x16xf32> to vector<1x32x16xf32>
      %reduce_sum3A_57 = arith.constant dense<0.000000e+00> : vector<1xf32>
      %reduce_sum3A_58 = vector.multi_reduction <add>, %reduce_sum3A_56, %reduce_sum3A_57 [1, 2] : vector<1x32x16xf32> to vector<1xf32>
      %reduce_sum3A_59 = vector.shape_cast %reduce_sum3A_58 : vector<1xf32> to vector<1x1x1xf32>
      %reduce_sum3A_60 = vector.extract %reduce_sum3A_59[0, 0, 0] : f32 from vector<1x1x1xf32>
      %mul3A_61 = arith.constant 5.000000e-01 : f32
      %mul3A_62 = arith.mulf %reduce_sum3A_60, %mul3A_61 : f32
      %reshape3A_63 = vector.broadcast %mul3A_62 : f32 to vector<1x1xf32>
      %swap3A_64 = arith.constant 0 : index
      %swap3A_65 = arith.constant 0 : index
      %swap3A_66 = vector.load %arg5[%swap3A_64, %swap3A_65] : memref<1x1xf32, #tpu.memory_space<vmem>>, vector<1x1xf32>
      tpu.vector_store %arg5[%swap3A_64, %swap3A_65], %reshape3A_63 {strides = array<i32>} : memref<1x1xf32, #tpu.memory_space<vmem>>, vector<1x1xf32>,
    } else {
    }
    %get3A_46 = arith.constant 0 : index
    %get3A_47 = arith.constant 0 : index
    %get3A_48 = vector.load %arg5[%get3A_46, %get3A_47] : memref<1x1xf32, #tpu.memory_space<vmem>>, vector<1x1xf32>
    %reshape3A = vector.broadcast %reduce_sum3A_43 : f32 to vector<1x1xf32>
    %add3A_49 = arith.addf %get3A_48, %reshape3A : vector<1x1xf32>
    %swap3A_50 = arith.constant 0 : index
    %swap3A_51 = arith.constant 0 : index
    %swap3A_52 = vector.load %arg5[%swap3A_50, %swap3A_51] : memref<1x1xf32, #tpu.memory_space<vmem>>, vector<1x1xf32>
    tpu.vector_store %arg5[%swap3A_50, %swap3A_51], %add3A_49 {strides = array<i32>} : memref<1x1xf32, #tpu.memory_space<vmem>>, vector<1x1xf32>,
    return
  }
  func.func @transform_0(%arg0: i32) -> (i32, i32) {
    %ge3A = arith.constant 9 : i32
    %ge3A_0 = arith.cmpi sge, %arg0, %ge3A : i32
    %jit3A = arith.constant 1 : i32
    %jit3A_1 = arith.constant 0 : i32
    %select_n3A = arith.select %ge3A_0, %jit3A, %jit3A_1 : i32
    %mul3A = arith.constant 9 : i32
    %mul3A_2 = arith.muli %select_n3A, %mul3A : i32
    %sub3A = arith.subi %arg0, %mul3A_2 : i32
    %mul3A_3 = arith.constant 3 : i32
    %mul3A_4 = arith.muli %mul3A_3, %sub3A : i32
    %add3A = arith.constant 0 : i32
    %add3A_5 = arith.addi %mul3A_4, %add3A : i32
    %mul3A_6 = arith.constant 2 : i32
    %mul3A_7 = arith.muli %mul3A_6, %add3A_5 : i32
    %add3A_8 = arith.addi %mul3A_7, %select_n3A : i32
    %c0_i32 = arith.constant 0 : i32
    %c0_i32_9 = arith.constant 0 : i32
    return %c0_i32, %add3A_8 : i32, i32
  }
  func.func @transform_1(%arg0: i32) -> (i32, i32) {
    %ge3A = arith.constant 9 : i32
    %ge3A_0 = arith.cmpi sge, %arg0, %ge3A : i32
    %jit3A = arith.constant 1 : i32
    %jit3A_1 = arith.constant 0 : i32
    %select_n3A = arith.select %ge3A_0, %jit3A, %jit3A_1 : i32
    %mul3A = arith.constant 9 : i32
    %mul3A_2 = arith.muli %select_n3A, %mul3A : i32
    %sub3A = arith.subi %arg0, %mul3A_2 : i32
    %mul3A_3 = arith.constant 9 : i32
    %mul3A_4 = arith.muli %select_n3A, %mul3A_3 : i32
    %add3A = arith.addi %mul3A_4, %sub3A : i32
    %c0_i32 = arith.constant 0 : i32
    %c0_i32_5 = arith.constant 0 : i32
    return %add3A, %c0_i32 : i32, i32
  }
  func.func @transform_2(%arg0: i32) -> (i32, i32) {
    %c0_i32 = arith.constant 0 : i32
    %c0_i32_0 = arith.constant 0 : i32
    %c0_i32_1 = arith.constant 0 : i32
    return %c0_i32, %c0_i32_0 : i32, i32
  }
  func.func @transform_3(%arg0: i32) -> (i32, i32) {
    %ge3A = arith.constant 9 : i32
    %ge3A_0 = arith.cmpi sge, %arg0, %ge3A : i32
    %jit3A = arith.constant 1 : i32
    %jit3A_1 = arith.constant 0 : i32
    %select_n3A = arith.select %ge3A_0, %jit3A, %jit3A_1 : i32
    %mul3A = arith.constant 9 : i32
    %mul3A_2 = arith.muli %select_n3A, %mul3A : i32
    %sub3A = arith.subi %arg0, %mul3A_2 : i32
    %mul3A_3 = arith.constant 3 : i32
    %mul3A_4 = arith.muli %mul3A_3, %sub3A : i32
    %add3A = arith.constant 0 : i32
    %add3A_5 = arith.addi %mul3A_4, %add3A : i32
    %mul3A_6 = arith.constant 2 : i32
    %mul3A_7 = arith.muli %mul3A_6, %add3A_5 : i32
    %add3A_8 = arith.addi %mul3A_7, %select_n3A : i32
    %c0_i32 = arith.constant 0 : i32
    %c0_i32_9 = arith.constant 0 : i32
    return %c0_i32, %add3A_8 : i32, i32
  }
  func.func @transform_4(%arg0: i32) -> (i32, i32) {
    %c0_i32 = arith.constant 0 : i32
    %c0_i32_0 = arith.constant 0 : i32
    %c0_i32_1 = arith.constant 0 : i32
    return %c0_i32, %c0_i32_0 : i32, i32
  }
}

module attributes {stable_mosaic.version = 14 : i64} {
  func.func @_tc_body(%arg0: i32, %arg1: memref<64x2048xf32, #tpu.memory_space<vmem>>, %arg2: memref<2048x128xf32, #tpu.memory_space<vmem>>, %arg3: memref<32x16xf32, #tpu.memory_space<vmem>>, %arg4: memref<64x2048xf32, #tpu.memory_space<vmem>>, %arg5: memref<1x1xf32, #tpu.memory_space<vmem>>) attributes {dimension_semantics = [#tpu.dimension_semantics<arbitrary>], iteration_bounds = array<i64: 16>, scalar_prefetch = 0 : i64, scratch_operands = 0 : i64, tpu.core_type = #tpu.core_type<tc>, window_params = [{transform_indices = @transform_0, window_bounds = array<i64: 64, 2048>}, {transform_indices = @transform_1, window_bounds = array<i64: 2048, 128>}, {pipeline_mode = #tpu.pipeline_mode<synchronous>, transform_indices = @transform_2, window_bounds = array<i64: 32, 16>}, {transform_indices = @transform_3, window_bounds = array<i64: 64, 2048>}, {pipeline_mode = #tpu.pipeline_mode<synchronous>, transform_indices = @transform_4, window_bounds = array<i64: 1, 1>}]} {
    %ge3A = arith.constant 8 : i32
    %ge3A_0 = arith.cmpi sge, %arg0, %ge3A : i32
    %jit3A = arith.constant 1 : i32
    %jit3A_1 = arith.constant 0 : i32
    %select_n3A = arith.select %ge3A_0, %jit3A, %jit3A_1 : i32
    %mul3A = arith.constant 8 : i32
    %mul3A_2 = arith.muli %select_n3A, %mul3A : i32
    %sub3A = arith.subi %arg0, %mul3A_2 : i32
    %mul3A_3 = arith.constant 3 : i32
    %mul3A_4 = arith.muli %mul3A_3, %sub3A : i32
    %add3A = arith.constant 1 : i32
    %add3A_5 = arith.addi %mul3A_4, %add3A : i32
    %mul3A_6 = arith.constant 2 : i32
    %mul3A_7 = arith.muli %mul3A_6, %add3A_5 : i32
    %add3A_8 = arith.addi %mul3A_7, %select_n3A : i32
    %get3A = arith.constant 0 : index
    %get3A_9 = arith.constant 0 : index
    %get3A_10 = vector.load %arg2[%get3A, %get3A_9] : memref<2048x128xf32, #tpu.memory_space<vmem>>, vector<2048x128xf32>
    %transpose3A = tpu.transpose %get3A_10, [1, 0] : vector<2048x128xf32> -> vector<128x2048xf32>
    %slice3A = vector.extract_strided_slice %transpose3A {offsets = [0, 0], sizes = [64, 2048], strides = [1, 1]} : vector<128x2048xf32> to vector<64x2048xf32>
    %slice3A_11 = vector.extract_strided_slice %transpose3A {offsets = [64, 0], sizes = [1, 2048], strides = [1, 1]} : vector<128x2048xf32> to vector<1x2048xf32>
    %get3A_12 = arith.constant 0 : index
    %get3A_13 = arith.constant 0 : index
    %get3A_14 = vector.load %arg1[%get3A_12, %get3A_13] : memref<64x2048xf32, #tpu.memory_space<vmem>>, vector<64x2048xf32>
    %mul3A_15 = vector.broadcast %slice3A_11 : vector<1x2048xf32> to vector<64x2048xf32>
    %mul3A_16 = arith.mulf %mul3A_15, %get3A_14 : vector<64x2048xf32>
    %sub3A_17 = arith.subf %mul3A_16, %slice3A : vector<64x2048xf32>
    %add3A_18 = arith.constant 1.000000e+00 : f32
    %add3A_19 = vector.broadcast %add3A_18 : f32 to vector<1x2048xf32>
    %add3A_20 = arith.addf %slice3A_11, %add3A_19 : vector<1x2048xf32>
    %div3A = vector.broadcast %add3A_20 : vector<1x2048xf32> to vector<64x2048xf32>
    %div3A_21 = arith.divf %sub3A_17, %div3A : vector<64x2048xf32>
    %sub3A_22 = arith.subf %get3A_14, %div3A_21 : vector<64x2048xf32>
    %swap3A = arith.constant 0 : index
    %swap3A_23 = arith.constant 0 : index
    %swap3A_24 = vector.load %arg4[%swap3A, %swap3A_23] : memref<64x2048xf32, #tpu.memory_space<vmem>>, vector<64x2048xf32>
    tpu.vector_store %arg4[%swap3A, %swap3A_23], %sub3A_22 {strides = array<i32>} : memref<64x2048xf32, #tpu.memory_space<vmem>>, vector<64x2048xf32>,
    %mul3A_25 = arith.constant 2048 : i32
    %mul3A_26 = arith.muli %add3A_8, %mul3A_25 : i32
    %iota3A = tpu.iota {dimensions = array<i32: 1>} : vector<64x2048xi32>
    %add3A_27 = vector.broadcast %mul3A_26 : i32 to vector<64x2048xi32>
    %add3A_28 = arith.addi %add3A_27, %iota3A : vector<64x2048xi32>
    %lt3A = arith.constant 100000 : i32
    %lt3A_29 = vector.broadcast %lt3A : i32 to vector<64x2048xi32>
    %lt3A_30 = arith.cmpi slt, %add3A_28, %lt3A_29 : vector<64x2048xi32>
    %mul3A_31 = vector.broadcast %slice3A_11 : vector<1x2048xf32> to vector<64x2048xf32>
    %mul3A_32 = arith.mulf %mul3A_31, %get3A_14 : vector<64x2048xf32>
    %mul3A_33 = arith.constant 2.000000e+00 : f32
    %mul3A_34 = vector.broadcast %mul3A_33 : f32 to vector<64x2048xf32>
    %mul3A_35 = arith.mulf %mul3A_34, %slice3A : vector<64x2048xf32>
    %sub3A_36 = arith.subf %mul3A_32, %mul3A_35 : vector<64x2048xf32>
    %mul3A_37 = arith.mulf %sub3A_36, %get3A_14 : vector<64x2048xf32>
    %jit3A_38 = arith.constant 0.000000e+00 : f32
    %broadcast_in_dim3A = vector.broadcast %jit3A_38 : f32 to vector<64x2048xf32>
    %select_n3A_39 = arith.select %lt3A_30, %mul3A_37, %broadcast_in_dim3A : vector<64x2048xi1>, vector<64x2048xf32>
    %reduce_sum3A = vector.shape_cast %select_n3A_39 : vector<64x2048xf32> to vector<1x64x2048xf32>
    %reduce_sum3A_40 = arith.constant dense<0.000000e+00> : vector<1xf32>
    %reduce_sum3A_41 = vector.multi_reduction <add>, %reduce_sum3A, %reduce_sum3A_40 [1, 2] : vector<1x64x2048xf32> to vector<1xf32>
    %reduce_sum3A_42 = vector.shape_cast %reduce_sum3A_41 : vector<1xf32> to vector<1x1x1xf32>
    %reduce_sum3A_43 = vector.extract %reduce_sum3A_42[0, 0, 0] : f32 from vector<1x1x1xf32>
    %eq3A = arith.constant 0 : i32
    %eq3A_44 = arith.cmpi eq, %arg0, %eq3A : i32
    %convert_element_type3A = arith.extui %eq3A_44 : i1 to i32
    %cond3A = arith.constant 0 : i32
    %cond3A_45 = arith.cmpi ne, %convert_element_type3A, %cond3A : i32
    scf.if %cond3A_45 {
      %broadcast_in_dim3A_53 = arith.constant 0.000000e+00 : f32
      %broadcast_in_dim3A_54 = vector.broadcast %broadcast_in_dim3A_53 : f32 to vector<1x1xf32>
      %swap3A_55 = arith.constant 0 : index
      %swap3A_56 = arith.constant 0 : index
      %swap3A_57 = vector.load %arg5[%swap3A_55, %swap3A_56] : memref<1x1xf32, #tpu.memory_space<vmem>>, vector<1x1xf32>
      tpu.vector_store %arg5[%swap3A_55, %swap3A_56], %broadcast_in_dim3A_54 {strides = array<i32>} : memref<1x1xf32, #tpu.memory_space<vmem>>, vector<1x1xf32>,
    } else {
    }
    %get3A_46 = arith.constant 0 : index
    %get3A_47 = arith.constant 0 : index
    %get3A_48 = vector.load %arg5[%get3A_46, %get3A_47] : memref<1x1xf32, #tpu.memory_space<vmem>>, vector<1x1xf32>
    %reshape3A = vector.broadcast %reduce_sum3A_43 : f32 to vector<1x1xf32>
    %add3A_49 = arith.addf %get3A_48, %reshape3A : vector<1x1xf32>
    %swap3A_50 = arith.constant 0 : index
    %swap3A_51 = arith.constant 0 : index
    %swap3A_52 = vector.load %arg5[%swap3A_50, %swap3A_51] : memref<1x1xf32, #tpu.memory_space<vmem>>, vector<1x1xf32>
    tpu.vector_store %arg5[%swap3A_50, %swap3A_51], %add3A_49 {strides = array<i32>} : memref<1x1xf32, #tpu.memory_space<vmem>>, vector<1x1xf32>,
    return
  }
  func.func @transform_0(%arg0: i32) -> (i32, i32) {
    %ge3A = arith.constant 8 : i32
    %ge3A_0 = arith.cmpi sge, %arg0, %ge3A : i32
    %jit3A = arith.constant 1 : i32
    %jit3A_1 = arith.constant 0 : i32
    %select_n3A = arith.select %ge3A_0, %jit3A, %jit3A_1 : i32
    %mul3A = arith.constant 8 : i32
    %mul3A_2 = arith.muli %select_n3A, %mul3A : i32
    %sub3A = arith.subi %arg0, %mul3A_2 : i32
    %mul3A_3 = arith.constant 3 : i32
    %mul3A_4 = arith.muli %mul3A_3, %sub3A : i32
    %add3A = arith.constant 1 : i32
    %add3A_5 = arith.addi %mul3A_4, %add3A : i32
    %mul3A_6 = arith.constant 2 : i32
    %mul3A_7 = arith.muli %mul3A_6, %add3A_5 : i32
    %add3A_8 = arith.addi %mul3A_7, %select_n3A : i32
    %c0_i32 = arith.constant 0 : i32
    %c0_i32_9 = arith.constant 0 : i32
    return %c0_i32, %add3A_8 : i32, i32
  }
  func.func @transform_1(%arg0: i32) -> (i32, i32) {
    %ge3A = arith.constant 8 : i32
    %ge3A_0 = arith.cmpi sge, %arg0, %ge3A : i32
    %jit3A = arith.constant 1 : i32
    %jit3A_1 = arith.constant 0 : i32
    %select_n3A = arith.select %ge3A_0, %jit3A, %jit3A_1 : i32
    %mul3A = arith.constant 8 : i32
    %mul3A_2 = arith.muli %select_n3A, %mul3A : i32
    %sub3A = arith.subi %arg0, %mul3A_2 : i32
    %mul3A_3 = arith.constant 9 : i32
    %mul3A_4 = arith.muli %select_n3A, %mul3A_3 : i32
    %add3A = arith.addi %mul3A_4, %sub3A : i32
    %c0_i32 = arith.constant 0 : i32
    %c0_i32_5 = arith.constant 0 : i32
    return %add3A, %c0_i32 : i32, i32
  }
  func.func @transform_2(%arg0: i32) -> (i32, i32) {
    %c0_i32 = arith.constant 0 : i32
    %c0_i32_0 = arith.constant 0 : i32
    %c0_i32_1 = arith.constant 0 : i32
    return %c0_i32, %c0_i32_0 : i32, i32
  }
  func.func @transform_3(%arg0: i32) -> (i32, i32) {
    %ge3A = arith.constant 8 : i32
    %ge3A_0 = arith.cmpi sge, %arg0, %ge3A : i32
    %jit3A = arith.constant 1 : i32
    %jit3A_1 = arith.constant 0 : i32
    %select_n3A = arith.select %ge3A_0, %jit3A, %jit3A_1 : i32
    %mul3A = arith.constant 8 : i32
    %mul3A_2 = arith.muli %select_n3A, %mul3A : i32
    %sub3A = arith.subi %arg0, %mul3A_2 : i32
    %mul3A_3 = arith.constant 3 : i32
    %mul3A_4 = arith.muli %mul3A_3, %sub3A : i32
    %add3A = arith.constant 1 : i32
    %add3A_5 = arith.addi %mul3A_4, %add3A : i32
    %mul3A_6 = arith.constant 2 : i32
    %mul3A_7 = arith.muli %mul3A_6, %add3A_5 : i32
    %add3A_8 = arith.addi %mul3A_7, %select_n3A : i32
    %c0_i32 = arith.constant 0 : i32
    %c0_i32_9 = arith.constant 0 : i32
    return %c0_i32, %add3A_8 : i32, i32
  }
  func.func @transform_4(%arg0: i32) -> (i32, i32) {
    %c0_i32 = arith.constant 0 : i32
    %c0_i32_0 = arith.constant 0 : i32
    %c0_i32_1 = arith.constant 0 : i32
    return %c0_i32, %c0_i32_0 : i32, i32
  }
}

module attributes {stable_mosaic.version = 14 : i64} {
  func.func @_tc_body(%arg0: i32, %arg1: memref<64x2048xf32, #tpu.memory_space<vmem>>, %arg2: memref<2048x128xf32, #tpu.memory_space<vmem>>, %arg3: memref<32x16xf32, #tpu.memory_space<vmem>>, %arg4: memref<64x2048xf32, #tpu.memory_space<vmem>>, %arg5: memref<1x1xf32, #tpu.memory_space<vmem>>) attributes {dimension_semantics = [#tpu.dimension_semantics<arbitrary>], iteration_bounds = array<i64: 16>, scalar_prefetch = 0 : i64, scratch_operands = 0 : i64, tpu.core_type = #tpu.core_type<tc>, window_params = [{transform_indices = @transform_0, window_bounds = array<i64: 64, 2048>}, {transform_indices = @transform_1, window_bounds = array<i64: 2048, 128>}, {pipeline_mode = #tpu.pipeline_mode<synchronous>, transform_indices = @transform_2, window_bounds = array<i64: 32, 16>}, {transform_indices = @transform_3, window_bounds = array<i64: 64, 2048>}, {pipeline_mode = #tpu.pipeline_mode<synchronous>, transform_indices = @transform_4, window_bounds = array<i64: 1, 1>}]} {
    %ge3A = arith.constant 8 : i32
    %ge3A_0 = arith.cmpi sge, %arg0, %ge3A : i32
    %jit3A = arith.constant 1 : i32
    %jit3A_1 = arith.constant 0 : i32
    %select_n3A = arith.select %ge3A_0, %jit3A, %jit3A_1 : i32
    %mul3A = arith.constant 8 : i32
    %mul3A_2 = arith.muli %select_n3A, %mul3A : i32
    %sub3A = arith.subi %arg0, %mul3A_2 : i32
    %mul3A_3 = arith.constant 3 : i32
    %mul3A_4 = arith.muli %mul3A_3, %sub3A : i32
    %add3A = arith.constant 2 : i32
    %add3A_5 = arith.addi %mul3A_4, %add3A : i32
    %mul3A_6 = arith.constant 2 : i32
    %mul3A_7 = arith.muli %mul3A_6, %add3A_5 : i32
    %add3A_8 = arith.addi %mul3A_7, %select_n3A : i32
    %get3A = arith.constant 0 : index
    %get3A_9 = arith.constant 0 : index
    %get3A_10 = vector.load %arg2[%get3A, %get3A_9] : memref<2048x128xf32, #tpu.memory_space<vmem>>, vector<2048x128xf32>
    %transpose3A = tpu.transpose %get3A_10, [1, 0] : vector<2048x128xf32> -> vector<128x2048xf32>
    %slice3A = vector.extract_strided_slice %transpose3A {offsets = [0, 0], sizes = [64, 2048], strides = [1, 1]} : vector<128x2048xf32> to vector<64x2048xf32>
    %slice3A_11 = vector.extract_strided_slice %transpose3A {offsets = [64, 0], sizes = [1, 2048], strides = [1, 1]} : vector<128x2048xf32> to vector<1x2048xf32>
    %get3A_12 = arith.constant 0 : index
    %get3A_13 = arith.constant 0 : index
    %get3A_14 = vector.load %arg1[%get3A_12, %get3A_13] : memref<64x2048xf32, #tpu.memory_space<vmem>>, vector<64x2048xf32>
    %mul3A_15 = vector.broadcast %slice3A_11 : vector<1x2048xf32> to vector<64x2048xf32>
    %mul3A_16 = arith.mulf %mul3A_15, %get3A_14 : vector<64x2048xf32>
    %sub3A_17 = arith.subf %mul3A_16, %slice3A : vector<64x2048xf32>
    %add3A_18 = arith.constant 1.000000e+00 : f32
    %add3A_19 = vector.broadcast %add3A_18 : f32 to vector<1x2048xf32>
    %add3A_20 = arith.addf %slice3A_11, %add3A_19 : vector<1x2048xf32>
    %div3A = vector.broadcast %add3A_20 : vector<1x2048xf32> to vector<64x2048xf32>
    %div3A_21 = arith.divf %sub3A_17, %div3A : vector<64x2048xf32>
    %sub3A_22 = arith.subf %get3A_14, %div3A_21 : vector<64x2048xf32>
    %swap3A = arith.constant 0 : index
    %swap3A_23 = arith.constant 0 : index
    %swap3A_24 = vector.load %arg4[%swap3A, %swap3A_23] : memref<64x2048xf32, #tpu.memory_space<vmem>>, vector<64x2048xf32>
    tpu.vector_store %arg4[%swap3A, %swap3A_23], %sub3A_22 {strides = array<i32>} : memref<64x2048xf32, #tpu.memory_space<vmem>>, vector<64x2048xf32>,
    %mul3A_25 = arith.constant 2048 : i32
    %mul3A_26 = arith.muli %add3A_8, %mul3A_25 : i32
    %iota3A = tpu.iota {dimensions = array<i32: 1>} : vector<64x2048xi32>
    %add3A_27 = vector.broadcast %mul3A_26 : i32 to vector<64x2048xi32>
    %add3A_28 = arith.addi %add3A_27, %iota3A : vector<64x2048xi32>
    %lt3A = arith.constant 100000 : i32
    %lt3A_29 = vector.broadcast %lt3A : i32 to vector<64x2048xi32>
    %lt3A_30 = arith.cmpi slt, %add3A_28, %lt3A_29 : vector<64x2048xi32>
    %mul3A_31 = vector.broadcast %slice3A_11 : vector<1x2048xf32> to vector<64x2048xf32>
    %mul3A_32 = arith.mulf %mul3A_31, %get3A_14 : vector<64x2048xf32>
    %mul3A_33 = arith.constant 2.000000e+00 : f32
    %mul3A_34 = vector.broadcast %mul3A_33 : f32 to vector<64x2048xf32>
    %mul3A_35 = arith.mulf %mul3A_34, %slice3A : vector<64x2048xf32>
    %sub3A_36 = arith.subf %mul3A_32, %mul3A_35 : vector<64x2048xf32>
    %mul3A_37 = arith.mulf %sub3A_36, %get3A_14 : vector<64x2048xf32>
    %jit3A_38 = arith.constant 0.000000e+00 : f32
    %broadcast_in_dim3A = vector.broadcast %jit3A_38 : f32 to vector<64x2048xf32>
    %select_n3A_39 = arith.select %lt3A_30, %mul3A_37, %broadcast_in_dim3A : vector<64x2048xi1>, vector<64x2048xf32>
    %reduce_sum3A = vector.shape_cast %select_n3A_39 : vector<64x2048xf32> to vector<1x64x2048xf32>
    %reduce_sum3A_40 = arith.constant dense<0.000000e+00> : vector<1xf32>
    %reduce_sum3A_41 = vector.multi_reduction <add>, %reduce_sum3A, %reduce_sum3A_40 [1, 2] : vector<1x64x2048xf32> to vector<1xf32>
    %reduce_sum3A_42 = vector.shape_cast %reduce_sum3A_41 : vector<1xf32> to vector<1x1x1xf32>
    %reduce_sum3A_43 = vector.extract %reduce_sum3A_42[0, 0, 0] : f32 from vector<1x1x1xf32>
    %eq3A = arith.constant 0 : i32
    %eq3A_44 = arith.cmpi eq, %arg0, %eq3A : i32
    %convert_element_type3A = arith.extui %eq3A_44 : i1 to i32
    %cond3A = arith.constant 0 : i32
    %cond3A_45 = arith.cmpi ne, %convert_element_type3A, %cond3A : i32
    scf.if %cond3A_45 {
      %broadcast_in_dim3A_53 = arith.constant 0.000000e+00 : f32
      %broadcast_in_dim3A_54 = vector.broadcast %broadcast_in_dim3A_53 : f32 to vector<1x1xf32>
      %swap3A_55 = arith.constant 0 : index
      %swap3A_56 = arith.constant 0 : index
      %swap3A_57 = vector.load %arg5[%swap3A_55, %swap3A_56] : memref<1x1xf32, #tpu.memory_space<vmem>>, vector<1x1xf32>
      tpu.vector_store %arg5[%swap3A_55, %swap3A_56], %broadcast_in_dim3A_54 {strides = array<i32>} : memref<1x1xf32, #tpu.memory_space<vmem>>, vector<1x1xf32>,
    } else {
    }
    %get3A_46 = arith.constant 0 : index
    %get3A_47 = arith.constant 0 : index
    %get3A_48 = vector.load %arg5[%get3A_46, %get3A_47] : memref<1x1xf32, #tpu.memory_space<vmem>>, vector<1x1xf32>
    %reshape3A = vector.broadcast %reduce_sum3A_43 : f32 to vector<1x1xf32>
    %add3A_49 = arith.addf %get3A_48, %reshape3A : vector<1x1xf32>
    %swap3A_50 = arith.constant 0 : index
    %swap3A_51 = arith.constant 0 : index
    %swap3A_52 = vector.load %arg5[%swap3A_50, %swap3A_51] : memref<1x1xf32, #tpu.memory_space<vmem>>, vector<1x1xf32>
    tpu.vector_store %arg5[%swap3A_50, %swap3A_51], %add3A_49 {strides = array<i32>} : memref<1x1xf32, #tpu.memory_space<vmem>>, vector<1x1xf32>,
    return
  }
  func.func @transform_0(%arg0: i32) -> (i32, i32) {
    %ge3A = arith.constant 8 : i32
    %ge3A_0 = arith.cmpi sge, %arg0, %ge3A : i32
    %jit3A = arith.constant 1 : i32
    %jit3A_1 = arith.constant 0 : i32
    %select_n3A = arith.select %ge3A_0, %jit3A, %jit3A_1 : i32
    %mul3A = arith.constant 8 : i32
    %mul3A_2 = arith.muli %select_n3A, %mul3A : i32
    %sub3A = arith.subi %arg0, %mul3A_2 : i32
    %mul3A_3 = arith.constant 3 : i32
    %mul3A_4 = arith.muli %mul3A_3, %sub3A : i32
    %add3A = arith.constant 2 : i32
    %add3A_5 = arith.addi %mul3A_4, %add3A : i32
    %mul3A_6 = arith.constant 2 : i32
    %mul3A_7 = arith.muli %mul3A_6, %add3A_5 : i32
    %add3A_8 = arith.addi %mul3A_7, %select_n3A : i32
    %c0_i32 = arith.constant 0 : i32
    %c0_i32_9 = arith.constant 0 : i32
    return %c0_i32, %add3A_8 : i32, i32
  }
  func.func @transform_1(%arg0: i32) -> (i32, i32) {
    %ge3A = arith.constant 8 : i32
    %ge3A_0 = arith.cmpi sge, %arg0, %ge3A : i32
    %jit3A = arith.constant 1 : i32
    %jit3A_1 = arith.constant 0 : i32
    %select_n3A = arith.select %ge3A_0, %jit3A, %jit3A_1 : i32
    %mul3A = arith.constant 8 : i32
    %mul3A_2 = arith.muli %select_n3A, %mul3A : i32
    %sub3A = arith.subi %arg0, %mul3A_2 : i32
    %mul3A_3 = arith.constant 9 : i32
    %mul3A_4 = arith.muli %select_n3A, %mul3A_3 : i32
    %add3A = arith.addi %mul3A_4, %sub3A : i32
    %c0_i32 = arith.constant 0 : i32
    %c0_i32_5 = arith.constant 0 : i32
    return %add3A, %c0_i32 : i32, i32
  }
  func.func @transform_2(%arg0: i32) -> (i32, i32) {
    %c0_i32 = arith.constant 0 : i32
    %c0_i32_0 = arith.constant 0 : i32
    %c0_i32_1 = arith.constant 0 : i32
    return %c0_i32, %c0_i32_0 : i32, i32
  }
  func.func @transform_3(%arg0: i32) -> (i32, i32) {
    %ge3A = arith.constant 8 : i32
    %ge3A_0 = arith.cmpi sge, %arg0, %ge3A : i32
    %jit3A = arith.constant 1 : i32
    %jit3A_1 = arith.constant 0 : i32
    %select_n3A = arith.select %ge3A_0, %jit3A, %jit3A_1 : i32
    %mul3A = arith.constant 8 : i32
    %mul3A_2 = arith.muli %select_n3A, %mul3A : i32
    %sub3A = arith.subi %arg0, %mul3A_2 : i32
    %mul3A_3 = arith.constant 3 : i32
    %mul3A_4 = arith.muli %mul3A_3, %sub3A : i32
    %add3A = arith.constant 2 : i32
    %add3A_5 = arith.addi %mul3A_4, %add3A : i32
    %mul3A_6 = arith.constant 2 : i32
    %mul3A_7 = arith.muli %mul3A_6, %add3A_5 : i32
    %add3A_8 = arith.addi %mul3A_7, %select_n3A : i32
    %c0_i32 = arith.constant 0 : i32
    %c0_i32_9 = arith.constant 0 : i32
    return %c0_i32, %add3A_8 : i32, i32
  }
  func.func @transform_4(%arg0: i32) -> (i32, i32) {
    %c0_i32 = arith.constant 0 : i32
    %c0_i32_0 = arith.constant 0 : i32
    %c0_i32_1 = arith.constant 0 : i32
    return %c0_i32, %c0_i32_0 : i32, i32
  }
}

</mosaic_0001>

<sc_bundles>
// kernel: sc_pass0.3.cloned.1.call-start
scs
__scs_entry_jumppad:
0x0: {  	(pc) =	sbr.rel $0x88, $3  }
0x1: {  	(tag) =	ssettag $0x0;
	lr =	simm.s32 $0x1  }
0x2: {  	[smem:$0x3F9E] =	sst lr;
	_ =	strace $0xD0000000  }
0x3: {  	_ = 	snop  }
0x4: {  	_ = 	snop  }
0x5: {  	_ = 	snop  }
0x6: {  	_ = 	snop  }
0x7: {  	_ = 	snop  }
__scs_overlays_trampoline_lowered:
0x8: {  	[smem:$0x3FAD] =	sst s0  }
0x9: {  	[smem:$0x3FAE] =	sst s1  }
0xa: {  	[smem:$0x3FAF] =	sst s2  }
0xb: {  	[smem:$0x3FB0] =	sst s3  }
0xc: {  	[smem:$0x3FB1] =	sst s4  }
0xd: {  	[smem:$0x3FB2] =	sst s5  }
0xe: {  	[smem:$0x3FB3] =	sst s6  }
0xf: {  	[smem:$0x3FB4] =	sst s7  }
0x10: {  	[smem:$0x3FB5] =	sst s8  }
0x11: {  	[smem:$0x3FB6] =	sst s9;
	s0 =	simm.s32 @!p0 $0x0  }
0x12: {  	s1 =	sld [smem:$0x3F9C];
	s0 =	simm.s32 @p0 $0x1  }
0x13: {  	[smem:$0x3FB7] =	sst s0;
	s0 =	simm.s32 @!p1 $0x0  }
0x14: {  	s2 =	sld [smem:$0x3F9B];
	s0 =	simm.s32 @p1 $0x1  }
0x15: {  	[smem:$0x3FB8] =	sst s0;
	s0 =	simm.s32 @!p2 $0x0  }
0x16: {  	s3 =	sld [smem:$0x3FDB];
	s0 =	simm.s32 @p2 $0x1  }
0x17: {  	s4 =	simm.s32 $0x1BF5;
	[smem:$0x3FBA] =	sst s0  }
0x18: {  	s0 =	sld [smem:$0x3F9D];
	_ =	swait.ge [sflag:s4], $0x0  }
0x19: {  	s7 =	sld [smem:$0x3F9E]  }
0x1a: {  	s8 =	sadd.s32 $0xFFFFE003, lr  }
0x1b: {  	s9 =	sadd.s32 $0xFFFFFEF7, lr;
	s5 =	simm.s32 $0xFFFFFFFF;
	p2 =	slt.u32 s8, $0xFFFFF086  }
0x1c: {  	p1 =	slt.u32 s9, $0xF7A;
	s5 =	simm.s32 @!p2 $0x0  }
0x1d: {  	s5 =	simm.s32 @p1 $0x1;
	p0 =	seq.s32 s7, s2  }
0x1e: {  	s7 =	smul.u32 @!p0 $0xF7A, s2;
	p2 =	seq.s32 @!p0 s5, $0x0  }
0x1f: {  	s9 =	smul.u32 $0xF7A, s1;
	s8 =	simm.s32 @!p0 $0x1BF5;
	p2 =	por !p2, p0  }
0x20: {  	[sflag:s8] =	ssyncset.s32 @!p0 $0xFFFFF086;
	s6 =	sadd.s32 @!p0 s3, s7;
	s7 =	simm.s32 @!p0 $0x108  }
0x21: {  	s3 =	sadd.s32 s3, s9;
	s6 =	sadd.s32 @!p0 $0x88, s6;
	s7 =	simm.s32 @p2 $0x1082  }
0x22: {  	[simem:s7], [sflag:s8] =	dma.local @!p0 [hbm:s6], $0xF7A  }
0x23: {  	s9 =	sor.u32 $0xD0000000, s2;
	s6 =	simm.s32 $0x108;
	_ =	swait.ge @!p0 [sflag:s8], $0x0  }
0x24: {  	s3 =	sadd.s32 $0x88, s3;
	s6 =	simm.s32 @!p1 $0x1082;
	[sflag:s4] =	ssyncset.s32 $0xFFFFF086  }
0x25: {  	[simem:s6], [sflag:s4] =	dma.local [hbm:s3], $0xF7A  }
0x26: {  	[smem:$0x3F9E] =	sst s1;
	(tag) =	ssettag s2;
	_ =	strace s9  }
0x27: {  	s1 =	sld [smem:$0x3FAE]  }
0x28: {  	s2 =	sld [smem:$0x3FAF]  }
0x29: {  	s4 =	sld [smem:$0x3FB1]  }
0x2a: {  	p0 =	seq.s32 s5, $0x0;
	s5 =	sld [smem:$0x3FB2]  }
0x2b: {  	s6 =	sld [smem:$0x3FB3]  }
0x2c: {  	s7 =	sld [smem:$0x3FB4]  }
0x2d: {  	s3 =	simm.s32 $0x108;
	s8 =	sld [smem:$0x3FB5]  }
0x2e: {  	s3 =	simm.s32 @!p0 $0x1082;
	s9 =	sld [smem:$0x3FB6]  }
0x2f: {  	lr =	sadd.s32 s0, s3;
	s0 =	sld [smem:$0x3FAD]  }
0x30: {  	s3 =	sld [smem:$0x3FB0]  }
0x31: {  	[smem:$0x3FB9] =	sst s10  }
0x32: {  	s10 =	sld [smem:$0x3FB7];
	_ =	sdelay $0x3  }
0x33: {  	p0 =	seq.s32 s10, $0x1;
	s10 =	sld [smem:$0x3FB9];
	_ =	sdelay $0x3  }
0x34: {  	[smem:$0x3FB9] =	sst s10  }
0x35: {  	s10 =	sld [smem:$0x3FB8];
	_ =	sdelay $0x3  }
0x36: {  	p1 =	seq.s32 s10, $0x1;
	s10 =	sld [smem:$0x3FB9];
	_ =	sdelay $0x3  }
0x37: {  	[smem:$0x3FB9] =	sst s10  }
0x38: {  	s10 =	sld [smem:$0x3FBA]  }
0x39: {  	_ = 	snop;
	(pc) =	sbr.ind lr, $3  }
0x3a: {  	_ = 	snop  }
0x3b: {  	_ = 	snop  }
0x3c: {  	p2 =	seq.s32 s10, $0x1;
	s10 =	sld [smem:$0x3FB9]  }
0x3d: {  	_ =	shalt  }
0x3e: {  	_ =	shalt  }
0x3f: {  	_ =	shalt  }
0x40: {  	_ =	shalt  }
0x41: {  	_ =	shalt  }
0x42: {  	_ =	shalt  }
0x43: {  	_ =	shalt  }
0x44: {  	_ =	shalt  }
0x45: {  	_ =	shalt  }
0x46: {  	_ =	shalt  }
0x47: {  	_ =	shalt  }
0x48: {  	_ =	shalt  }
0x49: {  	_ =	shalt  }
0x4a: {  	_ =	shalt  }
0x4b: {  	_ =	shalt  }
0x4c: {  	_ =	shalt  }
0x4d: {  	_ =	shalt  }
0x4e: {  	_ =	shalt  }
0x4f: {  	_ =	shalt  }
0x50: {  	_ =	shalt  }
0x51: {  	_ =	shalt  }
0x52: {  	_ =	shalt  }
0x53: {  	_ =	shalt  }
0x54: {  	_ =	shalt  }
0x55: {  	_ =	shalt  }
0x56: {  	_ =	shalt  }
0x57: {  	_ =	shalt  }
0x58: {  	_ =	shalt  }
0x59: {  	_ =	shalt  }
0x5a: {  	_ =	shalt  }
0x5b: {  	_ =	shalt  }
0x5c: {  	_ =	shalt  }
0x5d: {  	_ =	shalt  }
0x5e: {  	_ =	shalt  }
0x5f: {  	_ =	shalt  }
0x60: {  	_ =	shalt  }
0x61: {  	_ =	shalt  }
0x62: {  	_ =	shalt  }
0x63: {  	_ =	shalt  }
0x64: {  	_ =	shalt  }
0x65: {  	_ =	shalt  }
0x66: {  	_ =	shalt  }
0x67: {  	_ =	shalt  }
0x68: {  	_ =	shalt  }
0x69: {  	_ =	shalt  }
0x6a: {  	_ =	shalt  }
0x6b: {  	_ =	shalt  }
0x6c: {  	_ =	shalt  }
0x6d: {  	_ =	shalt  }
0x6e: {  	_ =	shalt  }
0x6f: {  	_ =	shalt  }
0x70: {  	_ =	shalt  }
0x71: {  	_ =	shalt  }
0x72: {  	_ =	shalt  }
0x73: {  	_ =	shalt  }
0x74: {  	_ =	shalt  }
0x75: {  	_ =	shalt  }
0x76: {  	_ =	shalt  }
0x77: {  	_ =	shalt  }
0x78: {  	_ =	shalt  }
0x79: {  	_ =	shalt  }
0x7a: {  	_ =	shalt  }
0x7b: {  	_ =	shalt  }
0x7c: {  	_ =	shalt  }
0x7d: {  	_ =	shalt  }
0x7e: {  	_ =	shalt  }
0x7f: {  	_ =	shalt  }
0x80: {  	_ =	shalt  }
0x81: {  	_ =	shalt  }
0x82: {  	_ =	shalt  }
0x83: {  	_ =	shalt  }
0x84: {  	_ =	shalt  }
0x85: {  	_ =	shalt  }
0x86: {  	_ =	shalt  }
0x87: {  	_ =	shalt  }
.Lfunc_end0:
.L_simem_size_0:
called_computation_lowered:
.L_overlay_start_0:
0x88: {  	s2 =	sld [smem:$0x3FD9]  }
0x89: {  	s3 =	sld [smem:$0x3FFE];
	_ =	sdelay $0x1  }
0x8a: {  	s1 =	srdreg.scid  }
0x8b: {  	s0 =	sand.u32 $0x1, s1  }
0x8c: {  	s14 =	sshll.u32 s0, $0xA;
	s2 =	sadd.s32 s3, s2  }
0x8d: {  	s2 =	sadd.s32 s2, s14  }
0x8e: {  	[smem:$0x3FC5] =	sst s2  }
0x8f: {  	_ = 	snop  }
0x90: {  	s2 =	sld [smem:$0x3FD0];
	_ =	sdelay $0x2  }
0x91: {  	s4 =	simm.s32 $0xA;
	s5 =	simm.s32 $0x10;
	s15 =	sld [smem:$0x3FC8]  }
0x92: {  	[smem:s5], [sflag:s4] =	dma.local [hbm:s2], $0x1  }
0x93: {  	_ =	swait.eq [sflag:s4], $0x1  }
0x94: {  	[sflag:s4] =	ssyncset.done $0x0  }
0x95: {  	s16 =	sld [smem:$0x10];
	[sflag:s4] =	ssyncadd.s32 $0xFFFFFFFF  }
0x96: {  	s17 =	sld [smem:$0x11];
	(tm) =	ssettm $0x1  }
0x97: {  	s18 =	sld [smem:$0x3FFB];
	_ =	sdelay $0x3  }
0x98: {  	_ =	strace s18  }
0x99: {  	s5 =	sld [smem:$0x3FFC];
	_ =	sdelay $0x3  }
0x9a: {  	_ =	strace s5  }
0x9b: {  	s5 =	sld [smem:$0x3FFD];
	_ =	sdelay $0x3  }
0x9c: {  	_ =	strace s5  }
0x9d: {  	_ =	strace $0x8FFFFFFF  }
0x9e: {  	s19 =	sld [smem:$0x3FDB];
	_ =	sdelay $0x1  }
0x9f: {  	s6 =	simm.s32 $_scs_section_size  }
0xa0: {  	s7 =	simm.s32 $_size__tile_overlayer_lowered;
	s8 =	simm.s32 $_tile_overlayer_lowered  }
0xa1: {  	s22 =	simm.s32 $0x1BFF;
	s21 =	sshll.u32 s8, $0x1;
	s5 =	sadd.s32 s6, s19  }
0xa2: {  	s9 =	simm.s32 $0x0;
	s20 =	sshll.u32 s7, $0x1;
	s7 =	sadd.s32 s21, s5  }
0xa3: {  	[timem:s9], [sflag:s22] =	dma.local [hbm:s7], s20  }
0xa4: {  	_ =	swait.ge [sflag:s22], s20  }
0xa5: {  	s6 =	ssub.s32 $0x0, s20;
	[sflag:s22] =	ssyncset.done $0x0  }
0xa6: {  	[sflag:s22] =	ssyncadd.s32 s6;
	_ =	sdelay $0x1  }
0xa7: {  	s23 =	simm.s32 $0x1B8B  }
0xa8: {  	_ =	swait.ge [sflag:s23], $0x1  }
0xa9: {  	[sflag:s23] =	ssyncset.done $0x0  }
0xaa: {  	s25 =	simm.s32 $0x1B8E;
	s24 =	sld [smem:$0x3FFE];
	[sflag:s23] =	ssyncadd.s32 $0xFFFFFFFF  }
0xab: {  	s26 =	simm.s32 $execute0_lowered;
	[smem:$0x3FD2] =	sst s25  }
0xac: {  	s7 =	sshll.u32 s26, $0x1;
	_ =	strace $0x80000046;
	[dreg:$0x1] =	wrdreg $0xFFFFFFFF  }
0xad: {  	s28 =	simm.s32 $_size_execute0_lowered;
	s5 =	sadd.s32 s5, s7;
	[dreg:$0x0] =	wrdreg $0x0  }
0xae: {  	s7 =	sshll.u32 s28, $0x1;
	[dreg:$0x2] =	wrdreg s5  }
0xaf: {  	[dreg:$0x3] =	wrdreg s7  }
0xb0: {  	[dreg:$0x4] =	wrdreg $0xC0  }
0xb1: {  	_ =	task [dreg:s9], $0x5FFFF  }
0xb2: {  	[dreg:$0x1] =	wrdreg $0xFFFFFFFF  }
0xb3: {  	[dreg:$0x0] =	wrdreg $0x60  }
0xb4: {  	[dreg:$0x2] =	wrdreg s16  }
0xb5: {  	[dreg:$0x3] =	wrdreg s15  }
0xb6: {  	[dreg:$0x4] =	wrdreg s17  }
0xb7: {  	[dreg:$0x5] =	wrdreg s24  }
0xb8: {  	[dreg:$0x6] =	wrdreg $0x58100  }
0xb9: {  	[dreg:$0x7] =	wrdreg $0x9  }
0xba: {  	_ =	task.clear_ibuf [dreg:s9], $0x8FFFF;
	_ =	strace $0x90000046  }
0xbb: {  	s29 =	simm.s32 $0x9;
	_ =	strace $0x80000048  }
0xbc: {  	_ =	swait.ge [sflag:s29], $0x1  }
0xbd: {  	[sflag:s29] =	ssyncadd.s32 $0xFFFFFFFF  }
0xbe: {  	_ =	strace $0x90000048  }
0xbf: {  	_ =	sfence  }
0xc0: {  	s30 =	sld [smem:$0x0];
	_ =	sdelay $0x2  }
0xc1: {  	s31 =	sshll.u32 s1, $0xD;
	s1 =	sshrl.u32 s1, $0x2  }
0xc2: {  	s3 =	sand.u32 $0x4000, s31;
	s1 =	sadd.s32 s1, s30  }
0xc3: {  	s0 =	sor.u32 s3, s0;
	s1 =	sshll.u32 s1, $0x11  }
0xc4: {  	s0 =	sor.u32 s1, s0  }
0xc5: {  	s0 =	sadd.s32 $0x8F2B, s0  }
0xc6: {  	[sflag:s0] =	ssyncadd.remote.s32 $0x1  }
0xc7: {  	_ =	sfence.sel $0xFFFF  }
0xc8: {  	[dreg:$0x0] =	wrdreg $0xFFFFFFFF;
	(pc) =	sbr.abs _section_cstart, $3  }
0xc9: {  	[dreg:$0x1] =	wrdreg $0xFFFFFFFF  }
0xca: {  	_ =	task.clear_ibuf [dreg:s9], $0x2FFFF;
	_ =	strace $0x9FFFFFFF  }
0xcb: {  	(tm) =	ssettm $0x7FFFFFFF  }
tec
execute0_lowered:
.L_overlay_start_1:
0x0: {  	(tag) =	ssettag $0x1  }
0x1: {  	s0 =	rddreg [dreg:$0x0]  }
0x2: {  	s1 =	rddreg [dreg:$0x1]  }
0x3: {  	s20 =	rddreg [dreg:$0x2]  }
0x4: {  	s4 =	rddreg [dreg:$0x3]  }
0x5: {  	s2 =	rddreg [dreg:$0x4];
	s3 =	simm.s32 $0x0  }
0x6: {  	s12 =	stileid.u32;
	s5 =	srdreg.scid;
	s28 =	simm.s32 $0x80  }
0x7: {  	[smem:$0x7FF] =	sst s3;
	s29 =	sand.u32 $0x1, s5;
	s23 =	smul.u32 $0x5A000, s12  }
0x8: {  	s6 =	sshll.u32 s12, $0x1;
	s25 =	sshll.u32 s12, $0x7;
	s26 =	smul.u32 $0x4800, s12  }
0x9: {  	s13 =	sshll.u32 s12, $0xD;
	_ =	strace $0x80000047;
	s7 =	ssub.s32 $0x2, s29  }
0xa: {  	s22 =	sadd.s32 s6, s4;
	s1 =	sadd.s32 s1, s25;
	s13 =	sadd.s32 s0, s13  }
0xb: {  	s30 =	smul.u32 $0x48000, s29;
	s31 =	sshll.u32 s29, $0x5;
	s25 =	simm.s32 $0x1  }
0xc: {  	v0 =	vmov s29;
	s29 =	simm.s32 $0x0;
	s24 =	sshrl.u32 s7, $0x1;
	s5 =	sshrl.u32 s23, $0x2  }
0xd: {  	[dreg:$0x6] =	wrdreg s1;
	s15 =	sadd.s32 $0x400, s13;
	s16 =	sadd.s32 $0x800, s13  }
0xe: {  	s17 =	sadd.s32 $0xC00, s13;
	s18 =	sadd.s32 $0x1000, s13;
	s19 =	sadd.s32 $0x1400, s13  }
0xf: {  	s21 =	sadd.s32 $0x1800, s13;
	s24 =	ssub.s32 s7, s24;
	s4 =	sadd.s32 s5, s2  }
0x10: {  	s0 =	sadd.s32 s26, s30;
	s26 =	simm.s32 $0x3000;
	s6 =	sadd.s32 $0x2800, s4  }
0x11: {  	s7 =	sadd.s32 $0x5000, s4;
	s8 =	sadd.s32 $0x7800, s4;
	s9 =	sadd.s32 $0xA000, s4  }
0x12: {  	s10 =	sadd.s32 $0xC800, s4;
	s11 =	sadd.s32 $0xF000, s4;
	s12 =	sadd.s32 $0x11800, s4  }
0x13: {  	s14 =	sadd.s32 $0x14000, s4;
	s20 =	sadd.s32 s20, s0;
	s0 =	sadd.s32 s31, s22  }
0x14: {  	v1 =	vimm.f32 $0.0e+00;
	v2 =	vimm.f32 $1.000000000e+00;
	s22 =	sadd.s32 $0x1C00, s13;
	s24 =	smax.u32 s24, $0x1;
	s23 =	sadd.s32 $0x2000, s0  }
.LBB2_1:
0x15: {  	s0 =	rddreg [dreg:$0x6]  }
0x16: {  	[tilespmem:s3], [sflag:$0x1] =	stream.linear.gather [hbm4b:s0+s3], $0x400, $0x38;
	[tilespmem:$0x1C018] =	vst v63  }
0x17: {  	_ =	swait.ge [sflag:s25], $0x400  }
0x18: {  	[sflag:s25] =	ssyncset.done $0x0  }
0x19: {  	s0 =	simm.s32 $0x0;
	[sflag:s25] =	ssyncadd.s32 $0xFFFFFC00  }
0x1a: {  	[tilespmem:s0+$0x440] =	vst v2  }
0x1b: {  	[tilespmem:s0+$0x3000] =	vst v1  }
0x1c: {  	[tilespmem:s0+$0x3010] =	vst v1  }
0x1d: {  	[tilespmem:s0+$0x3020] =	vst v1  }
0x1e: {  	s30 =	simm.s32 $0x140;
	[tilespmem:s0+$0x3030] =	vst v1  }
.LBB2_2:
0x1f: {  	p0 =	sne.s32 s30, $0x9EC0;
	[tilespmem:s0+$0x3040] =	vst v1;
	s0 =	sshra.s32 s30, $0x2;
	s30 =	sadd.s32 $0x140, s30  }
.Ltmp0:
0x20: {  	[tilespmem:s0+$0x440] =	vst v2;
	(pc) =	sbr.rel @p0 .LBB2_2-.Ltmp0, $4  }
0x21: {  	[tilespmem:s0+$0x3000] =	vst v1  }
0x22: {  	[tilespmem:s0+$0x3010] =	vst v1  }
0x23: {  	[tilespmem:s0+$0x3020] =	vst v1  }
0x24: {  	[tilespmem:s0+$0x3030] =	vst v1  }
0x25: {  	[tilespmem:s0+$0x3040] =	vst v1  }
0x26: {  	[spmem:s4] =	stream.linear.scatter [tilespmem:s26], [sflag:$0x1], $0x2800, $0x38;
	[tilespmem:$0x1C018] =	vst v63  }
0x27: {  	_ =	swait.ge [sflag:s25], $0x2800  }
0x28: {  	[sflag:s25] =	ssyncset.done $0x0  }
0x29: {  	[sflag:s25] =	ssyncadd.s32 $0xFFFFD800  }
0x2a: {  	[spmem:s6] =	stream.linear.scatter [tilespmem:s26], [sflag:$0x1], $0x2800, $0x38;
	[tilespmem:$0x1C018] =	vst v63  }
0x2b: {  	_ =	swait.ge [sflag:s25], $0x2800  }
0x2c: {  	[sflag:s25] =	ssyncset.done $0x0  }
0x2d: {  	[sflag:s25] =	ssyncadd.s32 $0xFFFFD800  }
0x2e: {  	[spmem:s7] =	stream.linear.scatter [tilespmem:s26], [sflag:$0x1], $0x2800, $0x38;
	[tilespmem:$0x1C018] =	vst v63  }
0x2f: {  	_ =	swait.ge [sflag:s25], $0x2800  }
0x30: {  	[sflag:s25] =	ssyncset.done $0x0  }
0x31: {  	[sflag:s25] =	ssyncadd.s32 $0xFFFFD800  }
0x32: {  	[spmem:s8] =	stream.linear.scatter [tilespmem:s26], [sflag:$0x1], $0x2800, $0x38;
	[tilespmem:$0x1C018] =	vst v63  }
0x33: {  	_ =	swait.ge [sflag:s25], $0x2800  }
0x34: {  	[sflag:s25] =	ssyncset.done $0x0  }
0x35: {  	[sflag:s25] =	ssyncadd.s32 $0xFFFFD800  }
0x36: {  	[spmem:s9] =	stream.linear.scatter [tilespmem:s26], [sflag:$0x1], $0x2800, $0x38;
	[tilespmem:$0x1C018] =	vst v63  }
0x37: {  	_ =	swait.ge [sflag:s25], $0x2800  }
0x38: {  	[sflag:s25] =	ssyncset.done $0x0  }
0x39: {  	[sflag:s25] =	ssyncadd.s32 $0xFFFFD800  }
0x3a: {  	[spmem:s10] =	stream.linear.scatter [tilespmem:s26], [sflag:$0x1], $0x2800, $0x38;
	[tilespmem:$0x1C018] =	vst v63  }
0x3b: {  	_ =	swait.ge [sflag:s25], $0x2800  }
0x3c: {  	[sflag:s25] =	ssyncset.done $0x0  }
0x3d: {  	[sflag:s25] =	ssyncadd.s32 $0xFFFFD800  }
0x3e: {  	[spmem:s11] =	stream.linear.scatter [tilespmem:s26], [sflag:$0x1], $0x2800, $0x38;
	[tilespmem:$0x1C018] =	vst v63  }
0x3f: {  	_ =	swait.ge [sflag:s25], $0x2800  }
0x40: {  	[sflag:s25] =	ssyncset.done $0x0  }
0x41: {  	[sflag:s25] =	ssyncadd.s32 $0xFFFFD800  }
0x42: {  	[spmem:s12] =	stream.linear.scatter [tilespmem:s26], [sflag:$0x1], $0x2800, $0x38;
	[tilespmem:$0x1C018] =	vst v63  }
0x43: {  	_ =	swait.ge [sflag:s25], $0x2800  }
0x44: {  	[sflag:s25] =	ssyncset.done $0x0  }
0x45: {  	[sflag:s25] =	ssyncadd.s32 $0xFFFFD800  }
0x46: {  	[spmem:s14] =	stream.linear.scatter [tilespmem:s26], [sflag:$0x1], $0x2800, $0x38;
	[tilespmem:$0x1C018] =	vst v63  }
0x47: {  	_ =	swait.ge [sflag:s25], $0x2800  }
0x48: {  	s30 =	simm.s32 $0x0;
	s1 =	simm.s32 $0x0;
	[sflag:s25] =	ssyncset.done $0x0  }
0x49: {  	s0 =	simm.s32 $0x10;
	s31 =	simm.s32 $0x0;
	[sflag:s25] =	ssyncadd.s32 $0xFFFFD800  }
.LBB2_4:
0x4a: {  	p0 =	sne.s32 s0, $0x3F0;
	v3 =	vld [tilespmem:s1+$0x0];
	_ =	sdelay $0x4  }
0x4b: {  	v4 =	vshrl.u32 v3, $0xC  }
0x4c: {  	v5 =	vmul.u32 $0x5556, v4;
	_ =	sdelay $0x1  }
0x4d: {  	v5 =	vshrl.u32 v5, $0x10  }
0x4e: {  	v6 =	vshrl.u32 v3, $0xB;
	v7 =	vmul.u32 $0xFFFFFFFD, v5  }
.Ltmp1:
0x4f: {  	v3 =	vand.u32 $0x7FF, v3;
	v6 =	vand.u32 $0x1, v6;
	v4 =	vsub.s32 $0x0, v4;
	(pc) =	sbr.rel @p0 .LBB2_4-.Ltmp1, $4  }
0x50: {  	s1 =	sand.u32 $0xE00, s30;
	vm0 =	veq.s32 v6, v0;
	vm1 =	veq.s32 v7, v4;
	v4 =	vshll.u32 v5, $0xB  }
0x51: {  	s5 =	sand.u32 $0x70, s31;
	s31 =	smov.u32 s0;
	s1 =	sshrl.u32 s1, $0x2;
	vm0 =	vmand vm0, vm1;
	v3 =	vor.u32 v3, v4  }
0x52: {  	s30 =	sadd.s32 $0x40, s30;
	s5 =	sor.u32 s5, s1;
	v3 =	vnsel vm0, $0x4800, v3  }
0x53: {  	s0 =	sadd.s32 $0x10, s0;
	s1 =	sshra.s32 s30, $0x2;
	[tilespmem:s5+$0x2C00] =	vst v3  }
0x54: {  	v3 =	vld [tilespmem:s1+$0x0];
	_ =	sdelay $0x4  }
0x55: {  	v4 =	vshrl.u32 v3, $0xC  }
0x56: {  	v5 =	vmul.u32 $0x5556, v4;
	_ =	sdelay $0x1  }
0x57: {  	v5 =	vshrl.u32 v5, $0x10  }
0x58: {  	v6 =	vshrl.u32 v3, $0xB;
	v7 =	vmul.u32 $0xFFFFFFFD, v5  }
0x59: {  	v3 =	vand.u32 $0x7FF, v3;
	v6 =	vand.u32 $0x1, v6;
	v4 =	vsub.s32 $0x0, v4  }
0x5a: {  	s0 =	sand.u32 $0xE00, s30;
	vm0 =	veq.s32 v6, v0;
	v63 =	vshll.u32 v5, $0xB;
	vm1 =	veq.s32 v7, v4  }
0x5b: {  	s5 =	sand.u32 $0x70, s31;
	s0 =	sshrl.u32 s0, $0x2;
	v3 =	vor.u32 v3, v63;
	vm0 =	vmand vm0, vm1  }
0x5c: {  	s0 =	sor.u32 s5, s0;
	v3 =	vnsel vm0, $0x4800, v3  }
0x5d: {  	s30 =	simm.s32 $0x8;
	s1 =	sadd.s32 $0x0, s13;
	[tilespmem:s0+$0x2C00] =	vst v3  }
0x5e: {  	s31 =	simm.s32 $0x450;
	s0 =	simm.s32 $0x400;
	[bflag:$0x0] =	sbarrier.arrive $0xFFFF  }
.LBB2_6:
0x5f: {  	[tilespmem:s0], [sflag:$0x1] =	stream.linear.gather [hbm4b:s1+s3], $0x40, $0x38;
	[tilespmem:$0x1C018] =	vst v63  }
0x60: {  	s1 =	smov.u32 s30;
	s0 =	smov.u32 s31;
	p0 =	sne.s32 s30, $0x3F8  }
.Ltmp2:
0x61: {  	s30 =	sadd.s32 $0x8, s30;
	(pc) =	sbr.rel @p0 .LBB2_6-.Ltmp2, $2  }
0x62: {  	_ =	sdelay $0x2  }
0x63: {  	s31 =	sadd.s32 $0x50, s31;
	s1 =	sadd.s32 s1, s13  }
0x64: {  	[tilespmem:s0], [sflag:$0x1] =	stream.linear.gather [hbm4b:s1+s3], $0x40, $0x38;
	[tilespmem:$0x1C018] =	vst v63  }
0x65: {  	_ =	swait.ge [sflag:s25], $0x2000  }
0x66: {  	[sflag:s25] =	ssyncset.done $0x0  }
0x67: {  	s31 =	simm.s32 $0x0;
	[sflag:s25] =	ssyncadd.s32 $0xFFFFE000  }
0x68: {  	v7 =	vld [tilespmem:s31+$0x430]  }
0x69: {  	v8 =	vld [tilespmem:s31+$0x400]  }
0x6a: {  	v9 =	vld [tilespmem:s31+$0x410]  }
0x6b: {  	v3 =	vimm.f32 $0.0e+00;
	v10 =	vld [tilespmem:s31+$0x420]  }
0x6c: {  	s0 =	simm.s32 $0x140;
	v4 =	vimm.f32 $0.0e+00;
	v5 =	vimm.f32 $0.0e+00;
	v6 =	vimm.f32 $0.0e+00  }
.LBB2_8:
0x6d: {  	s1 =	sshra.s32 s0, $0x2;
	p0 =	sne.s32 s0, $0x9EC0;
	s0 =	sadd.s32 $0x140, s0;
	v11 =	vmul.f32 v7, v7  }
.Ltmp3:
0x6e: {  	v7 =	vld [tilespmem:s1+$0x430];
	v12 =	vmul.f32 v8, v8;
	(pc) =	sbr.rel @p0 .LBB2_8-.Ltmp3, $4  }
0x6f: {  	v8 =	vld [tilespmem:s1+$0x400];
	v13 =	vmul.f32 v9, v9;
	v3 =	vadd.f32 v11, v3  }
0x70: {  	v9 =	vld [tilespmem:s1+$0x410];
	v4 =	vadd.f32 v12, v4;
	v11 =	vmul.f32 v10, v10  }
0x71: {  	v10 =	vld [tilespmem:s1+$0x420];
	v5 =	vadd.f32 v13, v5  }
0x72: {  	v6 =	vadd.f32 v11, v6  }
0x73: {  	_ = 	snop  }
0x74: {  	s0 =	simm.s32 $0x400;
	s1 =	simm.s32 $0x2C00  }
0x75: {  	v7 =	vmul.f32 v7, v7;
	[spmem:s2] =	stream.indirect.scatter.add.f32 [tilespmem:s0], [sflag:$0x1], $0x50, s1, s28, $0xb8;
	v8 =	vmul.f32 v8, v8;
	[tilespmem:$0x1C018] =	vst v63  }
0x76: {  	_ =	swait.ge [sflag:s25], $0x2800;
	v9 =	vmul.f32 v9, v9;
	v10 =	vmul.f32 v10, v10  }
0x77: {  	s30 =	simm.s32 $0x8;
	v3 =	vadd.f32 v7, v3;
	[sflag:s25] =	ssyncset.done $0x0;
	v4 =	vadd.f32 v8, v4  }
0x78: {  	s31 =	simm.s32 $0x450;
	s1 =	sadd.s32 $0x0, s15;
	[sflag:s25] =	ssyncadd.s32 $0xFFFFD800;
	v5 =	vadd.f32 v9, v5;
	v6 =	vadd.f32 v10, v6  }
.LBB2_10:
0x79: {  	[tilespmem:s0], [sflag:$0x1] =	stream.linear.gather [hbm4b:s1+s3], $0x40, $0x38;
	[tilespmem:$0x1C018] =	vst v63  }
0x7a: {  	s1 =	smov.u32 s30;
	s0 =	smov.u32 s31;
	p0 =	sne.s32 s30, $0x3F8  }
.Ltmp4:
0x7b: {  	s30 =	sadd.s32 $0x8, s30;
	(pc) =	sbr.rel @p0 .LBB2_10-.Ltmp4, $2  }
0x7c: {  	_ =	sdelay $0x2  }
0x7d: {  	s31 =	sadd.s32 $0x50, s31;
	s1 =	sadd.s32 s1, s15  }
0x7e: {  	[tilespmem:s0], [sflag:$0x1] =	stream.linear.gather [hbm4b:s1+s3], $0x40, $0x38;
	[tilespmem:$0x1C018] =	vst v63  }
0x7f: {  	_ =	swait.ge [sflag:s25], $0x2000  }
0x80: {  	[sflag:s25] =	ssyncset.done $0x0  }
0x81: {  	s31 =	simm.s32 $0x0;
	[sflag:s25] =	ssyncadd.s32 $0xFFFFE000  }
0x82: {  	v7 =	vld [tilespmem:s31+$0x430]  }
0x83: {  	v8 =	vld [tilespmem:s31+$0x400]  }
0x84: {  	v9 =	vld [tilespmem:s31+$0x410]  }
0x85: {  	v10 =	vld [tilespmem:s31+$0x420]  }
0x86: {  	s0 =	simm.s32 $0x140  }
.LBB2_12:
0x87: {  	s1 =	sshra.s32 s0, $0x2;
	p0 =	sne.s32 s0, $0x9EC0;
	s0 =	sadd.s32 $0x140, s0;
	v11 =	vmul.f32 v7, v7  }
.Ltmp5:
0x88: {  	v7 =	vld [tilespmem:s1+$0x430];
	v12 =	vmul.f32 v8, v8;
	(pc) =	sbr.rel @p0 .LBB2_12-.Ltmp5, $4  }
0x89: {  	v8 =	vld [tilespmem:s1+$0x400];
	v13 =	vmul.f32 v9, v9;
	v3 =	vadd.f32 v11, v3  }
0x8a: {  	v9 =	vld [tilespmem:s1+$0x410];
	v4 =	vadd.f32 v12, v4;
	v11 =	vmul.f32 v10, v10  }
0x8b: {  	v10 =	vld [tilespmem:s1+$0x420];
	v5 =	vadd.f32 v13, v5  }
0x8c: {  	v6 =	vadd.f32 v11, v6  }
0x8d: {  	_ = 	snop  }
0x8e: {  	s0 =	simm.s32 $0x400;
	s1 =	simm.s32 $0x2C80  }
0x8f: {  	v7 =	vmul.f32 v7, v7;
	[spmem:s2] =	stream.indirect.scatter.add.f32 [tilespmem:s0], [sflag:$0x1], $0x50, s1, s28, $0xb8;
	v8 =	vmul.f32 v8, v8;
	[tilespmem:$0x1C018] =	vst v63  }
0x90: {  	_ =	swait.ge [sflag:s25], $0x2800;
	v9 =	vmul.f32 v9, v9;
	v10 =	vmul.f32 v10, v10  }
0x91: {  	s30 =	simm.s32 $0x8;
	v3 =	vadd.f32 v7, v3;
	[sflag:s25] =	ssyncset.done $0x0;
	v4 =	vadd.f32 v8, v4  }
0x92: {  	s31 =	simm.s32 $0x450;
	s1 =	sadd.s32 $0x0, s16;
	[sflag:s25] =	ssyncadd.s32 $0xFFFFD800;
	v5 =	vadd.f32 v9, v5;
	v6 =	vadd.f32 v10, v6  }
.LBB2_14:
0x93: {  	[tilespmem:s0], [sflag:$0x1] =	stream.linear.gather [hbm4b:s1+s3], $0x40, $0x38;
	[tilespmem:$0x1C018] =	vst v63  }
0x94: {  	s1 =	smov.u32 s30;
	s0 =	smov.u32 s31;
	p0 =	sne.s32 s30, $0x3F8  }
.Ltmp6:
0x95: {  	s30 =	sadd.s32 $0x8, s30;
	(pc) =	sbr.rel @p0 .LBB2_14-.Ltmp6, $2  }
0x96: {  	_ =	sdelay $0x2  }
0x97: {  	s31 =	sadd.s32 $0x50, s31;
	s1 =	sadd.s32 s1, s16  }
0x98: {  	[tilespmem:s0], [sflag:$0x1] =	stream.linear.gather [hbm4b:s1+s3], $0x40, $0x38;
	[tilespmem:$0x1C018] =	vst v63  }
0x99: {  	_ =	swait.ge [sflag:s25], $0x2000  }
0x9a: {  	[sflag:s25] =	ssyncset.done $0x0  }
0x9b: {  	s31 =	simm.s32 $0x0;
	[sflag:s25] =	ssyncadd.s32 $0xFFFFE000  }
0x9c: {  	v7 =	vld [tilespmem:s31+$0x430]  }
0x9d: {  	v8 =	vld [tilespmem:s31+$0x400]  }
0x9e: {  	v9 =	vld [tilespmem:s31+$0x410]  }
0x9f: {  	v10 =	vld [tilespmem:s31+$0x420]  }
0xa0: {  	s0 =	simm.s32 $0x140  }
.LBB2_16:
0xa1: {  	s1 =	sshra.s32 s0, $0x2;
	p0 =	sne.s32 s0, $0x9EC0;
	s0 =	sadd.s32 $0x140, s0;
	v11 =	vmul.f32 v7, v7  }
.Ltmp7:
0xa2: {  	v7 =	vld [tilespmem:s1+$0x430];
	v12 =	vmul.f32 v8, v8;
	(pc) =	sbr.rel @p0 .LBB2_16-.Ltmp7, $4  }
0xa3: {  	v8 =	vld [tilespmem:s1+$0x400];
	v13 =	vmul.f32 v9, v9;
	v3 =	vadd.f32 v11, v3  }
0xa4: {  	v9 =	vld [tilespmem:s1+$0x410];
	v4 =	vadd.f32 v12, v4;
	v11 =	vmul.f32 v10, v10  }
0xa5: {  	v10 =	vld [tilespmem:s1+$0x420];
	v5 =	vadd.f32 v13, v5  }
0xa6: {  	v6 =	vadd.f32 v11, v6  }
0xa7: {  	_ = 	snop  }
0xa8: {  	s0 =	simm.s32 $0x400;
	s1 =	simm.s32 $0x2D00  }
0xa9: {  	v7 =	vmul.f32 v7, v7;
	[spmem:s2] =	stream.indirect.scatter.add.f32 [tilespmem:s0], [sflag:$0x1], $0x50, s1, s28, $0xb8;
	v8 =	vmul.f32 v8, v8;
	[tilespmem:$0x1C018] =	vst v63  }
0xaa: {  	_ =	swait.ge [sflag:s25], $0x2800;
	v9 =	vmul.f32 v9, v9;
	v10 =	vmul.f32 v10, v10  }
0xab: {  	s30 =	simm.s32 $0x8;
	v3 =	vadd.f32 v7, v3;
	[sflag:s25] =	ssyncset.done $0x0;
	v4 =	vadd.f32 v8, v4  }
0xac: {  	s31 =	simm.s32 $0x450;
	s1 =	sadd.s32 $0x0, s17;
	[sflag:s25] =	ssyncadd.s32 $0xFFFFD800;
	v5 =	vadd.f32 v9, v5;
	v6 =	vadd.f32 v10, v6  }
.LBB2_18:
0xad: {  	[tilespmem:s0], [sflag:$0x1] =	stream.linear.gather [hbm4b:s1+s3], $0x40, $0x38;
	[tilespmem:$0x1C018] =	vst v63  }
0xae: {  	s1 =	smov.u32 s30;
	s0 =	smov.u32 s31;
	p0 =	sne.s32 s30, $0x3F8  }
.Ltmp8:
0xaf: {  	s30 =	sadd.s32 $0x8, s30;
	(pc) =	sbr.rel @p0 .LBB2_18-.Ltmp8, $2  }
0xb0: {  	_ =	sdelay $0x2  }
0xb1: {  	s31 =	sadd.s32 $0x50, s31;
	s1 =	sadd.s32 s1, s17  }
0xb2: {  	[tilespmem:s0], [sflag:$0x1] =	stream.linear.gather [hbm4b:s1+s3], $0x40, $0x38;
	[tilespmem:$0x1C018] =	vst v63  }
0xb3: {  	_ =	swait.ge [sflag:s25], $0x2000  }
0xb4: {  	[sflag:s25] =	ssyncset.done $0x0  }
0xb5: {  	s31 =	simm.s32 $0x0;
	[sflag:s25] =	ssyncadd.s32 $0xFFFFE000  }
0xb6: {  	v7 =	vld [tilespmem:s31+$0x430]  }
0xb7: {  	v8 =	vld [tilespmem:s31+$0x400]  }
0xb8: {  	v9 =	vld [tilespmem:s31+$0x410]  }
0xb9: {  	v10 =	vld [tilespmem:s31+$0x420]  }
0xba: {  	s0 =	simm.s32 $0x140  }
.LBB2_20:
0xbb: {  	s1 =	sshra.s32 s0, $0x2;
	p0 =	sne.s32 s0, $0x9EC0;
	s0 =	sadd.s32 $0x140, s0;
	v11 =	vmul.f32 v7, v7  }
.Ltmp9:
0xbc: {  	v7 =	vld [tilespmem:s1+$0x430];
	v12 =	vmul.f32 v8, v8;
	(pc) =	sbr.rel @p0 .LBB2_20-.Ltmp9, $4  }
0xbd: {  	v8 =	vld [tilespmem:s1+$0x400];
	v13 =	vmul.f32 v9, v9;
	v3 =	vadd.f32 v11, v3  }
0xbe: {  	v9 =	vld [tilespmem:s1+$0x410];
	v4 =	vadd.f32 v12, v4;
	v11 =	vmul.f32 v10, v10  }
0xbf: {  	v10 =	vld [tilespmem:s1+$0x420];
	v5 =	vadd.f32 v13, v5  }
0xc0: {  	v6 =	vadd.f32 v11, v6  }
0xc1: {  	_ = 	snop  }
0xc2: {  	s0 =	simm.s32 $0x400;
	s1 =	simm.s32 $0x2D80  }
0xc3: {  	v7 =	vmul.f32 v7, v7;
	[spmem:s2] =	stream.indirect.scatter.add.f32 [tilespmem:s0], [sflag:$0x1], $0x50, s1, s28, $0xb8;
	v8 =	vmul.f32 v8, v8;
	[tilespmem:$0x1C018] =	vst v63  }
0xc4: {  	_ =	swait.ge [sflag:s25], $0x2800;
	v9 =	vmul.f32 v9, v9;
	v10 =	vmul.f32 v10, v10  }
0xc5: {  	s30 =	simm.s32 $0x8;
	v3 =	vadd.f32 v7, v3;
	[sflag:s25] =	ssyncset.done $0x0;
	v4 =	vadd.f32 v8, v4  }
0xc6: {  	s31 =	simm.s32 $0x450;
	s1 =	sadd.s32 $0x0, s18;
	[sflag:s25] =	ssyncadd.s32 $0xFFFFD800;
	v5 =	vadd.f32 v9, v5;
	v6 =	vadd.f32 v10, v6  }
.LBB2_22:
0xc7: {  	[tilespmem:s0], [sflag:$0x1] =	stream.linear.gather [hbm4b:s1+s3], $0x40, $0x38;
	[tilespmem:$0x1C018] =	vst v63  }
0xc8: {  	s1 =	smov.u32 s30;
	s0 =	smov.u32 s31;
	p0 =	sne.s32 s30, $0x3F8  }
.Ltmp10:
0xc9: {  	s30 =	sadd.s32 $0x8, s30;
	(pc) =	sbr.rel @p0 .LBB2_22-.Ltmp10, $2  }
0xca: {  	_ =	sdelay $0x2  }
0xcb: {  	s31 =	sadd.s32 $0x50, s31;
	s1 =	sadd.s32 s1, s18  }
0xcc: {  	[tilespmem:s0], [sflag:$0x1] =	stream.linear.gather [hbm4b:s1+s3], $0x40, $0x38;
	[tilespmem:$0x1C018] =	vst v63  }
0xcd: {  	_ =	swait.ge [sflag:s25], $0x2000  }
0xce: {  	[sflag:s25] =	ssyncset.done $0x0  }
0xcf: {  	s31 =	simm.s32 $0x0;
	[sflag:s25] =	ssyncadd.s32 $0xFFFFE000  }
0xd0: {  	v7 =	vld [tilespmem:s31+$0x430]  }
0xd1: {  	v8 =	vld [tilespmem:s31+$0x400]  }
0xd2: {  	v9 =	vld [tilespmem:s31+$0x410]  }
0xd3: {  	v10 =	vld [tilespmem:s31+$0x420]  }
0xd4: {  	s0 =	simm.s32 $0x140  }
.LBB2_24:
0xd5: {  	s1 =	sshra.s32 s0, $0x2;
	p0 =	sne.s32 s0, $0x9EC0;
	s0 =	sadd.s32 $0x140, s0;
	v11 =	vmul.f32 v7, v7  }
.Ltmp11:
0xd6: {  	v7 =	vld [tilespmem:s1+$0x430];
	v12 =	vmul.f32 v8, v8;
	(pc) =	sbr.rel @p0 .LBB2_24-.Ltmp11, $4  }
0xd7: {  	v8 =	vld [tilespmem:s1+$0x400];
	v13 =	vmul.f32 v9, v9;
	v3 =	vadd.f32 v11, v3  }
0xd8: {  	v9 =	vld [tilespmem:s1+$0x410];
	v4 =	vadd.f32 v12, v4;
	v11 =	vmul.f32 v10, v10  }
0xd9: {  	v10 =	vld [tilespmem:s1+$0x420];
	v5 =	vadd.f32 v13, v5  }
0xda: {  	v6 =	vadd.f32 v11, v6  }
0xdb: {  	_ = 	snop  }
0xdc: {  	s0 =	simm.s32 $0x400;
	s1 =	simm.s32 $0x2E00  }
0xdd: {  	v7 =	vmul.f32 v7, v7;
	[spmem:s2] =	stream.indirect.scatter.add.f32 [tilespmem:s0], [sflag:$0x1], $0x50, s1, s28, $0xb8;
	v8 =	vmul.f32 v8, v8;
	[tilespmem:$0x1C018] =	vst v63  }
0xde: {  	_ =	swait.ge [sflag:s25], $0x2800;
	v9 =	vmul.f32 v9, v9;
	v10 =	vmul.f32 v10, v10  }
0xdf: {  	s30 =	simm.s32 $0x8;
	v3 =	vadd.f32 v7, v3;
	[sflag:s25] =	ssyncset.done $0x0;
	v4 =	vadd.f32 v8, v4  }
0xe0: {  	s31 =	simm.s32 $0x450;
	s1 =	sadd.s32 $0x0, s19;
	[sflag:s25] =	ssyncadd.s32 $0xFFFFD800;
	v5 =	vadd.f32 v9, v5;
	v6 =	vadd.f32 v10, v6  }
.LBB2_26:
0xe1: {  	[tilespmem:s0], [sflag:$0x1] =	stream.linear.gather [hbm4b:s1+s3], $0x40, $0x38;
	[tilespmem:$0x1C018] =	vst v63  }
0xe2: {  	s1 =	smov.u32 s30;
	s0 =	smov.u32 s31;
	p0 =	sne.s32 s30, $0x3F8  }
.Ltmp12:
0xe3: {  	s30 =	sadd.s32 $0x8, s30;
	(pc) =	sbr.rel @p0 .LBB2_26-.Ltmp12, $2  }
0xe4: {  	_ =	sdelay $0x2  }
0xe5: {  	s31 =	sadd.s32 $0x50, s31;
	s1 =	sadd.s32 s1, s19  }
0xe6: {  	[tilespmem:s0], [sflag:$0x1] =	stream.linear.gather [hbm4b:s1+s3], $0x40, $0x38;
	[tilespmem:$0x1C018] =	vst v63  }
0xe7: {  	_ =	swait.ge [sflag:s25], $0x2000  }
0xe8: {  	[sflag:s25] =	ssyncset.done $0x0  }
0xe9: {  	s31 =	simm.s32 $0x0;
	[sflag:s25] =	ssyncadd.s32 $0xFFFFE000  }
0xea: {  	v7 =	vld [tilespmem:s31+$0x430]  }
0xeb: {  	v8 =	vld [tilespmem:s31+$0x400]  }
0xec: {  	v9 =	vld [tilespmem:s31+$0x410]  }
0xed: {  	v10 =	vld [tilespmem:s31+$0x420]  }
0xee: {  	s0 =	simm.s32 $0x140  }
.LBB2_28:
0xef: {  	s1 =	sshra.s32 s0, $0x2;
	p0 =	sne.s32 s0, $0x9EC0;
	s0 =	sadd.s32 $0x140, s0;
	v11 =	vmul.f32 v7, v7  }
.Ltmp13:
0xf0: {  	v7 =	vld [tilespmem:s1+$0x430];
	v12 =	vmul.f32 v8, v8;
	(pc) =	sbr.rel @p0 .LBB2_28-.Ltmp13, $4  }
0xf1: {  	v8 =	vld [tilespmem:s1+$0x400];
	v13 =	vmul.f32 v9, v9;
	v3 =	vadd.f32 v11, v3  }
0xf2: {  	v9 =	vld [tilespmem:s1+$0x410];
	v4 =	vadd.f32 v12, v4;
	v11 =	vmul.f32 v10, v10  }
0xf3: {  	v10 =	vld [tilespmem:s1+$0x420];
	v5 =	vadd.f32 v13, v5  }
0xf4: {  	v6 =	vadd.f32 v11, v6  }
0xf5: {  	_ = 	snop  }
0xf6: {  	s0 =	simm.s32 $0x400;
	s1 =	simm.s32 $0x2E80  }
0xf7: {  	v7 =	vmul.f32 v7, v7;
	[spmem:s2] =	stream.indirect.scatter.add.f32 [tilespmem:s0], [sflag:$0x1], $0x50, s1, s28, $0xb8;
	v8 =	vmul.f32 v8, v8;
	[tilespmem:$0x1C018] =	vst v63  }
0xf8: {  	_ =	swait.ge [sflag:s25], $0x2800;
	v9 =	vmul.f32 v9, v9;
	v10 =	vmul.f32 v10, v10  }
0xf9: {  	s30 =	simm.s32 $0x8;
	v3 =	vadd.f32 v7, v3;
	[sflag:s25] =	ssyncset.done $0x0;
	v4 =	vadd.f32 v8, v4  }
0xfa: {  	s31 =	simm.s32 $0x450;
	s1 =	sadd.s32 $0x0, s21;
	[sflag:s25] =	ssyncadd.s32 $0xFFFFD800;
	v5 =	vadd.f32 v9, v5;
	v6 =	vadd.f32 v10, v6  }
.LBB2_30:
0xfb: {  	[tilespmem:s0], [sflag:$0x1] =	stream.linear.gather [hbm4b:s1+s3], $0x40, $0x38;
	[tilespmem:$0x1C018] =	vst v63  }
0xfc: {  	s1 =	smov.u32 s30;
	s0 =	smov.u32 s31;
	p0 =	sne.s32 s30, $0x3F8  }
.Ltmp14:
0xfd: {  	s30 =	sadd.s32 $0x8, s30;
	(pc) =	sbr.rel @p0 .LBB2_30-.Ltmp14, $2  }
0xfe: {  	_ =	sdelay $0x2  }
0xff: {  	s31 =	sadd.s32 $0x50, s31;
	s1 =	sadd.s32 s1, s21  }
0x100: {  	[tilespmem:s0], [sflag:$0x1] =	stream.linear.gather [hbm4b:s1+s3], $0x40, $0x38;
	[tilespmem:$0x1C018] =	vst v63  }
0x101: {  	_ =	swait.ge [sflag:s25], $0x2000  }
0x102: {  	[sflag:s25] =	ssyncset.done $0x0  }
0x103: {  	s31 =	simm.s32 $0x0;
	[sflag:s25] =	ssyncadd.s32 $0xFFFFE000  }
0x104: {  	v7 =	vld [tilespmem:s31+$0x430]  }
0x105: {  	v8 =	vld [tilespmem:s31+$0x400]  }
0x106: {  	v9 =	vld [tilespmem:s31+$0x410]  }
0x107: {  	v10 =	vld [tilespmem:s31+$0x420]  }
0x108: {  	s0 =	simm.s32 $0x140  }
.LBB2_32:
0x109: {  	s1 =	sshra.s32 s0, $0x2;
	p0 =	sne.s32 s0, $0x9EC0;
	s0 =	sadd.s32 $0x140, s0;
	v11 =	vmul.f32 v7, v7  }
.Ltmp15:
0x10a: {  	v7 =	vld [tilespmem:s1+$0x430];
	v12 =	vmul.f32 v8, v8;
	(pc) =	sbr.rel @p0 .LBB2_32-.Ltmp15, $4  }
0x10b: {  	v8 =	vld [tilespmem:s1+$0x400];
	v13 =	vmul.f32 v9, v9;
	v3 =	vadd.f32 v11, v3  }
0x10c: {  	v9 =	vld [tilespmem:s1+$0x410];
	v4 =	vadd.f32 v12, v4;
	v11 =	vmul.f32 v10, v10  }
0x10d: {  	v10 =	vld [tilespmem:s1+$0x420];
	v5 =	vadd.f32 v13, v5  }
0x10e: {  	v6 =	vadd.f32 v11, v6  }
0x10f: {  	_ = 	snop  }
0x110: {  	s0 =	simm.s32 $0x400;
	s1 =	simm.s32 $0x2F00  }
0x111: {  	v7 =	vmul.f32 v7, v7;
	[spmem:s2] =	stream.indirect.scatter.add.f32 [tilespmem:s0], [sflag:$0x1], $0x50, s1, s28, $0xb8;
	v8 =	vmul.f32 v8, v8;
	[tilespmem:$0x1C018] =	vst v63  }
0x112: {  	_ =	swait.ge [sflag:s25], $0x2800;
	v9 =	vmul.f32 v9, v9;
	v10 =	vmul.f32 v10, v10  }
0x113: {  	s30 =	simm.s32 $0x8;
	v3 =	vadd.f32 v7, v3;
	[sflag:s25] =	ssyncset.done $0x0;
	v7 =	vadd.f32 v8, v4  }
0x114: {  	s31 =	simm.s32 $0x450;
	s1 =	sadd.s32 $0x0, s22;
	[sflag:s25] =	ssyncadd.s32 $0xFFFFD800;
	v5 =	vadd.f32 v9, v5;
	v4 =	vadd.f32 v10, v6  }
.LBB2_34:
0x115: {  	[tilespmem:s0], [sflag:$0x1] =	stream.linear.gather [hbm4b:s1+s3], $0x40, $0x38;
	[tilespmem:$0x1C018] =	vst v63  }
0x116: {  	s1 =	smov.u32 s30;
	s0 =	smov.u32 s31;
	p0 =	sne.s32 s30, $0x3F8  }
.Ltmp16:
0x117: {  	s30 =	sadd.s32 $0x8, s30;
	(pc) =	sbr.rel @p0 .LBB2_34-.Ltmp16, $2  }
0x118: {  	_ =	sdelay $0x2  }
0x119: {  	s31 =	sadd.s32 $0x50, s31;
	s1 =	sadd.s32 s1, s22  }
0x11a: {  	[tilespmem:s0], [sflag:$0x1] =	stream.linear.gather [hbm4b:s1+s3], $0x40, $0x38;
	[tilespmem:$0x1C018] =	vst v63  }
0x11b: {  	_ =	swait.ge [sflag:s25], $0x2000  }
0x11c: {  	[sflag:s25] =	ssyncset.done $0x0  }
0x11d: {  	s31 =	simm.s32 $0x0;
	[sflag:s25] =	ssyncadd.s32 $0xFFFFE000  }
0x11e: {  	v6 =	vld [tilespmem:s31+$0x430]  }
0x11f: {  	v9 =	vld [tilespmem:s31+$0x400]  }
0x120: {  	v10 =	vld [tilespmem:s31+$0x410]  }
0x121: {  	v8 =	vld [tilespmem:s31+$0x420]  }
0x122: {  	s0 =	simm.s32 $0x140  }
.LBB2_36:
0x123: {  	s1 =	sshra.s32 s0, $0x2;
	p0 =	sne.s32 s0, $0x9EC0;
	s0 =	sadd.s32 $0x140, s0;
	v11 =	vmul.f32 v6, v6  }
.Ltmp17:
0x124: {  	v6 =	vld [tilespmem:s1+$0x430];
	v12 =	vmul.f32 v9, v9;
	(pc) =	sbr.rel @p0 .LBB2_36-.Ltmp17, $4  }
0x125: {  	v9 =	vld [tilespmem:s1+$0x400];
	v13 =	vmul.f32 v10, v10;
	v3 =	vadd.f32 v11, v3  }
0x126: {  	v10 =	vld [tilespmem:s1+$0x410];
	v7 =	vadd.f32 v12, v7;
	v11 =	vmul.f32 v8, v8  }
0x127: {  	v8 =	vld [tilespmem:s1+$0x420];
	v5 =	vadd.f32 v13, v5  }
0x128: {  	v4 =	vadd.f32 v11, v4  }
0x129: {  	_ =	sdelay $0x1  }
0x12a: {  	s0 =	simm.s32 $0x2F80;
	s1 =	simm.s32 $0x400;
	v9 =	vmul.f32 v9, v9;
	v10 =	vmul.f32 v10, v10  }
0x12b: {  	[spmem:s2] =	stream.indirect.scatter.add.f32 [tilespmem:s1], [sflag:$0x1], $0x50, s0, s28, $0xb8;
	[tilespmem:$0x1C018] =	vst v63  }
0x12c: {  	_ =	swait.ge [sflag:s25], $0x2800;
	v7 =	vadd.f32 v9, v7;
	v8 =	vmul.f32 v8, v8;
	v5 =	vadd.f32 v10, v5  }
0x12d: {  	s30 =	stileid.u32;
	s31 =	sshrl.u32 s4, $0x3;
	[sflag:s25] =	ssyncset.done $0x0  }
0x12e: {  	v6 =	vmul.f32 v6, v6;
	s5 =	simm.s32 $0x10;
	s0 =	sshll.u32 s30, $0x6;
	[sflag:s25] =	ssyncadd.s32 $0xFFFFD800;
	v4 =	vadd.f32 v8, v4;
	v5 =	vadd.f32 v5, v7  }
0x12f: {  	s30 =	simm.s32 $0xA;
	s0 =	sor.u32 $0x1C01, s0;
	[bflag:$0x0] =	sbarrier.arrive $0xFFFF  }
0x130: {  	v3 =	vadd.f32 v6, v3;
	[hbm:s20@s5], [sflag:s0] =	dma.strided [spmem:s31@s30], $0x2D00, s25, $0xa ;
	v4 =	vadd.f32 v4, v5  }
0x131: {  	_ =	swait.ge [sflag:s25], $0x2D00  }
0x132: {  	s29 =	sadd.s32 $0x1, s29;
	[sflag:s25] =	ssyncset.done $0x0;
	v3 =	vadd.f32 v3, v4  }
0x133: {  	p0 =	sne.s32 s29, s24;
	[sflag:s25] =	ssyncadd.s32 $0xFFFFD300  }
.Ltmp18:
0x134: {  	s31 =	simm.s32 $0x5800;
	[tilespmem:$0x5800] =	vst v3;
	(pc) =	sbr.rel @p0 .LBB2_1-.Ltmp18, $4  }
0x135: {  	[hbm4b:s23+s3] =	stream.linear.scatter [tilespmem:s31], [sflag:$0x1], $0x10, $0x38;
	[tilespmem:$0x1C018] =	vst v63  }
0x136: {  	_ =	swait.ge [sflag:s25], $0x10  }
0x137: {  	[sflag:s25] =	ssyncset.done $0x0  }
0x138: {  	[sflag:s25] =	ssyncadd.s32 $0xFFFFFFF0  }
0x139: {  	_ =	sfence.sel $0x180000  }
0x13a: {  	[bflag:$0x0] =	sbarrier.arrive $0xFFFF  }
0x13b: {  	_ =	strace $0x90000047  }
0x13c: {  	s0 =	stileid.u32;
	[bflag:$0x2] =	sbarrier.arrive $0xFFFF  }
0x13d: {  	p0 =	sne.s32 s0, $0x0;
	s0 =	rddreg [dreg:$0x5]  }
0x13e: {  	s0 =	sadd.s32 @!p0 $0x100000, s0  }
0x13f: {  	[sflag:s0] =	ssyncadd.tile.s32 @!p0 $0x1;
	_ =	shalt  }
.Lfunc_end2:
_tile_overlayer_lowered:
.L_overlay_start_2:
0x140: {  	(tag) =	ssettag $0x2  }
0x141: {  	s0 =	rddreg [dreg:$0x0];
	s2 =	stileid.u32  }
0x142: {  	s1 =	rddreg [dreg:$0x1];
	p0 =	sne.s32 s2, $0x0  }
0x143: {  	s3 =	rddreg [dreg:$0x2];
	[bflag:$0x3] =	sbarrier.arrive $0xFFFF;
	s2 =	simm.s32 @!p0 $0x1C01  }
0x144: {  	[timem:s3], [sflag:s2] =	dma.local @!p0 [hbm:s0], s1  }
0x145: {  	s0 =	simm.s32 @!p0 $0x1  }
0x146: {  	_ =	swait.ge @!p0 [sflag:s0], s1  }
0x147: {  	s1 =	ssub.s32 @!p0 $0x0, s1;
	[sflag:s0] =	ssyncset.done @!p0 $0x0  }
0x148: {  	[sflag:s0] =	ssyncadd.s32 @!p0 s1  }
0x149: {  	[bflag:$0x3] =	sbarrier.arrive $0xFFFF  }
0x14a: {  	_ =	shalt  }

// kernel: sc_pass1.3.cloned.1.call-start
scs
__scs_entry_jumppad:
0x0: {  	(pc) =	sbr.rel $0x88, $3  }
0x1: {  	(tag) =	ssettag $0x0;
	lr =	simm.s32 $0x1  }
0x2: {  	[smem:$0x3F9E] =	sst lr;
	_ =	strace $0xD0000000  }
0x3: {  	_ = 	snop  }
0x4: {  	_ = 	snop  }
0x5: {  	_ = 	snop  }
0x6: {  	_ = 	snop  }
0x7: {  	_ = 	snop  }
__scs_overlays_trampoline_lowered:
0x8: {  	[smem:$0x3FAD] =	sst s0  }
0x9: {  	[smem:$0x3FAE] =	sst s1  }
0xa: {  	[smem:$0x3FAF] =	sst s2  }
0xb: {  	[smem:$0x3FB0] =	sst s3  }
0xc: {  	[smem:$0x3FB1] =	sst s4  }
0xd: {  	[smem:$0x3FB2] =	sst s5  }
0xe: {  	[smem:$0x3FB3] =	sst s6  }
0xf: {  	[smem:$0x3FB4] =	sst s7  }
0x10: {  	[smem:$0x3FB5] =	sst s8  }
0x11: {  	[smem:$0x3FB6] =	sst s9;
	s0 =	simm.s32 @!p0 $0x0  }
0x12: {  	s1 =	sld [smem:$0x3F9C];
	s0 =	simm.s32 @p0 $0x1  }
0x13: {  	[smem:$0x3FB7] =	sst s0;
	s0 =	simm.s32 @!p1 $0x0  }
0x14: {  	s2 =	sld [smem:$0x3F9B];
	s0 =	simm.s32 @p1 $0x1  }
0x15: {  	[smem:$0x3FB8] =	sst s0;
	s0 =	simm.s32 @!p2 $0x0  }
0x16: {  	s3 =	sld [smem:$0x3FDB];
	s0 =	simm.s32 @p2 $0x1  }
0x17: {  	s4 =	simm.s32 $0x1BF5;
	[smem:$0x3FBA] =	sst s0  }
0x18: {  	s0 =	sld [smem:$0x3F9D];
	_ =	swait.ge [sflag:s4], $0x0  }
0x19: {  	s7 =	sld [smem:$0x3F9E]  }
0x1a: {  	s8 =	sadd.s32 $0xFFFFE003, lr  }
0x1b: {  	s9 =	sadd.s32 $0xFFFFFEF7, lr;
	s5 =	simm.s32 $0xFFFFFFFF;
	p2 =	slt.u32 s8, $0xFFFFF086  }
0x1c: {  	p1 =	slt.u32 s9, $0xF7A;
	s5 =	simm.s32 @!p2 $0x0  }
0x1d: {  	s5 =	simm.s32 @p1 $0x1;
	p0 =	seq.s32 s7, s2  }
0x1e: {  	s7 =	smul.u32 @!p0 $0xF7A, s2;
	p2 =	seq.s32 @!p0 s5, $0x0  }
0x1f: {  	s9 =	smul.u32 $0xF7A, s1;
	s8 =	simm.s32 @!p0 $0x1BF5;
	p2 =	por !p2, p0  }
0x20: {  	[sflag:s8] =	ssyncset.s32 @!p0 $0xFFFFF086;
	s6 =	sadd.s32 @!p0 s3, s7;
	s7 =	simm.s32 @!p0 $0x108  }
0x21: {  	s3 =	sadd.s32 s3, s9;
	s6 =	sadd.s32 @!p0 $0x88, s6;
	s7 =	simm.s32 @p2 $0x1082  }
0x22: {  	[simem:s7], [sflag:s8] =	dma.local @!p0 [hbm:s6], $0xF7A  }
0x23: {  	s9 =	sor.u32 $0xD0000000, s2;
	s6 =	simm.s32 $0x108;
	_ =	swait.ge @!p0 [sflag:s8], $0x0  }
0x24: {  	s3 =	sadd.s32 $0x88, s3;
	s6 =	simm.s32 @!p1 $0x1082;
	[sflag:s4] =	ssyncset.s32 $0xFFFFF086  }
0x25: {  	[simem:s6], [sflag:s4] =	dma.local [hbm:s3], $0xF7A  }
0x26: {  	[smem:$0x3F9E] =	sst s1;
	(tag) =	ssettag s2;
	_ =	strace s9  }
0x27: {  	s1 =	sld [smem:$0x3FAE]  }
0x28: {  	s2 =	sld [smem:$0x3FAF]  }
0x29: {  	s4 =	sld [smem:$0x3FB1]  }
0x2a: {  	p0 =	seq.s32 s5, $0x0;
	s5 =	sld [smem:$0x3FB2]  }
0x2b: {  	s6 =	sld [smem:$0x3FB3]  }
0x2c: {  	s7 =	sld [smem:$0x3FB4]  }
0x2d: {  	s3 =	simm.s32 $0x108;
	s8 =	sld [smem:$0x3FB5]  }
0x2e: {  	s3 =	simm.s32 @!p0 $0x1082;
	s9 =	sld [smem:$0x3FB6]  }
0x2f: {  	lr =	sadd.s32 s0, s3;
	s0 =	sld [smem:$0x3FAD]  }
0x30: {  	s3 =	sld [smem:$0x3FB0]  }
0x31: {  	[smem:$0x3FB9] =	sst s10  }
0x32: {  	s10 =	sld [smem:$0x3FB7];
	_ =	sdelay $0x3  }
0x33: {  	p0 =	seq.s32 s10, $0x1;
	s10 =	sld [smem:$0x3FB9];
	_ =	sdelay $0x3  }
0x34: {  	[smem:$0x3FB9] =	sst s10  }
0x35: {  	s10 =	sld [smem:$0x3FB8];
	_ =	sdelay $0x3  }
0x36: {  	p1 =	seq.s32 s10, $0x1;
	s10 =	sld [smem:$0x3FB9];
	_ =	sdelay $0x3  }
0x37: {  	[smem:$0x3FB9] =	sst s10  }
0x38: {  	s10 =	sld [smem:$0x3FBA]  }
0x39: {  	_ = 	snop;
	(pc) =	sbr.ind lr, $3  }
0x3a: {  	_ = 	snop  }
0x3b: {  	_ = 	snop  }
0x3c: {  	p2 =	seq.s32 s10, $0x1;
	s10 =	sld [smem:$0x3FB9]  }
0x3d: {  	_ =	shalt  }
0x3e: {  	_ =	shalt  }
0x3f: {  	_ =	shalt  }
0x40: {  	_ =	shalt  }
0x41: {  	_ =	shalt  }
0x42: {  	_ =	shalt  }
0x43: {  	_ =	shalt  }
0x44: {  	_ =	shalt  }
0x45: {  	_ =	shalt  }
0x46: {  	_ =	shalt  }
0x47: {  	_ =	shalt  }
0x48: {  	_ =	shalt  }
0x49: {  	_ =	shalt  }
0x4a: {  	_ =	shalt  }
0x4b: {  	_ =	shalt  }
0x4c: {  	_ =	shalt  }
0x4d: {  	_ =	shalt  }
0x4e: {  	_ =	shalt  }
0x4f: {  	_ =	shalt  }
0x50: {  	_ =	shalt  }
0x51: {  	_ =	shalt  }
0x52: {  	_ =	shalt  }
0x53: {  	_ =	shalt  }
0x54: {  	_ =	shalt  }
0x55: {  	_ =	shalt  }
0x56: {  	_ =	shalt  }
0x57: {  	_ =	shalt  }
0x58: {  	_ =	shalt  }
0x59: {  	_ =	shalt  }
0x5a: {  	_ =	shalt  }
0x5b: {  	_ =	shalt  }
0x5c: {  	_ =	shalt  }
0x5d: {  	_ =	shalt  }
0x5e: {  	_ =	shalt  }
0x5f: {  	_ =	shalt  }
0x60: {  	_ =	shalt  }
0x61: {  	_ =	shalt  }
0x62: {  	_ =	shalt  }
0x63: {  	_ =	shalt  }
0x64: {  	_ =	shalt  }
0x65: {  	_ =	shalt  }
0x66: {  	_ =	shalt  }
0x67: {  	_ =	shalt  }
0x68: {  	_ =	shalt  }
0x69: {  	_ =	shalt  }
0x6a: {  	_ =	shalt  }
0x6b: {  	_ =	shalt  }
0x6c: {  	_ =	shalt  }
0x6d: {  	_ =	shalt  }
0x6e: {  	_ =	shalt  }
0x6f: {  	_ =	shalt  }
0x70: {  	_ =	shalt  }
0x71: {  	_ =	shalt  }
0x72: {  	_ =	shalt  }
0x73: {  	_ =	shalt  }
0x74: {  	_ =	shalt  }
0x75: {  	_ =	shalt  }
0x76: {  	_ =	shalt  }
0x77: {  	_ =	shalt  }
0x78: {  	_ =	shalt  }
0x79: {  	_ =	shalt  }
0x7a: {  	_ =	shalt  }
0x7b: {  	_ =	shalt  }
0x7c: {  	_ =	shalt  }
0x7d: {  	_ =	shalt  }
0x7e: {  	_ =	shalt  }
0x7f: {  	_ =	shalt  }
0x80: {  	_ =	shalt  }
0x81: {  	_ =	shalt  }
0x82: {  	_ =	shalt  }
0x83: {  	_ =	shalt  }
0x84: {  	_ =	shalt  }
0x85: {  	_ =	shalt  }
0x86: {  	_ =	shalt  }
0x87: {  	_ =	shalt  }
.Lfunc_end0:
.L_simem_size_0:
called_computation.1_lowered:
.L_overlay_start_0:
0x88: {  	s2 =	sld [smem:$0x3FD9]  }
0x89: {  	s3 =	sld [smem:$0x3FFE];
	_ =	sdelay $0x1  }
0x8a: {  	s1 =	srdreg.scid  }
0x8b: {  	s0 =	sand.u32 $0x1, s1  }
0x8c: {  	s14 =	sshll.u32 s0, $0xA;
	s2 =	sadd.s32 s3, s2  }
0x8d: {  	s2 =	sadd.s32 s2, s14  }
0x8e: {  	[smem:$0x3FC5] =	sst s2  }
0x8f: {  	_ = 	snop  }
0x90: {  	s2 =	sld [smem:$0x3FD0];
	_ =	sdelay $0x2  }
0x91: {  	s4 =	simm.s32 $0xA;
	s5 =	simm.s32 $0x10;
	s15 =	sld [smem:$0x3FC8]  }
0x92: {  	[smem:s5], [sflag:s4] =	dma.local [hbm:s2], $0x1  }
0x93: {  	_ =	swait.eq [sflag:s4], $0x1  }
0x94: {  	[sflag:s4] =	ssyncset.done $0x0  }
0x95: {  	[sflag:s4] =	ssyncadd.s32 $0xFFFFFFFF  }
0x96: {  	s16 =	sld [smem:$0x10];
	(tm) =	ssettm $0x1  }
0x97: {  	s17 =	sld [smem:$0x3FFB];
	_ =	sdelay $0x3  }
0x98: {  	_ =	strace s17  }
0x99: {  	s4 =	sld [smem:$0x3FFC];
	_ =	sdelay $0x3  }
0x9a: {  	_ =	strace s4  }
0x9b: {  	s4 =	sld [smem:$0x3FFD];
	_ =	sdelay $0x3  }
0x9c: {  	_ =	strace s4  }
0x9d: {  	_ =	strace $0x8FFFFFFF  }
0x9e: {  	s18 =	sld [smem:$0x3FDB];
	_ =	sdelay $0x1  }
0x9f: {  	s19 =	simm.s32 $_scs_section_size  }
0xa0: {  	s6 =	simm.s32 $_size__tile_overlayer_lowered;
	s7 =	simm.s32 $_tile_overlayer_lowered  }
0xa1: {  	s22 =	simm.s32 $0x1BFF;
	s21 =	sshll.u32 s7, $0x1;
	s4 =	sadd.s32 s19, s18  }
0xa2: {  	s8 =	simm.s32 $0x0;
	s20 =	sshll.u32 s6, $0x1;
	s6 =	sadd.s32 s21, s4  }
0xa3: {  	[timem:s8], [sflag:s22] =	dma.local [hbm:s6], s20  }
0xa4: {  	_ =	swait.ge [sflag:s22], s20  }
0xa5: {  	s5 =	ssub.s32 $0x0, s20;
	[sflag:s22] =	ssyncset.done $0x0  }
0xa6: {  	[sflag:s22] =	ssyncadd.s32 s5;
	_ =	sdelay $0x1  }
0xa7: {  	s23 =	simm.s32 $0x1B8B  }
0xa8: {  	_ =	swait.ge [sflag:s23], $0x1  }
0xa9: {  	[sflag:s23] =	ssyncset.done $0x0  }
0xaa: {  	s25 =	simm.s32 $0x1B8E;
	s24 =	sld [smem:$0x3FFE];
	[sflag:s23] =	ssyncadd.s32 $0xFFFFFFFF  }
0xab: {  	s26 =	simm.s32 $execute0_lowered;
	[smem:$0x3FD2] =	sst s25  }
0xac: {  	s6 =	sshll.u32 s26, $0x1;
	_ =	strace $0x80000049;
	[dreg:$0x1] =	wrdreg $0xFFFFFFFF  }
0xad: {  	s28 =	simm.s32 $_size_execute0_lowered;
	s4 =	sadd.s32 s4, s6;
	[dreg:$0x0] =	wrdreg $0x0  }
0xae: {  	s6 =	sshll.u32 s28, $0x1;
	[dreg:$0x2] =	wrdreg s4  }
0xaf: {  	[dreg:$0x3] =	wrdreg s6  }
0xb0: {  	[dreg:$0x4] =	wrdreg $0xC0  }
0xb1: {  	_ =	task [dreg:s8], $0x5FFFF  }
0xb2: {  	[dreg:$0x1] =	wrdreg $0xFFFFFFFF  }
0xb3: {  	[dreg:$0x0] =	wrdreg $0x60  }
0xb4: {  	[dreg:$0x2] =	wrdreg s16  }
0xb5: {  	[dreg:$0x3] =	wrdreg s15  }
0xb6: {  	[dreg:$0x4] =	wrdreg s24  }
0xb7: {  	[dreg:$0x5] =	wrdreg $0x58000  }
0xb8: {  	[dreg:$0x6] =	wrdreg $0x9  }
0xb9: {  	_ =	task.clear_ibuf [dreg:s8], $0x7FFFF;
	_ =	strace $0x90000049  }
0xba: {  	s29 =	simm.s32 $0x9;
	_ =	strace $0x8000004B  }
0xbb: {  	_ =	swait.ge [sflag:s29], $0x1  }
0xbc: {  	[sflag:s29] =	ssyncadd.s32 $0xFFFFFFFF  }
0xbd: {  	_ =	strace $0x9000004B  }
0xbe: {  	_ =	sfence  }
0xbf: {  	s30 =	sld [smem:$0x0];
	_ =	sdelay $0x2  }
0xc0: {  	s31 =	sshll.u32 s1, $0xD;
	s1 =	sshrl.u32 s1, $0x2  }
0xc1: {  	s3 =	sand.u32 $0x4000, s31;
	s1 =	sadd.s32 s1, s30  }
0xc2: {  	s0 =	sor.u32 s3, s0;
	s1 =	sshll.u32 s1, $0x11  }
0xc3: {  	s0 =	sor.u32 s1, s0  }
0xc4: {  	s0 =	sadd.s32 $0x8F2B, s0  }
0xc5: {  	[sflag:s0] =	ssyncadd.remote.s32 $0x1  }
0xc6: {  	_ =	sfence.sel $0xFFFF  }
0xc7: {  	[dreg:$0x0] =	wrdreg $0xFFFFFFFF;
	(pc) =	sbr.abs _section_cstart, $3  }
0xc8: {  	[dreg:$0x1] =	wrdreg $0xFFFFFFFF  }
0xc9: {  	_ =	task.clear_ibuf [dreg:s8], $0x2FFFF;
	_ =	strace $0x9FFFFFFF  }
0xca: {  	(tm) =	ssettm $0x7FFFFFFF  }
0xcb: {  	_ =	shalt  }
tec
execute0_lowered:
.L_overlay_start_1:
0x0: {  	(tag) =	ssettag $0x1  }
0x1: {  	s1 =	rddreg [dreg:$0x0]  }
0x2: {  	s5 =	rddreg [dreg:$0x1]  }
0x3: {  	s4 =	rddreg [dreg:$0x2];
	s3 =	srdreg.scid  }
0x4: {  	s0 =	stileid.u32;
	s2 =	rddreg [dreg:$0x3]  }
0x5: {  	s24 =	simm.s32 $0x1;
	s29 =	simm.s32 $0x0;
	s6 =	smul.u32 $0x4800, s0  }
0x6: {  	s28 =	sand.u32 $0x1, s3;
	s3 =	simm.s32 $0x0;
	s8 =	smul.u32 $0x5A000, s0  }
0x7: {  	s31 =	sshll.u32 s0, $0x7;
	s14 =	sshll.u32 s0, $0xD;
	s7 =	smul.u32 $0x48000, s28  }
0x8: {  	[smem:$0x7FF] =	sst s3;
	s25 =	ssub.s32 $0x2, s28;
	s5 =	sadd.s32 s5, s31  }
0x9: {  	s14 =	sadd.s32 s1, s14;
	_ =	strace $0x8000004A;
	s26 =	sshrl.u32 s8, $0x2  }
0xa: {  	s30 =	sshrl.u32 s25, $0x1;
	s15 =	sadd.s32 $0x400, s14;
	s16 =	sadd.s32 $0x800, s14  }
0xb: {  	s17 =	sadd.s32 $0xC00, s14;
	s18 =	sadd.s32 $0x1000, s14;
	s19 =	sadd.s32 $0x1400, s14  }
0xc: {  	s20 =	sadd.s32 $0x1800, s14;
	s21 =	sadd.s32 $0x1C00, s14;
	s6 =	sadd.s32 s6, s7  }
0xd: {  	s23 =	ssub.s32 s25, s30;
	s25 =	simm.s32 $0x3000;
	s22 =	sadd.s32 s6, s4  }
0xe: {  	s4 =	sadd.s32 s26, s2;
	s23 =	smax.u32 s23, $0x1;
	s26 =	simm.s32 $0x80  }
0xf: {  	s6 =	sadd.s32 $0x2800, s4;
	s7 =	sadd.s32 $0x5000, s4;
	s8 =	sadd.s32 $0x7800, s4  }
0x10: {  	s9 =	sadd.s32 $0xA000, s4;
	s10 =	sadd.s32 $0xC800, s4;
	s11 =	sadd.s32 $0xF000, s4  }
0x11: {  	v1 =	vimm.f32 $0.0e+00;
	v2 =	vimm.f32 $1.000000000e+00;
	v0 =	vmov s28;
	s12 =	sadd.s32 $0x11800, s4;
	s13 =	sadd.s32 $0x14000, s4;
	s22 =	sadd.s32 $0x2200, s22  }
.LBB2_1:
0x12: {  	[tilespmem:s3], [sflag:$0x1] =	stream.linear.gather [hbm4b:s5+s3], $0x400, $0x38;
	[tilespmem:$0x1C008] =	vst v63  }
0x13: {  	_ =	swait.ge [sflag:s24], $0x400  }
0x14: {  	[sflag:s24] =	ssyncset.done $0x0  }
0x15: {  	s1 =	simm.s32 $0x0;
	[sflag:s24] =	ssyncadd.s32 $0xFFFFFC00  }
0x16: {  	[tilespmem:s1+$0x440] =	vst v2  }
0x17: {  	[tilespmem:s1+$0x3000] =	vst v1  }
0x18: {  	[tilespmem:s1+$0x3010] =	vst v1  }
0x19: {  	[tilespmem:s1+$0x3020] =	vst v1  }
0x1a: {  	s30 =	simm.s32 $0x140;
	[tilespmem:s1+$0x3030] =	vst v1  }
.LBB2_2:
0x1b: {  	p0 =	sne.s32 s30, $0x9EC0;
	[tilespmem:s1+$0x3040] =	vst v1;
	s1 =	sshra.s32 s30, $0x2;
	s30 =	sadd.s32 $0x140, s30  }
.Ltmp0:
0x1c: {  	[tilespmem:s1+$0x440] =	vst v2;
	(pc) =	sbr.rel @p0 .LBB2_2-.Ltmp0, $4  }
0x1d: {  	[tilespmem:s1+$0x3000] =	vst v1  }
0x1e: {  	[tilespmem:s1+$0x3010] =	vst v1  }
0x1f: {  	[tilespmem:s1+$0x3020] =	vst v1  }
0x20: {  	[tilespmem:s1+$0x3030] =	vst v1  }
0x21: {  	[tilespmem:s1+$0x3040] =	vst v1  }
0x22: {  	[spmem:s4] =	stream.linear.scatter [tilespmem:s25], [sflag:$0x1], $0x2800, $0x38;
	[tilespmem:$0x1C008] =	vst v63  }
0x23: {  	_ =	swait.ge [sflag:s24], $0x2800  }
0x24: {  	[sflag:s24] =	ssyncset.done $0x0  }
0x25: {  	[sflag:s24] =	ssyncadd.s32 $0xFFFFD800  }
0x26: {  	[spmem:s6] =	stream.linear.scatter [tilespmem:s25], [sflag:$0x1], $0x2800, $0x38;
	[tilespmem:$0x1C008] =	vst v63  }
0x27: {  	_ =	swait.ge [sflag:s24], $0x2800  }
0x28: {  	[sflag:s24] =	ssyncset.done $0x0  }
0x29: {  	[sflag:s24] =	ssyncadd.s32 $0xFFFFD800  }
0x2a: {  	[spmem:s7] =	stream.linear.scatter [tilespmem:s25], [sflag:$0x1], $0x2800, $0x38;
	[tilespmem:$0x1C008] =	vst v63  }
0x2b: {  	_ =	swait.ge [sflag:s24], $0x2800  }
0x2c: {  	[sflag:s24] =	ssyncset.done $0x0  }
0x2d: {  	[sflag:s24] =	ssyncadd.s32 $0xFFFFD800  }
0x2e: {  	[spmem:s8] =	stream.linear.scatter [tilespmem:s25], [sflag:$0x1], $0x2800, $0x38;
	[tilespmem:$0x1C008] =	vst v63  }
0x2f: {  	_ =	swait.ge [sflag:s24], $0x2800  }
0x30: {  	[sflag:s24] =	ssyncset.done $0x0  }
0x31: {  	[sflag:s24] =	ssyncadd.s32 $0xFFFFD800  }
0x32: {  	[spmem:s9] =	stream.linear.scatter [tilespmem:s25], [sflag:$0x1], $0x2800, $0x38;
	[tilespmem:$0x1C008] =	vst v63  }
0x33: {  	_ =	swait.ge [sflag:s24], $0x2800  }
0x34: {  	[sflag:s24] =	ssyncset.done $0x0  }
0x35: {  	[sflag:s24] =	ssyncadd.s32 $0xFFFFD800  }
0x36: {  	[spmem:s10] =	stream.linear.scatter [tilespmem:s25], [sflag:$0x1], $0x2800, $0x38;
	[tilespmem:$0x1C008] =	vst v63  }
0x37: {  	_ =	swait.ge [sflag:s24], $0x2800  }
0x38: {  	[sflag:s24] =	ssyncset.done $0x0  }
0x39: {  	[sflag:s24] =	ssyncadd.s32 $0xFFFFD800  }
0x3a: {  	[spmem:s11] =	stream.linear.scatter [tilespmem:s25], [sflag:$0x1], $0x2800, $0x38;
	[tilespmem:$0x1C008] =	vst v63  }
0x3b: {  	_ =	swait.ge [sflag:s24], $0x2800  }
0x3c: {  	[sflag:s24] =	ssyncset.done $0x0  }
0x3d: {  	[sflag:s24] =	ssyncadd.s32 $0xFFFFD800  }
0x3e: {  	[spmem:s12] =	stream.linear.scatter [tilespmem:s25], [sflag:$0x1], $0x2800, $0x38;
	[tilespmem:$0x1C008] =	vst v63  }
0x3f: {  	_ =	swait.ge [sflag:s24], $0x2800  }
0x40: {  	[sflag:s24] =	ssyncset.done $0x0  }
0x41: {  	[sflag:s24] =	ssyncadd.s32 $0xFFFFD800  }
0x42: {  	[spmem:s13] =	stream.linear.scatter [tilespmem:s25], [sflag:$0x1], $0x2800, $0x38;
	[tilespmem:$0x1C008] =	vst v63  }
0x43: {  	_ =	swait.ge [sflag:s24], $0x2800  }
0x44: {  	s30 =	simm.s32 $0x0;
	s28 =	simm.s32 $0x0;
	[sflag:s24] =	ssyncset.done $0x0  }
0x45: {  	s1 =	simm.s32 $0x10;
	s31 =	simm.s32 $0x0;
	[sflag:s24] =	ssyncadd.s32 $0xFFFFD800  }
.LBB2_4:
0x46: {  	p0 =	sne.s32 s1, $0x3F0;
	v3 =	vld [tilespmem:s28+$0x0];
	_ =	sdelay $0x4  }
0x47: {  	v4 =	vshrl.u32 v3, $0xC  }
0x48: {  	v5 =	vmul.u32 $0x5556, v4;
	_ =	sdelay $0x1  }
0x49: {  	v5 =	vshrl.u32 v5, $0x10  }
0x4a: {  	v6 =	vmul.u32 $0xFFFFFFFD, v5  }
0x4b: {  	v7 =	vshrl.u32 v3, $0xB  }
.Ltmp1:
0x4c: {  	v3 =	vand.u32 $0x7FF, v3;
	v4 =	vadd.s32 v4, v6;
	v6 =	vand.u32 $0x1, v7;
	(pc) =	sbr.rel @p0 .LBB2_4-.Ltmp1, $4  }
0x4d: {  	s28 =	sand.u32 $0xE00, s30;
	vm0 =	veq.s32 v6, v0;
	vm1 =	veq.s32 v4, $0x1;
	v4 =	vshll.u32 v5, $0xB  }
0x4e: {  	s0 =	sand.u32 $0x70, s31;
	s31 =	smov.u32 s1;
	s28 =	sshrl.u32 s28, $0x2;
	vm0 =	vmand vm0, vm1;
	v3 =	vor.u32 v3, v4  }
0x4f: {  	s30 =	sadd.s32 $0x40, s30;
	s0 =	sor.u32 s0, s28;
	v3 =	vnsel vm0, $0x4800, v3  }
0x50: {  	s1 =	sadd.s32 $0x10, s1;
	s28 =	sshra.s32 s30, $0x2;
	[tilespmem:s0+$0x2C00] =	vst v3  }
0x51: {  	v3 =	vld [tilespmem:s28+$0x0];
	_ =	sdelay $0x4  }
0x52: {  	v4 =	vshrl.u32 v3, $0xC  }
0x53: {  	v5 =	vmul.u32 $0x5556, v4;
	_ =	sdelay $0x1  }
0x54: {  	v5 =	vshrl.u32 v5, $0x10  }
0x55: {  	v6 =	vmul.u32 $0xFFFFFFFD, v5  }
0x56: {  	v7 =	vshrl.u32 v3, $0xB  }
0x57: {  	v3 =	vand.u32 $0x7FF, v3;
	v62 =	vand.u32 $0x1, v7;
	v4 =	vadd.s32 v4, v6  }
0x58: {  	s0 =	sand.u32 $0xE00, s30;
	vm0 =	veq.s32 v62, v0;
	v63 =	vshll.u32 v5, $0xB;
	vm1 =	veq.s32 v4, $0x1  }
0x59: {  	s1 =	sand.u32 $0x70, s31;
	s0 =	sshrl.u32 s0, $0x2;
	v3 =	vor.u32 v3, v63;
	vm0 =	vmand vm0, vm1  }
0x5a: {  	s0 =	sor.u32 s1, s0;
	v3 =	vnsel vm0, $0x4800, v3  }
0x5b: {  	s30 =	simm.s32 $0x8;
	s28 =	sadd.s32 $0x0, s14;
	[tilespmem:s0+$0x2C00] =	vst v3  }
0x5c: {  	s31 =	simm.s32 $0x450;
	s1 =	simm.s32 $0x400;
	[bflag:$0x0] =	sbarrier.arrive $0xFFFF  }
.LBB2_6:
0x5d: {  	[tilespmem:s1], [sflag:$0x1] =	stream.linear.gather [hbm4b:s28+s3], $0x40, $0x38;
	[tilespmem:$0x1C008] =	vst v63  }
0x5e: {  	s0 =	smov.u32 s30;
	s1 =	smov.u32 s31;
	p0 =	sne.s32 s30, $0x3F8  }
.Ltmp2:
0x5f: {  	s30 =	sadd.s32 $0x8, s30;
	(pc) =	sbr.rel @p0 .LBB2_6-.Ltmp2, $2  }
0x60: {  	_ =	sdelay $0x2  }
0x61: {  	s31 =	sadd.s32 $0x50, s31;
	s28 =	sadd.s32 s0, s14  }
0x62: {  	[tilespmem:s1], [sflag:$0x1] =	stream.linear.gather [hbm4b:s28+s3], $0x40, $0x38;
	[tilespmem:$0x1C008] =	vst v63  }
0x63: {  	_ =	swait.ge [sflag:s24], $0x2000  }
0x64: {  	[sflag:s24] =	ssyncset.done $0x0  }
0x65: {  	s1 =	simm.s32 $0x400;
	s0 =	simm.s32 $0x2C00;
	[sflag:s24] =	ssyncadd.s32 $0xFFFFE000  }
0x66: {  	[spmem:s2] =	stream.indirect.scatter.add.f32 [tilespmem:s1], [sflag:$0x1], $0x50, s0, s26, $0xb8;
	[tilespmem:$0x1C008] =	vst v63  }
0x67: {  	_ =	swait.ge [sflag:s24], $0x2800  }
0x68: {  	s30 =	simm.s32 $0x8;
	[sflag:s24] =	ssyncset.done $0x0  }
0x69: {  	s28 =	sadd.s32 $0x0, s15;
	s31 =	simm.s32 $0x450;
	[sflag:s24] =	ssyncadd.s32 $0xFFFFD800  }
.LBB2_8:
0x6a: {  	[tilespmem:s1], [sflag:$0x1] =	stream.linear.gather [hbm4b:s28+s3], $0x40, $0x38;
	[tilespmem:$0x1C008] =	vst v63  }
0x6b: {  	s0 =	smov.u32 s30;
	s1 =	smov.u32 s31;
	p0 =	sne.s32 s30, $0x3F8  }
.Ltmp3:
0x6c: {  	s30 =	sadd.s32 $0x8, s30;
	(pc) =	sbr.rel @p0 .LBB2_8-.Ltmp3, $2  }
0x6d: {  	_ =	sdelay $0x2  }
0x6e: {  	s31 =	sadd.s32 $0x50, s31;
	s28 =	sadd.s32 s0, s15  }
0x6f: {  	[tilespmem:s1], [sflag:$0x1] =	stream.linear.gather [hbm4b:s28+s3], $0x40, $0x38;
	[tilespmem:$0x1C008] =	vst v63  }
0x70: {  	_ =	swait.ge [sflag:s24], $0x2000  }
0x71: {  	[sflag:s24] =	ssyncset.done $0x0  }
0x72: {  	s1 =	simm.s32 $0x400;
	s0 =	simm.s32 $0x2C80;
	[sflag:s24] =	ssyncadd.s32 $0xFFFFE000  }
0x73: {  	[spmem:s2] =	stream.indirect.scatter.add.f32 [tilespmem:s1], [sflag:$0x1], $0x50, s0, s26, $0xb8;
	[tilespmem:$0x1C008] =	vst v63  }
0x74: {  	_ =	swait.ge [sflag:s24], $0x2800  }
0x75: {  	s30 =	simm.s32 $0x8;
	[sflag:s24] =	ssyncset.done $0x0  }
0x76: {  	s28 =	sadd.s32 $0x0, s16;
	s31 =	simm.s32 $0x450;
	[sflag:s24] =	ssyncadd.s32 $0xFFFFD800  }
.LBB2_10:
0x77: {  	[tilespmem:s1], [sflag:$0x1] =	stream.linear.gather [hbm4b:s28+s3], $0x40, $0x38;
	[tilespmem:$0x1C008] =	vst v63  }
0x78: {  	s0 =	smov.u32 s30;
	s1 =	smov.u32 s31;
	p0 =	sne.s32 s30, $0x3F8  }
.Ltmp4:
0x79: {  	s30 =	sadd.s32 $0x8, s30;
	(pc) =	sbr.rel @p0 .LBB2_10-.Ltmp4, $2  }
0x7a: {  	_ =	sdelay $0x2  }
0x7b: {  	s31 =	sadd.s32 $0x50, s31;
	s28 =	sadd.s32 s0, s16  }
0x7c: {  	[tilespmem:s1], [sflag:$0x1] =	stream.linear.gather [hbm4b:s28+s3], $0x40, $0x38;
	[tilespmem:$0x1C008] =	vst v63  }
0x7d: {  	_ =	swait.ge [sflag:s24], $0x2000  }
0x7e: {  	[sflag:s24] =	ssyncset.done $0x0  }
0x7f: {  	s1 =	simm.s32 $0x400;
	s0 =	simm.s32 $0x2D00;
	[sflag:s24] =	ssyncadd.s32 $0xFFFFE000  }
0x80: {  	[spmem:s2] =	stream.indirect.scatter.add.f32 [tilespmem:s1], [sflag:$0x1], $0x50, s0, s26, $0xb8;
	[tilespmem:$0x1C008] =	vst v63  }
0x81: {  	_ =	swait.ge [sflag:s24], $0x2800  }
0x82: {  	s30 =	simm.s32 $0x8;
	[sflag:s24] =	ssyncset.done $0x0  }
0x83: {  	s28 =	sadd.s32 $0x0, s17;
	s31 =	simm.s32 $0x450;
	[sflag:s24] =	ssyncadd.s32 $0xFFFFD800  }
.LBB2_12:
0x84: {  	[tilespmem:s1], [sflag:$0x1] =	stream.linear.gather [hbm4b:s28+s3], $0x40, $0x38;
	[tilespmem:$0x1C008] =	vst v63  }
0x85: {  	s0 =	smov.u32 s30;
	s1 =	smov.u32 s31;
	p0 =	sne.s32 s30, $0x3F8  }
.Ltmp5:
0x86: {  	s30 =	sadd.s32 $0x8, s30;
	(pc) =	sbr.rel @p0 .LBB2_12-.Ltmp5, $2  }
0x87: {  	_ =	sdelay $0x2  }
0x88: {  	s31 =	sadd.s32 $0x50, s31;
	s28 =	sadd.s32 s0, s17  }
0x89: {  	[tilespmem:s1], [sflag:$0x1] =	stream.linear.gather [hbm4b:s28+s3], $0x40, $0x38;
	[tilespmem:$0x1C008] =	vst v63  }
0x8a: {  	_ =	swait.ge [sflag:s24], $0x2000  }
0x8b: {  	[sflag:s24] =	ssyncset.done $0x0  }
0x8c: {  	s1 =	simm.s32 $0x400;
	s0 =	simm.s32 $0x2D80;
	[sflag:s24] =	ssyncadd.s32 $0xFFFFE000  }
0x8d: {  	[spmem:s2] =	stream.indirect.scatter.add.f32 [tilespmem:s1], [sflag:$0x1], $0x50, s0, s26, $0xb8;
	[tilespmem:$0x1C008] =	vst v63  }
0x8e: {  	_ =	swait.ge [sflag:s24], $0x2800  }
0x8f: {  	s30 =	simm.s32 $0x8;
	[sflag:s24] =	ssyncset.done $0x0  }
0x90: {  	s28 =	sadd.s32 $0x0, s18;
	s31 =	simm.s32 $0x450;
	[sflag:s24] =	ssyncadd.s32 $0xFFFFD800  }
.LBB2_14:
0x91: {  	[tilespmem:s1], [sflag:$0x1] =	stream.linear.gather [hbm4b:s28+s3], $0x40, $0x38;
	[tilespmem:$0x1C008] =	vst v63  }
0x92: {  	s0 =	smov.u32 s30;
	s1 =	smov.u32 s31;
	p0 =	sne.s32 s30, $0x3F8  }
.Ltmp6:
0x93: {  	s30 =	sadd.s32 $0x8, s30;
	(pc) =	sbr.rel @p0 .LBB2_14-.Ltmp6, $2  }
0x94: {  	_ =	sdelay $0x2  }
0x95: {  	s31 =	sadd.s32 $0x50, s31;
	s28 =	sadd.s32 s0, s18  }
0x96: {  	[tilespmem:s1], [sflag:$0x1] =	stream.linear.gather [hbm4b:s28+s3], $0x40, $0x38;
	[tilespmem:$0x1C008] =	vst v63  }
0x97: {  	_ =	swait.ge [sflag:s24], $0x2000  }
0x98: {  	[sflag:s24] =	ssyncset.done $0x0  }
0x99: {  	s1 =	simm.s32 $0x400;
	s0 =	simm.s32 $0x2E00;
	[sflag:s24] =	ssyncadd.s32 $0xFFFFE000  }
0x9a: {  	[spmem:s2] =	stream.indirect.scatter.add.f32 [tilespmem:s1], [sflag:$0x1], $0x50, s0, s26, $0xb8;
	[tilespmem:$0x1C008] =	vst v63  }
0x9b: {  	_ =	swait.ge [sflag:s24], $0x2800  }
0x9c: {  	s30 =	simm.s32 $0x8;
	[sflag:s24] =	ssyncset.done $0x0  }
0x9d: {  	s28 =	sadd.s32 $0x0, s19;
	s31 =	simm.s32 $0x450;
	[sflag:s24] =	ssyncadd.s32 $0xFFFFD800  }
.LBB2_16:
0x9e: {  	[tilespmem:s1], [sflag:$0x1] =	stream.linear.gather [hbm4b:s28+s3], $0x40, $0x38;
	[tilespmem:$0x1C008] =	vst v63  }
0x9f: {  	s0 =	smov.u32 s30;
	s1 =	smov.u32 s31;
	p0 =	sne.s32 s30, $0x3F8  }
.Ltmp7:
0xa0: {  	s30 =	sadd.s32 $0x8, s30;
	(pc) =	sbr.rel @p0 .LBB2_16-.Ltmp7, $2  }
0xa1: {  	_ =	sdelay $0x2  }
0xa2: {  	s31 =	sadd.s32 $0x50, s31;
	s28 =	sadd.s32 s0, s19  }
0xa3: {  	[tilespmem:s1], [sflag:$0x1] =	stream.linear.gather [hbm4b:s28+s3], $0x40, $0x38;
	[tilespmem:$0x1C008] =	vst v63  }
0xa4: {  	_ =	swait.ge [sflag:s24], $0x2000  }
0xa5: {  	[sflag:s24] =	ssyncset.done $0x0  }
0xa6: {  	s1 =	simm.s32 $0x400;
	s0 =	simm.s32 $0x2E80;
	[sflag:s24] =	ssyncadd.s32 $0xFFFFE000  }
0xa7: {  	[spmem:s2] =	stream.indirect.scatter.add.f32 [tilespmem:s1], [sflag:$0x1], $0x50, s0, s26, $0xb8;
	[tilespmem:$0x1C008] =	vst v63  }
0xa8: {  	_ =	swait.ge [sflag:s24], $0x2800  }
0xa9: {  	s30 =	simm.s32 $0x8;
	[sflag:s24] =	ssyncset.done $0x0  }
0xaa: {  	s28 =	sadd.s32 $0x0, s20;
	s31 =	simm.s32 $0x450;
	[sflag:s24] =	ssyncadd.s32 $0xFFFFD800  }
.LBB2_18:
0xab: {  	[tilespmem:s1], [sflag:$0x1] =	stream.linear.gather [hbm4b:s28+s3], $0x40, $0x38;
	[tilespmem:$0x1C008] =	vst v63  }
0xac: {  	s0 =	smov.u32 s30;
	s1 =	smov.u32 s31;
	p0 =	sne.s32 s30, $0x3F8  }
.Ltmp8:
0xad: {  	s30 =	sadd.s32 $0x8, s30;
	(pc) =	sbr.rel @p0 .LBB2_18-.Ltmp8, $2  }
0xae: {  	_ =	sdelay $0x2  }
0xaf: {  	s31 =	sadd.s32 $0x50, s31;
	s28 =	sadd.s32 s0, s20  }
0xb0: {  	[tilespmem:s1], [sflag:$0x1] =	stream.linear.gather [hbm4b:s28+s3], $0x40, $0x38;
	[tilespmem:$0x1C008] =	vst v63  }
0xb1: {  	_ =	swait.ge [sflag:s24], $0x2000  }
0xb2: {  	[sflag:s24] =	ssyncset.done $0x0  }
0xb3: {  	s1 =	simm.s32 $0x400;
	s0 =	simm.s32 $0x2F00;
	[sflag:s24] =	ssyncadd.s32 $0xFFFFE000  }
0xb4: {  	[spmem:s2] =	stream.indirect.scatter.add.f32 [tilespmem:s1], [sflag:$0x1], $0x50, s0, s26, $0xb8;
	[tilespmem:$0x1C008] =	vst v63  }
0xb5: {  	_ =	swait.ge [sflag:s24], $0x2800  }
0xb6: {  	s30 =	simm.s32 $0x8;
	[sflag:s24] =	ssyncset.done $0x0  }
0xb7: {  	s28 =	sadd.s32 $0x0, s21;
	s31 =	simm.s32 $0x450;
	[sflag:s24] =	ssyncadd.s32 $0xFFFFD800  }
.LBB2_20:
0xb8: {  	[tilespmem:s1], [sflag:$0x1] =	stream.linear.gather [hbm4b:s28+s3], $0x40, $0x38;
	[tilespmem:$0x1C008] =	vst v63  }
0xb9: {  	s0 =	smov.u32 s30;
	s1 =	smov.u32 s31;
	p0 =	sne.s32 s30, $0x3F8  }
.Ltmp9:
0xba: {  	s30 =	sadd.s32 $0x8, s30;
	(pc) =	sbr.rel @p0 .LBB2_20-.Ltmp9, $2  }
0xbb: {  	_ =	sdelay $0x2  }
0xbc: {  	s31 =	sadd.s32 $0x50, s31;
	s28 =	sadd.s32 s0, s21  }
0xbd: {  	[tilespmem:s1], [sflag:$0x1] =	stream.linear.gather [hbm4b:s28+s3], $0x40, $0x38;
	[tilespmem:$0x1C008] =	vst v63  }
0xbe: {  	_ =	swait.ge [sflag:s24], $0x2000  }
0xbf: {  	s0 =	simm.s32 $0x2F80;
	[sflag:s24] =	ssyncset.done $0x0  }
0xc0: {  	s28 =	simm.s32 $0x400;
	s30 =	stileid.u32;
	[sflag:s24] =	ssyncadd.s32 $0xFFFFE000  }
0xc1: {  	[spmem:s2] =	stream.indirect.scatter.add.f32 [tilespmem:s28], [sflag:$0x1], $0x50, s0, s26, $0xb8;
	[tilespmem:$0x1C008] =	vst v63  }
0xc2: {  	s1 =	sshrl.u32 s4, $0x3;
	s29 =	sadd.s32 $0x1, s29;
	_ =	swait.ge [sflag:s24], $0x2800  }
0xc3: {  	s31 =	simm.s32 $0x10;
	p0 =	sne.s32 s29, s23;
	[sflag:s24] =	ssyncset.done $0x0  }
0xc4: {  	s0 =	sshll.u32 s30, $0x6;
	s30 =	simm.s32 $0xA;
	[sflag:s24] =	ssyncadd.s32 $0xFFFFD800  }
.Ltmp10:
0xc5: {  	s0 =	sor.u32 $0x1C01, s0;
	[bflag:$0x0] =	sbarrier.arrive $0xFFFF;
	(pc) =	sbr.rel @p0 .LBB2_1-.Ltmp10, $4  }
0xc6: {  	[hbm:s22@s31], [sflag:s0] =	dma.strided [spmem:s1@s30], $0x2D00, s24, $0xa   }
0xc7: {  	_ =	swait.ge [sflag:s24], $0x2D00  }
0xc8: {  	[sflag:s24] =	ssyncset.done $0x0  }
0xc9: {  	[sflag:s24] =	ssyncadd.s32 $0xFFFFD300  }
0xca: {  	_ =	sfence.sel $0x180000  }
0xcb: {  	[bflag:$0x0] =	sbarrier.arrive $0xFFFF  }
0xcc: {  	_ =	strace $0x9000004A  }
0xcd: {  	s0 =	stileid.u32;
	[bflag:$0x2] =	sbarrier.arrive $0xFFFF  }
0xce: {  	p0 =	sne.s32 s0, $0x0;
	s0 =	rddreg [dreg:$0x4]  }
0xcf: {  	s0 =	sadd.s32 @!p0 $0x100000, s0  }
0xd0: {  	[sflag:s0] =	ssyncadd.tile.s32 @!p0 $0x1;
	_ =	shalt  }
.Lfunc_end2:
_tile_overlayer_lowered:
.L_overlay_start_2:
0xd1: {  	(tag) =	ssettag $0x2  }
0xd2: {  	s0 =	rddreg [dreg:$0x0];
	s2 =	stileid.u32  }
0xd3: {  	s1 =	rddreg [dreg:$0x1];
	p0 =	sne.s32 s2, $0x0  }
0xd4: {  	s3 =	rddreg [dreg:$0x2];
	[bflag:$0x3] =	sbarrier.arrive $0xFFFF;
	s2 =	simm.s32 @!p0 $0x1C01  }
0xd5: {  	[timem:s3], [sflag:s2] =	dma.local @!p0 [hbm:s0], s1  }
0xd6: {  	s0 =	simm.s32 @!p0 $0x1  }
0xd7: {  	_ =	swait.ge @!p0 [sflag:s0], s1  }
0xd8: {  	s1 =	ssub.s32 @!p0 $0x0, s1;
	[sflag:s0] =	ssyncset.done @!p0 $0x0  }
0xd9: {  	[sflag:s0] =	ssyncadd.s32 @!p0 s1  }
0xda: {  	[bflag:$0x3] =	sbarrier.arrive $0xFFFF  }
0xdb: {  	_ =	shalt  }

// kernel: sc_pass2.3.cloned.1.call-start
scs
__scs_entry_jumppad:
0x0: {  	(pc) =	sbr.rel $0x88, $3  }
0x1: {  	(tag) =	ssettag $0x0;
	lr =	simm.s32 $0x1  }
0x2: {  	[smem:$0x3F9E] =	sst lr;
	_ =	strace $0xD0000000  }
0x3: {  	_ = 	snop  }
0x4: {  	_ = 	snop  }
0x5: {  	_ = 	snop  }
0x6: {  	_ = 	snop  }
0x7: {  	_ = 	snop  }
__scs_overlays_trampoline_lowered:
0x8: {  	[smem:$0x3FAD] =	sst s0  }
0x9: {  	[smem:$0x3FAE] =	sst s1  }
0xa: {  	[smem:$0x3FAF] =	sst s2  }
0xb: {  	[smem:$0x3FB0] =	sst s3  }
0xc: {  	[smem:$0x3FB1] =	sst s4  }
0xd: {  	[smem:$0x3FB2] =	sst s5  }
0xe: {  	[smem:$0x3FB3] =	sst s6  }
0xf: {  	[smem:$0x3FB4] =	sst s7  }
0x10: {  	[smem:$0x3FB5] =	sst s8  }
0x11: {  	[smem:$0x3FB6] =	sst s9;
	s0 =	simm.s32 @!p0 $0x0  }
0x12: {  	s1 =	sld [smem:$0x3F9C];
	s0 =	simm.s32 @p0 $0x1  }
0x13: {  	[smem:$0x3FB7] =	sst s0;
	s0 =	simm.s32 @!p1 $0x0  }
0x14: {  	s2 =	sld [smem:$0x3F9B];
	s0 =	simm.s32 @p1 $0x1  }
0x15: {  	[smem:$0x3FB8] =	sst s0;
	s0 =	simm.s32 @!p2 $0x0  }
0x16: {  	s3 =	sld [smem:$0x3FDB];
	s0 =	simm.s32 @p2 $0x1  }
0x17: {  	s4 =	simm.s32 $0x1BF5;
	[smem:$0x3FBA] =	sst s0  }
0x18: {  	s0 =	sld [smem:$0x3F9D];
	_ =	swait.ge [sflag:s4], $0x0  }
0x19: {  	s7 =	sld [smem:$0x3F9E]  }
0x1a: {  	s8 =	sadd.s32 $0xFFFFE003, lr  }
0x1b: {  	s9 =	sadd.s32 $0xFFFFFEF7, lr;
	s5 =	simm.s32 $0xFFFFFFFF;
	p2 =	slt.u32 s8, $0xFFFFF086  }
0x1c: {  	p1 =	slt.u32 s9, $0xF7A;
	s5 =	simm.s32 @!p2 $0x0  }
0x1d: {  	s5 =	simm.s32 @p1 $0x1;
	p0 =	seq.s32 s7, s2  }
0x1e: {  	s7 =	smul.u32 @!p0 $0xF7A, s2;
	p2 =	seq.s32 @!p0 s5, $0x0  }
0x1f: {  	s9 =	smul.u32 $0xF7A, s1;
	s8 =	simm.s32 @!p0 $0x1BF5;
	p2 =	por !p2, p0  }
0x20: {  	[sflag:s8] =	ssyncset.s32 @!p0 $0xFFFFF086;
	s6 =	sadd.s32 @!p0 s3, s7;
	s7 =	simm.s32 @!p0 $0x108  }
0x21: {  	s3 =	sadd.s32 s3, s9;
	s6 =	sadd.s32 @!p0 $0x88, s6;
	s7 =	simm.s32 @p2 $0x1082  }
0x22: {  	[simem:s7], [sflag:s8] =	dma.local @!p0 [hbm:s6], $0xF7A  }
0x23: {  	s9 =	sor.u32 $0xD0000000, s2;
	s6 =	simm.s32 $0x108;
	_ =	swait.ge @!p0 [sflag:s8], $0x0  }
0x24: {  	s3 =	sadd.s32 $0x88, s3;
	s6 =	simm.s32 @!p1 $0x1082;
	[sflag:s4] =	ssyncset.s32 $0xFFFFF086  }
0x25: {  	[simem:s6], [sflag:s4] =	dma.local [hbm:s3], $0xF7A  }
0x26: {  	[smem:$0x3F9E] =	sst s1;
	(tag) =	ssettag s2;
	_ =	strace s9  }
0x27: {  	s1 =	sld [smem:$0x3FAE]  }
0x28: {  	s2 =	sld [smem:$0x3FAF]  }
0x29: {  	s4 =	sld [smem:$0x3FB1]  }
0x2a: {  	p0 =	seq.s32 s5, $0x0;
	s5 =	sld [smem:$0x3FB2]  }
0x2b: {  	s6 =	sld [smem:$0x3FB3]  }
0x2c: {  	s7 =	sld [smem:$0x3FB4]  }
0x2d: {  	s3 =	simm.s32 $0x108;
	s8 =	sld [smem:$0x3FB5]  }
0x2e: {  	s3 =	simm.s32 @!p0 $0x1082;
	s9 =	sld [smem:$0x3FB6]  }
0x2f: {  	lr =	sadd.s32 s0, s3;
	s0 =	sld [smem:$0x3FAD]  }
0x30: {  	s3 =	sld [smem:$0x3FB0]  }
0x31: {  	[smem:$0x3FB9] =	sst s10  }
0x32: {  	s10 =	sld [smem:$0x3FB7];
	_ =	sdelay $0x3  }
0x33: {  	p0 =	seq.s32 s10, $0x1;
	s10 =	sld [smem:$0x3FB9];
	_ =	sdelay $0x3  }
0x34: {  	[smem:$0x3FB9] =	sst s10  }
0x35: {  	s10 =	sld [smem:$0x3FB8];
	_ =	sdelay $0x3  }
0x36: {  	p1 =	seq.s32 s10, $0x1;
	s10 =	sld [smem:$0x3FB9];
	_ =	sdelay $0x3  }
0x37: {  	[smem:$0x3FB9] =	sst s10  }
0x38: {  	s10 =	sld [smem:$0x3FBA]  }
0x39: {  	_ = 	snop;
	(pc) =	sbr.ind lr, $3  }
0x3a: {  	_ = 	snop  }
0x3b: {  	_ = 	snop  }
0x3c: {  	p2 =	seq.s32 s10, $0x1;
	s10 =	sld [smem:$0x3FB9]  }
0x3d: {  	_ =	shalt  }
0x3e: {  	_ =	shalt  }
0x3f: {  	_ =	shalt  }
0x40: {  	_ =	shalt  }
0x41: {  	_ =	shalt  }
0x42: {  	_ =	shalt  }
0x43: {  	_ =	shalt  }
0x44: {  	_ =	shalt  }
0x45: {  	_ =	shalt  }
0x46: {  	_ =	shalt  }
0x47: {  	_ =	shalt  }
0x48: {  	_ =	shalt  }
0x49: {  	_ =	shalt  }
0x4a: {  	_ =	shalt  }
0x4b: {  	_ =	shalt  }
0x4c: {  	_ =	shalt  }
0x4d: {  	_ =	shalt  }
0x4e: {  	_ =	shalt  }
0x4f: {  	_ =	shalt  }
0x50: {  	_ =	shalt  }
0x51: {  	_ =	shalt  }
0x52: {  	_ =	shalt  }
0x53: {  	_ =	shalt  }
0x54: {  	_ =	shalt  }
0x55: {  	_ =	shalt  }
0x56: {  	_ =	shalt  }
0x57: {  	_ =	shalt  }
0x58: {  	_ =	shalt  }
0x59: {  	_ =	shalt  }
0x5a: {  	_ =	shalt  }
0x5b: {  	_ =	shalt  }
0x5c: {  	_ =	shalt  }
0x5d: {  	_ =	shalt  }
0x5e: {  	_ =	shalt  }
0x5f: {  	_ =	shalt  }
0x60: {  	_ =	shalt  }
0x61: {  	_ =	shalt  }
0x62: {  	_ =	shalt  }
0x63: {  	_ =	shalt  }
0x64: {  	_ =	shalt  }
0x65: {  	_ =	shalt  }
0x66: {  	_ =	shalt  }
0x67: {  	_ =	shalt  }
0x68: {  	_ =	shalt  }
0x69: {  	_ =	shalt  }
0x6a: {  	_ =	shalt  }
0x6b: {  	_ =	shalt  }
0x6c: {  	_ =	shalt  }
0x6d: {  	_ =	shalt  }
0x6e: {  	_ =	shalt  }
0x6f: {  	_ =	shalt  }
0x70: {  	_ =	shalt  }
0x71: {  	_ =	shalt  }
0x72: {  	_ =	shalt  }
0x73: {  	_ =	shalt  }
0x74: {  	_ =	shalt  }
0x75: {  	_ =	shalt  }
0x76: {  	_ =	shalt  }
0x77: {  	_ =	shalt  }
0x78: {  	_ =	shalt  }
0x79: {  	_ =	shalt  }
0x7a: {  	_ =	shalt  }
0x7b: {  	_ =	shalt  }
0x7c: {  	_ =	shalt  }
0x7d: {  	_ =	shalt  }
0x7e: {  	_ =	shalt  }
0x7f: {  	_ =	shalt  }
0x80: {  	_ =	shalt  }
0x81: {  	_ =	shalt  }
0x82: {  	_ =	shalt  }
0x83: {  	_ =	shalt  }
0x84: {  	_ =	shalt  }
0x85: {  	_ =	shalt  }
0x86: {  	_ =	shalt  }
0x87: {  	_ =	shalt  }
.Lfunc_end0:
.L_simem_size_0:
called_computation.2_lowered:
.L_overlay_start_0:
0x88: {  	s2 =	sld [smem:$0x3FD9]  }
0x89: {  	s3 =	sld [smem:$0x3FFE];
	_ =	sdelay $0x1  }
0x8a: {  	s1 =	srdreg.scid  }
0x8b: {  	s0 =	sand.u32 $0x1, s1  }
0x8c: {  	s14 =	sshll.u32 s0, $0xA;
	s2 =	sadd.s32 s3, s2  }
0x8d: {  	s2 =	sadd.s32 s2, s14  }
0x8e: {  	[smem:$0x3FC5] =	sst s2  }
0x8f: {  	_ = 	snop  }
0x90: {  	s2 =	sld [smem:$0x3FD0];
	_ =	sdelay $0x2  }
0x91: {  	s4 =	simm.s32 $0xA;
	s5 =	simm.s32 $0x10;
	s15 =	sld [smem:$0x3FC8]  }
0x92: {  	[smem:s5], [sflag:s4] =	dma.local [hbm:s2], $0x1  }
0x93: {  	_ =	swait.eq [sflag:s4], $0x1  }
0x94: {  	[sflag:s4] =	ssyncset.done $0x0  }
0x95: {  	[sflag:s4] =	ssyncadd.s32 $0xFFFFFFFF  }
0x96: {  	s16 =	sld [smem:$0x10];
	(tm) =	ssettm $0x1  }
0x97: {  	s17 =	sld [smem:$0x3FFB];
	_ =	sdelay $0x3  }
0x98: {  	_ =	strace s17  }
0x99: {  	s4 =	sld [smem:$0x3FFC];
	_ =	sdelay $0x3  }
0x9a: {  	_ =	strace s4  }
0x9b: {  	s4 =	sld [smem:$0x3FFD];
	_ =	sdelay $0x3  }
0x9c: {  	_ =	strace s4  }
0x9d: {  	_ =	strace $0x8FFFFFFF  }
0x9e: {  	s18 =	sld [smem:$0x3FDB];
	_ =	sdelay $0x1  }
0x9f: {  	s19 =	simm.s32 $_scs_section_size  }
0xa0: {  	s6 =	simm.s32 $_size__tile_overlayer_lowered;
	s7 =	simm.s32 $_tile_overlayer_lowered  }
0xa1: {  	s22 =	simm.s32 $0x1BFF;
	s21 =	sshll.u32 s7, $0x1;
	s4 =	sadd.s32 s19, s18  }
0xa2: {  	s8 =	simm.s32 $0x0;
	s20 =	sshll.u32 s6, $0x1;
	s6 =	sadd.s32 s21, s4  }
0xa3: {  	[timem:s8], [sflag:s22] =	dma.local [hbm:s6], s20  }
0xa4: {  	_ =	swait.ge [sflag:s22], s20  }
0xa5: {  	s5 =	ssub.s32 $0x0, s20;
	[sflag:s22] =	ssyncset.done $0x0  }
0xa6: {  	[sflag:s22] =	ssyncadd.s32 s5;
	_ =	sdelay $0x1  }
0xa7: {  	s23 =	simm.s32 $0x1B8B  }
0xa8: {  	_ =	swait.ge [sflag:s23], $0x1  }
0xa9: {  	[sflag:s23] =	ssyncset.done $0x0  }
0xaa: {  	s25 =	simm.s32 $0x1B8E;
	s24 =	sld [smem:$0x3FFE];
	[sflag:s23] =	ssyncadd.s32 $0xFFFFFFFF  }
0xab: {  	s26 =	simm.s32 $execute0_lowered;
	[smem:$0x3FD2] =	sst s25  }
0xac: {  	s6 =	sshll.u32 s26, $0x1;
	_ =	strace $0x8000004C;
	[dreg:$0x1] =	wrdreg $0xFFFFFFFF  }
0xad: {  	s28 =	simm.s32 $_size_execute0_lowered;
	s4 =	sadd.s32 s4, s6;
	[dreg:$0x0] =	wrdreg $0x0  }
0xae: {  	s6 =	sshll.u32 s28, $0x1;
	[dreg:$0x2] =	wrdreg s4  }
0xaf: {  	[dreg:$0x3] =	wrdreg s6  }
0xb0: {  	[dreg:$0x4] =	wrdreg $0xC0  }
0xb1: {  	_ =	task [dreg:s8], $0x5FFFF  }
0xb2: {  	[dreg:$0x1] =	wrdreg $0xFFFFFFFF  }
0xb3: {  	[dreg:$0x0] =	wrdreg $0x60  }
0xb4: {  	[dreg:$0x2] =	wrdreg s16  }
0xb5: {  	[dreg:$0x3] =	wrdreg s15  }
0xb6: {  	[dreg:$0x4] =	wrdreg s24  }
0xb7: {  	[dreg:$0x5] =	wrdreg $0x58000  }
0xb8: {  	[dreg:$0x6] =	wrdreg $0x9  }
0xb9: {  	_ =	task.clear_ibuf [dreg:s8], $0x7FFFF;
	_ =	strace $0x9000004C  }
0xba: {  	s29 =	simm.s32 $0x9;
	_ =	strace $0x8000004E  }
0xbb: {  	_ =	swait.ge [sflag:s29], $0x1  }
0xbc: {  	[sflag:s29] =	ssyncadd.s32 $0xFFFFFFFF  }
0xbd: {  	_ =	strace $0x9000004E  }
0xbe: {  	_ =	sfence  }
0xbf: {  	s30 =	sld [smem:$0x0];
	_ =	sdelay $0x2  }
0xc0: {  	s31 =	sshll.u32 s1, $0xD;
	s1 =	sshrl.u32 s1, $0x2  }
0xc1: {  	s3 =	sand.u32 $0x4000, s31;
	s1 =	sadd.s32 s1, s30  }
0xc2: {  	s0 =	sor.u32 s3, s0;
	s1 =	sshll.u32 s1, $0x11  }
0xc3: {  	s0 =	sor.u32 s1, s0  }
0xc4: {  	s0 =	sadd.s32 $0x8F2B, s0  }
0xc5: {  	[sflag:s0] =	ssyncadd.remote.s32 $0x1  }
0xc6: {  	_ =	sfence.sel $0xFFFF  }
0xc7: {  	[dreg:$0x0] =	wrdreg $0xFFFFFFFF;
	(pc) =	sbr.abs _section_cstart, $3  }
0xc8: {  	[dreg:$0x1] =	wrdreg $0xFFFFFFFF  }
0xc9: {  	_ =	task.clear_ibuf [dreg:s8], $0x2FFFF;
	_ =	strace $0x9FFFFFFF  }
0xca: {  	(tm) =	ssettm $0x7FFFFFFF  }
0xcb: {  	_ =	shalt  }
tec
execute0_lowered:
.L_overlay_start_1:
0x0: {  	(tag) =	ssettag $0x1  }
0x1: {  	s1 =	rddreg [dreg:$0x0]  }
0x2: {  	s5 =	rddreg [dreg:$0x1]  }
0x3: {  	s4 =	rddreg [dreg:$0x2];
	s3 =	srdreg.scid  }
0x4: {  	s0 =	stileid.u32;
	s2 =	rddreg [dreg:$0x3]  }
0x5: {  	s24 =	simm.s32 $0x1;
	s29 =	simm.s32 $0x0;
	s6 =	smul.u32 $0x4800, s0  }
0x6: {  	s28 =	sand.u32 $0x1, s3;
	s3 =	simm.s32 $0x0;
	s8 =	smul.u32 $0x5A000, s0  }
0x7: {  	s31 =	sshll.u32 s0, $0x7;
	s14 =	sshll.u32 s0, $0xD;
	s7 =	smul.u32 $0x48000, s28  }
0x8: {  	[smem:$0x7FF] =	sst s3;
	s25 =	ssub.s32 $0x2, s28;
	s5 =	sadd.s32 s5, s31  }
0x9: {  	s14 =	sadd.s32 s1, s14;
	_ =	strace $0x8000004D;
	s26 =	sshrl.u32 s8, $0x2  }
0xa: {  	s30 =	sshrl.u32 s25, $0x1;
	s15 =	sadd.s32 $0x400, s14;
	s16 =	sadd.s32 $0x800, s14  }
0xb: {  	s17 =	sadd.s32 $0xC00, s14;
	s18 =	sadd.s32 $0x1000, s14;
	s19 =	sadd.s32 $0x1400, s14  }
0xc: {  	s20 =	sadd.s32 $0x1800, s14;
	s21 =	sadd.s32 $0x1C00, s14;
	s6 =	sadd.s32 s6, s7  }
0xd: {  	s23 =	ssub.s32 s25, s30;
	s25 =	simm.s32 $0x3000;
	s22 =	sadd.s32 s6, s4  }
0xe: {  	s4 =	sadd.s32 s26, s2;
	s23 =	smax.u32 s23, $0x1;
	s26 =	simm.s32 $0x80  }
0xf: {  	s6 =	sadd.s32 $0x2800, s4;
	s7 =	sadd.s32 $0x5000, s4;
	s8 =	sadd.s32 $0x7800, s4  }
0x10: {  	s9 =	sadd.s32 $0xA000, s4;
	s10 =	sadd.s32 $0xC800, s4;
	s11 =	sadd.s32 $0xF000, s4  }
0x11: {  	v1 =	vimm.f32 $0.0e+00;
	v2 =	vimm.f32 $1.000000000e+00;
	v0 =	vmov s28;
	s12 =	sadd.s32 $0x11800, s4;
	s13 =	sadd.s32 $0x14000, s4;
	s22 =	sadd.s32 $0x92200, s22  }
.LBB2_1:
0x12: {  	[tilespmem:s3], [sflag:$0x1] =	stream.linear.gather [hbm4b:s5+s3], $0x400, $0x38;
	[tilespmem:$0x1C008] =	vst v63  }
0x13: {  	_ =	swait.ge [sflag:s24], $0x400  }
0x14: {  	[sflag:s24] =	ssyncset.done $0x0  }
0x15: {  	s1 =	simm.s32 $0x0;
	[sflag:s24] =	ssyncadd.s32 $0xFFFFFC00  }
0x16: {  	[tilespmem:s1+$0x440] =	vst v2  }
0x17: {  	[tilespmem:s1+$0x3000] =	vst v1  }
0x18: {  	[tilespmem:s1+$0x3010] =	vst v1  }
0x19: {  	[tilespmem:s1+$0x3020] =	vst v1  }
0x1a: {  	s30 =	simm.s32 $0x140;
	[tilespmem:s1+$0x3030] =	vst v1  }
.LBB2_2:
0x1b: {  	p0 =	sne.s32 s30, $0x9EC0;
	[tilespmem:s1+$0x3040] =	vst v1;
	s1 =	sshra.s32 s30, $0x2;
	s30 =	sadd.s32 $0x140, s30  }
.Ltmp0:
0x1c: {  	[tilespmem:s1+$0x440] =	vst v2;
	(pc) =	sbr.rel @p0 .LBB2_2-.Ltmp0, $4  }
0x1d: {  	[tilespmem:s1+$0x3000] =	vst v1  }
0x1e: {  	[tilespmem:s1+$0x3010] =	vst v1  }
0x1f: {  	[tilespmem:s1+$0x3020] =	vst v1  }
0x20: {  	[tilespmem:s1+$0x3030] =	vst v1  }
0x21: {  	[tilespmem:s1+$0x3040] =	vst v1  }
0x22: {  	[spmem:s4] =	stream.linear.scatter [tilespmem:s25], [sflag:$0x1], $0x2800, $0x38;
	[tilespmem:$0x1C008] =	vst v63  }
0x23: {  	_ =	swait.ge [sflag:s24], $0x2800  }
0x24: {  	[sflag:s24] =	ssyncset.done $0x0  }
0x25: {  	[sflag:s24] =	ssyncadd.s32 $0xFFFFD800  }
0x26: {  	[spmem:s6] =	stream.linear.scatter [tilespmem:s25], [sflag:$0x1], $0x2800, $0x38;
	[tilespmem:$0x1C008] =	vst v63  }
0x27: {  	_ =	swait.ge [sflag:s24], $0x2800  }
0x28: {  	[sflag:s24] =	ssyncset.done $0x0  }
0x29: {  	[sflag:s24] =	ssyncadd.s32 $0xFFFFD800  }
0x2a: {  	[spmem:s7] =	stream.linear.scatter [tilespmem:s25], [sflag:$0x1], $0x2800, $0x38;
	[tilespmem:$0x1C008] =	vst v63  }
0x2b: {  	_ =	swait.ge [sflag:s24], $0x2800  }
0x2c: {  	[sflag:s24] =	ssyncset.done $0x0  }
0x2d: {  	[sflag:s24] =	ssyncadd.s32 $0xFFFFD800  }
0x2e: {  	[spmem:s8] =	stream.linear.scatter [tilespmem:s25], [sflag:$0x1], $0x2800, $0x38;
	[tilespmem:$0x1C008] =	vst v63  }
0x2f: {  	_ =	swait.ge [sflag:s24], $0x2800  }
0x30: {  	[sflag:s24] =	ssyncset.done $0x0  }
0x31: {  	[sflag:s24] =	ssyncadd.s32 $0xFFFFD800  }
0x32: {  	[spmem:s9] =	stream.linear.scatter [tilespmem:s25], [sflag:$0x1], $0x2800, $0x38;
	[tilespmem:$0x1C008] =	vst v63  }
0x33: {  	_ =	swait.ge [sflag:s24], $0x2800  }
0x34: {  	[sflag:s24] =	ssyncset.done $0x0  }
0x35: {  	[sflag:s24] =	ssyncadd.s32 $0xFFFFD800  }
0x36: {  	[spmem:s10] =	stream.linear.scatter [tilespmem:s25], [sflag:$0x1], $0x2800, $0x38;
	[tilespmem:$0x1C008] =	vst v63  }
0x37: {  	_ =	swait.ge [sflag:s24], $0x2800  }
0x38: {  	[sflag:s24] =	ssyncset.done $0x0  }
0x39: {  	[sflag:s24] =	ssyncadd.s32 $0xFFFFD800  }
0x3a: {  	[spmem:s11] =	stream.linear.scatter [tilespmem:s25], [sflag:$0x1], $0x2800, $0x38;
	[tilespmem:$0x1C008] =	vst v63  }
0x3b: {  	_ =	swait.ge [sflag:s24], $0x2800  }
0x3c: {  	[sflag:s24] =	ssyncset.done $0x0  }
0x3d: {  	[sflag:s24] =	ssyncadd.s32 $0xFFFFD800  }
0x3e: {  	[spmem:s12] =	stream.linear.scatter [tilespmem:s25], [sflag:$0x1], $0x2800, $0x38;
	[tilespmem:$0x1C008] =	vst v63  }
0x3f: {  	_ =	swait.ge [sflag:s24], $0x2800  }
0x40: {  	[sflag:s24] =	ssyncset.done $0x0  }
0x41: {  	[sflag:s24] =	ssyncadd.s32 $0xFFFFD800  }
0x42: {  	[spmem:s13] =	stream.linear.scatter [tilespmem:s25], [sflag:$0x1], $0x2800, $0x38;
	[tilespmem:$0x1C008] =	vst v63  }
0x43: {  	_ =	swait.ge [sflag:s24], $0x2800  }
0x44: {  	s30 =	simm.s32 $0x0;
	s28 =	simm.s32 $0x0;
	[sflag:s24] =	ssyncset.done $0x0  }
0x45: {  	s1 =	simm.s32 $0x10;
	s31 =	simm.s32 $0x0;
	[sflag:s24] =	ssyncadd.s32 $0xFFFFD800  }
.LBB2_4:
0x46: {  	p0 =	sne.s32 s1, $0x3F0;
	v3 =	vld [tilespmem:s28+$0x0];
	_ =	sdelay $0x4  }
0x47: {  	v4 =	vshrl.u32 v3, $0xC  }
0x48: {  	v5 =	vmul.u32 $0x5556, v4;
	_ =	sdelay $0x1  }
0x49: {  	v5 =	vshrl.u32 v5, $0x10  }
0x4a: {  	v6 =	vmul.u32 $0xFFFFFFFD, v5  }
0x4b: {  	v7 =	vshrl.u32 v3, $0xB  }
.Ltmp1:
0x4c: {  	v3 =	vand.u32 $0x7FF, v3;
	v4 =	vadd.s32 v4, v6;
	v6 =	vand.u32 $0x1, v7;
	(pc) =	sbr.rel @p0 .LBB2_4-.Ltmp1, $4  }
0x4d: {  	s28 =	sand.u32 $0xE00, s30;
	vm0 =	veq.s32 v6, v0;
	vm1 =	veq.s32 v4, $0x2;
	v4 =	vshll.u32 v5, $0xB  }
0x4e: {  	s0 =	sand.u32 $0x70, s31;
	s31 =	smov.u32 s1;
	s28 =	sshrl.u32 s28, $0x2;
	vm0 =	vmand vm0, vm1;
	v3 =	vor.u32 v3, v4  }
0x4f: {  	s30 =	sadd.s32 $0x40, s30;
	s0 =	sor.u32 s0, s28;
	v3 =	vnsel vm0, $0x4800, v3  }
0x50: {  	s1 =	sadd.s32 $0x10, s1;
	s28 =	sshra.s32 s30, $0x2;
	[tilespmem:s0+$0x2C00] =	vst v3  }
0x51: {  	v3 =	vld [tilespmem:s28+$0x0];
	_ =	sdelay $0x4  }
0x52: {  	v4 =	vshrl.u32 v3, $0xC  }
0x53: {  	v5 =	vmul.u32 $0x5556, v4;
	_ =	sdelay $0x1  }
0x54: {  	v5 =	vshrl.u32 v5, $0x10  }
0x55: {  	v6 =	vmul.u32 $0xFFFFFFFD, v5  }
0x56: {  	v7 =	vshrl.u32 v3, $0xB  }
0x57: {  	v3 =	vand.u32 $0x7FF, v3;
	v62 =	vand.u32 $0x1, v7;
	v4 =	vadd.s32 v4, v6  }
0x58: {  	s0 =	sand.u32 $0xE00, s30;
	vm0 =	veq.s32 v62, v0;
	v63 =	vshll.u32 v5, $0xB;
	vm1 =	veq.s32 v4, $0x2  }
0x59: {  	s1 =	sand.u32 $0x70, s31;
	s0 =	sshrl.u32 s0, $0x2;
	v3 =	vor.u32 v3, v63;
	vm0 =	vmand vm0, vm1  }
0x5a: {  	s0 =	sor.u32 s1, s0;
	v3 =	vnsel vm0, $0x4800, v3  }
0x5b: {  	s30 =	simm.s32 $0x8;
	s28 =	sadd.s32 $0x0, s14;
	[tilespmem:s0+$0x2C00] =	vst v3  }
0x5c: {  	s31 =	simm.s32 $0x450;
	s1 =	simm.s32 $0x400;
	[bflag:$0x0] =	sbarrier.arrive $0xFFFF  }
.LBB2_6:
0x5d: {  	[tilespmem:s1], [sflag:$0x1] =	stream.linear.gather [hbm4b:s28+s3], $0x40, $0x38;
	[tilespmem:$0x1C008] =	vst v63  }
0x5e: {  	s0 =	smov.u32 s30;
	s1 =	smov.u32 s31;
	p0 =	sne.s32 s30, $0x3F8  }
.Ltmp2:
0x5f: {  	s30 =	sadd.s32 $0x8, s30;
	(pc) =	sbr.rel @p0 .LBB2_6-.Ltmp2, $2  }
0x60: {  	_ =	sdelay $0x2  }
0x61: {  	s31 =	sadd.s32 $0x50, s31;
	s28 =	sadd.s32 s0, s14  }
0x62: {  	[tilespmem:s1], [sflag:$0x1] =	stream.linear.gather [hbm4b:s28+s3], $0x40, $0x38;
	[tilespmem:$0x1C008] =	vst v63  }
0x63: {  	_ =	swait.ge [sflag:s24], $0x2000  }
0x64: {  	[sflag:s24] =	ssyncset.done $0x0  }
0x65: {  	s1 =	simm.s32 $0x400;
	s0 =	simm.s32 $0x2C00;
	[sflag:s24] =	ssyncadd.s32 $0xFFFFE000  }
0x66: {  	[spmem:s2] =	stream.indirect.scatter.add.f32 [tilespmem:s1], [sflag:$0x1], $0x50, s0, s26, $0xb8;
	[tilespmem:$0x1C008] =	vst v63  }
0x67: {  	_ =	swait.ge [sflag:s24], $0x2800  }
0x68: {  	s30 =	simm.s32 $0x8;
	[sflag:s24] =	ssyncset.done $0x0  }
0x69: {  	s28 =	sadd.s32 $0x0, s15;
	s31 =	simm.s32 $0x450;
	[sflag:s24] =	ssyncadd.s32 $0xFFFFD800  }
.LBB2_8:
0x6a: {  	[tilespmem:s1], [sflag:$0x1] =	stream.linear.gather [hbm4b:s28+s3], $0x40, $0x38;
	[tilespmem:$0x1C008] =	vst v63  }
0x6b: {  	s0 =	smov.u32 s30;
	s1 =	smov.u32 s31;
	p0 =	sne.s32 s30, $0x3F8  }
.Ltmp3:
0x6c: {  	s30 =	sadd.s32 $0x8, s30;
	(pc) =	sbr.rel @p0 .LBB2_8-.Ltmp3, $2  }
0x6d: {  	_ =	sdelay $0x2  }
0x6e: {  	s31 =	sadd.s32 $0x50, s31;
	s28 =	sadd.s32 s0, s15  }
0x6f: {  	[tilespmem:s1], [sflag:$0x1] =	stream.linear.gather [hbm4b:s28+s3], $0x40, $0x38;
	[tilespmem:$0x1C008] =	vst v63  }
0x70: {  	_ =	swait.ge [sflag:s24], $0x2000  }
0x71: {  	[sflag:s24] =	ssyncset.done $0x0  }
0x72: {  	s1 =	simm.s32 $0x400;
	s0 =	simm.s32 $0x2C80;
	[sflag:s24] =	ssyncadd.s32 $0xFFFFE000  }
0x73: {  	[spmem:s2] =	stream.indirect.scatter.add.f32 [tilespmem:s1], [sflag:$0x1], $0x50, s0, s26, $0xb8;
	[tilespmem:$0x1C008] =	vst v63  }
0x74: {  	_ =	swait.ge [sflag:s24], $0x2800  }
0x75: {  	s30 =	simm.s32 $0x8;
	[sflag:s24] =	ssyncset.done $0x0  }
0x76: {  	s28 =	sadd.s32 $0x0, s16;
	s31 =	simm.s32 $0x450;
	[sflag:s24] =	ssyncadd.s32 $0xFFFFD800  }
.LBB2_10:
0x77: {  	[tilespmem:s1], [sflag:$0x1] =	stream.linear.gather [hbm4b:s28+s3], $0x40, $0x38;
	[tilespmem:$0x1C008] =	vst v63  }
0x78: {  	s0 =	smov.u32 s30;
	s1 =	smov.u32 s31;
	p0 =	sne.s32 s30, $0x3F8  }
.Ltmp4:
0x79: {  	s30 =	sadd.s32 $0x8, s30;
	(pc) =	sbr.rel @p0 .LBB2_10-.Ltmp4, $2  }
0x7a: {  	_ =	sdelay $0x2  }
0x7b: {  	s31 =	sadd.s32 $0x50, s31;
	s28 =	sadd.s32 s0, s16  }
0x7c: {  	[tilespmem:s1], [sflag:$0x1] =	stream.linear.gather [hbm4b:s28+s3], $0x40, $0x38;
	[tilespmem:$0x1C008] =	vst v63  }
0x7d: {  	_ =	swait.ge [sflag:s24], $0x2000  }
0x7e: {  	[sflag:s24] =	ssyncset.done $0x0  }
0x7f: {  	s1 =	simm.s32 $0x400;
	s0 =	simm.s32 $0x2D00;
	[sflag:s24] =	ssyncadd.s32 $0xFFFFE000  }
0x80: {  	[spmem:s2] =	stream.indirect.scatter.add.f32 [tilespmem:s1], [sflag:$0x1], $0x50, s0, s26, $0xb8;
	[tilespmem:$0x1C008] =	vst v63  }
0x81: {  	_ =	swait.ge [sflag:s24], $0x2800  }
0x82: {  	s30 =	simm.s32 $0x8;
	[sflag:s24] =	ssyncset.done $0x0  }
0x83: {  	s28 =	sadd.s32 $0x0, s17;
	s31 =	simm.s32 $0x450;
	[sflag:s24] =	ssyncadd.s32 $0xFFFFD800  }
.LBB2_12:
0x84: {  	[tilespmem:s1], [sflag:$0x1] =	stream.linear.gather [hbm4b:s28+s3], $0x40, $0x38;
	[tilespmem:$0x1C008] =	vst v63  }
0x85: {  	s0 =	smov.u32 s30;
	s1 =	smov.u32 s31;
	p0 =	sne.s32 s30, $0x3F8  }
.Ltmp5:
0x86: {  	s30 =	sadd.s32 $0x8, s30;
	(pc) =	sbr.rel @p0 .LBB2_12-.Ltmp5, $2  }
0x87: {  	_ =	sdelay $0x2  }
0x88: {  	s31 =	sadd.s32 $0x50, s31;
	s28 =	sadd.s32 s0, s17  }
0x89: {  	[tilespmem:s1], [sflag:$0x1] =	stream.linear.gather [hbm4b:s28+s3], $0x40, $0x38;
	[tilespmem:$0x1C008] =	vst v63  }
0x8a: {  	_ =	swait.ge [sflag:s24], $0x2000  }
0x8b: {  	[sflag:s24] =	ssyncset.done $0x0  }
0x8c: {  	s1 =	simm.s32 $0x400;
	s0 =	simm.s32 $0x2D80;
	[sflag:s24] =	ssyncadd.s32 $0xFFFFE000  }
0x8d: {  	[spmem:s2] =	stream.indirect.scatter.add.f32 [tilespmem:s1], [sflag:$0x1], $0x50, s0, s26, $0xb8;
	[tilespmem:$0x1C008] =	vst v63  }
0x8e: {  	_ =	swait.ge [sflag:s24], $0x2800  }
0x8f: {  	s30 =	simm.s32 $0x8;
	[sflag:s24] =	ssyncset.done $0x0  }
0x90: {  	s28 =	sadd.s32 $0x0, s18;
	s31 =	simm.s32 $0x450;
	[sflag:s24] =	ssyncadd.s32 $0xFFFFD800  }
.LBB2_14:
0x91: {  	[tilespmem:s1], [sflag:$0x1] =	stream.linear.gather [hbm4b:s28+s3], $0x40, $0x38;
	[tilespmem:$0x1C008] =	vst v63  }
0x92: {  	s0 =	smov.u32 s30;
	s1 =	smov.u32 s31;
	p0 =	sne.s32 s30, $0x3F8  }
.Ltmp6:
0x93: {  	s30 =	sadd.s32 $0x8, s30;
	(pc) =	sbr.rel @p0 .LBB2_14-.Ltmp6, $2  }
0x94: {  	_ =	sdelay $0x2  }
0x95: {  	s31 =	sadd.s32 $0x50, s31;
	s28 =	sadd.s32 s0, s18  }
0x96: {  	[tilespmem:s1], [sflag:$0x1] =	stream.linear.gather [hbm4b:s28+s3], $0x40, $0x38;
	[tilespmem:$0x1C008] =	vst v63  }
0x97: {  	_ =	swait.ge [sflag:s24], $0x2000  }
0x98: {  	[sflag:s24] =	ssyncset.done $0x0  }
0x99: {  	s1 =	simm.s32 $0x400;
	s0 =	simm.s32 $0x2E00;
	[sflag:s24] =	ssyncadd.s32 $0xFFFFE000  }
0x9a: {  	[spmem:s2] =	stream.indirect.scatter.add.f32 [tilespmem:s1], [sflag:$0x1], $0x50, s0, s26, $0xb8;
	[tilespmem:$0x1C008] =	vst v63  }
0x9b: {  	_ =	swait.ge [sflag:s24], $0x2800  }
0x9c: {  	s30 =	simm.s32 $0x8;
	[sflag:s24] =	ssyncset.done $0x0  }
0x9d: {  	s28 =	sadd.s32 $0x0, s19;
	s31 =	simm.s32 $0x450;
	[sflag:s24] =	ssyncadd.s32 $0xFFFFD800  }
.LBB2_16:
0x9e: {  	[tilespmem:s1], [sflag:$0x1] =	stream.linear.gather [hbm4b:s28+s3], $0x40, $0x38;
	[tilespmem:$0x1C008] =	vst v63  }
0x9f: {  	s0 =	smov.u32 s30;
	s1 =	smov.u32 s31;
	p0 =	sne.s32 s30, $0x3F8  }
.Ltmp7:
0xa0: {  	s30 =	sadd.s32 $0x8, s30;
	(pc) =	sbr.rel @p0 .LBB2_16-.Ltmp7, $2  }
0xa1: {  	_ =	sdelay $0x2  }
0xa2: {  	s31 =	sadd.s32 $0x50, s31;
	s28 =	sadd.s32 s0, s19  }
0xa3: {  	[tilespmem:s1], [sflag:$0x1] =	stream.linear.gather [hbm4b:s28+s3], $0x40, $0x38;
	[tilespmem:$0x1C008] =	vst v63  }
0xa4: {  	_ =	swait.ge [sflag:s24], $0x2000  }
0xa5: {  	[sflag:s24] =	ssyncset.done $0x0  }
0xa6: {  	s1 =	simm.s32 $0x400;
	s0 =	simm.s32 $0x2E80;
	[sflag:s24] =	ssyncadd.s32 $0xFFFFE000  }
0xa7: {  	[spmem:s2] =	stream.indirect.scatter.add.f32 [tilespmem:s1], [sflag:$0x1], $0x50, s0, s26, $0xb8;
	[tilespmem:$0x1C008] =	vst v63  }
0xa8: {  	_ =	swait.ge [sflag:s24], $0x2800  }
0xa9: {  	s30 =	simm.s32 $0x8;
	[sflag:s24] =	ssyncset.done $0x0  }
0xaa: {  	s28 =	sadd.s32 $0x0, s20;
	s31 =	simm.s32 $0x450;
	[sflag:s24] =	ssyncadd.s32 $0xFFFFD800  }
.LBB2_18:
0xab: {  	[tilespmem:s1], [sflag:$0x1] =	stream.linear.gather [hbm4b:s28+s3], $0x40, $0x38;
	[tilespmem:$0x1C008] =	vst v63  }
0xac: {  	s0 =	smov.u32 s30;
	s1 =	smov.u32 s31;
	p0 =	sne.s32 s30, $0x3F8  }
.Ltmp8:
0xad: {  	s30 =	sadd.s32 $0x8, s30;
	(pc) =	sbr.rel @p0 .LBB2_18-.Ltmp8, $2  }
0xae: {  	_ =	sdelay $0x2  }
0xaf: {  	s31 =	sadd.s32 $0x50, s31;
	s28 =	sadd.s32 s0, s20  }
0xb0: {  	[tilespmem:s1], [sflag:$0x1] =	stream.linear.gather [hbm4b:s28+s3], $0x40, $0x38;
	[tilespmem:$0x1C008] =	vst v63  }
0xb1: {  	_ =	swait.ge [sflag:s24], $0x2000  }
0xb2: {  	[sflag:s24] =	ssyncset.done $0x0  }
0xb3: {  	s1 =	simm.s32 $0x400;
	s0 =	simm.s32 $0x2F00;
	[sflag:s24] =	ssyncadd.s32 $0xFFFFE000  }
0xb4: {  	[spmem:s2] =	stream.indirect.scatter.add.f32 [tilespmem:s1], [sflag:$0x1], $0x50, s0, s26, $0xb8;
	[tilespmem:$0x1C008] =	vst v63  }
0xb5: {  	_ =	swait.ge [sflag:s24], $0x2800  }
0xb6: {  	s30 =	simm.s32 $0x8;
	[sflag:s24] =	ssyncset.done $0x0  }
0xb7: {  	s28 =	sadd.s32 $0x0, s21;
	s31 =	simm.s32 $0x450;
	[sflag:s24] =	ssyncadd.s32 $0xFFFFD800  }
.LBB2_20:
0xb8: {  	[tilespmem:s1], [sflag:$0x1] =	stream.linear.gather [hbm4b:s28+s3], $0x40, $0x38;
	[tilespmem:$0x1C008] =	vst v63  }
0xb9: {  	s0 =	smov.u32 s30;
	s1 =	smov.u32 s31;
	p0 =	sne.s32 s30, $0x3F8  }
.Ltmp9:
0xba: {  	s30 =	sadd.s32 $0x8, s30;
	(pc) =	sbr.rel @p0 .LBB2_20-.Ltmp9, $2  }
0xbb: {  	_ =	sdelay $0x2  }
0xbc: {  	s31 =	sadd.s32 $0x50, s31;
	s28 =	sadd.s32 s0, s21  }
0xbd: {  	[tilespmem:s1], [sflag:$0x1] =	stream.linear.gather [hbm4b:s28+s3], $0x40, $0x38;
	[tilespmem:$0x1C008] =	vst v63  }
0xbe: {  	_ =	swait.ge [sflag:s24], $0x2000  }
0xbf: {  	s0 =	simm.s32 $0x2F80;
	[sflag:s24] =	ssyncset.done $0x0  }
0xc0: {  	s28 =	simm.s32 $0x400;
	s30 =	stileid.u32;
	[sflag:s24] =	ssyncadd.s32 $0xFFFFE000  }
0xc1: {  	[spmem:s2] =	stream.indirect.scatter.add.f32 [tilespmem:s28], [sflag:$0x1], $0x50, s0, s26, $0xb8;
	[tilespmem:$0x1C008] =	vst v63  }
0xc2: {  	s1 =	sshrl.u32 s4, $0x3;
	s29 =	sadd.s32 $0x1, s29;
	_ =	swait.ge [sflag:s24], $0x2800  }
0xc3: {  	s31 =	simm.s32 $0x10;
	p0 =	sne.s32 s29, s23;
	[sflag:s24] =	ssyncset.done $0x0  }
0xc4: {  	s0 =	sshll.u32 s30, $0x6;
	s30 =	simm.s32 $0xA;
	[sflag:s24] =	ssyncadd.s32 $0xFFFFD800  }
.Ltmp10:
0xc5: {  	s0 =	sor.u32 $0x1C01, s0;
	[bflag:$0x0] =	sbarrier.arrive $0xFFFF;
	(pc) =	sbr.rel @p0 .LBB2_1-.Ltmp10, $4  }
0xc6: {  	[hbm:s22@s31], [sflag:s0] =	dma.strided [spmem:s1@s30], $0x2D00, s24, $0xa   }
0xc7: {  	_ =	swait.ge [sflag:s24], $0x2D00  }
0xc8: {  	[sflag:s24] =	ssyncset.done $0x0  }
0xc9: {  	[sflag:s24] =	ssyncadd.s32 $0xFFFFD300  }
0xca: {  	_ =	sfence.sel $0x180000  }
0xcb: {  	[bflag:$0x0] =	sbarrier.arrive $0xFFFF  }
0xcc: {  	_ =	strace $0x9000004D  }
0xcd: {  	s0 =	stileid.u32;
	[bflag:$0x2] =	sbarrier.arrive $0xFFFF  }
0xce: {  	p0 =	sne.s32 s0, $0x0;
	s0 =	rddreg [dreg:$0x4]  }
0xcf: {  	s0 =	sadd.s32 @!p0 $0x100000, s0  }
0xd0: {  	[sflag:s0] =	ssyncadd.tile.s32 @!p0 $0x1;
	_ =	shalt  }
.Lfunc_end2:
_tile_overlayer_lowered:
.L_overlay_start_2:
0xd1: {  	(tag) =	ssettag $0x2  }
0xd2: {  	s0 =	rddreg [dreg:$0x0];
	s2 =	stileid.u32  }
0xd3: {  	s1 =	rddreg [dreg:$0x1];
	p0 =	sne.s32 s2, $0x0  }
0xd4: {  	s3 =	rddreg [dreg:$0x2];
	[bflag:$0x3] =	sbarrier.arrive $0xFFFF;
	s2 =	simm.s32 @!p0 $0x1C01  }
0xd5: {  	[timem:s3], [sflag:s2] =	dma.local @!p0 [hbm:s0], s1  }
0xd6: {  	s0 =	simm.s32 @!p0 $0x1  }
0xd7: {  	_ =	swait.ge @!p0 [sflag:s0], s1  }
0xd8: {  	s1 =	ssub.s32 @!p0 $0x0, s1;
	[sflag:s0] =	ssyncset.done @!p0 $0x0  }
0xd9: {  	[sflag:s0] =	ssyncadd.s32 @!p0 s1  }
0xda: {  	[bflag:$0x3] =	sbarrier.arrive $0xFFFF  }
0xdb: {  	_ =	shalt  }

</sc_bundles>
